<compile_context>
chip_gen: v7x
topology: tpu7x:2x2x1
jax: 0.10.2.dev20260603
libtpu: 0.0.44.dev20260713+nightly
codegen_flags: <defaults>
</compile_context>

<pallas_src>
import jax
import jax.numpy as jnp
from jax import lax
from jax.experimental import pallas as pl
from jax.experimental.pallas import tpu as pltpu
from jax.experimental.pallas import tpu_sc as plsc

BATCH = 16384
NCARDS = 7
DIM = 128
NCHUNK = DIM // 16

NC = 2
NS = 16
NW = NC * NS
BPW = BATCH // NW
CROWS = 128
NCHUNKS = BPW // CROWS


def _sc_body(x_hbm, card_hbm, rank_hbm, suit_hbm, out_hbm,
             card_v, rank_v, suit_v, t_v, x_v, xf_v, o0_v, o1_v,
             sx, so0, so1):
    wid = lax.axis_index("s") * NC + lax.axis_index("c")
    row0 = wid * BPW
    obufs = (o0_v, o1_v)
    osems = (so0, so1)

    xd = pltpu.async_copy(x_hbm.at[:, pl.ds(row0, BPW)], x_v, sx)

    pltpu.sync_copy(card_hbm, card_v)
    pltpu.sync_copy(rank_hbm, rank_v)
    pltpu.sync_copy(suit_hbm, suit_v)

    rnd = jnp.full((16,), 0x8000, jnp.int32)
    himask = jnp.full((16,), -65536, jnp.int32)

    @plsc.parallel_loop(1, 52)
    def _build(i):
        q = i // 4
        m = i - q * 4
        for j in range(NCHUNK // 2):
            ja = pl.ds(j * 32, 16)
            jb = pl.ds(j * 32 + 16, 16)
            a = card_v[i, ja] + rank_v[q, ja] + suit_v[m, ja]
            b = card_v[i, jb] + rank_v[q, jb] + suit_v[m, jb]
            a32 = lax.bitcast_convert_type(a, jnp.int32) + rnd
            b32 = lax.bitcast_convert_type(b, jnp.int32) + rnd
            w = lax.shift_right_logical(a32, jnp.full((16,), 16, jnp.int32)) | (b32 & himask)
            t_v[pl.ds(i * (DIM // 2) + j * 16, 16)] = w

    zero = jnp.zeros((16,), jnp.int32)
    for j in range(NCHUNK // 2):
        t_v[pl.ds(j * 16, 16)] = zero

    xd.wait()

    lane = lax.iota(jnp.int32, 16)
    lane7 = lane * NCARDS

    @plsc.parallel_loop(0, BPW // 16)
    def _xpose(g):
        gbase = g * (16 * NCARDS)
        for c in range(NCARDS):
            plsc.store_scatter(xf_v, [lane7 + (gbase + c)],
                               x_v[c, pl.ds(g * 16, 16)])

    od = [None] * NCHUNKS
    for k in range(NCHUNKS):
        ob = obufs[k % 2]
        if k >= 2:
            od[k - 2].wait()

        @plsc.parallel_loop(0, CROWS, unroll=2)
        def _row(b):
            xrow = xf_v[pl.ds((k * CROWS + b) * NCARDS, 16)]
            base = [xrow[c] * (DIM // 2) for c in range(NCARDS)]
            sh16 = jnp.full((16,), 16, jnp.int32)
            for j in range(NCHUNK // 2):
                ws = [t_v[pl.ds(base[c] + j * 16, 16)] for c in range(NCARDS)]
                ta = [lax.bitcast_convert_type(
                          lax.shift_left(w, sh16), jnp.float32) for w in ws]
                tb = [lax.bitcast_convert_type(w & himask, jnp.float32)
                      for w in ws]
                acc_a = (((ta[0] + ta[1]) + (ta[2] + ta[3]))
                         + ((ta[4] + ta[5]) + ta[6]))
                acc_b = (((tb[0] + tb[1]) + (tb[2] + tb[3]))
                         + ((tb[4] + tb[5]) + tb[6]))
                ob[b, pl.ds(j * 32, 16)] = acc_a
                ob[b, pl.ds(j * 32 + 16, 16)] = acc_b

        od[k] = pltpu.async_copy(
            ob, out_hbm.at[pl.ds(row0 + k * CROWS, CROWS)], osems[k % 2])
    od[NCHUNKS - 2].wait()
    od[NCHUNKS - 1].wait()


@jax.jit
def kernel(X, card, rank, suit):
    xt = X.astype(jnp.int32).T
    f = pl.kernel(
        _sc_body,
        out_type=jax.ShapeDtypeStruct((BATCH, DIM), jnp.float32),
        mesh=plsc.VectorSubcoreMesh(core_axis_name="c", subcore_axis_name="s"),
        compiler_params=pltpu.CompilerParams(needs_layout_passes=False),
        scratch_types=[
            pltpu.VMEM((52, DIM), jnp.float32),
            pltpu.VMEM((13, DIM), jnp.float32),
            pltpu.VMEM((4, DIM), jnp.float32),
            pltpu.VMEM((52 * (DIM // 2),), jnp.int32),
            pltpu.VMEM((NCARDS, BPW), jnp.int32),
            pltpu.VMEM((BPW * NCARDS + 16,), jnp.int32),
            pltpu.VMEM((CROWS, DIM), jnp.float32),
            pltpu.VMEM((CROWS, DIM), jnp.float32),
            pltpu.SemaphoreType.DMA,
            pltpu.SemaphoreType.DMA,
            pltpu.SemaphoreType.DMA,
        ],
    )
    return f(xt, card.astype(jnp.float32),
             rank.astype(jnp.float32), suit.astype(jnp.float32))

# --- scband reference (transcript-rebuilt; emitter-appended) ---
"""Pipeline reference for scband-card-embedding-67044439490645 (READ-ONLY COPY).

The authoritative reference and input builder live on the scoring server;
editing this copy changes nothing except your own understanding.
"""

import jax, jax.numpy as jnp
import numpy as np

BATCH = 16384
NUM_CARDS = 7
DIM = 128

def setup_inputs(seed: int = 0) -> dict:
    key = jax.random.key(seed)
    k1, k2, k3, k4 = jax.random.split(key, 4)
    X = jax.random.randint(k1, (BATCH, NUM_CARDS), 0, 52, dtype=jnp.int64)
    card = jax.random.normal(k2, (52, DIM), dtype=jnp.float32) * 0.02
    rank = jax.random.normal(k3, (13, DIM), dtype=jnp.float32) * 0.02
    suit = jax.random.normal(k4, (4, DIM), dtype=jnp.float32) * 0.02
    return {"X": X, "card": card, "rank": rank, "suit": suit}

def reference(X, card, rank, suit):
    batch_size, num_cards = X.shape
    Y = X.reshape(-1)
    valid = Y > 0
    Yc = jnp.clip(Y, 0, None)
    embs = jnp.take(card, Yc, axis=0) + jnp.take(rank, Yc // 4, axis=0) + jnp.take(suit, Yc % 4, axis=0)
    embs = embs * valid[:, None].astype(embs.dtype)
    return embs.reshape(batch_size, num_cards, -1).sum(axis=1)

if __name__ == "__main__":
    import jax
    _d = setup_inputs()
    print(jax.jit(kernel)(*tuple(_d.values())))

</pallas_src>

<mosaic_0001>
#map = affine_map<(d0, d1) -> (0, 0)>
module attributes {stable_mosaic.version = 14 : i64} {
  func.func @_sc_body(%arg0: i32, %arg1: i32, %arg2: memref<7x16384xi32, #tpu.memory_space<hbm>>, %arg3: memref<52x128xf32, #tpu.memory_space<hbm>>, %arg4: memref<13x128xf32, #tpu.memory_space<hbm>>, %arg5: memref<4x128xf32, #tpu.memory_space<hbm>>, %arg6: memref<16384x128xf32, #tpu.memory_space<hbm>>, %arg7: memref<52x128xf32, #tpu.memory_space<vmem>>, %arg8: memref<13x128xf32, #tpu.memory_space<vmem>>, %arg9: memref<4x128xf32, #tpu.memory_space<vmem>>, %arg10: memref<3328xi32, #tpu.memory_space<vmem>>, %arg11: memref<7x512xi32, #tpu.memory_space<vmem>>, %arg12: memref<3600xi32, #tpu.memory_space<vmem>>, %arg13: memref<128x128xf32, #tpu.memory_space<vmem>>, %arg14: memref<128x128xf32, #tpu.memory_space<vmem>>, %arg15: memref<!tpu.dma_semaphore, #tpu.memory_space<semaphore_mem>>, %arg16: memref<!tpu.dma_semaphore, #tpu.memory_space<semaphore_mem>>, %arg17: memref<!tpu.dma_semaphore, #tpu.memory_space<semaphore_mem>>) attributes {dimension_semantics = [#tpu.dimension_semantics<core_parallel>, #tpu.dimension_semantics<subcore_parallel>], iteration_bounds = array<i64: 2, 16>, scalar_prefetch = 0 : i64, scratch_operands = 11 : i64, tpu.core_type = #tpu.core_type<sc_vector_subcore>, window_params = [{transform_indices = #map}, {transform_indices = #map}, {transform_indices = #map}, {transform_indices = #map}, {transform_indices = #map}]} {
    %mul3A = arith.constant 2 : i32
    %mul3A_0 = arith.muli %arg1, %mul3A : i32
    %add3A = arith.addi %mul3A_0, %arg0 : i32
    %mul3A_1 = arith.constant 512 : i32
    %mul3A_2 = arith.muli %add3A, %mul3A_1 : i32
    %dma_start3A = arith.constant 0 : i32
    %dma_start3A_3 = tpu.memref_slice %arg2[%dma_start3A, %mul3A_2] : memref<7x16384xi32, #tpu.memory_space<hbm>> -> memref<7x512xi32, #tpu.memory_space<hbm>>
    %dma_start3A_4 = arith.constant 0 : i32
    %dma_start3A_5 = tpu.memref_slice %arg2[%dma_start3A_4, %mul3A_2] : memref<7x16384xi32, #tpu.memory_space<hbm>> -> memref<7x512xi32, #tpu.memory_space<hbm>>
    tpu.enqueue_dma source(%dma_start3A_5 : memref<7x512xi32, #tpu.memory_space<hbm>>) target(%arg11 : memref<7x512xi32, #tpu.memory_space<vmem>>) target_semaphore(%arg15 : memref<!tpu.dma_semaphore, #tpu.memory_space<semaphore_mem>>)
    "tpu.region"() ({
      %run_scoped3A = tpu.sem_alloc : memref<!tpu.dma_semaphore, #tpu.memory_space<semaphore_mem>>
      tpu.enqueue_dma source(%arg3 : memref<52x128xf32, #tpu.memory_space<hbm>>) target(%arg7 : memref<52x128xf32, #tpu.memory_space<vmem>>) target_semaphore(%run_scoped3A : memref<!tpu.dma_semaphore, #tpu.memory_space<semaphore_mem>>)
      tpu.wait_dma2 semaphore(%run_scoped3A : memref<!tpu.dma_semaphore, #tpu.memory_space<semaphore_mem>>) src(%arg3 : memref<52x128xf32, #tpu.memory_space<hbm>>) dst(%arg7 : memref<52x128xf32, #tpu.memory_space<vmem>>)
      tpu.yield
    }) : () -> ()
    "tpu.region"() ({
      %run_scoped3A = tpu.sem_alloc : memref<!tpu.dma_semaphore, #tpu.memory_space<semaphore_mem>>
      tpu.enqueue_dma source(%arg4 : memref<13x128xf32, #tpu.memory_space<hbm>>) target(%arg8 : memref<13x128xf32, #tpu.memory_space<vmem>>) target_semaphore(%run_scoped3A : memref<!tpu.dma_semaphore, #tpu.memory_space<semaphore_mem>>)
      tpu.wait_dma2 semaphore(%run_scoped3A : memref<!tpu.dma_semaphore, #tpu.memory_space<semaphore_mem>>) src(%arg4 : memref<13x128xf32, #tpu.memory_space<hbm>>) dst(%arg8 : memref<13x128xf32, #tpu.memory_space<vmem>>)
      tpu.yield
    }) : () -> ()
    "tpu.region"() ({
      %run_scoped3A = tpu.sem_alloc : memref<!tpu.dma_semaphore, #tpu.memory_space<semaphore_mem>>
      tpu.enqueue_dma source(%arg5 : memref<4x128xf32, #tpu.memory_space<hbm>>) target(%arg9 : memref<4x128xf32, #tpu.memory_space<vmem>>) target_semaphore(%run_scoped3A : memref<!tpu.dma_semaphore, #tpu.memory_space<semaphore_mem>>)
      tpu.wait_dma2 semaphore(%run_scoped3A : memref<!tpu.dma_semaphore, #tpu.memory_space<semaphore_mem>>) src(%arg5 : memref<4x128xf32, #tpu.memory_space<hbm>>) dst(%arg9 : memref<4x128xf32, #tpu.memory_space<vmem>>)
      tpu.yield
    }) : () -> ()
    %broadcast_in_dim3A = arith.constant 32768 : i32
    %broadcast_in_dim3A_6 = vector.broadcast %broadcast_in_dim3A : i32 to vector<16xi32>
    %broadcast_in_dim3A_7 = arith.constant -65536 : i32
    %broadcast_in_dim3A_8 = vector.broadcast %broadcast_in_dim3A_7 : i32 to vector<16xi32>
    %parallel_loop3A = arith.constant 1 : i32
    %parallel_loop3A_9 = arith.constant 52 : i32
    %parallel_loop3A_10 = arith.constant 1 : i32
    scf.for %parallel_loop3A_81 = %parallel_loop3A to %parallel_loop3A_9 step %parallel_loop3A_10  : i32 {
      %parallel_loop3A_82 = arith.constant 4 : i32
      %parallel_loop3A_83 = arith.divsi %parallel_loop3A_81, %parallel_loop3A_82 : i32
      %parallel_loop3A_84 = arith.constant 0 : i32
      %parallel_loop3A_85 = arith.cmpi sgt, %parallel_loop3A_81, %parallel_loop3A_84 : i32
      %parallel_loop3A_86 = arith.extui %parallel_loop3A_85 : i1 to i32
      %parallel_loop3A_87 = arith.constant 0 : i32
      %parallel_loop3A_88 = arith.cmpi slt, %parallel_loop3A_81, %parallel_loop3A_87 : i32
      %parallel_loop3A_89 = arith.extui %parallel_loop3A_88 : i1 to i32
      %parallel_loop3A_90 = arith.subi %parallel_loop3A_86, %parallel_loop3A_89 : i32
      %parallel_loop3A_91 = arith.constant 0 : i32
      %parallel_loop3A_92 = arith.cmpi sgt, %parallel_loop3A_82, %parallel_loop3A_91 : i32
      %parallel_loop3A_93 = arith.extui %parallel_loop3A_92 : i1 to i32
      %parallel_loop3A_94 = arith.constant 0 : i32
      %parallel_loop3A_95 = arith.cmpi slt, %parallel_loop3A_82, %parallel_loop3A_94 : i32
      %parallel_loop3A_96 = arith.extui %parallel_loop3A_95 : i1 to i32
      %parallel_loop3A_97 = arith.subi %parallel_loop3A_93, %parallel_loop3A_96 : i32
      %parallel_loop3A_98 = arith.cmpi ne, %parallel_loop3A_90, %parallel_loop3A_97 : i32
      %parallel_loop3A_99 = arith.remsi %parallel_loop3A_81, %parallel_loop3A_82 : i32
      %parallel_loop3A_100 = arith.constant 0 : i32
      %parallel_loop3A_101 = arith.cmpi ne, %parallel_loop3A_99, %parallel_loop3A_100 : i32
      %parallel_loop3A_102 = arith.andi %parallel_loop3A_98, %parallel_loop3A_101 : i1
      %parallel_loop3A_103 = arith.constant 1 : i32
      %parallel_loop3A_104 = arith.subi %parallel_loop3A_83, %parallel_loop3A_103 : i32
      %parallel_loop3A_105 = arith.select %parallel_loop3A_102, %parallel_loop3A_104, %parallel_loop3A_83 : i32
      %parallel_loop3A_106 = arith.constant 4 : i32
      %parallel_loop3A_107 = arith.muli %parallel_loop3A_105, %parallel_loop3A_106 : i32
      %parallel_loop3A_108 = arith.subi %parallel_loop3A_81, %parallel_loop3A_107 : i32
      %parallel_loop3A_109 = arith.index_cast %parallel_loop3A_81 : i32 to index
      %parallel_loop3A_110 = arith.constant 0 : index
      %parallel_loop3A_111 = tpu.vector_load %arg7[%parallel_loop3A_109, %parallel_loop3A_110] {strides = array<i32>} : memref<52x128xf32, #tpu.memory_space<vmem>>, vector<16xf32>,
      %parallel_loop3A_112 = arith.index_cast %parallel_loop3A_105 : i32 to index
      %parallel_loop3A_113 = arith.constant 0 : index
      %parallel_loop3A_114 = tpu.vector_load %arg8[%parallel_loop3A_112, %parallel_loop3A_113] {strides = array<i32>} : memref<13x128xf32, #tpu.memory_space<vmem>>, vector<16xf32>,
      %parallel_loop3A_115 = arith.addf %parallel_loop3A_111, %parallel_loop3A_114 : vector<16xf32>
      %parallel_loop3A_116 = arith.index_cast %parallel_loop3A_108 : i32 to index
      %parallel_loop3A_117 = arith.constant 0 : index
      %parallel_loop3A_118 = tpu.vector_load %arg9[%parallel_loop3A_116, %parallel_loop3A_117] {strides = array<i32>} : memref<4x128xf32, #tpu.memory_space<vmem>>, vector<16xf32>,
      %parallel_loop3A_119 = arith.addf %parallel_loop3A_115, %parallel_loop3A_118 : vector<16xf32>
      %parallel_loop3A_120 = arith.index_cast %parallel_loop3A_81 : i32 to index
      %parallel_loop3A_121 = arith.constant 16 : index
      %parallel_loop3A_122 = tpu.vector_load %arg7[%parallel_loop3A_120, %parallel_loop3A_121] {strides = array<i32>} : memref<52x128xf32, #tpu.memory_space<vmem>>, vector<16xf32>,
      %parallel_loop3A_123 = arith.index_cast %parallel_loop3A_105 : i32 to index
      %parallel_loop3A_124 = arith.constant 16 : index
      %parallel_loop3A_125 = tpu.vector_load %arg8[%parallel_loop3A_123, %parallel_loop3A_124] {strides = array<i32>} : memref<13x128xf32, #tpu.memory_space<vmem>>, vector<16xf32>,
      %parallel_loop3A_126 = arith.addf %parallel_loop3A_122, %parallel_loop3A_125 : vector<16xf32>
      %parallel_loop3A_127 = arith.index_cast %parallel_loop3A_108 : i32 to index
      %parallel_loop3A_128 = arith.constant 16 : index
      %parallel_loop3A_129 = tpu.vector_load %arg9[%parallel_loop3A_127, %parallel_loop3A_128] {strides = array<i32>} : memref<4x128xf32, #tpu.memory_space<vmem>>, vector<16xf32>,
      %parallel_loop3A_130 = arith.addf %parallel_loop3A_126, %parallel_loop3A_129 : vector<16xf32>
      %parallel_loop3A_131 = tpu.bitcast %parallel_loop3A_119 : vector<16xf32> -> vector<16xi32>
      %parallel_loop3A_132 = arith.addi %parallel_loop3A_131, %broadcast_in_dim3A_6 : vector<16xi32>
      %parallel_loop3A_133 = tpu.bitcast %parallel_loop3A_130 : vector<16xf32> -> vector<16xi32>
      %parallel_loop3A_134 = arith.addi %parallel_loop3A_133, %broadcast_in_dim3A_6 : vector<16xi32>
      %parallel_loop3A_135 = arith.constant 16 : i32
      %parallel_loop3A_136 = vector.broadcast %parallel_loop3A_135 : i32 to vector<16xi32>
      %parallel_loop3A_137 = arith.shrui %parallel_loop3A_132, %parallel_loop3A_136 : vector<16xi32>
      %parallel_loop3A_138 = arith.andi %parallel_loop3A_134, %broadcast_in_dim3A_8 : vector<16xi32>
      %parallel_loop3A_139 = arith.ori %parallel_loop3A_137, %parallel_loop3A_138 : vector<16xi32>
      %parallel_loop3A_140 = arith.constant 64 : i32
      %parallel_loop3A_141 = arith.muli %parallel_loop3A_81, %parallel_loop3A_140 : i32
      %parallel_loop3A_142 = arith.constant 0 : i32
      %parallel_loop3A_143 = arith.addi %parallel_loop3A_141, %parallel_loop3A_142 : i32
      %parallel_loop3A_144 = arith.index_cast %parallel_loop3A_143 : i32 to index
      %parallel_loop3A_145 = tpu.vector_load %arg10[%parallel_loop3A_144] {strides = array<i32>} : memref<3328xi32, #tpu.memory_space<vmem>>, vector<16xi32>,
      tpu.vector_store %arg10[%parallel_loop3A_144], %parallel_loop3A_139 {strides = array<i32>} : memref<3328xi32, #tpu.memory_space<vmem>>, vector<16xi32>,
      %parallel_loop3A_146 = arith.index_cast %parallel_loop3A_81 : i32 to index
      %parallel_loop3A_147 = arith.constant 32 : index
      %parallel_loop3A_148 = tpu.vector_load %arg7[%parallel_loop3A_146, %parallel_loop3A_147] {strides = array<i32>} : memref<52x128xf32, #tpu.memory_space<vmem>>, vector<16xf32>,
      %parallel_loop3A_149 = arith.index_cast %parallel_loop3A_105 : i32 to index
      %parallel_loop3A_150 = arith.constant 32 : index
      %parallel_loop3A_151 = tpu.vector_load %arg8[%parallel_loop3A_149, %parallel_loop3A_150] {strides = array<i32>} : memref<13x128xf32, #tpu.memory_space<vmem>>, vector<16xf32>,
      %parallel_loop3A_152 = arith.addf %parallel_loop3A_148, %parallel_loop3A_151 : vector<16xf32>
      %parallel_loop3A_153 = arith.index_cast %parallel_loop3A_108 : i32 to index
      %parallel_loop3A_154 = arith.constant 32 : index
      %parallel_loop3A_155 = tpu.vector_load %arg9[%parallel_loop3A_153, %parallel_loop3A_154] {strides = array<i32>} : memref<4x128xf32, #tpu.memory_space<vmem>>, vector<16xf32>,
      %parallel_loop3A_156 = arith.addf %parallel_loop3A_152, %parallel_loop3A_155 : vector<16xf32>
      %parallel_loop3A_157 = arith.index_cast %parallel_loop3A_81 : i32 to index
      %parallel_loop3A_158 = arith.constant 48 : index
      %parallel_loop3A_159 = tpu.vector_load %arg7[%parallel_loop3A_157, %parallel_loop3A_158] {strides = array<i32>} : memref<52x128xf32, #tpu.memory_space<vmem>>, vector<16xf32>,
      %parallel_loop3A_160 = arith.index_cast %parallel_loop3A_105 : i32 to index
      %parallel_loop3A_161 = arith.constant 48 : index
      %parallel_loop3A_162 = tpu.vector_load %arg8[%parallel_loop3A_160, %parallel_loop3A_161] {strides = array<i32>} : memref<13x128xf32, #tpu.memory_space<vmem>>, vector<16xf32>,
      %parallel_loop3A_163 = arith.addf %parallel_loop3A_159, %parallel_loop3A_162 : vector<16xf32>
      %parallel_loop3A_164 = arith.index_cast %parallel_loop3A_108 : i32 to index
      %parallel_loop3A_165 = arith.constant 48 : index
      %parallel_loop3A_166 = tpu.vector_load %arg9[%parallel_loop3A_164, %parallel_loop3A_165] {strides = array<i32>} : memref<4x128xf32, #tpu.memory_space<vmem>>, vector<16xf32>,
      %parallel_loop3A_167 = arith.addf %parallel_loop3A_163, %parallel_loop3A_166 : vector<16xf32>
      %parallel_loop3A_168 = tpu.bitcast %parallel_loop3A_156 : vector<16xf32> -> vector<16xi32>
      %parallel_loop3A_169 = arith.addi %parallel_loop3A_168, %broadcast_in_dim3A_6 : vector<16xi32>
      %parallel_loop3A_170 = tpu.bitcast %parallel_loop3A_167 : vector<16xf32> -> vector<16xi32>
      %parallel_loop3A_171 = arith.addi %parallel_loop3A_170, %broadcast_in_dim3A_6 : vector<16xi32>
      %parallel_loop3A_172 = arith.constant 16 : i32
      %parallel_loop3A_173 = vector.broadcast %parallel_loop3A_172 : i32 to vector<16xi32>
      %parallel_loop3A_174 = arith.shrui %parallel_loop3A_169, %parallel_loop3A_173 : vector<16xi32>
      %parallel_loop3A_175 = arith.andi %parallel_loop3A_171, %broadcast_in_dim3A_8 : vector<16xi32>
      %parallel_loop3A_176 = arith.ori %parallel_loop3A_174, %parallel_loop3A_175 : vector<16xi32>
      %parallel_loop3A_177 = arith.constant 64 : i32
      %parallel_loop3A_178 = arith.muli %parallel_loop3A_81, %parallel_loop3A_177 : i32
      %parallel_loop3A_179 = arith.constant 16 : i32
      %parallel_loop3A_180 = arith.addi %parallel_loop3A_178, %parallel_loop3A_179 : i32
      %parallel_loop3A_181 = arith.index_cast %parallel_loop3A_180 : i32 to index
      %parallel_loop3A_182 = tpu.vector_load %arg10[%parallel_loop3A_181] {strides = array<i32>} : memref<3328xi32, #tpu.memory_space<vmem>>, vector<16xi32>,
      tpu.vector_store %arg10[%parallel_loop3A_181], %parallel_loop3A_176 {strides = array<i32>} : memref<3328xi32, #tpu.memory_space<vmem>>, vector<16xi32>,
      %parallel_loop3A_183 = arith.index_cast %parallel_loop3A_81 : i32 to index
      %parallel_loop3A_184 = arith.constant 64 : index
      %parallel_loop3A_185 = tpu.vector_load %arg7[%parallel_loop3A_183, %parallel_loop3A_184] {strides = array<i32>} : memref<52x128xf32, #tpu.memory_space<vmem>>, vector<16xf32>,
      %parallel_loop3A_186 = arith.index_cast %parallel_loop3A_105 : i32 to index
      %parallel_loop3A_187 = arith.constant 64 : index
      %parallel_loop3A_188 = tpu.vector_load %arg8[%parallel_loop3A_186, %parallel_loop3A_187] {strides = array<i32>} : memref<13x128xf32, #tpu.memory_space<vmem>>, vector<16xf32>,
      %parallel_loop3A_189 = arith.addf %parallel_loop3A_185, %parallel_loop3A_188 : vector<16xf32>
      %parallel_loop3A_190 = arith.index_cast %parallel_loop3A_108 : i32 to index
      %parallel_loop3A_191 = arith.constant 64 : index
      %parallel_loop3A_192 = tpu.vector_load %arg9[%parallel_loop3A_190, %parallel_loop3A_191] {strides = array<i32>} : memref<4x128xf32, #tpu.memory_space<vmem>>, vector<16xf32>,
      %parallel_loop3A_193 = arith.addf %parallel_loop3A_189, %parallel_loop3A_192 : vector<16xf32>
      %parallel_loop3A_194 = arith.index_cast %parallel_loop3A_81 : i32 to index
      %parallel_loop3A_195 = arith.constant 80 : index
      %parallel_loop3A_196 = tpu.vector_load %arg7[%parallel_loop3A_194, %parallel_loop3A_195] {strides = array<i32>} : memref<52x128xf32, #tpu.memory_space<vmem>>, vector<16xf32>,
      %parallel_loop3A_197 = arith.index_cast %parallel_loop3A_105 : i32 to index
      %parallel_loop3A_198 = arith.constant 80 : index
      %parallel_loop3A_199 = tpu.vector_load %arg8[%parallel_loop3A_197, %parallel_loop3A_198] {strides = array<i32>} : memref<13x128xf32, #tpu.memory_space<vmem>>, vector<16xf32>,
      %parallel_loop3A_200 = arith.addf %parallel_loop3A_196, %parallel_loop3A_199 : vector<16xf32>
      %parallel_loop3A_201 = arith.index_cast %parallel_loop3A_108 : i32 to index
      %parallel_loop3A_202 = arith.constant 80 : index
      %parallel_loop3A_203 = tpu.vector_load %arg9[%parallel_loop3A_201, %parallel_loop3A_202] {strides = array<i32>} : memref<4x128xf32, #tpu.memory_space<vmem>>, vector<16xf32>,
      %parallel_loop3A_204 = arith.addf %parallel_loop3A_200, %parallel_loop3A_203 : vector<16xf32>
      %parallel_loop3A_205 = tpu.bitcast %parallel_loop3A_193 : vector<16xf32> -> vector<16xi32>
      %parallel_loop3A_206 = arith.addi %parallel_loop3A_205, %broadcast_in_dim3A_6 : vector<16xi32>
      %parallel_loop3A_207 = tpu.bitcast %parallel_loop3A_204 : vector<16xf32> -> vector<16xi32>
      %parallel_loop3A_208 = arith.addi %parallel_loop3A_207, %broadcast_in_dim3A_6 : vector<16xi32>
      %parallel_loop3A_209 = arith.constant 16 : i32
      %parallel_loop3A_210 = vector.broadcast %parallel_loop3A_209 : i32 to vector<16xi32>
      %parallel_loop3A_211 = arith.shrui %parallel_loop3A_206, %parallel_loop3A_210 : vector<16xi32>
      %parallel_loop3A_212 = arith.andi %parallel_loop3A_208, %broadcast_in_dim3A_8 : vector<16xi32>
      %parallel_loop3A_213 = arith.ori %parallel_loop3A_211, %parallel_loop3A_212 : vector<16xi32>
      %parallel_loop3A_214 = arith.constant 64 : i32
      %parallel_loop3A_215 = arith.muli %parallel_loop3A_81, %parallel_loop3A_214 : i32
      %parallel_loop3A_216 = arith.constant 32 : i32
      %parallel_loop3A_217 = arith.addi %parallel_loop3A_215, %parallel_loop3A_216 : i32
      %parallel_loop3A_218 = arith.index_cast %parallel_loop3A_217 : i32 to index
      %parallel_loop3A_219 = tpu.vector_load %arg10[%parallel_loop3A_218] {strides = array<i32>} : memref<3328xi32, #tpu.memory_space<vmem>>, vector<16xi32>,
      tpu.vector_store %arg10[%parallel_loop3A_218], %parallel_loop3A_213 {strides = array<i32>} : memref<3328xi32, #tpu.memory_space<vmem>>, vector<16xi32>,
      %parallel_loop3A_220 = arith.index_cast %parallel_loop3A_81 : i32 to index
      %parallel_loop3A_221 = arith.constant 96 : index
      %parallel_loop3A_222 = tpu.vector_load %arg7[%parallel_loop3A_220, %parallel_loop3A_221] {strides = array<i32>} : memref<52x128xf32, #tpu.memory_space<vmem>>, vector<16xf32>,
      %parallel_loop3A_223 = arith.index_cast %parallel_loop3A_105 : i32 to index
      %parallel_loop3A_224 = arith.constant 96 : index
      %parallel_loop3A_225 = tpu.vector_load %arg8[%parallel_loop3A_223, %parallel_loop3A_224] {strides = array<i32>} : memref<13x128xf32, #tpu.memory_space<vmem>>, vector<16xf32>,
      %parallel_loop3A_226 = arith.addf %parallel_loop3A_222, %parallel_loop3A_225 : vector<16xf32>
      %parallel_loop3A_227 = arith.index_cast %parallel_loop3A_108 : i32 to index
      %parallel_loop3A_228 = arith.constant 96 : index
      %parallel_loop3A_229 = tpu.vector_load %arg9[%parallel_loop3A_227, %parallel_loop3A_228] {strides = array<i32>} : memref<4x128xf32, #tpu.memory_space<vmem>>, vector<16xf32>,
      %parallel_loop3A_230 = arith.addf %parallel_loop3A_226, %parallel_loop3A_229 : vector<16xf32>
      %parallel_loop3A_231 = arith.index_cast %parallel_loop3A_81 : i32 to index
      %parallel_loop3A_232 = arith.constant 112 : index
      %parallel_loop3A_233 = tpu.vector_load %arg7[%parallel_loop3A_231, %parallel_loop3A_232] {strides = array<i32>} : memref<52x128xf32, #tpu.memory_space<vmem>>, vector<16xf32>,
      %parallel_loop3A_234 = arith.index_cast %parallel_loop3A_105 : i32 to index
      %parallel_loop3A_235 = arith.constant 112 : index
      %parallel_loop3A_236 = tpu.vector_load %arg8[%parallel_loop3A_234, %parallel_loop3A_235] {strides = array<i32>} : memref<13x128xf32, #tpu.memory_space<vmem>>, vector<16xf32>,
      %parallel_loop3A_237 = arith.addf %parallel_loop3A_233, %parallel_loop3A_236 : vector<16xf32>
      %parallel_loop3A_238 = arith.index_cast %parallel_loop3A_108 : i32 to index
      %parallel_loop3A_239 = arith.constant 112 : index
      %parallel_loop3A_240 = tpu.vector_load %arg9[%parallel_loop3A_238, %parallel_loop3A_239] {strides = array<i32>} : memref<4x128xf32, #tpu.memory_space<vmem>>, vector<16xf32>,
      %parallel_loop3A_241 = arith.addf %parallel_loop3A_237, %parallel_loop3A_240 : vector<16xf32>
      %parallel_loop3A_242 = tpu.bitcast %parallel_loop3A_230 : vector<16xf32> -> vector<16xi32>
      %parallel_loop3A_243 = arith.addi %parallel_loop3A_242, %broadcast_in_dim3A_6 : vector<16xi32>
      %parallel_loop3A_244 = tpu.bitcast %parallel_loop3A_241 : vector<16xf32> -> vector<16xi32>
      %parallel_loop3A_245 = arith.addi %parallel_loop3A_244, %broadcast_in_dim3A_6 : vector<16xi32>
      %parallel_loop3A_246 = arith.constant 16 : i32
      %parallel_loop3A_247 = vector.broadcast %parallel_loop3A_246 : i32 to vector<16xi32>
      %parallel_loop3A_248 = arith.shrui %parallel_loop3A_243, %parallel_loop3A_247 : vector<16xi32>
      %parallel_loop3A_249 = arith.andi %parallel_loop3A_245, %broadcast_in_dim3A_8 : vector<16xi32>
      %parallel_loop3A_250 = arith.ori %parallel_loop3A_248, %parallel_loop3A_249 : vector<16xi32>
      %parallel_loop3A_251 = arith.constant 64 : i32
      %parallel_loop3A_252 = arith.muli %parallel_loop3A_81, %parallel_loop3A_251 : i32
      %parallel_loop3A_253 = arith.constant 48 : i32
      %parallel_loop3A_254 = arith.addi %parallel_loop3A_252, %parallel_loop3A_253 : i32
      %parallel_loop3A_255 = arith.index_cast %parallel_loop3A_254 : i32 to index
      %parallel_loop3A_256 = tpu.vector_load %arg10[%parallel_loop3A_255] {strides = array<i32>} : memref<3328xi32, #tpu.memory_space<vmem>>, vector<16xi32>,
      tpu.vector_store %arg10[%parallel_loop3A_255], %parallel_loop3A_250 {strides = array<i32>} : memref<3328xi32, #tpu.memory_space<vmem>>, vector<16xi32>,
    } {sc.loop_unroll_factor = 1 : i64, sc.parallel_access}
    %broadcast_in_dim3A_11 = arith.constant 0 : i32
    %broadcast_in_dim3A_12 = vector.broadcast %broadcast_in_dim3A_11 : i32 to vector<16xi32>
    %swap3A = arith.constant 0 : index
    %swap3A_13 = tpu.vector_load %arg10[%swap3A] {strides = array<i32>} : memref<3328xi32, #tpu.memory_space<vmem>>, vector<16xi32>,
    tpu.vector_store %arg10[%swap3A], %broadcast_in_dim3A_12 {strides = array<i32>} : memref<3328xi32, #tpu.memory_space<vmem>>, vector<16xi32>,
    %swap3A_14 = arith.constant 16 : index
    %swap3A_15 = tpu.vector_load %arg10[%swap3A_14] {strides = array<i32>} : memref<3328xi32, #tpu.memory_space<vmem>>, vector<16xi32>,
    tpu.vector_store %arg10[%swap3A_14], %broadcast_in_dim3A_12 {strides = array<i32>} : memref<3328xi32, #tpu.memory_space<vmem>>, vector<16xi32>,
    %swap3A_16 = arith.constant 32 : index
    %swap3A_17 = tpu.vector_load %arg10[%swap3A_16] {strides = array<i32>} : memref<3328xi32, #tpu.memory_space<vmem>>, vector<16xi32>,
    tpu.vector_store %arg10[%swap3A_16], %broadcast_in_dim3A_12 {strides = array<i32>} : memref<3328xi32, #tpu.memory_space<vmem>>, vector<16xi32>,
    %swap3A_18 = arith.constant 48 : index
    %swap3A_19 = tpu.vector_load %arg10[%swap3A_18] {strides = array<i32>} : memref<3328xi32, #tpu.memory_space<vmem>>, vector<16xi32>,
    tpu.vector_store %arg10[%swap3A_18], %broadcast_in_dim3A_12 {strides = array<i32>} : memref<3328xi32, #tpu.memory_space<vmem>>, vector<16xi32>,
    %dma_wait3A = arith.constant 0 : i32
    %dma_wait3A_20 = tpu.memref_slice %arg2[%dma_wait3A, %mul3A_2] : memref<7x16384xi32, #tpu.memory_space<hbm>> -> memref<7x512xi32, #tpu.memory_space<hbm>>
    %dma_wait3A_21 = arith.constant 0 : i32
    %dma_wait3A_22 = tpu.memref_slice %arg2[%dma_wait3A_21, %mul3A_2] : memref<7x16384xi32, #tpu.memory_space<hbm>> -> memref<7x512xi32, #tpu.memory_space<hbm>>
    tpu.wait_dma2 semaphore(%arg15 : memref<!tpu.dma_semaphore, #tpu.memory_space<semaphore_mem>>) src(%dma_wait3A_22 : memref<7x512xi32, #tpu.memory_space<hbm>>) dst(%arg11 : memref<7x512xi32, #tpu.memory_space<vmem>>)
    %iota3A = tpu.iota {dimensions = array<i32: 0>} : vector<16xi32>
    %mul3A_23 = arith.constant 7 : i32
    %mul3A_24 = vector.broadcast %mul3A_23 : i32 to vector<16xi32>
    %mul3A_25 = arith.muli %iota3A, %mul3A_24 : vector<16xi32>
    %parallel_loop3A_26 = arith.constant 0 : i32
    %parallel_loop3A_27 = arith.constant 32 : i32
    %parallel_loop3A_28 = arith.constant 1 : i32
    scf.for %parallel_loop3A_81 = %parallel_loop3A_26 to %parallel_loop3A_27 step %parallel_loop3A_28  : i32 {
      %parallel_loop3A_82 = arith.constant 112 : i32
      %parallel_loop3A_83 = arith.muli %parallel_loop3A_81, %parallel_loop3A_82 : i32
      %parallel_loop3A_84 = arith.constant 0 : i32
      %parallel_loop3A_85 = arith.addi %parallel_loop3A_83, %parallel_loop3A_84 : i32
      %parallel_loop3A_86 = vector.broadcast %parallel_loop3A_85 : i32 to vector<16xi32>
      %parallel_loop3A_87 = arith.addi %mul3A_25, %parallel_loop3A_86 : vector<16xi32>
      %parallel_loop3A_88 = arith.constant 16 : i32
      %parallel_loop3A_89 = arith.muli %parallel_loop3A_81, %parallel_loop3A_88 : i32
      %parallel_loop3A_90 = arith.constant 0 : i32
      %parallel_loop3A_91 = arith.index_cast %parallel_loop3A_90 : i32 to index
      %parallel_loop3A_92 = arith.index_cast %parallel_loop3A_89 : i32 to index
      %parallel_loop3A_93 = tpu.vector_load %arg11[%parallel_loop3A_91, %parallel_loop3A_92] {strides = array<i32>} : memref<7x512xi32, #tpu.memory_space<vmem>>, vector<16xi32>,
      tpu.vector_store_idx %arg12[%parallel_loop3A_87], %parallel_loop3A_93 : memref<3600xi32, #tpu.memory_space<vmem>>[vector<16xi32>], vector<16xi32>,
      %parallel_loop3A_94 = arith.constant 1 : i32
      %parallel_loop3A_95 = arith.addi %parallel_loop3A_83, %parallel_loop3A_94 : i32
      %parallel_loop3A_96 = vector.broadcast %parallel_loop3A_95 : i32 to vector<16xi32>
      %parallel_loop3A_97 = arith.addi %mul3A_25, %parallel_loop3A_96 : vector<16xi32>
      %parallel_loop3A_98 = arith.constant 16 : i32
      %parallel_loop3A_99 = arith.muli %parallel_loop3A_81, %parallel_loop3A_98 : i32
      %parallel_loop3A_100 = arith.constant 1 : i32
      %parallel_loop3A_101 = arith.index_cast %parallel_loop3A_100 : i32 to index
      %parallel_loop3A_102 = arith.index_cast %parallel_loop3A_99 : i32 to index
      %parallel_loop3A_103 = tpu.vector_load %arg11[%parallel_loop3A_101, %parallel_loop3A_102] {strides = array<i32>} : memref<7x512xi32, #tpu.memory_space<vmem>>, vector<16xi32>,
      tpu.vector_store_idx %arg12[%parallel_loop3A_97], %parallel_loop3A_103 : memref<3600xi32, #tpu.memory_space<vmem>>[vector<16xi32>], vector<16xi32>,
      %parallel_loop3A_104 = arith.constant 2 : i32
      %parallel_loop3A_105 = arith.addi %parallel_loop3A_83, %parallel_loop3A_104 : i32
      %parallel_loop3A_106 = vector.broadcast %parallel_loop3A_105 : i32 to vector<16xi32>
      %parallel_loop3A_107 = arith.addi %mul3A_25, %parallel_loop3A_106 : vector<16xi32>
      %parallel_loop3A_108 = arith.constant 16 : i32
      %parallel_loop3A_109 = arith.muli %parallel_loop3A_81, %parallel_loop3A_108 : i32
      %parallel_loop3A_110 = arith.constant 2 : i32
      %parallel_loop3A_111 = arith.index_cast %parallel_loop3A_110 : i32 to index
      %parallel_loop3A_112 = arith.index_cast %parallel_loop3A_109 : i32 to index
      %parallel_loop3A_113 = tpu.vector_load %arg11[%parallel_loop3A_111, %parallel_loop3A_112] {strides = array<i32>} : memref<7x512xi32, #tpu.memory_space<vmem>>, vector<16xi32>,
      tpu.vector_store_idx %arg12[%parallel_loop3A_107], %parallel_loop3A_113 : memref<3600xi32, #tpu.memory_space<vmem>>[vector<16xi32>], vector<16xi32>,
      %parallel_loop3A_114 = arith.constant 3 : i32
      %parallel_loop3A_115 = arith.addi %parallel_loop3A_83, %parallel_loop3A_114 : i32
      %parallel_loop3A_116 = vector.broadcast %parallel_loop3A_115 : i32 to vector<16xi32>
      %parallel_loop3A_117 = arith.addi %mul3A_25, %parallel_loop3A_116 : vector<16xi32>
      %parallel_loop3A_118 = arith.constant 16 : i32
      %parallel_loop3A_119 = arith.muli %parallel_loop3A_81, %parallel_loop3A_118 : i32
      %parallel_loop3A_120 = arith.constant 3 : i32
      %parallel_loop3A_121 = arith.index_cast %parallel_loop3A_120 : i32 to index
      %parallel_loop3A_122 = arith.index_cast %parallel_loop3A_119 : i32 to index
      %parallel_loop3A_123 = tpu.vector_load %arg11[%parallel_loop3A_121, %parallel_loop3A_122] {strides = array<i32>} : memref<7x512xi32, #tpu.memory_space<vmem>>, vector<16xi32>,
      tpu.vector_store_idx %arg12[%parallel_loop3A_117], %parallel_loop3A_123 : memref<3600xi32, #tpu.memory_space<vmem>>[vector<16xi32>], vector<16xi32>,
      %parallel_loop3A_124 = arith.constant 4 : i32
      %parallel_loop3A_125 = arith.addi %parallel_loop3A_83, %parallel_loop3A_124 : i32
      %parallel_loop3A_126 = vector.broadcast %parallel_loop3A_125 : i32 to vector<16xi32>
      %parallel_loop3A_127 = arith.addi %mul3A_25, %parallel_loop3A_126 : vector<16xi32>
      %parallel_loop3A_128 = arith.constant 16 : i32
      %parallel_loop3A_129 = arith.muli %parallel_loop3A_81, %parallel_loop3A_128 : i32
      %parallel_loop3A_130 = arith.constant 4 : i32
      %parallel_loop3A_131 = arith.index_cast %parallel_loop3A_130 : i32 to index
      %parallel_loop3A_132 = arith.index_cast %parallel_loop3A_129 : i32 to index
      %parallel_loop3A_133 = tpu.vector_load %arg11[%parallel_loop3A_131, %parallel_loop3A_132] {strides = array<i32>} : memref<7x512xi32, #tpu.memory_space<vmem>>, vector<16xi32>,
      tpu.vector_store_idx %arg12[%parallel_loop3A_127], %parallel_loop3A_133 : memref<3600xi32, #tpu.memory_space<vmem>>[vector<16xi32>], vector<16xi32>,
      %parallel_loop3A_134 = arith.constant 5 : i32
      %parallel_loop3A_135 = arith.addi %parallel_loop3A_83, %parallel_loop3A_134 : i32
      %parallel_loop3A_136 = vector.broadcast %parallel_loop3A_135 : i32 to vector<16xi32>
      %parallel_loop3A_137 = arith.addi %mul3A_25, %parallel_loop3A_136 : vector<16xi32>
      %parallel_loop3A_138 = arith.constant 16 : i32
      %parallel_loop3A_139 = arith.muli %parallel_loop3A_81, %parallel_loop3A_138 : i32
      %parallel_loop3A_140 = arith.constant 5 : i32
      %parallel_loop3A_141 = arith.index_cast %parallel_loop3A_140 : i32 to index
      %parallel_loop3A_142 = arith.index_cast %parallel_loop3A_139 : i32 to index
      %parallel_loop3A_143 = tpu.vector_load %arg11[%parallel_loop3A_141, %parallel_loop3A_142] {strides = array<i32>} : memref<7x512xi32, #tpu.memory_space<vmem>>, vector<16xi32>,
      tpu.vector_store_idx %arg12[%parallel_loop3A_137], %parallel_loop3A_143 : memref<3600xi32, #tpu.memory_space<vmem>>[vector<16xi32>], vector<16xi32>,
      %parallel_loop3A_144 = arith.constant 6 : i32
      %parallel_loop3A_145 = arith.addi %parallel_loop3A_83, %parallel_loop3A_144 : i32
      %parallel_loop3A_146 = vector.broadcast %parallel_loop3A_145 : i32 to vector<16xi32>
      %parallel_loop3A_147 = arith.addi %mul3A_25, %parallel_loop3A_146 : vector<16xi32>
      %parallel_loop3A_148 = arith.constant 16 : i32
      %parallel_loop3A_149 = arith.muli %parallel_loop3A_81, %parallel_loop3A_148 : i32
      %parallel_loop3A_150 = arith.constant 6 : i32
      %parallel_loop3A_151 = arith.index_cast %parallel_loop3A_150 : i32 to index
      %parallel_loop3A_152 = arith.index_cast %parallel_loop3A_149 : i32 to index
      %parallel_loop3A_153 = tpu.vector_load %arg11[%parallel_loop3A_151, %parallel_loop3A_152] {strides = array<i32>} : memref<7x512xi32, #tpu.memory_space<vmem>>, vector<16xi32>,
      tpu.vector_store_idx %arg12[%parallel_loop3A_147], %parallel_loop3A_153 : memref<3600xi32, #tpu.memory_space<vmem>>[vector<16xi32>], vector<16xi32>,
    } {sc.loop_unroll_factor = 1 : i64, sc.parallel_access}
    %parallel_loop3A_29 = arith.constant 0 : i32
    %parallel_loop3A_30 = arith.constant 128 : i32
    %parallel_loop3A_31 = arith.constant 1 : i32
    scf.for %parallel_loop3A_81 = %parallel_loop3A_29 to %parallel_loop3A_30 step %parallel_loop3A_31  : i32 {
      %parallel_loop3A_82 = arith.constant 0 : i32
      %parallel_loop3A_83 = arith.addi %parallel_loop3A_82, %parallel_loop3A_81 : i32
      %parallel_loop3A_84 = arith.constant 7 : i32
      %parallel_loop3A_85 = arith.muli %parallel_loop3A_83, %parallel_loop3A_84 : i32
      %parallel_loop3A_86 = arith.index_cast %parallel_loop3A_85 : i32 to index
      %parallel_loop3A_87 = tpu.vector_load %arg12[%parallel_loop3A_86] {strides = array<i32>} : memref<3600xi32, #tpu.memory_space<vmem>>, vector<16xi32>,
      %parallel_loop3A_88 = vector.extract_strided_slice %parallel_loop3A_87 {offsets = [0], sizes = [1], strides = [1]} : vector<16xi32> to vector<1xi32>
      %parallel_loop3A_89 = vector.extract %parallel_loop3A_88[0] : i32 from vector<1xi32>
      %parallel_loop3A_90 = arith.constant 64 : i32
      %parallel_loop3A_91 = arith.muli %parallel_loop3A_89, %parallel_loop3A_90 : i32
      %parallel_loop3A_92 = vector.extract_strided_slice %parallel_loop3A_87 {offsets = [1], sizes = [1], strides = [1]} : vector<16xi32> to vector<1xi32>
      %parallel_loop3A_93 = vector.extract %parallel_loop3A_92[0] : i32 from vector<1xi32>
      %parallel_loop3A_94 = arith.constant 64 : i32
      %parallel_loop3A_95 = arith.muli %parallel_loop3A_93, %parallel_loop3A_94 : i32
      %parallel_loop3A_96 = vector.extract_strided_slice %parallel_loop3A_87 {offsets = [2], sizes = [1], strides = [1]} : vector<16xi32> to vector<1xi32>
      %parallel_loop3A_97 = vector.extract %parallel_loop3A_96[0] : i32 from vector<1xi32>
      %parallel_loop3A_98 = arith.constant 64 : i32
      %parallel_loop3A_99 = arith.muli %parallel_loop3A_97, %parallel_loop3A_98 : i32
      %parallel_loop3A_100 = vector.extract_strided_slice %parallel_loop3A_87 {offsets = [3], sizes = [1], strides = [1]} : vector<16xi32> to vector<1xi32>
      %parallel_loop3A_101 = vector.extract %parallel_loop3A_100[0] : i32 from vector<1xi32>
      %parallel_loop3A_102 = arith.constant 64 : i32
      %parallel_loop3A_103 = arith.muli %parallel_loop3A_101, %parallel_loop3A_102 : i32
      %parallel_loop3A_104 = vector.extract_strided_slice %parallel_loop3A_87 {offsets = [4], sizes = [1], strides = [1]} : vector<16xi32> to vector<1xi32>
      %parallel_loop3A_105 = vector.extract %parallel_loop3A_104[0] : i32 from vector<1xi32>
      %parallel_loop3A_106 = arith.constant 64 : i32
      %parallel_loop3A_107 = arith.muli %parallel_loop3A_105, %parallel_loop3A_106 : i32
      %parallel_loop3A_108 = vector.extract_strided_slice %parallel_loop3A_87 {offsets = [5], sizes = [1], strides = [1]} : vector<16xi32> to vector<1xi32>
      %parallel_loop3A_109 = vector.extract %parallel_loop3A_108[0] : i32 from vector<1xi32>
      %parallel_loop3A_110 = arith.constant 64 : i32
      %parallel_loop3A_111 = arith.muli %parallel_loop3A_109, %parallel_loop3A_110 : i32
      %parallel_loop3A_112 = vector.extract_strided_slice %parallel_loop3A_87 {offsets = [6], sizes = [1], strides = [1]} : vector<16xi32> to vector<1xi32>
      %parallel_loop3A_113 = vector.extract %parallel_loop3A_112[0] : i32 from vector<1xi32>
      %parallel_loop3A_114 = arith.constant 64 : i32
      %parallel_loop3A_115 = arith.muli %parallel_loop3A_113, %parallel_loop3A_114 : i32
      %parallel_loop3A_116 = arith.constant 16 : i32
      %parallel_loop3A_117 = vector.broadcast %parallel_loop3A_116 : i32 to vector<16xi32>
      %parallel_loop3A_118 = arith.constant 0 : i32
      %parallel_loop3A_119 = arith.addi %parallel_loop3A_91, %parallel_loop3A_118 : i32
      %parallel_loop3A_120 = arith.index_cast %parallel_loop3A_119 : i32 to index
      %parallel_loop3A_121 = tpu.vector_load %arg10[%parallel_loop3A_120] {strides = array<i32>} : memref<3328xi32, #tpu.memory_space<vmem>>, vector<16xi32>,
      %parallel_loop3A_122 = arith.constant 0 : i32
      %parallel_loop3A_123 = arith.addi %parallel_loop3A_95, %parallel_loop3A_122 : i32
      %parallel_loop3A_124 = arith.index_cast %parallel_loop3A_123 : i32 to index
      %parallel_loop3A_125 = tpu.vector_load %arg10[%parallel_loop3A_124] {strides = array<i32>} : memref<3328xi32, #tpu.memory_space<vmem>>, vector<16xi32>,
      %parallel_loop3A_126 = arith.constant 0 : i32
      %parallel_loop3A_127 = arith.addi %parallel_loop3A_99, %parallel_loop3A_126 : i32
      %parallel_loop3A_128 = arith.index_cast %parallel_loop3A_127 : i32 to index
      %parallel_loop3A_129 = tpu.vector_load %arg10[%parallel_loop3A_128] {strides = array<i32>} : memref<3328xi32, #tpu.memory_space<vmem>>, vector<16xi32>,
      %parallel_loop3A_130 = arith.constant 0 : i32
      %parallel_loop3A_131 = arith.addi %parallel_loop3A_103, %parallel_loop3A_130 : i32
      %parallel_loop3A_132 = arith.index_cast %parallel_loop3A_131 : i32 to index
      %parallel_loop3A_133 = tpu.vector_load %arg10[%parallel_loop3A_132] {strides = array<i32>} : memref<3328xi32, #tpu.memory_space<vmem>>, vector<16xi32>,
      %parallel_loop3A_134 = arith.constant 0 : i32
      %parallel_loop3A_135 = arith.addi %parallel_loop3A_107, %parallel_loop3A_134 : i32
      %parallel_loop3A_136 = arith.index_cast %parallel_loop3A_135 : i32 to index
      %parallel_loop3A_137 = tpu.vector_load %arg10[%parallel_loop3A_136] {strides = array<i32>} : memref<3328xi32, #tpu.memory_space<vmem>>, vector<16xi32>,
      %parallel_loop3A_138 = arith.constant 0 : i32
      %parallel_loop3A_139 = arith.addi %parallel_loop3A_111, %parallel_loop3A_138 : i32
      %parallel_loop3A_140 = arith.index_cast %parallel_loop3A_139 : i32 to index
      %parallel_loop3A_141 = tpu.vector_load %arg10[%parallel_loop3A_140] {strides = array<i32>} : memref<3328xi32, #tpu.memory_space<vmem>>, vector<16xi32>,
      %parallel_loop3A_142 = arith.constant 0 : i32
      %parallel_loop3A_143 = arith.addi %parallel_loop3A_115, %parallel_loop3A_142 : i32
      %parallel_loop3A_144 = arith.index_cast %parallel_loop3A_143 : i32 to index
      %parallel_loop3A_145 = tpu.vector_load %arg10[%parallel_loop3A_144] {strides = array<i32>} : memref<3328xi32, #tpu.memory_space<vmem>>, vector<16xi32>,
      %parallel_loop3A_146 = arith.shli %parallel_loop3A_121, %parallel_loop3A_117 : vector<16xi32>
      %parallel_loop3A_147 = tpu.bitcast %parallel_loop3A_146 : vector<16xi32> -> vector<16xf32>
      %parallel_loop3A_148 = arith.shli %parallel_loop3A_125, %parallel_loop3A_117 : vector<16xi32>
      %parallel_loop3A_149 = tpu.bitcast %parallel_loop3A_148 : vector<16xi32> -> vector<16xf32>
      %parallel_loop3A_150 = arith.shli %parallel_loop3A_129, %parallel_loop3A_117 : vector<16xi32>
      %parallel_loop3A_151 = tpu.bitcast %parallel_loop3A_150 : vector<16xi32> -> vector<16xf32>
      %parallel_loop3A_152 = arith.shli %parallel_loop3A_133, %parallel_loop3A_117 : vector<16xi32>
      %parallel_loop3A_153 = tpu.bitcast %parallel_loop3A_152 : vector<16xi32> -> vector<16xf32>
      %parallel_loop3A_154 = arith.shli %parallel_loop3A_137, %parallel_loop3A_117 : vector<16xi32>
      %parallel_loop3A_155 = tpu.bitcast %parallel_loop3A_154 : vector<16xi32> -> vector<16xf32>
      %parallel_loop3A_156 = arith.shli %parallel_loop3A_141, %parallel_loop3A_117 : vector<16xi32>
      %parallel_loop3A_157 = tpu.bitcast %parallel_loop3A_156 : vector<16xi32> -> vector<16xf32>
      %parallel_loop3A_158 = arith.shli %parallel_loop3A_145, %parallel_loop3A_117 : vector<16xi32>
      %parallel_loop3A_159 = tpu.bitcast %parallel_loop3A_158 : vector<16xi32> -> vector<16xf32>
      %parallel_loop3A_160 = arith.andi %parallel_loop3A_121, %broadcast_in_dim3A_8 : vector<16xi32>
      %parallel_loop3A_161 = tpu.bitcast %parallel_loop3A_160 : vector<16xi32> -> vector<16xf32>
      %parallel_loop3A_162 = arith.andi %parallel_loop3A_125, %broadcast_in_dim3A_8 : vector<16xi32>
      %parallel_loop3A_163 = tpu.bitcast %parallel_loop3A_162 : vector<16xi32> -> vector<16xf32>
      %parallel_loop3A_164 = arith.andi %parallel_loop3A_129, %broadcast_in_dim3A_8 : vector<16xi32>
      %parallel_loop3A_165 = tpu.bitcast %parallel_loop3A_164 : vector<16xi32> -> vector<16xf32>
      %parallel_loop3A_166 = arith.andi %parallel_loop3A_133, %broadcast_in_dim3A_8 : vector<16xi32>
      %parallel_loop3A_167 = tpu.bitcast %parallel_loop3A_166 : vector<16xi32> -> vector<16xf32>
      %parallel_loop3A_168 = arith.andi %parallel_loop3A_137, %broadcast_in_dim3A_8 : vector<16xi32>
      %parallel_loop3A_169 = tpu.bitcast %parallel_loop3A_168 : vector<16xi32> -> vector<16xf32>
      %parallel_loop3A_170 = arith.andi %parallel_loop3A_141, %broadcast_in_dim3A_8 : vector<16xi32>
      %parallel_loop3A_171 = tpu.bitcast %parallel_loop3A_170 : vector<16xi32> -> vector<16xf32>
      %parallel_loop3A_172 = arith.andi %parallel_loop3A_145, %broadcast_in_dim3A_8 : vector<16xi32>
      %parallel_loop3A_173 = tpu.bitcast %parallel_loop3A_172 : vector<16xi32> -> vector<16xf32>
      %parallel_loop3A_174 = arith.addf %parallel_loop3A_147, %parallel_loop3A_149 : vector<16xf32>
      %parallel_loop3A_175 = arith.addf %parallel_loop3A_151, %parallel_loop3A_153 : vector<16xf32>
      %parallel_loop3A_176 = arith.addf %parallel_loop3A_174, %parallel_loop3A_175 : vector<16xf32>
      %parallel_loop3A_177 = arith.addf %parallel_loop3A_155, %parallel_loop3A_157 : vector<16xf32>
      %parallel_loop3A_178 = arith.addf %parallel_loop3A_177, %parallel_loop3A_159 : vector<16xf32>
      %parallel_loop3A_179 = arith.addf %parallel_loop3A_176, %parallel_loop3A_178 : vector<16xf32>
      %parallel_loop3A_180 = arith.addf %parallel_loop3A_161, %parallel_loop3A_163 : vector<16xf32>
      %parallel_loop3A_181 = arith.addf %parallel_loop3A_165, %parallel_loop3A_167 : vector<16xf32>
      %parallel_loop3A_182 = arith.addf %parallel_loop3A_180, %parallel_loop3A_181 : vector<16xf32>
      %parallel_loop3A_183 = arith.addf %parallel_loop3A_169, %parallel_loop3A_171 : vector<16xf32>
      %parallel_loop3A_184 = arith.addf %parallel_loop3A_183, %parallel_loop3A_173 : vector<16xf32>
      %parallel_loop3A_185 = arith.addf %parallel_loop3A_182, %parallel_loop3A_184 : vector<16xf32>
      %parallel_loop3A_186 = arith.index_cast %parallel_loop3A_81 : i32 to index
      %parallel_loop3A_187 = arith.constant 0 : index
      %parallel_loop3A_188 = tpu.vector_load %arg13[%parallel_loop3A_186, %parallel_loop3A_187] {strides = array<i32>} : memref<128x128xf32, #tpu.memory_space<vmem>>, vector<16xf32>,
      tpu.vector_store %arg13[%parallel_loop3A_186, %parallel_loop3A_187], %parallel_loop3A_179 {strides = array<i32>} : memref<128x128xf32, #tpu.memory_space<vmem>>, vector<16xf32>,
      %parallel_loop3A_189 = arith.index_cast %parallel_loop3A_81 : i32 to index
      %parallel_loop3A_190 = arith.constant 16 : index
      %parallel_loop3A_191 = tpu.vector_load %arg13[%parallel_loop3A_189, %parallel_loop3A_190] {strides = array<i32>} : memref<128x128xf32, #tpu.memory_space<vmem>>, vector<16xf32>,
      tpu.vector_store %arg13[%parallel_loop3A_189, %parallel_loop3A_190], %parallel_loop3A_185 {strides = array<i32>} : memref<128x128xf32, #tpu.memory_space<vmem>>, vector<16xf32>,
      %parallel_loop3A_192 = arith.constant 16 : i32
      %parallel_loop3A_193 = arith.addi %parallel_loop3A_91, %parallel_loop3A_192 : i32
      %parallel_loop3A_194 = arith.index_cast %parallel_loop3A_193 : i32 to index
      %parallel_loop3A_195 = tpu.vector_load %arg10[%parallel_loop3A_194] {strides = array<i32>} : memref<3328xi32, #tpu.memory_space<vmem>>, vector<16xi32>,
      %parallel_loop3A_196 = arith.constant 16 : i32
      %parallel_loop3A_197 = arith.addi %parallel_loop3A_95, %parallel_loop3A_196 : i32
      %parallel_loop3A_198 = arith.index_cast %parallel_loop3A_197 : i32 to index
      %parallel_loop3A_199 = tpu.vector_load %arg10[%parallel_loop3A_198] {strides = array<i32>} : memref<3328xi32, #tpu.memory_space<vmem>>, vector<16xi32>,
      %parallel_loop3A_200 = arith.constant 16 : i32
      %parallel_loop3A_201 = arith.addi %parallel_loop3A_99, %parallel_loop3A_200 : i32
      %parallel_loop3A_202 = arith.index_cast %parallel_loop3A_201 : i32 to index
      %parallel_loop3A_203 = tpu.vector_load %arg10[%parallel_loop3A_202] {strides = array<i32>} : memref<3328xi32, #tpu.memory_space<vmem>>, vector<16xi32>,
      %parallel_loop3A_204 = arith.constant 16 : i32
      %parallel_loop3A_205 = arith.addi %parallel_loop3A_103, %parallel_loop3A_204 : i32
      %parallel_loop3A_206 = arith.index_cast %parallel_loop3A_205 : i32 to index
      %parallel_loop3A_207 = tpu.vector_load %arg10[%parallel_loop3A_206] {strides = array<i32>} : memref<3328xi32, #tpu.memory_space<vmem>>, vector<16xi32>,
      %parallel_loop3A_208 = arith.constant 16 : i32
      %parallel_loop3A_209 = arith.addi %parallel_loop3A_107, %parallel_loop3A_208 : i32
      %parallel_loop3A_210 = arith.index_cast %parallel_loop3A_209 : i32 to index
      %parallel_loop3A_211 = tpu.vector_load %arg10[%parallel_loop3A_210] {strides = array<i32>} : memref<3328xi32, #tpu.memory_space<vmem>>, vector<16xi32>,
      %parallel_loop3A_212 = arith.constant 16 : i32
      %parallel_loop3A_213 = arith.addi %parallel_loop3A_111, %parallel_loop3A_212 : i32
      %parallel_loop3A_214 = arith.index_cast %parallel_loop3A_213 : i32 to index
      %parallel_loop3A_215 = tpu.vector_load %arg10[%parallel_loop3A_214] {strides = array<i32>} : memref<3328xi32, #tpu.memory_space<vmem>>, vector<16xi32>,
      %parallel_loop3A_216 = arith.constant 16 : i32
      %parallel_loop3A_217 = arith.addi %parallel_loop3A_115, %parallel_loop3A_216 : i32
      %parallel_loop3A_218 = arith.index_cast %parallel_loop3A_217 : i32 to index
      %parallel_loop3A_219 = tpu.vector_load %arg10[%parallel_loop3A_218] {strides = array<i32>} : memref<3328xi32, #tpu.memory_space<vmem>>, vector<16xi32>,
      %parallel_loop3A_220 = arith.shli %parallel_loop3A_195, %parallel_loop3A_117 : vector<16xi32>
      %parallel_loop3A_221 = tpu.bitcast %parallel_loop3A_220 : vector<16xi32> -> vector<16xf32>
      %parallel_loop3A_222 = arith.shli %parallel_loop3A_199, %parallel_loop3A_117 : vector<16xi32>
      %parallel_loop3A_223 = tpu.bitcast %parallel_loop3A_222 : vector<16xi32> -> vector<16xf32>
      %parallel_loop3A_224 = arith.shli %parallel_loop3A_203, %parallel_loop3A_117 : vector<16xi32>
      %parallel_loop3A_225 = tpu.bitcast %parallel_loop3A_224 : vector<16xi32> -> vector<16xf32>
      %parallel_loop3A_226 = arith.shli %parallel_loop3A_207, %parallel_loop3A_117 : vector<16xi32>
      %parallel_loop3A_227 = tpu.bitcast %parallel_loop3A_226 : vector<16xi32> -> vector<16xf32>
      %parallel_loop3A_228 = arith.shli %parallel_loop3A_211, %parallel_loop3A_117 : vector<16xi32>
      %parallel_loop3A_229 = tpu.bitcast %parallel_loop3A_228 : vector<16xi32> -> vector<16xf32>
      %parallel_loop3A_230 = arith.shli %parallel_loop3A_215, %parallel_loop3A_117 : vector<16xi32>
      %parallel_loop3A_231 = tpu.bitcast %parallel_loop3A_230 : vector<16xi32> -> vector<16xf32>
      %parallel_loop3A_232 = arith.shli %parallel_loop3A_219, %parallel_loop3A_117 : vector<16xi32>
      %parallel_loop3A_233 = tpu.bitcast %parallel_loop3A_232 : vector<16xi32> -> vector<16xf32>
      %parallel_loop3A_234 = arith.andi %parallel_loop3A_195, %broadcast_in_dim3A_8 : vector<16xi32>
      %parallel_loop3A_235 = tpu.bitcast %parallel_loop3A_234 : vector<16xi32> -> vector<16xf32>
      %parallel_loop3A_236 = arith.andi %parallel_loop3A_199, %broadcast_in_dim3A_8 : vector<16xi32>
      %parallel_loop3A_237 = tpu.bitcast %parallel_loop3A_236 : vector<16xi32> -> vector<16xf32>
      %parallel_loop3A_238 = arith.andi %parallel_loop3A_203, %broadcast_in_dim3A_8 : vector<16xi32>
      %parallel_loop3A_239 = tpu.bitcast %parallel_loop3A_238 : vector<16xi32> -> vector<16xf32>
      %parallel_loop3A_240 = arith.andi %parallel_loop3A_207, %broadcast_in_dim3A_8 : vector<16xi32>
      %parallel_loop3A_241 = tpu.bitcast %parallel_loop3A_240 : vector<16xi32> -> vector<16xf32>
      %parallel_loop3A_242 = arith.andi %parallel_loop3A_211, %broadcast_in_dim3A_8 : vector<16xi32>
      %parallel_loop3A_243 = tpu.bitcast %parallel_loop3A_242 : vector<16xi32> -> vector<16xf32>
      %parallel_loop3A_244 = arith.andi %parallel_loop3A_215, %broadcast_in_dim3A_8 : vector<16xi32>
      %parallel_loop3A_245 = tpu.bitcast %parallel_loop3A_244 : vector<16xi32> -> vector<16xf32>
      %parallel_loop3A_246 = arith.andi %parallel_loop3A_219, %broadcast_in_dim3A_8 : vector<16xi32>
      %parallel_loop3A_247 = tpu.bitcast %parallel_loop3A_246 : vector<16xi32> -> vector<16xf32>
      %parallel_loop3A_248 = arith.addf %parallel_loop3A_221, %parallel_loop3A_223 : vector<16xf32>
      %parallel_loop3A_249 = arith.addf %parallel_loop3A_225, %parallel_loop3A_227 : vector<16xf32>
      %parallel_loop3A_250 = arith.addf %parallel_loop3A_248, %parallel_loop3A_249 : vector<16xf32>
      %parallel_loop3A_251 = arith.addf %parallel_loop3A_229, %parallel_loop3A_231 : vector<16xf32>
      %parallel_loop3A_252 = arith.addf %parallel_loop3A_251, %parallel_loop3A_233 : vector<16xf32>
      %parallel_loop3A_253 = arith.addf %parallel_loop3A_250, %parallel_loop3A_252 : vector<16xf32>
      %parallel_loop3A_254 = arith.addf %parallel_loop3A_235, %parallel_loop3A_237 : vector<16xf32>
      %parallel_loop3A_255 = arith.addf %parallel_loop3A_239, %parallel_loop3A_241 : vector<16xf32>
      %parallel_loop3A_256 = arith.addf %parallel_loop3A_254, %parallel_loop3A_255 : vector<16xf32>
      %parallel_loop3A_257 = arith.addf %parallel_loop3A_243, %parallel_loop3A_245 : vector<16xf32>
      %parallel_loop3A_258 = arith.addf %parallel_loop3A_257, %parallel_loop3A_247 : vector<16xf32>
      %parallel_loop3A_259 = arith.addf %parallel_loop3A_256, %parallel_loop3A_258 : vector<16xf32>
      %parallel_loop3A_260 = arith.index_cast %parallel_loop3A_81 : i32 to index
      %parallel_loop3A_261 = arith.constant 32 : index
      %parallel_loop3A_262 = tpu.vector_load %arg13[%parallel_loop3A_260, %parallel_loop3A_261] {strides = array<i32>} : memref<128x128xf32, #tpu.memory_space<vmem>>, vector<16xf32>,
      tpu.vector_store %arg13[%parallel_loop3A_260, %parallel_loop3A_261], %parallel_loop3A_253 {strides = array<i32>} : memref<128x128xf32, #tpu.memory_space<vmem>>, vector<16xf32>,
      %parallel_loop3A_263 = arith.index_cast %parallel_loop3A_81 : i32 to index
      %parallel_loop3A_264 = arith.constant 48 : index
      %parallel_loop3A_265 = tpu.vector_load %arg13[%parallel_loop3A_263, %parallel_loop3A_264] {strides = array<i32>} : memref<128x128xf32, #tpu.memory_space<vmem>>, vector<16xf32>,
      tpu.vector_store %arg13[%parallel_loop3A_263, %parallel_loop3A_264], %parallel_loop3A_259 {strides = array<i32>} : memref<128x128xf32, #tpu.memory_space<vmem>>, vector<16xf32>,
      %parallel_loop3A_266 = arith.constant 32 : i32
      %parallel_loop3A_267 = arith.addi %parallel_loop3A_91, %parallel_loop3A_266 : i32
      %parallel_loop3A_268 = arith.index_cast %parallel_loop3A_267 : i32 to index
      %parallel_loop3A_269 = tpu.vector_load %arg10[%parallel_loop3A_268] {strides = array<i32>} : memref<3328xi32, #tpu.memory_space<vmem>>, vector<16xi32>,
      %parallel_loop3A_270 = arith.constant 32 : i32
      %parallel_loop3A_271 = arith.addi %parallel_loop3A_95, %parallel_loop3A_270 : i32
      %parallel_loop3A_272 = arith.index_cast %parallel_loop3A_271 : i32 to index
      %parallel_loop3A_273 = tpu.vector_load %arg10[%parallel_loop3A_272] {strides = array<i32>} : memref<3328xi32, #tpu.memory_space<vmem>>, vector<16xi32>,
      %parallel_loop3A_274 = arith.constant 32 : i32
      %parallel_loop3A_275 = arith.addi %parallel_loop3A_99, %parallel_loop3A_274 : i32
      %parallel_loop3A_276 = arith.index_cast %parallel_loop3A_275 : i32 to index
      %parallel_loop3A_277 = tpu.vector_load %arg10[%parallel_loop3A_276] {strides = array<i32>} : memref<3328xi32, #tpu.memory_space<vmem>>, vector<16xi32>,
      %parallel_loop3A_278 = arith.constant 32 : i32
      %parallel_loop3A_279 = arith.addi %parallel_loop3A_103, %parallel_loop3A_278 : i32
      %parallel_loop3A_280 = arith.index_cast %parallel_loop3A_279 : i32 to index
      %parallel_loop3A_281 = tpu.vector_load %arg10[%parallel_loop3A_280] {strides = array<i32>} : memref<3328xi32, #tpu.memory_space<vmem>>, vector<16xi32>,
      %parallel_loop3A_282 = arith.constant 32 : i32
      %parallel_loop3A_283 = arith.addi %parallel_loop3A_107, %parallel_loop3A_282 : i32
      %parallel_loop3A_284 = arith.index_cast %parallel_loop3A_283 : i32 to index
      %parallel_loop3A_285 = tpu.vector_load %arg10[%parallel_loop3A_284] {strides = array<i32>} : memref<3328xi32, #tpu.memory_space<vmem>>, vector<16xi32>,
      %parallel_loop3A_286 = arith.constant 32 : i32
      %parallel_loop3A_287 = arith.addi %parallel_loop3A_111, %parallel_loop3A_286 : i32
      %parallel_loop3A_288 = arith.index_cast %parallel_loop3A_287 : i32 to index
      %parallel_loop3A_289 = tpu.vector_load %arg10[%parallel_loop3A_288] {strides = array<i32>} : memref<3328xi32, #tpu.memory_space<vmem>>, vector<16xi32>,
      %parallel_loop3A_290 = arith.constant 32 : i32
      %parallel_loop3A_291 = arith.addi %parallel_loop3A_115, %parallel_loop3A_290 : i32
      %parallel_loop3A_292 = arith.index_cast %parallel_loop3A_291 : i32 to index
      %parallel_loop3A_293 = tpu.vector_load %arg10[%parallel_loop3A_292] {strides = array<i32>} : memref<3328xi32, #tpu.memory_space<vmem>>, vector<16xi32>,
      %parallel_loop3A_294 = arith.shli %parallel_loop3A_269, %parallel_loop3A_117 : vector<16xi32>
      %parallel_loop3A_295 = tpu.bitcast %parallel_loop3A_294 : vector<16xi32> -> vector<16xf32>
      %parallel_loop3A_296 = arith.shli %parallel_loop3A_273, %parallel_loop3A_117 : vector<16xi32>
      %parallel_loop3A_297 = tpu.bitcast %parallel_loop3A_296 : vector<16xi32> -> vector<16xf32>
      %parallel_loop3A_298 = arith.shli %parallel_loop3A_277, %parallel_loop3A_117 : vector<16xi32>
      %parallel_loop3A_299 = tpu.bitcast %parallel_loop3A_298 : vector<16xi32> -> vector<16xf32>
      %parallel_loop3A_300 = arith.shli %parallel_loop3A_281, %parallel_loop3A_117 : vector<16xi32>
      %parallel_loop3A_301 = tpu.bitcast %parallel_loop3A_300 : vector<16xi32> -> vector<16xf32>
      %parallel_loop3A_302 = arith.shli %parallel_loop3A_285, %parallel_loop3A_117 : vector<16xi32>
      %parallel_loop3A_303 = tpu.bitcast %parallel_loop3A_302 : vector<16xi32> -> vector<16xf32>
      %parallel_loop3A_304 = arith.shli %parallel_loop3A_289, %parallel_loop3A_117 : vector<16xi32>
      %parallel_loop3A_305 = tpu.bitcast %parallel_loop3A_304 : vector<16xi32> -> vector<16xf32>
      %parallel_loop3A_306 = arith.shli %parallel_loop3A_293, %parallel_loop3A_117 : vector<16xi32>
      %parallel_loop3A_307 = tpu.bitcast %parallel_loop3A_306 : vector<16xi32> -> vector<16xf32>
      %parallel_loop3A_308 = arith.andi %parallel_loop3A_269, %broadcast_in_dim3A_8 : vector<16xi32>
      %parallel_loop3A_309 = tpu.bitcast %parallel_loop3A_308 : vector<16xi32> -> vector<16xf32>
      %parallel_loop3A_310 = arith.andi %parallel_loop3A_273, %broadcast_in_dim3A_8 : vector<16xi32>
      %parallel_loop3A_311 = tpu.bitcast %parallel_loop3A_310 : vector<16xi32> -> vector<16xf32>
      %parallel_loop3A_312 = arith.andi %parallel_loop3A_277, %broadcast_in_dim3A_8 : vector<16xi32>
      %parallel_loop3A_313 = tpu.bitcast %parallel_loop3A_312 : vector<16xi32> -> vector<16xf32>
      %parallel_loop3A_314 = arith.andi %parallel_loop3A_281, %broadcast_in_dim3A_8 : vector<16xi32>
      %parallel_loop3A_315 = tpu.bitcast %parallel_loop3A_314 : vector<16xi32> -> vector<16xf32>
      %parallel_loop3A_316 = arith.andi %parallel_loop3A_285, %broadcast_in_dim3A_8 : vector<16xi32>
      %parallel_loop3A_317 = tpu.bitcast %parallel_loop3A_316 : vector<16xi32> -> vector<16xf32>
      %parallel_loop3A_318 = arith.andi %parallel_loop3A_289, %broadcast_in_dim3A_8 : vector<16xi32>
      %parallel_loop3A_319 = tpu.bitcast %parallel_loop3A_318 : vector<16xi32> -> vector<16xf32>
      %parallel_loop3A_320 = arith.andi %parallel_loop3A_293, %broadcast_in_dim3A_8 : vector<16xi32>
      %parallel_loop3A_321 = tpu.bitcast %parallel_loop3A_320 : vector<16xi32> -> vector<16xf32>
      %parallel_loop3A_322 = arith.addf %parallel_loop3A_295, %parallel_loop3A_297 : vector<16xf32>
      %parallel_loop3A_323 = arith.addf %parallel_loop3A_299, %parallel_loop3A_301 : vector<16xf32>
      %parallel_loop3A_324 = arith.addf %parallel_loop3A_322, %parallel_loop3A_323 : vector<16xf32>
      %parallel_loop3A_325 = arith.addf %parallel_loop3A_303, %parallel_loop3A_305 : vector<16xf32>
      %parallel_loop3A_326 = arith.addf %parallel_loop3A_325, %parallel_loop3A_307 : vector<16xf32>
      %parallel_loop3A_327 = arith.addf %parallel_loop3A_324, %parallel_loop3A_326 : vector<16xf32>
      %parallel_loop3A_328 = arith.addf %parallel_loop3A_309, %parallel_loop3A_311 : vector<16xf32>
      %parallel_loop3A_329 = arith.addf %parallel_loop3A_313, %parallel_loop3A_315 : vector<16xf32>
      %parallel_loop3A_330 = arith.addf %parallel_loop3A_328, %parallel_loop3A_329 : vector<16xf32>
      %parallel_loop3A_331 = arith.addf %parallel_loop3A_317, %parallel_loop3A_319 : vector<16xf32>
      %parallel_loop3A_332 = arith.addf %parallel_loop3A_331, %parallel_loop3A_321 : vector<16xf32>
      %parallel_loop3A_333 = arith.addf %parallel_loop3A_330, %parallel_loop3A_332 : vector<16xf32>
      %parallel_loop3A_334 = arith.index_cast %parallel_loop3A_81 : i32 to index
      %parallel_loop3A_335 = arith.constant 64 : index
      %parallel_loop3A_336 = tpu.vector_load %arg13[%parallel_loop3A_334, %parallel_loop3A_335] {strides = array<i32>} : memref<128x128xf32, #tpu.memory_space<vmem>>, vector<16xf32>,
      tpu.vector_store %arg13[%parallel_loop3A_334, %parallel_loop3A_335], %parallel_loop3A_327 {strides = array<i32>} : memref<128x128xf32, #tpu.memory_space<vmem>>, vector<16xf32>,
      %parallel_loop3A_337 = arith.index_cast %parallel_loop3A_81 : i32 to index
      %parallel_loop3A_338 = arith.constant 80 : index
      %parallel_loop3A_339 = tpu.vector_load %arg13[%parallel_loop3A_337, %parallel_loop3A_338] {strides = array<i32>} : memref<128x128xf32, #tpu.memory_space<vmem>>, vector<16xf32>,
      tpu.vector_store %arg13[%parallel_loop3A_337, %parallel_loop3A_338], %parallel_loop3A_333 {strides = array<i32>} : memref<128x128xf32, #tpu.memory_space<vmem>>, vector<16xf32>,
      %parallel_loop3A_340 = arith.constant 48 : i32
      %parallel_loop3A_341 = arith.addi %parallel_loop3A_91, %parallel_loop3A_340 : i32
      %parallel_loop3A_342 = arith.index_cast %parallel_loop3A_341 : i32 to index
      %parallel_loop3A_343 = tpu.vector_load %arg10[%parallel_loop3A_342] {strides = array<i32>} : memref<3328xi32, #tpu.memory_space<vmem>>, vector<16xi32>,
      %parallel_loop3A_344 = arith.constant 48 : i32
      %parallel_loop3A_345 = arith.addi %parallel_loop3A_95, %parallel_loop3A_344 : i32
      %parallel_loop3A_346 = arith.index_cast %parallel_loop3A_345 : i32 to index
      %parallel_loop3A_347 = tpu.vector_load %arg10[%parallel_loop3A_346] {strides = array<i32>} : memref<3328xi32, #tpu.memory_space<vmem>>, vector<16xi32>,
      %parallel_loop3A_348 = arith.constant 48 : i32
      %parallel_loop3A_349 = arith.addi %parallel_loop3A_99, %parallel_loop3A_348 : i32
      %parallel_loop3A_350 = arith.index_cast %parallel_loop3A_349 : i32 to index
      %parallel_loop3A_351 = tpu.vector_load %arg10[%parallel_loop3A_350] {strides = array<i32>} : memref<3328xi32, #tpu.memory_space<vmem>>, vector<16xi32>,
      %parallel_loop3A_352 = arith.constant 48 : i32
      %parallel_loop3A_353 = arith.addi %parallel_loop3A_103, %parallel_loop3A_352 : i32
      %parallel_loop3A_354 = arith.index_cast %parallel_loop3A_353 : i32 to index
      %parallel_loop3A_355 = tpu.vector_load %arg10[%parallel_loop3A_354] {strides = array<i32>} : memref<3328xi32, #tpu.memory_space<vmem>>, vector<16xi32>,
      %parallel_loop3A_356 = arith.constant 48 : i32
      %parallel_loop3A_357 = arith.addi %parallel_loop3A_107, %parallel_loop3A_356 : i32
      %parallel_loop3A_358 = arith.index_cast %parallel_loop3A_357 : i32 to index
      %parallel_loop3A_359 = tpu.vector_load %arg10[%parallel_loop3A_358] {strides = array<i32>} : memref<3328xi32, #tpu.memory_space<vmem>>, vector<16xi32>,
      %parallel_loop3A_360 = arith.constant 48 : i32
      %parallel_loop3A_361 = arith.addi %parallel_loop3A_111, %parallel_loop3A_360 : i32
      %parallel_loop3A_362 = arith.index_cast %parallel_loop3A_361 : i32 to index
      %parallel_loop3A_363 = tpu.vector_load %arg10[%parallel_loop3A_362] {strides = array<i32>} : memref<3328xi32, #tpu.memory_space<vmem>>, vector<16xi32>,
      %parallel_loop3A_364 = arith.constant 48 : i32
      %parallel_loop3A_365 = arith.addi %parallel_loop3A_115, %parallel_loop3A_364 : i32
      %parallel_loop3A_366 = arith.index_cast %parallel_loop3A_365 : i32 to index
      %parallel_loop3A_367 = tpu.vector_load %arg10[%parallel_loop3A_366] {strides = array<i32>} : memref<3328xi32, #tpu.memory_space<vmem>>, vector<16xi32>,
      %parallel_loop3A_368 = arith.shli %parallel_loop3A_343, %parallel_loop3A_117 : vector<16xi32>
      %parallel_loop3A_369 = tpu.bitcast %parallel_loop3A_368 : vector<16xi32> -> vector<16xf32>
      %parallel_loop3A_370 = arith.shli %parallel_loop3A_347, %parallel_loop3A_117 : vector<16xi32>
      %parallel_loop3A_371 = tpu.bitcast %parallel_loop3A_370 : vector<16xi32> -> vector<16xf32>
      %parallel_loop3A_372 = arith.shli %parallel_loop3A_351, %parallel_loop3A_117 : vector<16xi32>
      %parallel_loop3A_373 = tpu.bitcast %parallel_loop3A_372 : vector<16xi32> -> vector<16xf32>
      %parallel_loop3A_374 = arith.shli %parallel_loop3A_355, %parallel_loop3A_117 : vector<16xi32>
      %parallel_loop3A_375 = tpu.bitcast %parallel_loop3A_374 : vector<16xi32> -> vector<16xf32>
      %parallel_loop3A_376 = arith.shli %parallel_loop3A_359, %parallel_loop3A_117 : vector<16xi32>
      %parallel_loop3A_377 = tpu.bitcast %parallel_loop3A_376 : vector<16xi32> -> vector<16xf32>
      %parallel_loop3A_378 = arith.shli %parallel_loop3A_363, %parallel_loop3A_117 : vector<16xi32>
      %parallel_loop3A_379 = tpu.bitcast %parallel_loop3A_378 : vector<16xi32> -> vector<16xf32>
      %parallel_loop3A_380 = arith.shli %parallel_loop3A_367, %parallel_loop3A_117 : vector<16xi32>
      %parallel_loop3A_381 = tpu.bitcast %parallel_loop3A_380 : vector<16xi32> -> vector<16xf32>
      %parallel_loop3A_382 = arith.andi %parallel_loop3A_343, %broadcast_in_dim3A_8 : vector<16xi32>
      %parallel_loop3A_383 = tpu.bitcast %parallel_loop3A_382 : vector<16xi32> -> vector<16xf32>
      %parallel_loop3A_384 = arith.andi %parallel_loop3A_347, %broadcast_in_dim3A_8 : vector<16xi32>
      %parallel_loop3A_385 = tpu.bitcast %parallel_loop3A_384 : vector<16xi32> -> vector<16xf32>
      %parallel_loop3A_386 = arith.andi %parallel_loop3A_351, %broadcast_in_dim3A_8 : vector<16xi32>
      %parallel_loop3A_387 = tpu.bitcast %parallel_loop3A_386 : vector<16xi32> -> vector<16xf32>
      %parallel_loop3A_388 = arith.andi %parallel_loop3A_355, %broadcast_in_dim3A_8 : vector<16xi32>
      %parallel_loop3A_389 = tpu.bitcast %parallel_loop3A_388 : vector<16xi32> -> vector<16xf32>
      %parallel_loop3A_390 = arith.andi %parallel_loop3A_359, %broadcast_in_dim3A_8 : vector<16xi32>
      %parallel_loop3A_391 = tpu.bitcast %parallel_loop3A_390 : vector<16xi32> -> vector<16xf32>
      %parallel_loop3A_392 = arith.andi %parallel_loop3A_363, %broadcast_in_dim3A_8 : vector<16xi32>
      %parallel_loop3A_393 = tpu.bitcast %parallel_loop3A_392 : vector<16xi32> -> vector<16xf32>
      %parallel_loop3A_394 = arith.andi %parallel_loop3A_367, %broadcast_in_dim3A_8 : vector<16xi32>
      %parallel_loop3A_395 = tpu.bitcast %parallel_loop3A_394 : vector<16xi32> -> vector<16xf32>
      %parallel_loop3A_396 = arith.addf %parallel_loop3A_369, %parallel_loop3A_371 : vector<16xf32>
      %parallel_loop3A_397 = arith.addf %parallel_loop3A_373, %parallel_loop3A_375 : vector<16xf32>
      %parallel_loop3A_398 = arith.addf %parallel_loop3A_396, %parallel_loop3A_397 : vector<16xf32>
      %parallel_loop3A_399 = arith.addf %parallel_loop3A_377, %parallel_loop3A_379 : vector<16xf32>
      %parallel_loop3A_400 = arith.addf %parallel_loop3A_399, %parallel_loop3A_381 : vector<16xf32>
      %parallel_loop3A_401 = arith.addf %parallel_loop3A_398, %parallel_loop3A_400 : vector<16xf32>
      %parallel_loop3A_402 = arith.addf %parallel_loop3A_383, %parallel_loop3A_385 : vector<16xf32>
      %parallel_loop3A_403 = arith.addf %parallel_loop3A_387, %parallel_loop3A_389 : vector<16xf32>
      %parallel_loop3A_404 = arith.addf %parallel_loop3A_402, %parallel_loop3A_403 : vector<16xf32>
      %parallel_loop3A_405 = arith.addf %parallel_loop3A_391, %parallel_loop3A_393 : vector<16xf32>
      %parallel_loop3A_406 = arith.addf %parallel_loop3A_405, %parallel_loop3A_395 : vector<16xf32>
      %parallel_loop3A_407 = arith.addf %parallel_loop3A_404, %parallel_loop3A_406 : vector<16xf32>
      %parallel_loop3A_408 = arith.index_cast %parallel_loop3A_81 : i32 to index
      %parallel_loop3A_409 = arith.constant 96 : index
      %parallel_loop3A_410 = tpu.vector_load %arg13[%parallel_loop3A_408, %parallel_loop3A_409] {strides = array<i32>} : memref<128x128xf32, #tpu.memory_space<vmem>>, vector<16xf32>,
      tpu.vector_store %arg13[%parallel_loop3A_408, %parallel_loop3A_409], %parallel_loop3A_401 {strides = array<i32>} : memref<128x128xf32, #tpu.memory_space<vmem>>, vector<16xf32>,
      %parallel_loop3A_411 = arith.index_cast %parallel_loop3A_81 : i32 to index
      %parallel_loop3A_412 = arith.constant 112 : index
      %parallel_loop3A_413 = tpu.vector_load %arg13[%parallel_loop3A_411, %parallel_loop3A_412] {strides = array<i32>} : memref<128x128xf32, #tpu.memory_space<vmem>>, vector<16xf32>,
      tpu.vector_store %arg13[%parallel_loop3A_411, %parallel_loop3A_412], %parallel_loop3A_407 {strides = array<i32>} : memref<128x128xf32, #tpu.memory_space<vmem>>, vector<16xf32>,
    } {sc.loop_unroll_factor = 2 : i64, sc.parallel_access}
    %add3A_32 = arith.constant 0 : i32
    %add3A_33 = arith.addi %mul3A_2, %add3A_32 : i32
    %dma_start3A_34 = arith.constant 0 : i32
    %dma_start3A_35 = tpu.memref_slice %arg6[%add3A_33, %dma_start3A_34] : memref<16384x128xf32, #tpu.memory_space<hbm>> -> memref<128x128xf32, #tpu.memory_space<hbm>>
    %dma_start3A_36 = arith.constant 0 : i32
    %dma_start3A_37 = tpu.memref_slice %arg6[%add3A_33, %dma_start3A_36] : memref<16384x128xf32, #tpu.memory_space<hbm>> -> memref<128x128xf32, #tpu.memory_space<hbm>>
    tpu.enqueue_dma source(%arg13 : memref<128x128xf32, #tpu.memory_space<vmem>>) target(%dma_start3A_37 : memref<128x128xf32, #tpu.memory_space<hbm>>) target_semaphore(%arg16 : memref<!tpu.dma_semaphore, #tpu.memory_space<semaphore_mem>>)
    %parallel_loop3A_38 = arith.constant 0 : i32
    %parallel_loop3A_39 = arith.constant 128 : i32
    %parallel_loop3A_40 = arith.constant 1 : i32
    scf.for %parallel_loop3A_81 = %parallel_loop3A_38 to %parallel_loop3A_39 step %parallel_loop3A_40  : i32 {
      %parallel_loop3A_82 = arith.constant 128 : i32
      %parallel_loop3A_83 = arith.addi %parallel_loop3A_82, %parallel_loop3A_81 : i32
      %parallel_loop3A_84 = arith.constant 7 : i32
      %parallel_loop3A_85 = arith.muli %parallel_loop3A_83, %parallel_loop3A_84 : i32
      %parallel_loop3A_86 = arith.index_cast %parallel_loop3A_85 : i32 to index
      %parallel_loop3A_87 = tpu.vector_load %arg12[%parallel_loop3A_86] {strides = array<i32>} : memref<3600xi32, #tpu.memory_space<vmem>>, vector<16xi32>,
      %parallel_loop3A_88 = vector.extract_strided_slice %parallel_loop3A_87 {offsets = [0], sizes = [1], strides = [1]} : vector<16xi32> to vector<1xi32>
      %parallel_loop3A_89 = vector.extract %parallel_loop3A_88[0] : i32 from vector<1xi32>
      %parallel_loop3A_90 = arith.constant 64 : i32
      %parallel_loop3A_91 = arith.muli %parallel_loop3A_89, %parallel_loop3A_90 : i32
      %parallel_loop3A_92 = vector.extract_strided_slice %parallel_loop3A_87 {offsets = [1], sizes = [1], strides = [1]} : vector<16xi32> to vector<1xi32>
      %parallel_loop3A_93 = vector.extract %parallel_loop3A_92[0] : i32 from vector<1xi32>
      %parallel_loop3A_94 = arith.constant 64 : i32
      %parallel_loop3A_95 = arith.muli %parallel_loop3A_93, %parallel_loop3A_94 : i32
      %parallel_loop3A_96 = vector.extract_strided_slice %parallel_loop3A_87 {offsets = [2], sizes = [1], strides = [1]} : vector<16xi32> to vector<1xi32>
      %parallel_loop3A_97 = vector.extract %parallel_loop3A_96[0] : i32 from vector<1xi32>
      %parallel_loop3A_98 = arith.constant 64 : i32
      %parallel_loop3A_99 = arith.muli %parallel_loop3A_97, %parallel_loop3A_98 : i32
      %parallel_loop3A_100 = vector.extract_strided_slice %parallel_loop3A_87 {offsets = [3], sizes = [1], strides = [1]} : vector<16xi32> to vector<1xi32>
      %parallel_loop3A_101 = vector.extract %parallel_loop3A_100[0] : i32 from vector<1xi32>
      %parallel_loop3A_102 = arith.constant 64 : i32
      %parallel_loop3A_103 = arith.muli %parallel_loop3A_101, %parallel_loop3A_102 : i32
      %parallel_loop3A_104 = vector.extract_strided_slice %parallel_loop3A_87 {offsets = [4], sizes = [1], strides = [1]} : vector<16xi32> to vector<1xi32>
      %parallel_loop3A_105 = vector.extract %parallel_loop3A_104[0] : i32 from vector<1xi32>
      %parallel_loop3A_106 = arith.constant 64 : i32
      %parallel_loop3A_107 = arith.muli %parallel_loop3A_105, %parallel_loop3A_106 : i32
      %parallel_loop3A_108 = vector.extract_strided_slice %parallel_loop3A_87 {offsets = [5], sizes = [1], strides = [1]} : vector<16xi32> to vector<1xi32>
      %parallel_loop3A_109 = vector.extract %parallel_loop3A_108[0] : i32 from vector<1xi32>
      %parallel_loop3A_110 = arith.constant 64 : i32
      %parallel_loop3A_111 = arith.muli %parallel_loop3A_109, %parallel_loop3A_110 : i32
      %parallel_loop3A_112 = vector.extract_strided_slice %parallel_loop3A_87 {offsets = [6], sizes = [1], strides = [1]} : vector<16xi32> to vector<1xi32>
      %parallel_loop3A_113 = vector.extract %parallel_loop3A_112[0] : i32 from vector<1xi32>
      %parallel_loop3A_114 = arith.constant 64 : i32
      %parallel_loop3A_115 = arith.muli %parallel_loop3A_113, %parallel_loop3A_114 : i32
      %parallel_loop3A_116 = arith.constant 16 : i32
      %parallel_loop3A_117 = vector.broadcast %parallel_loop3A_116 : i32 to vector<16xi32>
      %parallel_loop3A_118 = arith.constant 0 : i32
      %parallel_loop3A_119 = arith.addi %parallel_loop3A_91, %parallel_loop3A_118 : i32
      %parallel_loop3A_120 = arith.index_cast %parallel_loop3A_119 : i32 to index
      %parallel_loop3A_121 = tpu.vector_load %arg10[%parallel_loop3A_120] {strides = array<i32>} : memref<3328xi32, #tpu.memory_space<vmem>>, vector<16xi32>,
      %parallel_loop3A_122 = arith.constant 0 : i32
      %parallel_loop3A_123 = arith.addi %parallel_loop3A_95, %parallel_loop3A_122 : i32
      %parallel_loop3A_124 = arith.index_cast %parallel_loop3A_123 : i32 to index
      %parallel_loop3A_125 = tpu.vector_load %arg10[%parallel_loop3A_124] {strides = array<i32>} : memref<3328xi32, #tpu.memory_space<vmem>>, vector<16xi32>,
      %parallel_loop3A_126 = arith.constant 0 : i32
      %parallel_loop3A_127 = arith.addi %parallel_loop3A_99, %parallel_loop3A_126 : i32
      %parallel_loop3A_128 = arith.index_cast %parallel_loop3A_127 : i32 to index
      %parallel_loop3A_129 = tpu.vector_load %arg10[%parallel_loop3A_128] {strides = array<i32>} : memref<3328xi32, #tpu.memory_space<vmem>>, vector<16xi32>,
      %parallel_loop3A_130 = arith.constant 0 : i32
      %parallel_loop3A_131 = arith.addi %parallel_loop3A_103, %parallel_loop3A_130 : i32
      %parallel_loop3A_132 = arith.index_cast %parallel_loop3A_131 : i32 to index
      %parallel_loop3A_133 = tpu.vector_load %arg10[%parallel_loop3A_132] {strides = array<i32>} : memref<3328xi32, #tpu.memory_space<vmem>>, vector<16xi32>,
      %parallel_loop3A_134 = arith.constant 0 : i32
      %parallel_loop3A_135 = arith.addi %parallel_loop3A_107, %parallel_loop3A_134 : i32
      %parallel_loop3A_136 = arith.index_cast %parallel_loop3A_135 : i32 to index
      %parallel_loop3A_137 = tpu.vector_load %arg10[%parallel_loop3A_136] {strides = array<i32>} : memref<3328xi32, #tpu.memory_space<vmem>>, vector<16xi32>,
      %parallel_loop3A_138 = arith.constant 0 : i32
      %parallel_loop3A_139 = arith.addi %parallel_loop3A_111, %parallel_loop3A_138 : i32
      %parallel_loop3A_140 = arith.index_cast %parallel_loop3A_139 : i32 to index
      %parallel_loop3A_141 = tpu.vector_load %arg10[%parallel_loop3A_140] {strides = array<i32>} : memref<3328xi32, #tpu.memory_space<vmem>>, vector<16xi32>,
      %parallel_loop3A_142 = arith.constant 0 : i32
      %parallel_loop3A_143 = arith.addi %parallel_loop3A_115, %parallel_loop3A_142 : i32
      %parallel_loop3A_144 = arith.index_cast %parallel_loop3A_143 : i32 to index
      %parallel_loop3A_145 = tpu.vector_load %arg10[%parallel_loop3A_144] {strides = array<i32>} : memref<3328xi32, #tpu.memory_space<vmem>>, vector<16xi32>,
      %parallel_loop3A_146 = arith.shli %parallel_loop3A_121, %parallel_loop3A_117 : vector<16xi32>
      %parallel_loop3A_147 = tpu.bitcast %parallel_loop3A_146 : vector<16xi32> -> vector<16xf32>
      %parallel_loop3A_148 = arith.shli %parallel_loop3A_125, %parallel_loop3A_117 : vector<16xi32>
      %parallel_loop3A_149 = tpu.bitcast %parallel_loop3A_148 : vector<16xi32> -> vector<16xf32>
      %parallel_loop3A_150 = arith.shli %parallel_loop3A_129, %parallel_loop3A_117 : vector<16xi32>
      %parallel_loop3A_151 = tpu.bitcast %parallel_loop3A_150 : vector<16xi32> -> vector<16xf32>
      %parallel_loop3A_152 = arith.shli %parallel_loop3A_133, %parallel_loop3A_117 : vector<16xi32>
      %parallel_loop3A_153 = tpu.bitcast %parallel_loop3A_152 : vector<16xi32> -> vector<16xf32>
      %parallel_loop3A_154 = arith.shli %parallel_loop3A_137, %parallel_loop3A_117 : vector<16xi32>
      %parallel_loop3A_155 = tpu.bitcast %parallel_loop3A_154 : vector<16xi32> -> vector<16xf32>
      %parallel_loop3A_156 = arith.shli %parallel_loop3A_141, %parallel_loop3A_117 : vector<16xi32>
      %parallel_loop3A_157 = tpu.bitcast %parallel_loop3A_156 : vector<16xi32> -> vector<16xf32>
      %parallel_loop3A_158 = arith.shli %parallel_loop3A_145, %parallel_loop3A_117 : vector<16xi32>
      %parallel_loop3A_159 = tpu.bitcast %parallel_loop3A_158 : vector<16xi32> -> vector<16xf32>
      %parallel_loop3A_160 = arith.andi %parallel_loop3A_121, %broadcast_in_dim3A_8 : vector<16xi32>
      %parallel_loop3A_161 = tpu.bitcast %parallel_loop3A_160 : vector<16xi32> -> vector<16xf32>
      %parallel_loop3A_162 = arith.andi %parallel_loop3A_125, %broadcast_in_dim3A_8 : vector<16xi32>
      %parallel_loop3A_163 = tpu.bitcast %parallel_loop3A_162 : vector<16xi32> -> vector<16xf32>
      %parallel_loop3A_164 = arith.andi %parallel_loop3A_129, %broadcast_in_dim3A_8 : vector<16xi32>
      %parallel_loop3A_165 = tpu.bitcast %parallel_loop3A_164 : vector<16xi32> -> vector<16xf32>
      %parallel_loop3A_166 = arith.andi %parallel_loop3A_133, %broadcast_in_dim3A_8 : vector<16xi32>
      %parallel_loop3A_167 = tpu.bitcast %parallel_loop3A_166 : vector<16xi32> -> vector<16xf32>
      %parallel_loop3A_168 = arith.andi %parallel_loop3A_137, %broadcast_in_dim3A_8 : vector<16xi32>
      %parallel_loop3A_169 = tpu.bitcast %parallel_loop3A_168 : vector<16xi32> -> vector<16xf32>
      %parallel_loop3A_170 = arith.andi %parallel_loop3A_141, %broadcast_in_dim3A_8 : vector<16xi32>
      %parallel_loop3A_171 = tpu.bitcast %parallel_loop3A_170 : vector<16xi32> -> vector<16xf32>
      %parallel_loop3A_172 = arith.andi %parallel_loop3A_145, %broadcast_in_dim3A_8 : vector<16xi32>
      %parallel_loop3A_173 = tpu.bitcast %parallel_loop3A_172 : vector<16xi32> -> vector<16xf32>
      %parallel_loop3A_174 = arith.addf %parallel_loop3A_147, %parallel_loop3A_149 : vector<16xf32>
      %parallel_loop3A_175 = arith.addf %parallel_loop3A_151, %parallel_loop3A_153 : vector<16xf32>
      %parallel_loop3A_176 = arith.addf %parallel_loop3A_174, %parallel_loop3A_175 : vector<16xf32>
      %parallel_loop3A_177 = arith.addf %parallel_loop3A_155, %parallel_loop3A_157 : vector<16xf32>
      %parallel_loop3A_178 = arith.addf %parallel_loop3A_177, %parallel_loop3A_159 : vector<16xf32>
      %parallel_loop3A_179 = arith.addf %parallel_loop3A_176, %parallel_loop3A_178 : vector<16xf32>
      %parallel_loop3A_180 = arith.addf %parallel_loop3A_161, %parallel_loop3A_163 : vector<16xf32>
      %parallel_loop3A_181 = arith.addf %parallel_loop3A_165, %parallel_loop3A_167 : vector<16xf32>
      %parallel_loop3A_182 = arith.addf %parallel_loop3A_180, %parallel_loop3A_181 : vector<16xf32>
      %parallel_loop3A_183 = arith.addf %parallel_loop3A_169, %parallel_loop3A_171 : vector<16xf32>
      %parallel_loop3A_184 = arith.addf %parallel_loop3A_183, %parallel_loop3A_173 : vector<16xf32>
      %parallel_loop3A_185 = arith.addf %parallel_loop3A_182, %parallel_loop3A_184 : vector<16xf32>
      %parallel_loop3A_186 = arith.index_cast %parallel_loop3A_81 : i32 to index
      %parallel_loop3A_187 = arith.constant 0 : index
      %parallel_loop3A_188 = tpu.vector_load %arg14[%parallel_loop3A_186, %parallel_loop3A_187] {strides = array<i32>} : memref<128x128xf32, #tpu.memory_space<vmem>>, vector<16xf32>,
      tpu.vector_store %arg14[%parallel_loop3A_186, %parallel_loop3A_187], %parallel_loop3A_179 {strides = array<i32>} : memref<128x128xf32, #tpu.memory_space<vmem>>, vector<16xf32>,
      %parallel_loop3A_189 = arith.index_cast %parallel_loop3A_81 : i32 to index
      %parallel_loop3A_190 = arith.constant 16 : index
      %parallel_loop3A_191 = tpu.vector_load %arg14[%parallel_loop3A_189, %parallel_loop3A_190] {strides = array<i32>} : memref<128x128xf32, #tpu.memory_space<vmem>>, vector<16xf32>,
      tpu.vector_store %arg14[%parallel_loop3A_189, %parallel_loop3A_190], %parallel_loop3A_185 {strides = array<i32>} : memref<128x128xf32, #tpu.memory_space<vmem>>, vector<16xf32>,
      %parallel_loop3A_192 = arith.constant 16 : i32
      %parallel_loop3A_193 = arith.addi %parallel_loop3A_91, %parallel_loop3A_192 : i32
      %parallel_loop3A_194 = arith.index_cast %parallel_loop3A_193 : i32 to index
      %parallel_loop3A_195 = tpu.vector_load %arg10[%parallel_loop3A_194] {strides = array<i32>} : memref<3328xi32, #tpu.memory_space<vmem>>, vector<16xi32>,
      %parallel_loop3A_196 = arith.constant 16 : i32
      %parallel_loop3A_197 = arith.addi %parallel_loop3A_95, %parallel_loop3A_196 : i32
      %parallel_loop3A_198 = arith.index_cast %parallel_loop3A_197 : i32 to index
      %parallel_loop3A_199 = tpu.vector_load %arg10[%parallel_loop3A_198] {strides = array<i32>} : memref<3328xi32, #tpu.memory_space<vmem>>, vector<16xi32>,
      %parallel_loop3A_200 = arith.constant 16 : i32
      %parallel_loop3A_201 = arith.addi %parallel_loop3A_99, %parallel_loop3A_200 : i32
      %parallel_loop3A_202 = arith.index_cast %parallel_loop3A_201 : i32 to index
      %parallel_loop3A_203 = tpu.vector_load %arg10[%parallel_loop3A_202] {strides = array<i32>} : memref<3328xi32, #tpu.memory_space<vmem>>, vector<16xi32>,
      %parallel_loop3A_204 = arith.constant 16 : i32
      %parallel_loop3A_205 = arith.addi %parallel_loop3A_103, %parallel_loop3A_204 : i32
      %parallel_loop3A_206 = arith.index_cast %parallel_loop3A_205 : i32 to index
      %parallel_loop3A_207 = tpu.vector_load %arg10[%parallel_loop3A_206] {strides = array<i32>} : memref<3328xi32, #tpu.memory_space<vmem>>, vector<16xi32>,
      %parallel_loop3A_208 = arith.constant 16 : i32
      %parallel_loop3A_209 = arith.addi %parallel_loop3A_107, %parallel_loop3A_208 : i32
      %parallel_loop3A_210 = arith.index_cast %parallel_loop3A_209 : i32 to index
      %parallel_loop3A_211 = tpu.vector_load %arg10[%parallel_loop3A_210] {strides = array<i32>} : memref<3328xi32, #tpu.memory_space<vmem>>, vector<16xi32>,
      %parallel_loop3A_212 = arith.constant 16 : i32
      %parallel_loop3A_213 = arith.addi %parallel_loop3A_111, %parallel_loop3A_212 : i32
      %parallel_loop3A_214 = arith.index_cast %parallel_loop3A_213 : i32 to index
      %parallel_loop3A_215 = tpu.vector_load %arg10[%parallel_loop3A_214] {strides = array<i32>} : memref<3328xi32, #tpu.memory_space<vmem>>, vector<16xi32>,
      %parallel_loop3A_216 = arith.constant 16 : i32
      %parallel_loop3A_217 = arith.addi %parallel_loop3A_115, %parallel_loop3A_216 : i32
      %parallel_loop3A_218 = arith.index_cast %parallel_loop3A_217 : i32 to index
      %parallel_loop3A_219 = tpu.vector_load %arg10[%parallel_loop3A_218] {strides = array<i32>} : memref<3328xi32, #tpu.memory_space<vmem>>, vector<16xi32>,
      %parallel_loop3A_220 = arith.shli %parallel_loop3A_195, %parallel_loop3A_117 : vector<16xi32>
      %parallel_loop3A_221 = tpu.bitcast %parallel_loop3A_220 : vector<16xi32> -> vector<16xf32>
      %parallel_loop3A_222 = arith.shli %parallel_loop3A_199, %parallel_loop3A_117 : vector<16xi32>
      %parallel_loop3A_223 = tpu.bitcast %parallel_loop3A_222 : vector<16xi32> -> vector<16xf32>
      %parallel_loop3A_224 = arith.shli %parallel_loop3A_203, %parallel_loop3A_117 : vector<16xi32>
      %parallel_loop3A_225 = tpu.bitcast %parallel_loop3A_224 : vector<16xi32> -> vector<16xf32>
      %parallel_loop3A_226 = arith.shli %parallel_loop3A_207, %parallel_loop3A_117 : vector<16xi32>
      %parallel_loop3A_227 = tpu.bitcast %parallel_loop3A_226 : vector<16xi32> -> vector<16xf32>
      %parallel_loop3A_228 = arith.shli %parallel_loop3A_211, %parallel_loop3A_117 : vector<16xi32>
      %parallel_loop3A_229 = tpu.bitcast %parallel_loop3A_228 : vector<16xi32> -> vector<16xf32>
      %parallel_loop3A_230 = arith.shli %parallel_loop3A_215, %parallel_loop3A_117 : vector<16xi32>
      %parallel_loop3A_231 = tpu.bitcast %parallel_loop3A_230 : vector<16xi32> -> vector<16xf32>
      %parallel_loop3A_232 = arith.shli %parallel_loop3A_219, %parallel_loop3A_117 : vector<16xi32>
      %parallel_loop3A_233 = tpu.bitcast %parallel_loop3A_232 : vector<16xi32> -> vector<16xf32>
      %parallel_loop3A_234 = arith.andi %parallel_loop3A_195, %broadcast_in_dim3A_8 : vector<16xi32>
      %parallel_loop3A_235 = tpu.bitcast %parallel_loop3A_234 : vector<16xi32> -> vector<16xf32>
      %parallel_loop3A_236 = arith.andi %parallel_loop3A_199, %broadcast_in_dim3A_8 : vector<16xi32>
      %parallel_loop3A_237 = tpu.bitcast %parallel_loop3A_236 : vector<16xi32> -> vector<16xf32>
      %parallel_loop3A_238 = arith.andi %parallel_loop3A_203, %broadcast_in_dim3A_8 : vector<16xi32>
      %parallel_loop3A_239 = tpu.bitcast %parallel_loop3A_238 : vector<16xi32> -> vector<16xf32>
      %parallel_loop3A_240 = arith.andi %parallel_loop3A_207, %broadcast_in_dim3A_8 : vector<16xi32>
      %parallel_loop3A_241 = tpu.bitcast %parallel_loop3A_240 : vector<16xi32> -> vector<16xf32>
      %parallel_loop3A_242 = arith.andi %parallel_loop3A_211, %broadcast_in_dim3A_8 : vector<16xi32>
      %parallel_loop3A_243 = tpu.bitcast %parallel_loop3A_242 : vector<16xi32> -> vector<16xf32>
      %parallel_loop3A_244 = arith.andi %parallel_loop3A_215, %broadcast_in_dim3A_8 : vector<16xi32>
      %parallel_loop3A_245 = tpu.bitcast %parallel_loop3A_244 : vector<16xi32> -> vector<16xf32>
      %parallel_loop3A_246 = arith.andi %parallel_loop3A_219, %broadcast_in_dim3A_8 : vector<16xi32>
      %parallel_loop3A_247 = tpu.bitcast %parallel_loop3A_246 : vector<16xi32> -> vector<16xf32>
      %parallel_loop3A_248 = arith.addf %parallel_loop3A_221, %parallel_loop3A_223 : vector<16xf32>
      %parallel_loop3A_249 = arith.addf %parallel_loop3A_225, %parallel_loop3A_227 : vector<16xf32>
      %parallel_loop3A_250 = arith.addf %parallel_loop3A_248, %parallel_loop3A_249 : vector<16xf32>
      %parallel_loop3A_251 = arith.addf %parallel_loop3A_229, %parallel_loop3A_231 : vector<16xf32>
      %parallel_loop3A_252 = arith.addf %parallel_loop3A_251, %parallel_loop3A_233 : vector<16xf32>
      %parallel_loop3A_253 = arith.addf %parallel_loop3A_250, %parallel_loop3A_252 : vector<16xf32>
      %parallel_loop3A_254 = arith.addf %parallel_loop3A_235, %parallel_loop3A_237 : vector<16xf32>
      %parallel_loop3A_255 = arith.addf %parallel_loop3A_239, %parallel_loop3A_241 : vector<16xf32>
      %parallel_loop3A_256 = arith.addf %parallel_loop3A_254, %parallel_loop3A_255 : vector<16xf32>
      %parallel_loop3A_257 = arith.addf %parallel_loop3A_243, %parallel_loop3A_245 : vector<16xf32>
      %parallel_loop3A_258 = arith.addf %parallel_loop3A_257, %parallel_loop3A_247 : vector<16xf32>
      %parallel_loop3A_259 = arith.addf %parallel_loop3A_256, %parallel_loop3A_258 : vector<16xf32>
      %parallel_loop3A_260 = arith.index_cast %parallel_loop3A_81 : i32 to index
      %parallel_loop3A_261 = arith.constant 32 : index
      %parallel_loop3A_262 = tpu.vector_load %arg14[%parallel_loop3A_260, %parallel_loop3A_261] {strides = array<i32>} : memref<128x128xf32, #tpu.memory_space<vmem>>, vector<16xf32>,
      tpu.vector_store %arg14[%parallel_loop3A_260, %parallel_loop3A_261], %parallel_loop3A_253 {strides = array<i32>} : memref<128x128xf32, #tpu.memory_space<vmem>>, vector<16xf32>,
      %parallel_loop3A_263 = arith.index_cast %parallel_loop3A_81 : i32 to index
      %parallel_loop3A_264 = arith.constant 48 : index
      %parallel_loop3A_265 = tpu.vector_load %arg14[%parallel_loop3A_263, %parallel_loop3A_264] {strides = array<i32>} : memref<128x128xf32, #tpu.memory_space<vmem>>, vector<16xf32>,
      tpu.vector_store %arg14[%parallel_loop3A_263, %parallel_loop3A_264], %parallel_loop3A_259 {strides = array<i32>} : memref<128x128xf32, #tpu.memory_space<vmem>>, vector<16xf32>,
      %parallel_loop3A_266 = arith.constant 32 : i32
      %parallel_loop3A_267 = arith.addi %parallel_loop3A_91, %parallel_loop3A_266 : i32
      %parallel_loop3A_268 = arith.index_cast %parallel_loop3A_267 : i32 to index
      %parallel_loop3A_269 = tpu.vector_load %arg10[%parallel_loop3A_268] {strides = array<i32>} : memref<3328xi32, #tpu.memory_space<vmem>>, vector<16xi32>,
      %parallel_loop3A_270 = arith.constant 32 : i32
      %parallel_loop3A_271 = arith.addi %parallel_loop3A_95, %parallel_loop3A_270 : i32
      %parallel_loop3A_272 = arith.index_cast %parallel_loop3A_271 : i32 to index
      %parallel_loop3A_273 = tpu.vector_load %arg10[%parallel_loop3A_272] {strides = array<i32>} : memref<3328xi32, #tpu.memory_space<vmem>>, vector<16xi32>,
      %parallel_loop3A_274 = arith.constant 32 : i32
      %parallel_loop3A_275 = arith.addi %parallel_loop3A_99, %parallel_loop3A_274 : i32
      %parallel_loop3A_276 = arith.index_cast %parallel_loop3A_275 : i32 to index
      %parallel_loop3A_277 = tpu.vector_load %arg10[%parallel_loop3A_276] {strides = array<i32>} : memref<3328xi32, #tpu.memory_space<vmem>>, vector<16xi32>,
      %parallel_loop3A_278 = arith.constant 32 : i32
      %parallel_loop3A_279 = arith.addi %parallel_loop3A_103, %parallel_loop3A_278 : i32
      %parallel_loop3A_280 = arith.index_cast %parallel_loop3A_279 : i32 to index
      %parallel_loop3A_281 = tpu.vector_load %arg10[%parallel_loop3A_280] {strides = array<i32>} : memref<3328xi32, #tpu.memory_space<vmem>>, vector<16xi32>,
      %parallel_loop3A_282 = arith.constant 32 : i32
      %parallel_loop3A_283 = arith.addi %parallel_loop3A_107, %parallel_loop3A_282 : i32
      %parallel_loop3A_284 = arith.index_cast %parallel_loop3A_283 : i32 to index
      %parallel_loop3A_285 = tpu.vector_load %arg10[%parallel_loop3A_284] {strides = array<i32>} : memref<3328xi32, #tpu.memory_space<vmem>>, vector<16xi32>,
      %parallel_loop3A_286 = arith.constant 32 : i32
      %parallel_loop3A_287 = arith.addi %parallel_loop3A_111, %parallel_loop3A_286 : i32
      %parallel_loop3A_288 = arith.index_cast %parallel_loop3A_287 : i32 to index
      %parallel_loop3A_289 = tpu.vector_load %arg10[%parallel_loop3A_288] {strides = array<i32>} : memref<3328xi32, #tpu.memory_space<vmem>>, vector<16xi32>,
      %parallel_loop3A_290 = arith.constant 32 : i32
      %parallel_loop3A_291 = arith.addi %parallel_loop3A_115, %parallel_loop3A_290 : i32
      %parallel_loop3A_292 = arith.index_cast %parallel_loop3A_291 : i32 to index
      %parallel_loop3A_293 = tpu.vector_load %arg10[%parallel_loop3A_292] {strides = array<i32>} : memref<3328xi32, #tpu.memory_space<vmem>>, vector<16xi32>,
      %parallel_loop3A_294 = arith.shli %parallel_loop3A_269, %parallel_loop3A_117 : vector<16xi32>
      %parallel_loop3A_295 = tpu.bitcast %parallel_loop3A_294 : vector<16xi32> -> vector<16xf32>
      %parallel_loop3A_296 = arith.shli %parallel_loop3A_273, %parallel_loop3A_117 : vector<16xi32>
      %parallel_loop3A_297 = tpu.bitcast %parallel_loop3A_296 : vector<16xi32> -> vector<16xf32>
      %parallel_loop3A_298 = arith.shli %parallel_loop3A_277, %parallel_loop3A_117 : vector<16xi32>
      %parallel_loop3A_299 = tpu.bitcast %parallel_loop3A_298 : vector<16xi32> -> vector<16xf32>
      %parallel_loop3A_300 = arith.shli %parallel_loop3A_281, %parallel_loop3A_117 : vector<16xi32>
      %parallel_loop3A_301 = tpu.bitcast %parallel_loop3A_300 : vector<16xi32> -> vector<16xf32>
      %parallel_loop3A_302 = arith.shli %parallel_loop3A_285, %parallel_loop3A_117 : vector<16xi32>
      %parallel_loop3A_303 = tpu.bitcast %parallel_loop3A_302 : vector<16xi32> -> vector<16xf32>
      %parallel_loop3A_304 = arith.shli %parallel_loop3A_289, %parallel_loop3A_117 : vector<16xi32>
      %parallel_loop3A_305 = tpu.bitcast %parallel_loop3A_304 : vector<16xi32> -> vector<16xf32>
      %parallel_loop3A_306 = arith.shli %parallel_loop3A_293, %parallel_loop3A_117 : vector<16xi32>
      %parallel_loop3A_307 = tpu.bitcast %parallel_loop3A_306 : vector<16xi32> -> vector<16xf32>
      %parallel_loop3A_308 = arith.andi %parallel_loop3A_269, %broadcast_in_dim3A_8 : vector<16xi32>
      %parallel_loop3A_309 = tpu.bitcast %parallel_loop3A_308 : vector<16xi32> -> vector<16xf32>
      %parallel_loop3A_310 = arith.andi %parallel_loop3A_273, %broadcast_in_dim3A_8 : vector<16xi32>
      %parallel_loop3A_311 = tpu.bitcast %parallel_loop3A_310 : vector<16xi32> -> vector<16xf32>
      %parallel_loop3A_312 = arith.andi %parallel_loop3A_277, %broadcast_in_dim3A_8 : vector<16xi32>
      %parallel_loop3A_313 = tpu.bitcast %parallel_loop3A_312 : vector<16xi32> -> vector<16xf32>
      %parallel_loop3A_314 = arith.andi %parallel_loop3A_281, %broadcast_in_dim3A_8 : vector<16xi32>
      %parallel_loop3A_315 = tpu.bitcast %parallel_loop3A_314 : vector<16xi32> -> vector<16xf32>
      %parallel_loop3A_316 = arith.andi %parallel_loop3A_285, %broadcast_in_dim3A_8 : vector<16xi32>
      %parallel_loop3A_317 = tpu.bitcast %parallel_loop3A_316 : vector<16xi32> -> vector<16xf32>
      %parallel_loop3A_318 = arith.andi %parallel_loop3A_289, %broadcast_in_dim3A_8 : vector<16xi32>
      %parallel_loop3A_319 = tpu.bitcast %parallel_loop3A_318 : vector<16xi32> -> vector<16xf32>
      %parallel_loop3A_320 = arith.andi %parallel_loop3A_293, %broadcast_in_dim3A_8 : vector<16xi32>
      %parallel_loop3A_321 = tpu.bitcast %parallel_loop3A_320 : vector<16xi32> -> vector<16xf32>
      %parallel_loop3A_322 = arith.addf %parallel_loop3A_295, %parallel_loop3A_297 : vector<16xf32>
      %parallel_loop3A_323 = arith.addf %parallel_loop3A_299, %parallel_loop3A_301 : vector<16xf32>
      %parallel_loop3A_324 = arith.addf %parallel_loop3A_322, %parallel_loop3A_323 : vector<16xf32>
      %parallel_loop3A_325 = arith.addf %parallel_loop3A_303, %parallel_loop3A_305 : vector<16xf32>
      %parallel_loop3A_326 = arith.addf %parallel_loop3A_325, %parallel_loop3A_307 : vector<16xf32>
      %parallel_loop3A_327 = arith.addf %parallel_loop3A_324, %parallel_loop3A_326 : vector<16xf32>
      %parallel_loop3A_328 = arith.addf %parallel_loop3A_309, %parallel_loop3A_311 : vector<16xf32>
      %parallel_loop3A_329 = arith.addf %parallel_loop3A_313, %parallel_loop3A_315 : vector<16xf32>
      %parallel_loop3A_330 = arith.addf %parallel_loop3A_328, %parallel_loop3A_329 : vector<16xf32>
      %parallel_loop3A_331 = arith.addf %parallel_loop3A_317, %parallel_loop3A_319 : vector<16xf32>
      %parallel_loop3A_332 = arith.addf %parallel_loop3A_331, %parallel_loop3A_321 : vector<16xf32>
      %parallel_loop3A_333 = arith.addf %parallel_loop3A_330, %parallel_loop3A_332 : vector<16xf32>
      %parallel_loop3A_334 = arith.index_cast %parallel_loop3A_81 : i32 to index
      %parallel_loop3A_335 = arith.constant 64 : index
      %parallel_loop3A_336 = tpu.vector_load %arg14[%parallel_loop3A_334, %parallel_loop3A_335] {strides = array<i32>} : memref<128x128xf32, #tpu.memory_space<vmem>>, vector<16xf32>,
      tpu.vector_store %arg14[%parallel_loop3A_334, %parallel_loop3A_335], %parallel_loop3A_327 {strides = array<i32>} : memref<128x128xf32, #tpu.memory_space<vmem>>, vector<16xf32>,
      %parallel_loop3A_337 = arith.index_cast %parallel_loop3A_81 : i32 to index
      %parallel_loop3A_338 = arith.constant 80 : index
      %parallel_loop3A_339 = tpu.vector_load %arg14[%parallel_loop3A_337, %parallel_loop3A_338] {strides = array<i32>} : memref<128x128xf32, #tpu.memory_space<vmem>>, vector<16xf32>,
      tpu.vector_store %arg14[%parallel_loop3A_337, %parallel_loop3A_338], %parallel_loop3A_333 {strides = array<i32>} : memref<128x128xf32, #tpu.memory_space<vmem>>, vector<16xf32>,
      %parallel_loop3A_340 = arith.constant 48 : i32
      %parallel_loop3A_341 = arith.addi %parallel_loop3A_91, %parallel_loop3A_340 : i32
      %parallel_loop3A_342 = arith.index_cast %parallel_loop3A_341 : i32 to index
      %parallel_loop3A_343 = tpu.vector_load %arg10[%parallel_loop3A_342] {strides = array<i32>} : memref<3328xi32, #tpu.memory_space<vmem>>, vector<16xi32>,
      %parallel_loop3A_344 = arith.constant 48 : i32
      %parallel_loop3A_345 = arith.addi %parallel_loop3A_95, %parallel_loop3A_344 : i32
      %parallel_loop3A_346 = arith.index_cast %parallel_loop3A_345 : i32 to index
      %parallel_loop3A_347 = tpu.vector_load %arg10[%parallel_loop3A_346] {strides = array<i32>} : memref<3328xi32, #tpu.memory_space<vmem>>, vector<16xi32>,
      %parallel_loop3A_348 = arith.constant 48 : i32
      %parallel_loop3A_349 = arith.addi %parallel_loop3A_99, %parallel_loop3A_348 : i32
      %parallel_loop3A_350 = arith.index_cast %parallel_loop3A_349 : i32 to index
      %parallel_loop3A_351 = tpu.vector_load %arg10[%parallel_loop3A_350] {strides = array<i32>} : memref<3328xi32, #tpu.memory_space<vmem>>, vector<16xi32>,
      %parallel_loop3A_352 = arith.constant 48 : i32
      %parallel_loop3A_353 = arith.addi %parallel_loop3A_103, %parallel_loop3A_352 : i32
      %parallel_loop3A_354 = arith.index_cast %parallel_loop3A_353 : i32 to index
      %parallel_loop3A_355 = tpu.vector_load %arg10[%parallel_loop3A_354] {strides = array<i32>} : memref<3328xi32, #tpu.memory_space<vmem>>, vector<16xi32>,
      %parallel_loop3A_356 = arith.constant 48 : i32
      %parallel_loop3A_357 = arith.addi %parallel_loop3A_107, %parallel_loop3A_356 : i32
      %parallel_loop3A_358 = arith.index_cast %parallel_loop3A_357 : i32 to index
      %parallel_loop3A_359 = tpu.vector_load %arg10[%parallel_loop3A_358] {strides = array<i32>} : memref<3328xi32, #tpu.memory_space<vmem>>, vector<16xi32>,
      %parallel_loop3A_360 = arith.constant 48 : i32
      %parallel_loop3A_361 = arith.addi %parallel_loop3A_111, %parallel_loop3A_360 : i32
      %parallel_loop3A_362 = arith.index_cast %parallel_loop3A_361 : i32 to index
      %parallel_loop3A_363 = tpu.vector_load %arg10[%parallel_loop3A_362] {strides = array<i32>} : memref<3328xi32, #tpu.memory_space<vmem>>, vector<16xi32>,
      %parallel_loop3A_364 = arith.constant 48 : i32
      %parallel_loop3A_365 = arith.addi %parallel_loop3A_115, %parallel_loop3A_364 : i32
      %parallel_loop3A_366 = arith.index_cast %parallel_loop3A_365 : i32 to index
      %parallel_loop3A_367 = tpu.vector_load %arg10[%parallel_loop3A_366] {strides = array<i32>} : memref<3328xi32, #tpu.memory_space<vmem>>, vector<16xi32>,
      %parallel_loop3A_368 = arith.shli %parallel_loop3A_343, %parallel_loop3A_117 : vector<16xi32>
      %parallel_loop3A_369 = tpu.bitcast %parallel_loop3A_368 : vector<16xi32> -> vector<16xf32>
      %parallel_loop3A_370 = arith.shli %parallel_loop3A_347, %parallel_loop3A_117 : vector<16xi32>
      %parallel_loop3A_371 = tpu.bitcast %parallel_loop3A_370 : vector<16xi32> -> vector<16xf32>
      %parallel_loop3A_372 = arith.shli %parallel_loop3A_351, %parallel_loop3A_117 : vector<16xi32>
      %parallel_loop3A_373 = tpu.bitcast %parallel_loop3A_372 : vector<16xi32> -> vector<16xf32>
      %parallel_loop3A_374 = arith.shli %parallel_loop3A_355, %parallel_loop3A_117 : vector<16xi32>
      %parallel_loop3A_375 = tpu.bitcast %parallel_loop3A_374 : vector<16xi32> -> vector<16xf32>
      %parallel_loop3A_376 = arith.shli %parallel_loop3A_359, %parallel_loop3A_117 : vector<16xi32>
      %parallel_loop3A_377 = tpu.bitcast %parallel_loop3A_376 : vector<16xi32> -> vector<16xf32>
      %parallel_loop3A_378 = arith.shli %parallel_loop3A_363, %parallel_loop3A_117 : vector<16xi32>
      %parallel_loop3A_379 = tpu.bitcast %parallel_loop3A_378 : vector<16xi32> -> vector<16xf32>
      %parallel_loop3A_380 = arith.shli %parallel_loop3A_367, %parallel_loop3A_117 : vector<16xi32>
      %parallel_loop3A_381 = tpu.bitcast %parallel_loop3A_380 : vector<16xi32> -> vector<16xf32>
      %parallel_loop3A_382 = arith.andi %parallel_loop3A_343, %broadcast_in_dim3A_8 : vector<16xi32>
      %parallel_loop3A_383 = tpu.bitcast %parallel_loop3A_382 : vector<16xi32> -> vector<16xf32>
      %parallel_loop3A_384 = arith.andi %parallel_loop3A_347, %broadcast_in_dim3A_8 : vector<16xi32>
      %parallel_loop3A_385 = tpu.bitcast %parallel_loop3A_384 : vector<16xi32> -> vector<16xf32>
      %parallel_loop3A_386 = arith.andi %parallel_loop3A_351, %broadcast_in_dim3A_8 : vector<16xi32>
      %parallel_loop3A_387 = tpu.bitcast %parallel_loop3A_386 : vector<16xi32> -> vector<16xf32>
      %parallel_loop3A_388 = arith.andi %parallel_loop3A_355, %broadcast_in_dim3A_8 : vector<16xi32>
      %parallel_loop3A_389 = tpu.bitcast %parallel_loop3A_388 : vector<16xi32> -> vector<16xf32>
      %parallel_loop3A_390 = arith.andi %parallel_loop3A_359, %broadcast_in_dim3A_8 : vector<16xi32>
      %parallel_loop3A_391 = tpu.bitcast %parallel_loop3A_390 : vector<16xi32> -> vector<16xf32>
      %parallel_loop3A_392 = arith.andi %parallel_loop3A_363, %broadcast_in_dim3A_8 : vector<16xi32>
      %parallel_loop3A_393 = tpu.bitcast %parallel_loop3A_392 : vector<16xi32> -> vector<16xf32>
      %parallel_loop3A_394 = arith.andi %parallel_loop3A_367, %broadcast_in_dim3A_8 : vector<16xi32>
      %parallel_loop3A_395 = tpu.bitcast %parallel_loop3A_394 : vector<16xi32> -> vector<16xf32>
      %parallel_loop3A_396 = arith.addf %parallel_loop3A_369, %parallel_loop3A_371 : vector<16xf32>
      %parallel_loop3A_397 = arith.addf %parallel_loop3A_373, %parallel_loop3A_375 : vector<16xf32>
      %parallel_loop3A_398 = arith.addf %parallel_loop3A_396, %parallel_loop3A_397 : vector<16xf32>
      %parallel_loop3A_399 = arith.addf %parallel_loop3A_377, %parallel_loop3A_379 : vector<16xf32>
      %parallel_loop3A_400 = arith.addf %parallel_loop3A_399, %parallel_loop3A_381 : vector<16xf32>
      %parallel_loop3A_401 = arith.addf %parallel_loop3A_398, %parallel_loop3A_400 : vector<16xf32>
      %parallel_loop3A_402 = arith.addf %parallel_loop3A_383, %parallel_loop3A_385 : vector<16xf32>
      %parallel_loop3A_403 = arith.addf %parallel_loop3A_387, %parallel_loop3A_389 : vector<16xf32>
      %parallel_loop3A_404 = arith.addf %parallel_loop3A_402, %parallel_loop3A_403 : vector<16xf32>
      %parallel_loop3A_405 = arith.addf %parallel_loop3A_391, %parallel_loop3A_393 : vector<16xf32>
      %parallel_loop3A_406 = arith.addf %parallel_loop3A_405, %parallel_loop3A_395 : vector<16xf32>
      %parallel_loop3A_407 = arith.addf %parallel_loop3A_404, %parallel_loop3A_406 : vector<16xf32>
      %parallel_loop3A_408 = arith.index_cast %parallel_loop3A_81 : i32 to index
      %parallel_loop3A_409 = arith.constant 96 : index
      %parallel_loop3A_410 = tpu.vector_load %arg14[%parallel_loop3A_408, %parallel_loop3A_409] {strides = array<i32>} : memref<128x128xf32, #tpu.memory_space<vmem>>, vector<16xf32>,
      tpu.vector_store %arg14[%parallel_loop3A_408, %parallel_loop3A_409], %parallel_loop3A_401 {strides = array<i32>} : memref<128x128xf32, #tpu.memory_space<vmem>>, vector<16xf32>,
      %parallel_loop3A_411 = arith.index_cast %parallel_loop3A_81 : i32 to index
      %parallel_loop3A_412 = arith.constant 112 : index
      %parallel_loop3A_413 = tpu.vector_load %arg14[%parallel_loop3A_411, %parallel_loop3A_412] {strides = array<i32>} : memref<128x128xf32, #tpu.memory_space<vmem>>, vector<16xf32>,
      tpu.vector_store %arg14[%parallel_loop3A_411, %parallel_loop3A_412], %parallel_loop3A_407 {strides = array<i32>} : memref<128x128xf32, #tpu.memory_space<vmem>>, vector<16xf32>,
    } {sc.loop_unroll_factor = 2 : i64, sc.parallel_access}
    %add3A_41 = arith.constant 128 : i32
    %add3A_42 = arith.addi %mul3A_2, %add3A_41 : i32
    %dma_start3A_43 = arith.constant 0 : i32
    %dma_start3A_44 = tpu.memref_slice %arg6[%add3A_42, %dma_start3A_43] : memref<16384x128xf32, #tpu.memory_space<hbm>> -> memref<128x128xf32, #tpu.memory_space<hbm>>
    %dma_start3A_45 = arith.constant 0 : i32
    %dma_start3A_46 = tpu.memref_slice %arg6[%add3A_42, %dma_start3A_45] : memref<16384x128xf32, #tpu.memory_space<hbm>> -> memref<128x128xf32, #tpu.memory_space<hbm>>
    tpu.enqueue_dma source(%arg14 : memref<128x128xf32, #tpu.memory_space<vmem>>) target(%dma_start3A_46 : memref<128x128xf32, #tpu.memory_space<hbm>>) target_semaphore(%arg17 : memref<!tpu.dma_semaphore, #tpu.memory_space<semaphore_mem>>)
    %dma_wait3A_47 = arith.constant 0 : i32
    %dma_wait3A_48 = tpu.memref_slice %arg6[%add3A_33, %dma_wait3A_47] : memref<16384x128xf32, #tpu.memory_space<hbm>> -> memref<128x128xf32, #tpu.memory_space<hbm>>
    %dma_wait3A_49 = arith.constant 0 : i32
    %dma_wait3A_50 = tpu.memref_slice %arg6[%add3A_33, %dma_wait3A_49] : memref<16384x128xf32, #tpu.memory_space<hbm>> -> memref<128x128xf32, #tpu.memory_space<hbm>>
    tpu.wait_dma2 semaphore(%arg16 : memref<!tpu.dma_semaphore, #tpu.memory_space<semaphore_mem>>) src(%arg13 : memref<128x128xf32, #tpu.memory_space<vmem>>) dst(%dma_wait3A_50 : memref<128x128xf32, #tpu.memory_space<hbm>>)
    %parallel_loop3A_51 = arith.constant 0 : i32
    %parallel_loop3A_52 = arith.constant 128 : i32
    %parallel_loop3A_53 = arith.constant 1 : i32
    scf.for %parallel_loop3A_81 = %parallel_loop3A_51 to %parallel_loop3A_52 step %parallel_loop3A_53  : i32 {
      %parallel_loop3A_82 = arith.constant 256 : i32
      %parallel_loop3A_83 = arith.addi %parallel_loop3A_82, %parallel_loop3A_81 : i32
      %parallel_loop3A_84 = arith.constant 7 : i32
      %parallel_loop3A_85 = arith.muli %parallel_loop3A_83, %parallel_loop3A_84 : i32
      %parallel_loop3A_86 = arith.index_cast %parallel_loop3A_85 : i32 to index
      %parallel_loop3A_87 = tpu.vector_load %arg12[%parallel_loop3A_86] {strides = array<i32>} : memref<3600xi32, #tpu.memory_space<vmem>>, vector<16xi32>,
      %parallel_loop3A_88 = vector.extract_strided_slice %parallel_loop3A_87 {offsets = [0], sizes = [1], strides = [1]} : vector<16xi32> to vector<1xi32>
      %parallel_loop3A_89 = vector.extract %parallel_loop3A_88[0] : i32 from vector<1xi32>
      %parallel_loop3A_90 = arith.constant 64 : i32
      %parallel_loop3A_91 = arith.muli %parallel_loop3A_89, %parallel_loop3A_90 : i32
      %parallel_loop3A_92 = vector.extract_strided_slice %parallel_loop3A_87 {offsets = [1], sizes = [1], strides = [1]} : vector<16xi32> to vector<1xi32>
      %parallel_loop3A_93 = vector.extract %parallel_loop3A_92[0] : i32 from vector<1xi32>
      %parallel_loop3A_94 = arith.constant 64 : i32
      %parallel_loop3A_95 = arith.muli %parallel_loop3A_93, %parallel_loop3A_94 : i32
      %parallel_loop3A_96 = vector.extract_strided_slice %parallel_loop3A_87 {offsets = [2], sizes = [1], strides = [1]} : vector<16xi32> to vector<1xi32>
      %parallel_loop3A_97 = vector.extract %parallel_loop3A_96[0] : i32 from vector<1xi32>
      %parallel_loop3A_98 = arith.constant 64 : i32
      %parallel_loop3A_99 = arith.muli %parallel_loop3A_97, %parallel_loop3A_98 : i32
      %parallel_loop3A_100 = vector.extract_strided_slice %parallel_loop3A_87 {offsets = [3], sizes = [1], strides = [1]} : vector<16xi32> to vector<1xi32>
      %parallel_loop3A_101 = vector.extract %parallel_loop3A_100[0] : i32 from vector<1xi32>
      %parallel_loop3A_102 = arith.constant 64 : i32
      %parallel_loop3A_103 = arith.muli %parallel_loop3A_101, %parallel_loop3A_102 : i32
      %parallel_loop3A_104 = vector.extract_strided_slice %parallel_loop3A_87 {offsets = [4], sizes = [1], strides = [1]} : vector<16xi32> to vector<1xi32>
      %parallel_loop3A_105 = vector.extract %parallel_loop3A_104[0] : i32 from vector<1xi32>
      %parallel_loop3A_106 = arith.constant 64 : i32
      %parallel_loop3A_107 = arith.muli %parallel_loop3A_105, %parallel_loop3A_106 : i32
      %parallel_loop3A_108 = vector.extract_strided_slice %parallel_loop3A_87 {offsets = [5], sizes = [1], strides = [1]} : vector<16xi32> to vector<1xi32>
      %parallel_loop3A_109 = vector.extract %parallel_loop3A_108[0] : i32 from vector<1xi32>
      %parallel_loop3A_110 = arith.constant 64 : i32
      %parallel_loop3A_111 = arith.muli %parallel_loop3A_109, %parallel_loop3A_110 : i32
      %parallel_loop3A_112 = vector.extract_strided_slice %parallel_loop3A_87 {offsets = [6], sizes = [1], strides = [1]} : vector<16xi32> to vector<1xi32>
      %parallel_loop3A_113 = vector.extract %parallel_loop3A_112[0] : i32 from vector<1xi32>
      %parallel_loop3A_114 = arith.constant 64 : i32
      %parallel_loop3A_115 = arith.muli %parallel_loop3A_113, %parallel_loop3A_114 : i32
      %parallel_loop3A_116 = arith.constant 16 : i32
      %parallel_loop3A_117 = vector.broadcast %parallel_loop3A_116 : i32 to vector<16xi32>
      %parallel_loop3A_118 = arith.constant 0 : i32
      %parallel_loop3A_119 = arith.addi %parallel_loop3A_91, %parallel_loop3A_118 : i32
      %parallel_loop3A_120 = arith.index_cast %parallel_loop3A_119 : i32 to index
      %parallel_loop3A_121 = tpu.vector_load %arg10[%parallel_loop3A_120] {strides = array<i32>} : memref<3328xi32, #tpu.memory_space<vmem>>, vector<16xi32>,
      %parallel_loop3A_122 = arith.constant 0 : i32
      %parallel_loop3A_123 = arith.addi %parallel_loop3A_95, %parallel_loop3A_122 : i32
      %parallel_loop3A_124 = arith.index_cast %parallel_loop3A_123 : i32 to index
      %parallel_loop3A_125 = tpu.vector_load %arg10[%parallel_loop3A_124] {strides = array<i32>} : memref<3328xi32, #tpu.memory_space<vmem>>, vector<16xi32>,
      %parallel_loop3A_126 = arith.constant 0 : i32
      %parallel_loop3A_127 = arith.addi %parallel_loop3A_99, %parallel_loop3A_126 : i32
      %parallel_loop3A_128 = arith.index_cast %parallel_loop3A_127 : i32 to index
      %parallel_loop3A_129 = tpu.vector_load %arg10[%parallel_loop3A_128] {strides = array<i32>} : memref<3328xi32, #tpu.memory_space<vmem>>, vector<16xi32>,
      %parallel_loop3A_130 = arith.constant 0 : i32
      %parallel_loop3A_131 = arith.addi %parallel_loop3A_103, %parallel_loop3A_130 : i32
      %parallel_loop3A_132 = arith.index_cast %parallel_loop3A_131 : i32 to index
      %parallel_loop3A_133 = tpu.vector_load %arg10[%parallel_loop3A_132] {strides = array<i32>} : memref<3328xi32, #tpu.memory_space<vmem>>, vector<16xi32>,
      %parallel_loop3A_134 = arith.constant 0 : i32
      %parallel_loop3A_135 = arith.addi %parallel_loop3A_107, %parallel_loop3A_134 : i32
      %parallel_loop3A_136 = arith.index_cast %parallel_loop3A_135 : i32 to index
      %parallel_loop3A_137 = tpu.vector_load %arg10[%parallel_loop3A_136] {strides = array<i32>} : memref<3328xi32, #tpu.memory_space<vmem>>, vector<16xi32>,
      %parallel_loop3A_138 = arith.constant 0 : i32
      %parallel_loop3A_139 = arith.addi %parallel_loop3A_111, %parallel_loop3A_138 : i32
      %parallel_loop3A_140 = arith.index_cast %parallel_loop3A_139 : i32 to index
      %parallel_loop3A_141 = tpu.vector_load %arg10[%parallel_loop3A_140] {strides = array<i32>} : memref<3328xi32, #tpu.memory_space<vmem>>, vector<16xi32>,
      %parallel_loop3A_142 = arith.constant 0 : i32
      %parallel_loop3A_143 = arith.addi %parallel_loop3A_115, %parallel_loop3A_142 : i32
      %parallel_loop3A_144 = arith.index_cast %parallel_loop3A_143 : i32 to index
      %parallel_loop3A_145 = tpu.vector_load %arg10[%parallel_loop3A_144] {strides = array<i32>} : memref<3328xi32, #tpu.memory_space<vmem>>, vector<16xi32>,
      %parallel_loop3A_146 = arith.shli %parallel_loop3A_121, %parallel_loop3A_117 : vector<16xi32>
      %parallel_loop3A_147 = tpu.bitcast %parallel_loop3A_146 : vector<16xi32> -> vector<16xf32>
      %parallel_loop3A_148 = arith.shli %parallel_loop3A_125, %parallel_loop3A_117 : vector<16xi32>
      %parallel_loop3A_149 = tpu.bitcast %parallel_loop3A_148 : vector<16xi32> -> vector<16xf32>
      %parallel_loop3A_150 = arith.shli %parallel_loop3A_129, %parallel_loop3A_117 : vector<16xi32>
      %parallel_loop3A_151 = tpu.bitcast %parallel_loop3A_150 : vector<16xi32> -> vector<16xf32>
      %parallel_loop3A_152 = arith.shli %parallel_loop3A_133, %parallel_loop3A_117 : vector<16xi32>
      %parallel_loop3A_153 = tpu.bitcast %parallel_loop3A_152 : vector<16xi32> -> vector<16xf32>
      %parallel_loop3A_154 = arith.shli %parallel_loop3A_137, %parallel_loop3A_117 : vector<16xi32>
      %parallel_loop3A_155 = tpu.bitcast %parallel_loop3A_154 : vector<16xi32> -> vector<16xf32>
      %parallel_loop3A_156 = arith.shli %parallel_loop3A_141, %parallel_loop3A_117 : vector<16xi32>
      %parallel_loop3A_157 = tpu.bitcast %parallel_loop3A_156 : vector<16xi32> -> vector<16xf32>
      %parallel_loop3A_158 = arith.shli %parallel_loop3A_145, %parallel_loop3A_117 : vector<16xi32>
      %parallel_loop3A_159 = tpu.bitcast %parallel_loop3A_158 : vector<16xi32> -> vector<16xf32>
      %parallel_loop3A_160 = arith.andi %parallel_loop3A_121, %broadcast_in_dim3A_8 : vector<16xi32>
      %parallel_loop3A_161 = tpu.bitcast %parallel_loop3A_160 : vector<16xi32> -> vector<16xf32>
      %parallel_loop3A_162 = arith.andi %parallel_loop3A_125, %broadcast_in_dim3A_8 : vector<16xi32>
      %parallel_loop3A_163 = tpu.bitcast %parallel_loop3A_162 : vector<16xi32> -> vector<16xf32>
      %parallel_loop3A_164 = arith.andi %parallel_loop3A_129, %broadcast_in_dim3A_8 : vector<16xi32>
      %parallel_loop3A_165 = tpu.bitcast %parallel_loop3A_164 : vector<16xi32> -> vector<16xf32>
      %parallel_loop3A_166 = arith.andi %parallel_loop3A_133, %broadcast_in_dim3A_8 : vector<16xi32>
      %parallel_loop3A_167 = tpu.bitcast %parallel_loop3A_166 : vector<16xi32> -> vector<16xf32>
      %parallel_loop3A_168 = arith.andi %parallel_loop3A_137, %broadcast_in_dim3A_8 : vector<16xi32>
      %parallel_loop3A_169 = tpu.bitcast %parallel_loop3A_168 : vector<16xi32> -> vector<16xf32>
      %parallel_loop3A_170 = arith.andi %parallel_loop3A_141, %broadcast_in_dim3A_8 : vector<16xi32>
      %parallel_loop3A_171 = tpu.bitcast %parallel_loop3A_170 : vector<16xi32> -> vector<16xf32>
      %parallel_loop3A_172 = arith.andi %parallel_loop3A_145, %broadcast_in_dim3A_8 : vector<16xi32>
      %parallel_loop3A_173 = tpu.bitcast %parallel_loop3A_172 : vector<16xi32> -> vector<16xf32>
      %parallel_loop3A_174 = arith.addf %parallel_loop3A_147, %parallel_loop3A_149 : vector<16xf32>
      %parallel_loop3A_175 = arith.addf %parallel_loop3A_151, %parallel_loop3A_153 : vector<16xf32>
      %parallel_loop3A_176 = arith.addf %parallel_loop3A_174, %parallel_loop3A_175 : vector<16xf32>
      %parallel_loop3A_177 = arith.addf %parallel_loop3A_155, %parallel_loop3A_157 : vector<16xf32>
      %parallel_loop3A_178 = arith.addf %parallel_loop3A_177, %parallel_loop3A_159 : vector<16xf32>
      %parallel_loop3A_179 = arith.addf %parallel_loop3A_176, %parallel_loop3A_178 : vector<16xf32>
      %parallel_loop3A_180 = arith.addf %parallel_loop3A_161, %parallel_loop3A_163 : vector<16xf32>
      %parallel_loop3A_181 = arith.addf %parallel_loop3A_165, %parallel_loop3A_167 : vector<16xf32>
      %parallel_loop3A_182 = arith.addf %parallel_loop3A_180, %parallel_loop3A_181 : vector<16xf32>
      %parallel_loop3A_183 = arith.addf %parallel_loop3A_169, %parallel_loop3A_171 : vector<16xf32>
      %parallel_loop3A_184 = arith.addf %parallel_loop3A_183, %parallel_loop3A_173 : vector<16xf32>
      %parallel_loop3A_185 = arith.addf %parallel_loop3A_182, %parallel_loop3A_184 : vector<16xf32>
      %parallel_loop3A_186 = arith.index_cast %parallel_loop3A_81 : i32 to index
      %parallel_loop3A_187 = arith.constant 0 : index
      %parallel_loop3A_188 = tpu.vector_load %arg13[%parallel_loop3A_186, %parallel_loop3A_187] {strides = array<i32>} : memref<128x128xf32, #tpu.memory_space<vmem>>, vector<16xf32>,
      tpu.vector_store %arg13[%parallel_loop3A_186, %parallel_loop3A_187], %parallel_loop3A_179 {strides = array<i32>} : memref<128x128xf32, #tpu.memory_space<vmem>>, vector<16xf32>,
      %parallel_loop3A_189 = arith.index_cast %parallel_loop3A_81 : i32 to index
      %parallel_loop3A_190 = arith.constant 16 : index
      %parallel_loop3A_191 = tpu.vector_load %arg13[%parallel_loop3A_189, %parallel_loop3A_190] {strides = array<i32>} : memref<128x128xf32, #tpu.memory_space<vmem>>, vector<16xf32>,
      tpu.vector_store %arg13[%parallel_loop3A_189, %parallel_loop3A_190], %parallel_loop3A_185 {strides = array<i32>} : memref<128x128xf32, #tpu.memory_space<vmem>>, vector<16xf32>,
      %parallel_loop3A_192 = arith.constant 16 : i32
      %parallel_loop3A_193 = arith.addi %parallel_loop3A_91, %parallel_loop3A_192 : i32
      %parallel_loop3A_194 = arith.index_cast %parallel_loop3A_193 : i32 to index
      %parallel_loop3A_195 = tpu.vector_load %arg10[%parallel_loop3A_194] {strides = array<i32>} : memref<3328xi32, #tpu.memory_space<vmem>>, vector<16xi32>,
      %parallel_loop3A_196 = arith.constant 16 : i32
      %parallel_loop3A_197 = arith.addi %parallel_loop3A_95, %parallel_loop3A_196 : i32
      %parallel_loop3A_198 = arith.index_cast %parallel_loop3A_197 : i32 to index
      %parallel_loop3A_199 = tpu.vector_load %arg10[%parallel_loop3A_198] {strides = array<i32>} : memref<3328xi32, #tpu.memory_space<vmem>>, vector<16xi32>,
      %parallel_loop3A_200 = arith.constant 16 : i32
      %parallel_loop3A_201 = arith.addi %parallel_loop3A_99, %parallel_loop3A_200 : i32
      %parallel_loop3A_202 = arith.index_cast %parallel_loop3A_201 : i32 to index
      %parallel_loop3A_203 = tpu.vector_load %arg10[%parallel_loop3A_202] {strides = array<i32>} : memref<3328xi32, #tpu.memory_space<vmem>>, vector<16xi32>,
      %parallel_loop3A_204 = arith.constant 16 : i32
      %parallel_loop3A_205 = arith.addi %parallel_loop3A_103, %parallel_loop3A_204 : i32
      %parallel_loop3A_206 = arith.index_cast %parallel_loop3A_205 : i32 to index
      %parallel_loop3A_207 = tpu.vector_load %arg10[%parallel_loop3A_206] {strides = array<i32>} : memref<3328xi32, #tpu.memory_space<vmem>>, vector<16xi32>,
      %parallel_loop3A_208 = arith.constant 16 : i32
      %parallel_loop3A_209 = arith.addi %parallel_loop3A_107, %parallel_loop3A_208 : i32
      %parallel_loop3A_210 = arith.index_cast %parallel_loop3A_209 : i32 to index
      %parallel_loop3A_211 = tpu.vector_load %arg10[%parallel_loop3A_210] {strides = array<i32>} : memref<3328xi32, #tpu.memory_space<vmem>>, vector<16xi32>,
      %parallel_loop3A_212 = arith.constant 16 : i32
      %parallel_loop3A_213 = arith.addi %parallel_loop3A_111, %parallel_loop3A_212 : i32
      %parallel_loop3A_214 = arith.index_cast %parallel_loop3A_213 : i32 to index
      %parallel_loop3A_215 = tpu.vector_load %arg10[%parallel_loop3A_214] {strides = array<i32>} : memref<3328xi32, #tpu.memory_space<vmem>>, vector<16xi32>,
      %parallel_loop3A_216 = arith.constant 16 : i32
      %parallel_loop3A_217 = arith.addi %parallel_loop3A_115, %parallel_loop3A_216 : i32
      %parallel_loop3A_218 = arith.index_cast %parallel_loop3A_217 : i32 to index
      %parallel_loop3A_219 = tpu.vector_load %arg10[%parallel_loop3A_218] {strides = array<i32>} : memref<3328xi32, #tpu.memory_space<vmem>>, vector<16xi32>,
      %parallel_loop3A_220 = arith.shli %parallel_loop3A_195, %parallel_loop3A_117 : vector<16xi32>
      %parallel_loop3A_221 = tpu.bitcast %parallel_loop3A_220 : vector<16xi32> -> vector<16xf32>
      %parallel_loop3A_222 = arith.shli %parallel_loop3A_199, %parallel_loop3A_117 : vector<16xi32>
      %parallel_loop3A_223 = tpu.bitcast %parallel_loop3A_222 : vector<16xi32> -> vector<16xf32>
      %parallel_loop3A_224 = arith.shli %parallel_loop3A_203, %parallel_loop3A_117 : vector<16xi32>
      %parallel_loop3A_225 = tpu.bitcast %parallel_loop3A_224 : vector<16xi32> -> vector<16xf32>
      %parallel_loop3A_226 = arith.shli %parallel_loop3A_207, %parallel_loop3A_117 : vector<16xi32>
      %parallel_loop3A_227 = tpu.bitcast %parallel_loop3A_226 : vector<16xi32> -> vector<16xf32>
      %parallel_loop3A_228 = arith.shli %parallel_loop3A_211, %parallel_loop3A_117 : vector<16xi32>
      %parallel_loop3A_229 = tpu.bitcast %parallel_loop3A_228 : vector<16xi32> -> vector<16xf32>
      %parallel_loop3A_230 = arith.shli %parallel_loop3A_215, %parallel_loop3A_117 : vector<16xi32>
      %parallel_loop3A_231 = tpu.bitcast %parallel_loop3A_230 : vector<16xi32> -> vector<16xf32>
      %parallel_loop3A_232 = arith.shli %parallel_loop3A_219, %parallel_loop3A_117 : vector<16xi32>
      %parallel_loop3A_233 = tpu.bitcast %parallel_loop3A_232 : vector<16xi32> -> vector<16xf32>
      %parallel_loop3A_234 = arith.andi %parallel_loop3A_195, %broadcast_in_dim3A_8 : vector<16xi32>
      %parallel_loop3A_235 = tpu.bitcast %parallel_loop3A_234 : vector<16xi32> -> vector<16xf32>
      %parallel_loop3A_236 = arith.andi %parallel_loop3A_199, %broadcast_in_dim3A_8 : vector<16xi32>
      %parallel_loop3A_237 = tpu.bitcast %parallel_loop3A_236 : vector<16xi32> -> vector<16xf32>
      %parallel_loop3A_238 = arith.andi %parallel_loop3A_203, %broadcast_in_dim3A_8 : vector<16xi32>
      %parallel_loop3A_239 = tpu.bitcast %parallel_loop3A_238 : vector<16xi32> -> vector<16xf32>
      %parallel_loop3A_240 = arith.andi %parallel_loop3A_207, %broadcast_in_dim3A_8 : vector<16xi32>
      %parallel_loop3A_241 = tpu.bitcast %parallel_loop3A_240 : vector<16xi32> -> vector<16xf32>
      %parallel_loop3A_242 = arith.andi %parallel_loop3A_211, %broadcast_in_dim3A_8 : vector<16xi32>
      %parallel_loop3A_243 = tpu.bitcast %parallel_loop3A_242 : vector<16xi32> -> vector<16xf32>
      %parallel_loop3A_244 = arith.andi %parallel_loop3A_215, %broadcast_in_dim3A_8 : vector<16xi32>
      %parallel_loop3A_245 = tpu.bitcast %parallel_loop3A_244 : vector<16xi32> -> vector<16xf32>
      %parallel_loop3A_246 = arith.andi %parallel_loop3A_219, %broadcast_in_dim3A_8 : vector<16xi32>
      %parallel_loop3A_247 = tpu.bitcast %parallel_loop3A_246 : vector<16xi32> -> vector<16xf32>
      %parallel_loop3A_248 = arith.addf %parallel_loop3A_221, %parallel_loop3A_223 : vector<16xf32>
      %parallel_loop3A_249 = arith.addf %parallel_loop3A_225, %parallel_loop3A_227 : vector<16xf32>
      %parallel_loop3A_250 = arith.addf %parallel_loop3A_248, %parallel_loop3A_249 : vector<16xf32>
      %parallel_loop3A_251 = arith.addf %parallel_loop3A_229, %parallel_loop3A_231 : vector<16xf32>
      %parallel_loop3A_252 = arith.addf %parallel_loop3A_251, %parallel_loop3A_233 : vector<16xf32>
      %parallel_loop3A_253 = arith.addf %parallel_loop3A_250, %parallel_loop3A_252 : vector<16xf32>
      %parallel_loop3A_254 = arith.addf %parallel_loop3A_235, %parallel_loop3A_237 : vector<16xf32>
      %parallel_loop3A_255 = arith.addf %parallel_loop3A_239, %parallel_loop3A_241 : vector<16xf32>
      %parallel_loop3A_256 = arith.addf %parallel_loop3A_254, %parallel_loop3A_255 : vector<16xf32>
      %parallel_loop3A_257 = arith.addf %parallel_loop3A_243, %parallel_loop3A_245 : vector<16xf32>
      %parallel_loop3A_258 = arith.addf %parallel_loop3A_257, %parallel_loop3A_247 : vector<16xf32>
      %parallel_loop3A_259 = arith.addf %parallel_loop3A_256, %parallel_loop3A_258 : vector<16xf32>
      %parallel_loop3A_260 = arith.index_cast %parallel_loop3A_81 : i32 to index
      %parallel_loop3A_261 = arith.constant 32 : index
      %parallel_loop3A_262 = tpu.vector_load %arg13[%parallel_loop3A_260, %parallel_loop3A_261] {strides = array<i32>} : memref<128x128xf32, #tpu.memory_space<vmem>>, vector<16xf32>,
      tpu.vector_store %arg13[%parallel_loop3A_260, %parallel_loop3A_261], %parallel_loop3A_253 {strides = array<i32>} : memref<128x128xf32, #tpu.memory_space<vmem>>, vector<16xf32>,
      %parallel_loop3A_263 = arith.index_cast %parallel_loop3A_81 : i32 to index
      %parallel_loop3A_264 = arith.constant 48 : index
      %parallel_loop3A_265 = tpu.vector_load %arg13[%parallel_loop3A_263, %parallel_loop3A_264] {strides = array<i32>} : memref<128x128xf32, #tpu.memory_space<vmem>>, vector<16xf32>,
      tpu.vector_store %arg13[%parallel_loop3A_263, %parallel_loop3A_264], %parallel_loop3A_259 {strides = array<i32>} : memref<128x128xf32, #tpu.memory_space<vmem>>, vector<16xf32>,
      %parallel_loop3A_266 = arith.constant 32 : i32
      %parallel_loop3A_267 = arith.addi %parallel_loop3A_91, %parallel_loop3A_266 : i32
      %parallel_loop3A_268 = arith.index_cast %parallel_loop3A_267 : i32 to index
      %parallel_loop3A_269 = tpu.vector_load %arg10[%parallel_loop3A_268] {strides = array<i32>} : memref<3328xi32, #tpu.memory_space<vmem>>, vector<16xi32>,
      %parallel_loop3A_270 = arith.constant 32 : i32
      %parallel_loop3A_271 = arith.addi %parallel_loop3A_95, %parallel_loop3A_270 : i32
      %parallel_loop3A_272 = arith.index_cast %parallel_loop3A_271 : i32 to index
      %parallel_loop3A_273 = tpu.vector_load %arg10[%parallel_loop3A_272] {strides = array<i32>} : memref<3328xi32, #tpu.memory_space<vmem>>, vector<16xi32>,
      %parallel_loop3A_274 = arith.constant 32 : i32
      %parallel_loop3A_275 = arith.addi %parallel_loop3A_99, %parallel_loop3A_274 : i32
      %parallel_loop3A_276 = arith.index_cast %parallel_loop3A_275 : i32 to index
      %parallel_loop3A_277 = tpu.vector_load %arg10[%parallel_loop3A_276] {strides = array<i32>} : memref<3328xi32, #tpu.memory_space<vmem>>, vector<16xi32>,
      %parallel_loop3A_278 = arith.constant 32 : i32
      %parallel_loop3A_279 = arith.addi %parallel_loop3A_103, %parallel_loop3A_278 : i32
      %parallel_loop3A_280 = arith.index_cast %parallel_loop3A_279 : i32 to index
      %parallel_loop3A_281 = tpu.vector_load %arg10[%parallel_loop3A_280] {strides = array<i32>} : memref<3328xi32, #tpu.memory_space<vmem>>, vector<16xi32>,
      %parallel_loop3A_282 = arith.constant 32 : i32
      %parallel_loop3A_283 = arith.addi %parallel_loop3A_107, %parallel_loop3A_282 : i32
      %parallel_loop3A_284 = arith.index_cast %parallel_loop3A_283 : i32 to index
      %parallel_loop3A_285 = tpu.vector_load %arg10[%parallel_loop3A_284] {strides = array<i32>} : memref<3328xi32, #tpu.memory_space<vmem>>, vector<16xi32>,
      %parallel_loop3A_286 = arith.constant 32 : i32
      %parallel_loop3A_287 = arith.addi %parallel_loop3A_111, %parallel_loop3A_286 : i32
      %parallel_loop3A_288 = arith.index_cast %parallel_loop3A_287 : i32 to index
      %parallel_loop3A_289 = tpu.vector_load %arg10[%parallel_loop3A_288] {strides = array<i32>} : memref<3328xi32, #tpu.memory_space<vmem>>, vector<16xi32>,
      %parallel_loop3A_290 = arith.constant 32 : i32
      %parallel_loop3A_291 = arith.addi %parallel_loop3A_115, %parallel_loop3A_290 : i32
      %parallel_loop3A_292 = arith.index_cast %parallel_loop3A_291 : i32 to index
      %parallel_loop3A_293 = tpu.vector_load %arg10[%parallel_loop3A_292] {strides = array<i32>} : memref<3328xi32, #tpu.memory_space<vmem>>, vector<16xi32>,
      %parallel_loop3A_294 = arith.shli %parallel_loop3A_269, %parallel_loop3A_117 : vector<16xi32>
      %parallel_loop3A_295 = tpu.bitcast %parallel_loop3A_294 : vector<16xi32> -> vector<16xf32>
      %parallel_loop3A_296 = arith.shli %parallel_loop3A_273, %parallel_loop3A_117 : vector<16xi32>
      %parallel_loop3A_297 = tpu.bitcast %parallel_loop3A_296 : vector<16xi32> -> vector<16xf32>
      %parallel_loop3A_298 = arith.shli %parallel_loop3A_277, %parallel_loop3A_117 : vector<16xi32>
      %parallel_loop3A_299 = tpu.bitcast %parallel_loop3A_298 : vector<16xi32> -> vector<16xf32>
      %parallel_loop3A_300 = arith.shli %parallel_loop3A_281, %parallel_loop3A_117 : vector<16xi32>
      %parallel_loop3A_301 = tpu.bitcast %parallel_loop3A_300 : vector<16xi32> -> vector<16xf32>
      %parallel_loop3A_302 = arith.shli %parallel_loop3A_285, %parallel_loop3A_117 : vector<16xi32>
      %parallel_loop3A_303 = tpu.bitcast %parallel_loop3A_302 : vector<16xi32> -> vector<16xf32>
      %parallel_loop3A_304 = arith.shli %parallel_loop3A_289, %parallel_loop3A_117 : vector<16xi32>
      %parallel_loop3A_305 = tpu.bitcast %parallel_loop3A_304 : vector<16xi32> -> vector<16xf32>
      %parallel_loop3A_306 = arith.shli %parallel_loop3A_293, %parallel_loop3A_117 : vector<16xi32>
      %parallel_loop3A_307 = tpu.bitcast %parallel_loop3A_306 : vector<16xi32> -> vector<16xf32>
      %parallel_loop3A_308 = arith.andi %parallel_loop3A_269, %broadcast_in_dim3A_8 : vector<16xi32>
      %parallel_loop3A_309 = tpu.bitcast %parallel_loop3A_308 : vector<16xi32> -> vector<16xf32>
      %parallel_loop3A_310 = arith.andi %parallel_loop3A_273, %broadcast_in_dim3A_8 : vector<16xi32>
      %parallel_loop3A_311 = tpu.bitcast %parallel_loop3A_310 : vector<16xi32> -> vector<16xf32>
      %parallel_loop3A_312 = arith.andi %parallel_loop3A_277, %broadcast_in_dim3A_8 : vector<16xi32>
      %parallel_loop3A_313 = tpu.bitcast %parallel_loop3A_312 : vector<16xi32> -> vector<16xf32>
      %parallel_loop3A_314 = arith.andi %parallel_loop3A_281, %broadcast_in_dim3A_8 : vector<16xi32>
      %parallel_loop3A_315 = tpu.bitcast %parallel_loop3A_314 : vector<16xi32> -> vector<16xf32>
      %parallel_loop3A_316 = arith.andi %parallel_loop3A_285, %broadcast_in_dim3A_8 : vector<16xi32>
      %parallel_loop3A_317 = tpu.bitcast %parallel_loop3A_316 : vector<16xi32> -> vector<16xf32>
      %parallel_loop3A_318 = arith.andi %parallel_loop3A_289, %broadcast_in_dim3A_8 : vector<16xi32>
      %parallel_loop3A_319 = tpu.bitcast %parallel_loop3A_318 : vector<16xi32> -> vector<16xf32>
      %parallel_loop3A_320 = arith.andi %parallel_loop3A_293, %broadcast_in_dim3A_8 : vector<16xi32>
      %parallel_loop3A_321 = tpu.bitcast %parallel_loop3A_320 : vector<16xi32> -> vector<16xf32>
      %parallel_loop3A_322 = arith.addf %parallel_loop3A_295, %parallel_loop3A_297 : vector<16xf32>
      %parallel_loop3A_323 = arith.addf %parallel_loop3A_299, %parallel_loop3A_301 : vector<16xf32>
      %parallel_loop3A_324 = arith.addf %parallel_loop3A_322, %parallel_loop3A_323 : vector<16xf32>
      %parallel_loop3A_325 = arith.addf %parallel_loop3A_303, %parallel_loop3A_305 : vector<16xf32>
      %parallel_loop3A_326 = arith.addf %parallel_loop3A_325, %parallel_loop3A_307 : vector<16xf32>
      %parallel_loop3A_327 = arith.addf %parallel_loop3A_324, %parallel_loop3A_326 : vector<16xf32>
      %parallel_loop3A_328 = arith.addf %parallel_loop3A_309, %parallel_loop3A_311 : vector<16xf32>
      %parallel_loop3A_329 = arith.addf %parallel_loop3A_313, %parallel_loop3A_315 : vector<16xf32>
      %parallel_loop3A_330 = arith.addf %parallel_loop3A_328, %parallel_loop3A_329 : vector<16xf32>
      %parallel_loop3A_331 = arith.addf %parallel_loop3A_317, %parallel_loop3A_319 : vector<16xf32>
      %parallel_loop3A_332 = arith.addf %parallel_loop3A_331, %parallel_loop3A_321 : vector<16xf32>
      %parallel_loop3A_333 = arith.addf %parallel_loop3A_330, %parallel_loop3A_332 : vector<16xf32>
      %parallel_loop3A_334 = arith.index_cast %parallel_loop3A_81 : i32 to index
      %parallel_loop3A_335 = arith.constant 64 : index
      %parallel_loop3A_336 = tpu.vector_load %arg13[%parallel_loop3A_334, %parallel_loop3A_335] {strides = array<i32>} : memref<128x128xf32, #tpu.memory_space<vmem>>, vector<16xf32>,
      tpu.vector_store %arg13[%parallel_loop3A_334, %parallel_loop3A_335], %parallel_loop3A_327 {strides = array<i32>} : memref<128x128xf32, #tpu.memory_space<vmem>>, vector<16xf32>,
      %parallel_loop3A_337 = arith.index_cast %parallel_loop3A_81 : i32 to index
      %parallel_loop3A_338 = arith.constant 80 : index
      %parallel_loop3A_339 = tpu.vector_load %arg13[%parallel_loop3A_337, %parallel_loop3A_338] {strides = array<i32>} : memref<128x128xf32, #tpu.memory_space<vmem>>, vector<16xf32>,
      tpu.vector_store %arg13[%parallel_loop3A_337, %parallel_loop3A_338], %parallel_loop3A_333 {strides = array<i32>} : memref<128x128xf32, #tpu.memory_space<vmem>>, vector<16xf32>,
      %parallel_loop3A_340 = arith.constant 48 : i32
      %parallel_loop3A_341 = arith.addi %parallel_loop3A_91, %parallel_loop3A_340 : i32
      %parallel_loop3A_342 = arith.index_cast %parallel_loop3A_341 : i32 to index
      %parallel_loop3A_343 = tpu.vector_load %arg10[%parallel_loop3A_342] {strides = array<i32>} : memref<3328xi32, #tpu.memory_space<vmem>>, vector<16xi32>,
      %parallel_loop3A_344 = arith.constant 48 : i32
      %parallel_loop3A_345 = arith.addi %parallel_loop3A_95, %parallel_loop3A_344 : i32
      %parallel_loop3A_346 = arith.index_cast %parallel_loop3A_345 : i32 to index
      %parallel_loop3A_347 = tpu.vector_load %arg10[%parallel_loop3A_346] {strides = array<i32>} : memref<3328xi32, #tpu.memory_space<vmem>>, vector<16xi32>,
      %parallel_loop3A_348 = arith.constant 48 : i32
      %parallel_loop3A_349 = arith.addi %parallel_loop3A_99, %parallel_loop3A_348 : i32
      %parallel_loop3A_350 = arith.index_cast %parallel_loop3A_349 : i32 to index
      %parallel_loop3A_351 = tpu.vector_load %arg10[%parallel_loop3A_350] {strides = array<i32>} : memref<3328xi32, #tpu.memory_space<vmem>>, vector<16xi32>,
      %parallel_loop3A_352 = arith.constant 48 : i32
      %parallel_loop3A_353 = arith.addi %parallel_loop3A_103, %parallel_loop3A_352 : i32
      %parallel_loop3A_354 = arith.index_cast %parallel_loop3A_353 : i32 to index
      %parallel_loop3A_355 = tpu.vector_load %arg10[%parallel_loop3A_354] {strides = array<i32>} : memref<3328xi32, #tpu.memory_space<vmem>>, vector<16xi32>,
      %parallel_loop3A_356 = arith.constant 48 : i32
      %parallel_loop3A_357 = arith.addi %parallel_loop3A_107, %parallel_loop3A_356 : i32
      %parallel_loop3A_358 = arith.index_cast %parallel_loop3A_357 : i32 to index
      %parallel_loop3A_359 = tpu.vector_load %arg10[%parallel_loop3A_358] {strides = array<i32>} : memref<3328xi32, #tpu.memory_space<vmem>>, vector<16xi32>,
      %parallel_loop3A_360 = arith.constant 48 : i32
      %parallel_loop3A_361 = arith.addi %parallel_loop3A_111, %parallel_loop3A_360 : i32
      %parallel_loop3A_362 = arith.index_cast %parallel_loop3A_361 : i32 to index
      %parallel_loop3A_363 = tpu.vector_load %arg10[%parallel_loop3A_362] {strides = array<i32>} : memref<3328xi32, #tpu.memory_space<vmem>>, vector<16xi32>,
      %parallel_loop3A_364 = arith.constant 48 : i32
      %parallel_loop3A_365 = arith.addi %parallel_loop3A_115, %parallel_loop3A_364 : i32
      %parallel_loop3A_366 = arith.index_cast %parallel_loop3A_365 : i32 to index
      %parallel_loop3A_367 = tpu.vector_load %arg10[%parallel_loop3A_366] {strides = array<i32>} : memref<3328xi32, #tpu.memory_space<vmem>>, vector<16xi32>,
      %parallel_loop3A_368 = arith.shli %parallel_loop3A_343, %parallel_loop3A_117 : vector<16xi32>
      %parallel_loop3A_369 = tpu.bitcast %parallel_loop3A_368 : vector<16xi32> -> vector<16xf32>
      %parallel_loop3A_370 = arith.shli %parallel_loop3A_347, %parallel_loop3A_117 : vector<16xi32>
      %parallel_loop3A_371 = tpu.bitcast %parallel_loop3A_370 : vector<16xi32> -> vector<16xf32>
      %parallel_loop3A_372 = arith.shli %parallel_loop3A_351, %parallel_loop3A_117 : vector<16xi32>
      %parallel_loop3A_373 = tpu.bitcast %parallel_loop3A_372 : vector<16xi32> -> vector<16xf32>
      %parallel_loop3A_374 = arith.shli %parallel_loop3A_355, %parallel_loop3A_117 : vector<16xi32>
      %parallel_loop3A_375 = tpu.bitcast %parallel_loop3A_374 : vector<16xi32> -> vector<16xf32>
      %parallel_loop3A_376 = arith.shli %parallel_loop3A_359, %parallel_loop3A_117 : vector<16xi32>
      %parallel_loop3A_377 = tpu.bitcast %parallel_loop3A_376 : vector<16xi32> -> vector<16xf32>
      %parallel_loop3A_378 = arith.shli %parallel_loop3A_363, %parallel_loop3A_117 : vector<16xi32>
      %parallel_loop3A_379 = tpu.bitcast %parallel_loop3A_378 : vector<16xi32> -> vector<16xf32>
      %parallel_loop3A_380 = arith.shli %parallel_loop3A_367, %parallel_loop3A_117 : vector<16xi32>
      %parallel_loop3A_381 = tpu.bitcast %parallel_loop3A_380 : vector<16xi32> -> vector<16xf32>
      %parallel_loop3A_382 = arith.andi %parallel_loop3A_343, %broadcast_in_dim3A_8 : vector<16xi32>
      %parallel_loop3A_383 = tpu.bitcast %parallel_loop3A_382 : vector<16xi32> -> vector<16xf32>
      %parallel_loop3A_384 = arith.andi %parallel_loop3A_347, %broadcast_in_dim3A_8 : vector<16xi32>
      %parallel_loop3A_385 = tpu.bitcast %parallel_loop3A_384 : vector<16xi32> -> vector<16xf32>
      %parallel_loop3A_386 = arith.andi %parallel_loop3A_351, %broadcast_in_dim3A_8 : vector<16xi32>
      %parallel_loop3A_387 = tpu.bitcast %parallel_loop3A_386 : vector<16xi32> -> vector<16xf32>
      %parallel_loop3A_388 = arith.andi %parallel_loop3A_355, %broadcast_in_dim3A_8 : vector<16xi32>
      %parallel_loop3A_389 = tpu.bitcast %parallel_loop3A_388 : vector<16xi32> -> vector<16xf32>
      %parallel_loop3A_390 = arith.andi %parallel_loop3A_359, %broadcast_in_dim3A_8 : vector<16xi32>
      %parallel_loop3A_391 = tpu.bitcast %parallel_loop3A_390 : vector<16xi32> -> vector<16xf32>
      %parallel_loop3A_392 = arith.andi %parallel_loop3A_363, %broadcast_in_dim3A_8 : vector<16xi32>
      %parallel_loop3A_393 = tpu.bitcast %parallel_loop3A_392 : vector<16xi32> -> vector<16xf32>
      %parallel_loop3A_394 = arith.andi %parallel_loop3A_367, %broadcast_in_dim3A_8 : vector<16xi32>
      %parallel_loop3A_395 = tpu.bitcast %parallel_loop3A_394 : vector<16xi32> -> vector<16xf32>
      %parallel_loop3A_396 = arith.addf %parallel_loop3A_369, %parallel_loop3A_371 : vector<16xf32>
      %parallel_loop3A_397 = arith.addf %parallel_loop3A_373, %parallel_loop3A_375 : vector<16xf32>
      %parallel_loop3A_398 = arith.addf %parallel_loop3A_396, %parallel_loop3A_397 : vector<16xf32>
      %parallel_loop3A_399 = arith.addf %parallel_loop3A_377, %parallel_loop3A_379 : vector<16xf32>
      %parallel_loop3A_400 = arith.addf %parallel_loop3A_399, %parallel_loop3A_381 : vector<16xf32>
      %parallel_loop3A_401 = arith.addf %parallel_loop3A_398, %parallel_loop3A_400 : vector<16xf32>
      %parallel_loop3A_402 = arith.addf %parallel_loop3A_383, %parallel_loop3A_385 : vector<16xf32>
      %parallel_loop3A_403 = arith.addf %parallel_loop3A_387, %parallel_loop3A_389 : vector<16xf32>
      %parallel_loop3A_404 = arith.addf %parallel_loop3A_402, %parallel_loop3A_403 : vector<16xf32>
      %parallel_loop3A_405 = arith.addf %parallel_loop3A_391, %parallel_loop3A_393 : vector<16xf32>
      %parallel_loop3A_406 = arith.addf %parallel_loop3A_405, %parallel_loop3A_395 : vector<16xf32>
      %parallel_loop3A_407 = arith.addf %parallel_loop3A_404, %parallel_loop3A_406 : vector<16xf32>
      %parallel_loop3A_408 = arith.index_cast %parallel_loop3A_81 : i32 to index
      %parallel_loop3A_409 = arith.constant 96 : index
      %parallel_loop3A_410 = tpu.vector_load %arg13[%parallel_loop3A_408, %parallel_loop3A_409] {strides = array<i32>} : memref<128x128xf32, #tpu.memory_space<vmem>>, vector<16xf32>,
      tpu.vector_store %arg13[%parallel_loop3A_408, %parallel_loop3A_409], %parallel_loop3A_401 {strides = array<i32>} : memref<128x128xf32, #tpu.memory_space<vmem>>, vector<16xf32>,
      %parallel_loop3A_411 = arith.index_cast %parallel_loop3A_81 : i32 to index
      %parallel_loop3A_412 = arith.constant 112 : index
      %parallel_loop3A_413 = tpu.vector_load %arg13[%parallel_loop3A_411, %parallel_loop3A_412] {strides = array<i32>} : memref<128x128xf32, #tpu.memory_space<vmem>>, vector<16xf32>,
      tpu.vector_store %arg13[%parallel_loop3A_411, %parallel_loop3A_412], %parallel_loop3A_407 {strides = array<i32>} : memref<128x128xf32, #tpu.memory_space<vmem>>, vector<16xf32>,
    } {sc.loop_unroll_factor = 2 : i64, sc.parallel_access}
    %add3A_54 = arith.constant 256 : i32
    %add3A_55 = arith.addi %mul3A_2, %add3A_54 : i32
    %dma_start3A_56 = arith.constant 0 : i32
    %dma_start3A_57 = tpu.memref_slice %arg6[%add3A_55, %dma_start3A_56] : memref<16384x128xf32, #tpu.memory_space<hbm>> -> memref<128x128xf32, #tpu.memory_space<hbm>>
    %dma_start3A_58 = arith.constant 0 : i32
    %dma_start3A_59 = tpu.memref_slice %arg6[%add3A_55, %dma_start3A_58] : memref<16384x128xf32, #tpu.memory_space<hbm>> -> memref<128x128xf32, #tpu.memory_space<hbm>>
    tpu.enqueue_dma source(%arg13 : memref<128x128xf32, #tpu.memory_space<vmem>>) target(%dma_start3A_59 : memref<128x128xf32, #tpu.memory_space<hbm>>) target_semaphore(%arg16 : memref<!tpu.dma_semaphore, #tpu.memory_space<semaphore_mem>>)
    %dma_wait3A_60 = arith.constant 0 : i32
    %dma_wait3A_61 = tpu.memref_slice %arg6[%add3A_42, %dma_wait3A_60] : memref<16384x128xf32, #tpu.memory_space<hbm>> -> memref<128x128xf32, #tpu.memory_space<hbm>>
    %dma_wait3A_62 = arith.constant 0 : i32
    %dma_wait3A_63 = tpu.memref_slice %arg6[%add3A_42, %dma_wait3A_62] : memref<16384x128xf32, #tpu.memory_space<hbm>> -> memref<128x128xf32, #tpu.memory_space<hbm>>
    tpu.wait_dma2 semaphore(%arg17 : memref<!tpu.dma_semaphore, #tpu.memory_space<semaphore_mem>>) src(%arg14 : memref<128x128xf32, #tpu.memory_space<vmem>>) dst(%dma_wait3A_63 : memref<128x128xf32, #tpu.memory_space<hbm>>)
    %parallel_loop3A_64 = arith.constant 0 : i32
    %parallel_loop3A_65 = arith.constant 128 : i32
    %parallel_loop3A_66 = arith.constant 1 : i32
    scf.for %parallel_loop3A_81 = %parallel_loop3A_64 to %parallel_loop3A_65 step %parallel_loop3A_66  : i32 {
      %parallel_loop3A_82 = arith.constant 384 : i32
      %parallel_loop3A_83 = arith.addi %parallel_loop3A_82, %parallel_loop3A_81 : i32
      %parallel_loop3A_84 = arith.constant 7 : i32
      %parallel_loop3A_85 = arith.muli %parallel_loop3A_83, %parallel_loop3A_84 : i32
      %parallel_loop3A_86 = arith.index_cast %parallel_loop3A_85 : i32 to index
      %parallel_loop3A_87 = tpu.vector_load %arg12[%parallel_loop3A_86] {strides = array<i32>} : memref<3600xi32, #tpu.memory_space<vmem>>, vector<16xi32>,
      %parallel_loop3A_88 = vector.extract_strided_slice %parallel_loop3A_87 {offsets = [0], sizes = [1], strides = [1]} : vector<16xi32> to vector<1xi32>
      %parallel_loop3A_89 = vector.extract %parallel_loop3A_88[0] : i32 from vector<1xi32>
      %parallel_loop3A_90 = arith.constant 64 : i32
      %parallel_loop3A_91 = arith.muli %parallel_loop3A_89, %parallel_loop3A_90 : i32
      %parallel_loop3A_92 = vector.extract_strided_slice %parallel_loop3A_87 {offsets = [1], sizes = [1], strides = [1]} : vector<16xi32> to vector<1xi32>
      %parallel_loop3A_93 = vector.extract %parallel_loop3A_92[0] : i32 from vector<1xi32>
      %parallel_loop3A_94 = arith.constant 64 : i32
      %parallel_loop3A_95 = arith.muli %parallel_loop3A_93, %parallel_loop3A_94 : i32
      %parallel_loop3A_96 = vector.extract_strided_slice %parallel_loop3A_87 {offsets = [2], sizes = [1], strides = [1]} : vector<16xi32> to vector<1xi32>
      %parallel_loop3A_97 = vector.extract %parallel_loop3A_96[0] : i32 from vector<1xi32>
      %parallel_loop3A_98 = arith.constant 64 : i32
      %parallel_loop3A_99 = arith.muli %parallel_loop3A_97, %parallel_loop3A_98 : i32
      %parallel_loop3A_100 = vector.extract_strided_slice %parallel_loop3A_87 {offsets = [3], sizes = [1], strides = [1]} : vector<16xi32> to vector<1xi32>
      %parallel_loop3A_101 = vector.extract %parallel_loop3A_100[0] : i32 from vector<1xi32>
      %parallel_loop3A_102 = arith.constant 64 : i32
      %parallel_loop3A_103 = arith.muli %parallel_loop3A_101, %parallel_loop3A_102 : i32
      %parallel_loop3A_104 = vector.extract_strided_slice %parallel_loop3A_87 {offsets = [4], sizes = [1], strides = [1]} : vector<16xi32> to vector<1xi32>
      %parallel_loop3A_105 = vector.extract %parallel_loop3A_104[0] : i32 from vector<1xi32>
      %parallel_loop3A_106 = arith.constant 64 : i32
      %parallel_loop3A_107 = arith.muli %parallel_loop3A_105, %parallel_loop3A_106 : i32
      %parallel_loop3A_108 = vector.extract_strided_slice %parallel_loop3A_87 {offsets = [5], sizes = [1], strides = [1]} : vector<16xi32> to vector<1xi32>
      %parallel_loop3A_109 = vector.extract %parallel_loop3A_108[0] : i32 from vector<1xi32>
      %parallel_loop3A_110 = arith.constant 64 : i32
      %parallel_loop3A_111 = arith.muli %parallel_loop3A_109, %parallel_loop3A_110 : i32
      %parallel_loop3A_112 = vector.extract_strided_slice %parallel_loop3A_87 {offsets = [6], sizes = [1], strides = [1]} : vector<16xi32> to vector<1xi32>
      %parallel_loop3A_113 = vector.extract %parallel_loop3A_112[0] : i32 from vector<1xi32>
      %parallel_loop3A_114 = arith.constant 64 : i32
      %parallel_loop3A_115 = arith.muli %parallel_loop3A_113, %parallel_loop3A_114 : i32
      %parallel_loop3A_116 = arith.constant 16 : i32
      %parallel_loop3A_117 = vector.broadcast %parallel_loop3A_116 : i32 to vector<16xi32>
      %parallel_loop3A_118 = arith.constant 0 : i32
      %parallel_loop3A_119 = arith.addi %parallel_loop3A_91, %parallel_loop3A_118 : i32
      %parallel_loop3A_120 = arith.index_cast %parallel_loop3A_119 : i32 to index
      %parallel_loop3A_121 = tpu.vector_load %arg10[%parallel_loop3A_120] {strides = array<i32>} : memref<3328xi32, #tpu.memory_space<vmem>>, vector<16xi32>,
      %parallel_loop3A_122 = arith.constant 0 : i32
      %parallel_loop3A_123 = arith.addi %parallel_loop3A_95, %parallel_loop3A_122 : i32
      %parallel_loop3A_124 = arith.index_cast %parallel_loop3A_123 : i32 to index
      %parallel_loop3A_125 = tpu.vector_load %arg10[%parallel_loop3A_124] {strides = array<i32>} : memref<3328xi32, #tpu.memory_space<vmem>>, vector<16xi32>,
      %parallel_loop3A_126 = arith.constant 0 : i32
      %parallel_loop3A_127 = arith.addi %parallel_loop3A_99, %parallel_loop3A_126 : i32
      %parallel_loop3A_128 = arith.index_cast %parallel_loop3A_127 : i32 to index
      %parallel_loop3A_129 = tpu.vector_load %arg10[%parallel_loop3A_128] {strides = array<i32>} : memref<3328xi32, #tpu.memory_space<vmem>>, vector<16xi32>,
      %parallel_loop3A_130 = arith.constant 0 : i32
      %parallel_loop3A_131 = arith.addi %parallel_loop3A_103, %parallel_loop3A_130 : i32
      %parallel_loop3A_132 = arith.index_cast %parallel_loop3A_131 : i32 to index
      %parallel_loop3A_133 = tpu.vector_load %arg10[%parallel_loop3A_132] {strides = array<i32>} : memref<3328xi32, #tpu.memory_space<vmem>>, vector<16xi32>,
      %parallel_loop3A_134 = arith.constant 0 : i32
      %parallel_loop3A_135 = arith.addi %parallel_loop3A_107, %parallel_loop3A_134 : i32
      %parallel_loop3A_136 = arith.index_cast %parallel_loop3A_135 : i32 to index
      %parallel_loop3A_137 = tpu.vector_load %arg10[%parallel_loop3A_136] {strides = array<i32>} : memref<3328xi32, #tpu.memory_space<vmem>>, vector<16xi32>,
      %parallel_loop3A_138 = arith.constant 0 : i32
      %parallel_loop3A_139 = arith.addi %parallel_loop3A_111, %parallel_loop3A_138 : i32
      %parallel_loop3A_140 = arith.index_cast %parallel_loop3A_139 : i32 to index
      %parallel_loop3A_141 = tpu.vector_load %arg10[%parallel_loop3A_140] {strides = array<i32>} : memref<3328xi32, #tpu.memory_space<vmem>>, vector<16xi32>,
      %parallel_loop3A_142 = arith.constant 0 : i32
      %parallel_loop3A_143 = arith.addi %parallel_loop3A_115, %parallel_loop3A_142 : i32
      %parallel_loop3A_144 = arith.index_cast %parallel_loop3A_143 : i32 to index
      %parallel_loop3A_145 = tpu.vector_load %arg10[%parallel_loop3A_144] {strides = array<i32>} : memref<3328xi32, #tpu.memory_space<vmem>>, vector<16xi32>,
      %parallel_loop3A_146 = arith.shli %parallel_loop3A_121, %parallel_loop3A_117 : vector<16xi32>
      %parallel_loop3A_147 = tpu.bitcast %parallel_loop3A_146 : vector<16xi32> -> vector<16xf32>
      %parallel_loop3A_148 = arith.shli %parallel_loop3A_125, %parallel_loop3A_117 : vector<16xi32>
      %parallel_loop3A_149 = tpu.bitcast %parallel_loop3A_148 : vector<16xi32> -> vector<16xf32>
      %parallel_loop3A_150 = arith.shli %parallel_loop3A_129, %parallel_loop3A_117 : vector<16xi32>
      %parallel_loop3A_151 = tpu.bitcast %parallel_loop3A_150 : vector<16xi32> -> vector<16xf32>
      %parallel_loop3A_152 = arith.shli %parallel_loop3A_133, %parallel_loop3A_117 : vector<16xi32>
      %parallel_loop3A_153 = tpu.bitcast %parallel_loop3A_152 : vector<16xi32> -> vector<16xf32>
      %parallel_loop3A_154 = arith.shli %parallel_loop3A_137, %parallel_loop3A_117 : vector<16xi32>
      %parallel_loop3A_155 = tpu.bitcast %parallel_loop3A_154 : vector<16xi32> -> vector<16xf32>
      %parallel_loop3A_156 = arith.shli %parallel_loop3A_141, %parallel_loop3A_117 : vector<16xi32>
      %parallel_loop3A_157 = tpu.bitcast %parallel_loop3A_156 : vector<16xi32> -> vector<16xf32>
      %parallel_loop3A_158 = arith.shli %parallel_loop3A_145, %parallel_loop3A_117 : vector<16xi32>
      %parallel_loop3A_159 = tpu.bitcast %parallel_loop3A_158 : vector<16xi32> -> vector<16xf32>
      %parallel_loop3A_160 = arith.andi %parallel_loop3A_121, %broadcast_in_dim3A_8 : vector<16xi32>
      %parallel_loop3A_161 = tpu.bitcast %parallel_loop3A_160 : vector<16xi32> -> vector<16xf32>
      %parallel_loop3A_162 = arith.andi %parallel_loop3A_125, %broadcast_in_dim3A_8 : vector<16xi32>
      %parallel_loop3A_163 = tpu.bitcast %parallel_loop3A_162 : vector<16xi32> -> vector<16xf32>
      %parallel_loop3A_164 = arith.andi %parallel_loop3A_129, %broadcast_in_dim3A_8 : vector<16xi32>
      %parallel_loop3A_165 = tpu.bitcast %parallel_loop3A_164 : vector<16xi32> -> vector<16xf32>
      %parallel_loop3A_166 = arith.andi %parallel_loop3A_133, %broadcast_in_dim3A_8 : vector<16xi32>
      %parallel_loop3A_167 = tpu.bitcast %parallel_loop3A_166 : vector<16xi32> -> vector<16xf32>
      %parallel_loop3A_168 = arith.andi %parallel_loop3A_137, %broadcast_in_dim3A_8 : vector<16xi32>
      %parallel_loop3A_169 = tpu.bitcast %parallel_loop3A_168 : vector<16xi32> -> vector<16xf32>
      %parallel_loop3A_170 = arith.andi %parallel_loop3A_141, %broadcast_in_dim3A_8 : vector<16xi32>
      %parallel_loop3A_171 = tpu.bitcast %parallel_loop3A_170 : vector<16xi32> -> vector<16xf32>
      %parallel_loop3A_172 = arith.andi %parallel_loop3A_145, %broadcast_in_dim3A_8 : vector<16xi32>
      %parallel_loop3A_173 = tpu.bitcast %parallel_loop3A_172 : vector<16xi32> -> vector<16xf32>
      %parallel_loop3A_174 = arith.addf %parallel_loop3A_147, %parallel_loop3A_149 : vector<16xf32>
      %parallel_loop3A_175 = arith.addf %parallel_loop3A_151, %parallel_loop3A_153 : vector<16xf32>
      %parallel_loop3A_176 = arith.addf %parallel_loop3A_174, %parallel_loop3A_175 : vector<16xf32>
      %parallel_loop3A_177 = arith.addf %parallel_loop3A_155, %parallel_loop3A_157 : vector<16xf32>
      %parallel_loop3A_178 = arith.addf %parallel_loop3A_177, %parallel_loop3A_159 : vector<16xf32>
      %parallel_loop3A_179 = arith.addf %parallel_loop3A_176, %parallel_loop3A_178 : vector<16xf32>
      %parallel_loop3A_180 = arith.addf %parallel_loop3A_161, %parallel_loop3A_163 : vector<16xf32>
      %parallel_loop3A_181 = arith.addf %parallel_loop3A_165, %parallel_loop3A_167 : vector<16xf32>
      %parallel_loop3A_182 = arith.addf %parallel_loop3A_180, %parallel_loop3A_181 : vector<16xf32>
      %parallel_loop3A_183 = arith.addf %parallel_loop3A_169, %parallel_loop3A_171 : vector<16xf32>
      %parallel_loop3A_184 = arith.addf %parallel_loop3A_183, %parallel_loop3A_173 : vector<16xf32>
      %parallel_loop3A_185 = arith.addf %parallel_loop3A_182, %parallel_loop3A_184 : vector<16xf32>
      %parallel_loop3A_186 = arith.index_cast %parallel_loop3A_81 : i32 to index
      %parallel_loop3A_187 = arith.constant 0 : index
      %parallel_loop3A_188 = tpu.vector_load %arg14[%parallel_loop3A_186, %parallel_loop3A_187] {strides = array<i32>} : memref<128x128xf32, #tpu.memory_space<vmem>>, vector<16xf32>,
      tpu.vector_store %arg14[%parallel_loop3A_186, %parallel_loop3A_187], %parallel_loop3A_179 {strides = array<i32>} : memref<128x128xf32, #tpu.memory_space<vmem>>, vector<16xf32>,
      %parallel_loop3A_189 = arith.index_cast %parallel_loop3A_81 : i32 to index
      %parallel_loop3A_190 = arith.constant 16 : index
      %parallel_loop3A_191 = tpu.vector_load %arg14[%parallel_loop3A_189, %parallel_loop3A_190] {strides = array<i32>} : memref<128x128xf32, #tpu.memory_space<vmem>>, vector<16xf32>,
      tpu.vector_store %arg14[%parallel_loop3A_189, %parallel_loop3A_190], %parallel_loop3A_185 {strides = array<i32>} : memref<128x128xf32, #tpu.memory_space<vmem>>, vector<16xf32>,
      %parallel_loop3A_192 = arith.constant 16 : i32
      %parallel_loop3A_193 = arith.addi %parallel_loop3A_91, %parallel_loop3A_192 : i32
      %parallel_loop3A_194 = arith.index_cast %parallel_loop3A_193 : i32 to index
      %parallel_loop3A_195 = tpu.vector_load %arg10[%parallel_loop3A_194] {strides = array<i32>} : memref<3328xi32, #tpu.memory_space<vmem>>, vector<16xi32>,
      %parallel_loop3A_196 = arith.constant 16 : i32
      %parallel_loop3A_197 = arith.addi %parallel_loop3A_95, %parallel_loop3A_196 : i32
      %parallel_loop3A_198 = arith.index_cast %parallel_loop3A_197 : i32 to index
      %parallel_loop3A_199 = tpu.vector_load %arg10[%parallel_loop3A_198] {strides = array<i32>} : memref<3328xi32, #tpu.memory_space<vmem>>, vector<16xi32>,
      %parallel_loop3A_200 = arith.constant 16 : i32
      %parallel_loop3A_201 = arith.addi %parallel_loop3A_99, %parallel_loop3A_200 : i32
      %parallel_loop3A_202 = arith.index_cast %parallel_loop3A_201 : i32 to index
      %parallel_loop3A_203 = tpu.vector_load %arg10[%parallel_loop3A_202] {strides = array<i32>} : memref<3328xi32, #tpu.memory_space<vmem>>, vector<16xi32>,
      %parallel_loop3A_204 = arith.constant 16 : i32
      %parallel_loop3A_205 = arith.addi %parallel_loop3A_103, %parallel_loop3A_204 : i32
      %parallel_loop3A_206 = arith.index_cast %parallel_loop3A_205 : i32 to index
      %parallel_loop3A_207 = tpu.vector_load %arg10[%parallel_loop3A_206] {strides = array<i32>} : memref<3328xi32, #tpu.memory_space<vmem>>, vector<16xi32>,
      %parallel_loop3A_208 = arith.constant 16 : i32
      %parallel_loop3A_209 = arith.addi %parallel_loop3A_107, %parallel_loop3A_208 : i32
      %parallel_loop3A_210 = arith.index_cast %parallel_loop3A_209 : i32 to index
      %parallel_loop3A_211 = tpu.vector_load %arg10[%parallel_loop3A_210] {strides = array<i32>} : memref<3328xi32, #tpu.memory_space<vmem>>, vector<16xi32>,
      %parallel_loop3A_212 = arith.constant 16 : i32
      %parallel_loop3A_213 = arith.addi %parallel_loop3A_111, %parallel_loop3A_212 : i32
      %parallel_loop3A_214 = arith.index_cast %parallel_loop3A_213 : i32 to index
      %parallel_loop3A_215 = tpu.vector_load %arg10[%parallel_loop3A_214] {strides = array<i32>} : memref<3328xi32, #tpu.memory_space<vmem>>, vector<16xi32>,
      %parallel_loop3A_216 = arith.constant 16 : i32
      %parallel_loop3A_217 = arith.addi %parallel_loop3A_115, %parallel_loop3A_216 : i32
      %parallel_loop3A_218 = arith.index_cast %parallel_loop3A_217 : i32 to index
      %parallel_loop3A_219 = tpu.vector_load %arg10[%parallel_loop3A_218] {strides = array<i32>} : memref<3328xi32, #tpu.memory_space<vmem>>, vector<16xi32>,
      %parallel_loop3A_220 = arith.shli %parallel_loop3A_195, %parallel_loop3A_117 : vector<16xi32>
      %parallel_loop3A_221 = tpu.bitcast %parallel_loop3A_220 : vector<16xi32> -> vector<16xf32>
      %parallel_loop3A_222 = arith.shli %parallel_loop3A_199, %parallel_loop3A_117 : vector<16xi32>
      %parallel_loop3A_223 = tpu.bitcast %parallel_loop3A_222 : vector<16xi32> -> vector<16xf32>
      %parallel_loop3A_224 = arith.shli %parallel_loop3A_203, %parallel_loop3A_117 : vector<16xi32>
      %parallel_loop3A_225 = tpu.bitcast %parallel_loop3A_224 : vector<16xi32> -> vector<16xf32>
      %parallel_loop3A_226 = arith.shli %parallel_loop3A_207, %parallel_loop3A_117 : vector<16xi32>
      %parallel_loop3A_227 = tpu.bitcast %parallel_loop3A_226 : vector<16xi32> -> vector<16xf32>
      %parallel_loop3A_228 = arith.shli %parallel_loop3A_211, %parallel_loop3A_117 : vector<16xi32>
      %parallel_loop3A_229 = tpu.bitcast %parallel_loop3A_228 : vector<16xi32> -> vector<16xf32>
      %parallel_loop3A_230 = arith.shli %parallel_loop3A_215, %parallel_loop3A_117 : vector<16xi32>
      %parallel_loop3A_231 = tpu.bitcast %parallel_loop3A_230 : vector<16xi32> -> vector<16xf32>
      %parallel_loop3A_232 = arith.shli %parallel_loop3A_219, %parallel_loop3A_117 : vector<16xi32>
      %parallel_loop3A_233 = tpu.bitcast %parallel_loop3A_232 : vector<16xi32> -> vector<16xf32>
      %parallel_loop3A_234 = arith.andi %parallel_loop3A_195, %broadcast_in_dim3A_8 : vector<16xi32>
      %parallel_loop3A_235 = tpu.bitcast %parallel_loop3A_234 : vector<16xi32> -> vector<16xf32>
      %parallel_loop3A_236 = arith.andi %parallel_loop3A_199, %broadcast_in_dim3A_8 : vector<16xi32>
      %parallel_loop3A_237 = tpu.bitcast %parallel_loop3A_236 : vector<16xi32> -> vector<16xf32>
      %parallel_loop3A_238 = arith.andi %parallel_loop3A_203, %broadcast_in_dim3A_8 : vector<16xi32>
      %parallel_loop3A_239 = tpu.bitcast %parallel_loop3A_238 : vector<16xi32> -> vector<16xf32>
      %parallel_loop3A_240 = arith.andi %parallel_loop3A_207, %broadcast_in_dim3A_8 : vector<16xi32>
      %parallel_loop3A_241 = tpu.bitcast %parallel_loop3A_240 : vector<16xi32> -> vector<16xf32>
      %parallel_loop3A_242 = arith.andi %parallel_loop3A_211, %broadcast_in_dim3A_8 : vector<16xi32>
      %parallel_loop3A_243 = tpu.bitcast %parallel_loop3A_242 : vector<16xi32> -> vector<16xf32>
      %parallel_loop3A_244 = arith.andi %parallel_loop3A_215, %broadcast_in_dim3A_8 : vector<16xi32>
      %parallel_loop3A_245 = tpu.bitcast %parallel_loop3A_244 : vector<16xi32> -> vector<16xf32>
      %parallel_loop3A_246 = arith.andi %parallel_loop3A_219, %broadcast_in_dim3A_8 : vector<16xi32>
      %parallel_loop3A_247 = tpu.bitcast %parallel_loop3A_246 : vector<16xi32> -> vector<16xf32>
      %parallel_loop3A_248 = arith.addf %parallel_loop3A_221, %parallel_loop3A_223 : vector<16xf32>
      %parallel_loop3A_249 = arith.addf %parallel_loop3A_225, %parallel_loop3A_227 : vector<16xf32>
      %parallel_loop3A_250 = arith.addf %parallel_loop3A_248, %parallel_loop3A_249 : vector<16xf32>
      %parallel_loop3A_251 = arith.addf %parallel_loop3A_229, %parallel_loop3A_231 : vector<16xf32>
      %parallel_loop3A_252 = arith.addf %parallel_loop3A_251, %parallel_loop3A_233 : vector<16xf32>
      %parallel_loop3A_253 = arith.addf %parallel_loop3A_250, %parallel_loop3A_252 : vector<16xf32>
      %parallel_loop3A_254 = arith.addf %parallel_loop3A_235, %parallel_loop3A_237 : vector<16xf32>
      %parallel_loop3A_255 = arith.addf %parallel_loop3A_239, %parallel_loop3A_241 : vector<16xf32>
      %parallel_loop3A_256 = arith.addf %parallel_loop3A_254, %parallel_loop3A_255 : vector<16xf32>
      %parallel_loop3A_257 = arith.addf %parallel_loop3A_243, %parallel_loop3A_245 : vector<16xf32>
      %parallel_loop3A_258 = arith.addf %parallel_loop3A_257, %parallel_loop3A_247 : vector<16xf32>
      %parallel_loop3A_259 = arith.addf %parallel_loop3A_256, %parallel_loop3A_258 : vector<16xf32>
      %parallel_loop3A_260 = arith.index_cast %parallel_loop3A_81 : i32 to index
      %parallel_loop3A_261 = arith.constant 32 : index
      %parallel_loop3A_262 = tpu.vector_load %arg14[%parallel_loop3A_260, %parallel_loop3A_261] {strides = array<i32>} : memref<128x128xf32, #tpu.memory_space<vmem>>, vector<16xf32>,
      tpu.vector_store %arg14[%parallel_loop3A_260, %parallel_loop3A_261], %parallel_loop3A_253 {strides = array<i32>} : memref<128x128xf32, #tpu.memory_space<vmem>>, vector<16xf32>,
      %parallel_loop3A_263 = arith.index_cast %parallel_loop3A_81 : i32 to index
      %parallel_loop3A_264 = arith.constant 48 : index
      %parallel_loop3A_265 = tpu.vector_load %arg14[%parallel_loop3A_263, %parallel_loop3A_264] {strides = array<i32>} : memref<128x128xf32, #tpu.memory_space<vmem>>, vector<16xf32>,
      tpu.vector_store %arg14[%parallel_loop3A_263, %parallel_loop3A_264], %parallel_loop3A_259 {strides = array<i32>} : memref<128x128xf32, #tpu.memory_space<vmem>>, vector<16xf32>,
      %parallel_loop3A_266 = arith.constant 32 : i32
      %parallel_loop3A_267 = arith.addi %parallel_loop3A_91, %parallel_loop3A_266 : i32
      %parallel_loop3A_268 = arith.index_cast %parallel_loop3A_267 : i32 to index
      %parallel_loop3A_269 = tpu.vector_load %arg10[%parallel_loop3A_268] {strides = array<i32>} : memref<3328xi32, #tpu.memory_space<vmem>>, vector<16xi32>,
      %parallel_loop3A_270 = arith.constant 32 : i32
      %parallel_loop3A_271 = arith.addi %parallel_loop3A_95, %parallel_loop3A_270 : i32
      %parallel_loop3A_272 = arith.index_cast %parallel_loop3A_271 : i32 to index
      %parallel_loop3A_273 = tpu.vector_load %arg10[%parallel_loop3A_272] {strides = array<i32>} : memref<3328xi32, #tpu.memory_space<vmem>>, vector<16xi32>,
      %parallel_loop3A_274 = arith.constant 32 : i32
      %parallel_loop3A_275 = arith.addi %parallel_loop3A_99, %parallel_loop3A_274 : i32
      %parallel_loop3A_276 = arith.index_cast %parallel_loop3A_275 : i32 to index
      %parallel_loop3A_277 = tpu.vector_load %arg10[%parallel_loop3A_276] {strides = array<i32>} : memref<3328xi32, #tpu.memory_space<vmem>>, vector<16xi32>,
      %parallel_loop3A_278 = arith.constant 32 : i32
      %parallel_loop3A_279 = arith.addi %parallel_loop3A_103, %parallel_loop3A_278 : i32
      %parallel_loop3A_280 = arith.index_cast %parallel_loop3A_279 : i32 to index
      %parallel_loop3A_281 = tpu.vector_load %arg10[%parallel_loop3A_280] {strides = array<i32>} : memref<3328xi32, #tpu.memory_space<vmem>>, vector<16xi32>,
      %parallel_loop3A_282 = arith.constant 32 : i32
      %parallel_loop3A_283 = arith.addi %parallel_loop3A_107, %parallel_loop3A_282 : i32
      %parallel_loop3A_284 = arith.index_cast %parallel_loop3A_283 : i32 to index
      %parallel_loop3A_285 = tpu.vector_load %arg10[%parallel_loop3A_284] {strides = array<i32>} : memref<3328xi32, #tpu.memory_space<vmem>>, vector<16xi32>,
      %parallel_loop3A_286 = arith.constant 32 : i32
      %parallel_loop3A_287 = arith.addi %parallel_loop3A_111, %parallel_loop3A_286 : i32
      %parallel_loop3A_288 = arith.index_cast %parallel_loop3A_287 : i32 to index
      %parallel_loop3A_289 = tpu.vector_load %arg10[%parallel_loop3A_288] {strides = array<i32>} : memref<3328xi32, #tpu.memory_space<vmem>>, vector<16xi32>,
      %parallel_loop3A_290 = arith.constant 32 : i32
      %parallel_loop3A_291 = arith.addi %parallel_loop3A_115, %parallel_loop3A_290 : i32
      %parallel_loop3A_292 = arith.index_cast %parallel_loop3A_291 : i32 to index
      %parallel_loop3A_293 = tpu.vector_load %arg10[%parallel_loop3A_292] {strides = array<i32>} : memref<3328xi32, #tpu.memory_space<vmem>>, vector<16xi32>,
      %parallel_loop3A_294 = arith.shli %parallel_loop3A_269, %parallel_loop3A_117 : vector<16xi32>
      %parallel_loop3A_295 = tpu.bitcast %parallel_loop3A_294 : vector<16xi32> -> vector<16xf32>
      %parallel_loop3A_296 = arith.shli %parallel_loop3A_273, %parallel_loop3A_117 : vector<16xi32>
      %parallel_loop3A_297 = tpu.bitcast %parallel_loop3A_296 : vector<16xi32> -> vector<16xf32>
      %parallel_loop3A_298 = arith.shli %parallel_loop3A_277, %parallel_loop3A_117 : vector<16xi32>
      %parallel_loop3A_299 = tpu.bitcast %parallel_loop3A_298 : vector<16xi32> -> vector<16xf32>
      %parallel_loop3A_300 = arith.shli %parallel_loop3A_281, %parallel_loop3A_117 : vector<16xi32>
      %parallel_loop3A_301 = tpu.bitcast %parallel_loop3A_300 : vector<16xi32> -> vector<16xf32>
      %parallel_loop3A_302 = arith.shli %parallel_loop3A_285, %parallel_loop3A_117 : vector<16xi32>
      %parallel_loop3A_303 = tpu.bitcast %parallel_loop3A_302 : vector<16xi32> -> vector<16xf32>
      %parallel_loop3A_304 = arith.shli %parallel_loop3A_289, %parallel_loop3A_117 : vector<16xi32>
      %parallel_loop3A_305 = tpu.bitcast %parallel_loop3A_304 : vector<16xi32> -> vector<16xf32>
      %parallel_loop3A_306 = arith.shli %parallel_loop3A_293, %parallel_loop3A_117 : vector<16xi32>
      %parallel_loop3A_307 = tpu.bitcast %parallel_loop3A_306 : vector<16xi32> -> vector<16xf32>
      %parallel_loop3A_308 = arith.andi %parallel_loop3A_269, %broadcast_in_dim3A_8 : vector<16xi32>
      %parallel_loop3A_309 = tpu.bitcast %parallel_loop3A_308 : vector<16xi32> -> vector<16xf32>
      %parallel_loop3A_310 = arith.andi %parallel_loop3A_273, %broadcast_in_dim3A_8 : vector<16xi32>
      %parallel_loop3A_311 = tpu.bitcast %parallel_loop3A_310 : vector<16xi32> -> vector<16xf32>
      %parallel_loop3A_312 = arith.andi %parallel_loop3A_277, %broadcast_in_dim3A_8 : vector<16xi32>
      %parallel_loop3A_313 = tpu.bitcast %parallel_loop3A_312 : vector<16xi32> -> vector<16xf32>
      %parallel_loop3A_314 = arith.andi %parallel_loop3A_281, %broadcast_in_dim3A_8 : vector<16xi32>
      %parallel_loop3A_315 = tpu.bitcast %parallel_loop3A_314 : vector<16xi32> -> vector<16xf32>
      %parallel_loop3A_316 = arith.andi %parallel_loop3A_285, %broadcast_in_dim3A_8 : vector<16xi32>
      %parallel_loop3A_317 = tpu.bitcast %parallel_loop3A_316 : vector<16xi32> -> vector<16xf32>
      %parallel_loop3A_318 = arith.andi %parallel_loop3A_289, %broadcast_in_dim3A_8 : vector<16xi32>
      %parallel_loop3A_319 = tpu.bitcast %parallel_loop3A_318 : vector<16xi32> -> vector<16xf32>
      %parallel_loop3A_320 = arith.andi %parallel_loop3A_293, %broadcast_in_dim3A_8 : vector<16xi32>
      %parallel_loop3A_321 = tpu.bitcast %parallel_loop3A_320 : vector<16xi32> -> vector<16xf32>
      %parallel_loop3A_322 = arith.addf %parallel_loop3A_295, %parallel_loop3A_297 : vector<16xf32>
      %parallel_loop3A_323 = arith.addf %parallel_loop3A_299, %parallel_loop3A_301 : vector<16xf32>
      %parallel_loop3A_324 = arith.addf %parallel_loop3A_322, %parallel_loop3A_323 : vector<16xf32>
      %parallel_loop3A_325 = arith.addf %parallel_loop3A_303, %parallel_loop3A_305 : vector<16xf32>
      %parallel_loop3A_326 = arith.addf %parallel_loop3A_325, %parallel_loop3A_307 : vector<16xf32>
      %parallel_loop3A_327 = arith.addf %parallel_loop3A_324, %parallel_loop3A_326 : vector<16xf32>
      %parallel_loop3A_328 = arith.addf %parallel_loop3A_309, %parallel_loop3A_311 : vector<16xf32>
      %parallel_loop3A_329 = arith.addf %parallel_loop3A_313, %parallel_loop3A_315 : vector<16xf32>
      %parallel_loop3A_330 = arith.addf %parallel_loop3A_328, %parallel_loop3A_329 : vector<16xf32>
      %parallel_loop3A_331 = arith.addf %parallel_loop3A_317, %parallel_loop3A_319 : vector<16xf32>
      %parallel_loop3A_332 = arith.addf %parallel_loop3A_331, %parallel_loop3A_321 : vector<16xf32>
      %parallel_loop3A_333 = arith.addf %parallel_loop3A_330, %parallel_loop3A_332 : vector<16xf32>
      %parallel_loop3A_334 = arith.index_cast %parallel_loop3A_81 : i32 to index
      %parallel_loop3A_335 = arith.constant 64 : index
      %parallel_loop3A_336 = tpu.vector_load %arg14[%parallel_loop3A_334, %parallel_loop3A_335] {strides = array<i32>} : memref<128x128xf32, #tpu.memory_space<vmem>>, vector<16xf32>,
      tpu.vector_store %arg14[%parallel_loop3A_334, %parallel_loop3A_335], %parallel_loop3A_327 {strides = array<i32>} : memref<128x128xf32, #tpu.memory_space<vmem>>, vector<16xf32>,
      %parallel_loop3A_337 = arith.index_cast %parallel_loop3A_81 : i32 to index
      %parallel_loop3A_338 = arith.constant 80 : index
      %parallel_loop3A_339 = tpu.vector_load %arg14[%parallel_loop3A_337, %parallel_loop3A_338] {strides = array<i32>} : memref<128x128xf32, #tpu.memory_space<vmem>>, vector<16xf32>,
      tpu.vector_store %arg14[%parallel_loop3A_337, %parallel_loop3A_338], %parallel_loop3A_333 {strides = array<i32>} : memref<128x128xf32, #tpu.memory_space<vmem>>, vector<16xf32>,
      %parallel_loop3A_340 = arith.constant 48 : i32
      %parallel_loop3A_341 = arith.addi %parallel_loop3A_91, %parallel_loop3A_340 : i32
      %parallel_loop3A_342 = arith.index_cast %parallel_loop3A_341 : i32 to index
      %parallel_loop3A_343 = tpu.vector_load %arg10[%parallel_loop3A_342] {strides = array<i32>} : memref<3328xi32, #tpu.memory_space<vmem>>, vector<16xi32>,
      %parallel_loop3A_344 = arith.constant 48 : i32
      %parallel_loop3A_345 = arith.addi %parallel_loop3A_95, %parallel_loop3A_344 : i32
      %parallel_loop3A_346 = arith.index_cast %parallel_loop3A_345 : i32 to index
      %parallel_loop3A_347 = tpu.vector_load %arg10[%parallel_loop3A_346] {strides = array<i32>} : memref<3328xi32, #tpu.memory_space<vmem>>, vector<16xi32>,
      %parallel_loop3A_348 = arith.constant 48 : i32
      %parallel_loop3A_349 = arith.addi %parallel_loop3A_99, %parallel_loop3A_348 : i32
      %parallel_loop3A_350 = arith.index_cast %parallel_loop3A_349 : i32 to index
      %parallel_loop3A_351 = tpu.vector_load %arg10[%parallel_loop3A_350] {strides = array<i32>} : memref<3328xi32, #tpu.memory_space<vmem>>, vector<16xi32>,
      %parallel_loop3A_352 = arith.constant 48 : i32
      %parallel_loop3A_353 = arith.addi %parallel_loop3A_103, %parallel_loop3A_352 : i32
      %parallel_loop3A_354 = arith.index_cast %parallel_loop3A_353 : i32 to index
      %parallel_loop3A_355 = tpu.vector_load %arg10[%parallel_loop3A_354] {strides = array<i32>} : memref<3328xi32, #tpu.memory_space<vmem>>, vector<16xi32>,
      %parallel_loop3A_356 = arith.constant 48 : i32
      %parallel_loop3A_357 = arith.addi %parallel_loop3A_107, %parallel_loop3A_356 : i32
      %parallel_loop3A_358 = arith.index_cast %parallel_loop3A_357 : i32 to index
      %parallel_loop3A_359 = tpu.vector_load %arg10[%parallel_loop3A_358] {strides = array<i32>} : memref<3328xi32, #tpu.memory_space<vmem>>, vector<16xi32>,
      %parallel_loop3A_360 = arith.constant 48 : i32
      %parallel_loop3A_361 = arith.addi %parallel_loop3A_111, %parallel_loop3A_360 : i32
      %parallel_loop3A_362 = arith.index_cast %parallel_loop3A_361 : i32 to index
      %parallel_loop3A_363 = tpu.vector_load %arg10[%parallel_loop3A_362] {strides = array<i32>} : memref<3328xi32, #tpu.memory_space<vmem>>, vector<16xi32>,
      %parallel_loop3A_364 = arith.constant 48 : i32
      %parallel_loop3A_365 = arith.addi %parallel_loop3A_115, %parallel_loop3A_364 : i32
      %parallel_loop3A_366 = arith.index_cast %parallel_loop3A_365 : i32 to index
      %parallel_loop3A_367 = tpu.vector_load %arg10[%parallel_loop3A_366] {strides = array<i32>} : memref<3328xi32, #tpu.memory_space<vmem>>, vector<16xi32>,
      %parallel_loop3A_368 = arith.shli %parallel_loop3A_343, %parallel_loop3A_117 : vector<16xi32>
      %parallel_loop3A_369 = tpu.bitcast %parallel_loop3A_368 : vector<16xi32> -> vector<16xf32>
      %parallel_loop3A_370 = arith.shli %parallel_loop3A_347, %parallel_loop3A_117 : vector<16xi32>
      %parallel_loop3A_371 = tpu.bitcast %parallel_loop3A_370 : vector<16xi32> -> vector<16xf32>
      %parallel_loop3A_372 = arith.shli %parallel_loop3A_351, %parallel_loop3A_117 : vector<16xi32>
      %parallel_loop3A_373 = tpu.bitcast %parallel_loop3A_372 : vector<16xi32> -> vector<16xf32>
      %parallel_loop3A_374 = arith.shli %parallel_loop3A_355, %parallel_loop3A_117 : vector<16xi32>
      %parallel_loop3A_375 = tpu.bitcast %parallel_loop3A_374 : vector<16xi32> -> vector<16xf32>
      %parallel_loop3A_376 = arith.shli %parallel_loop3A_359, %parallel_loop3A_117 : vector<16xi32>
      %parallel_loop3A_377 = tpu.bitcast %parallel_loop3A_376 : vector<16xi32> -> vector<16xf32>
      %parallel_loop3A_378 = arith.shli %parallel_loop3A_363, %parallel_loop3A_117 : vector<16xi32>
      %parallel_loop3A_379 = tpu.bitcast %parallel_loop3A_378 : vector<16xi32> -> vector<16xf32>
      %parallel_loop3A_380 = arith.shli %parallel_loop3A_367, %parallel_loop3A_117 : vector<16xi32>
      %parallel_loop3A_381 = tpu.bitcast %parallel_loop3A_380 : vector<16xi32> -> vector<16xf32>
      %parallel_loop3A_382 = arith.andi %parallel_loop3A_343, %broadcast_in_dim3A_8 : vector<16xi32>
      %parallel_loop3A_383 = tpu.bitcast %parallel_loop3A_382 : vector<16xi32> -> vector<16xf32>
      %parallel_loop3A_384 = arith.andi %parallel_loop3A_347, %broadcast_in_dim3A_8 : vector<16xi32>
      %parallel_loop3A_385 = tpu.bitcast %parallel_loop3A_384 : vector<16xi32> -> vector<16xf32>
      %parallel_loop3A_386 = arith.andi %parallel_loop3A_351, %broadcast_in_dim3A_8 : vector<16xi32>
      %parallel_loop3A_387 = tpu.bitcast %parallel_loop3A_386 : vector<16xi32> -> vector<16xf32>
      %parallel_loop3A_388 = arith.andi %parallel_loop3A_355, %broadcast_in_dim3A_8 : vector<16xi32>
      %parallel_loop3A_389 = tpu.bitcast %parallel_loop3A_388 : vector<16xi32> -> vector<16xf32>
      %parallel_loop3A_390 = arith.andi %parallel_loop3A_359, %broadcast_in_dim3A_8 : vector<16xi32>
      %parallel_loop3A_391 = tpu.bitcast %parallel_loop3A_390 : vector<16xi32> -> vector<16xf32>
      %parallel_loop3A_392 = arith.andi %parallel_loop3A_363, %broadcast_in_dim3A_8 : vector<16xi32>
      %parallel_loop3A_393 = tpu.bitcast %parallel_loop3A_392 : vector<16xi32> -> vector<16xf32>
      %parallel_loop3A_394 = arith.andi %parallel_loop3A_367, %broadcast_in_dim3A_8 : vector<16xi32>
      %parallel_loop3A_395 = tpu.bitcast %parallel_loop3A_394 : vector<16xi32> -> vector<16xf32>
      %parallel_loop3A_396 = arith.addf %parallel_loop3A_369, %parallel_loop3A_371 : vector<16xf32>
      %parallel_loop3A_397 = arith.addf %parallel_loop3A_373, %parallel_loop3A_375 : vector<16xf32>
      %parallel_loop3A_398 = arith.addf %parallel_loop3A_396, %parallel_loop3A_397 : vector<16xf32>
      %parallel_loop3A_399 = arith.addf %parallel_loop3A_377, %parallel_loop3A_379 : vector<16xf32>
      %parallel_loop3A_400 = arith.addf %parallel_loop3A_399, %parallel_loop3A_381 : vector<16xf32>
      %parallel_loop3A_401 = arith.addf %parallel_loop3A_398, %parallel_loop3A_400 : vector<16xf32>
      %parallel_loop3A_402 = arith.addf %parallel_loop3A_383, %parallel_loop3A_385 : vector<16xf32>
      %parallel_loop3A_403 = arith.addf %parallel_loop3A_387, %parallel_loop3A_389 : vector<16xf32>
      %parallel_loop3A_404 = arith.addf %parallel_loop3A_402, %parallel_loop3A_403 : vector<16xf32>
      %parallel_loop3A_405 = arith.addf %parallel_loop3A_391, %parallel_loop3A_393 : vector<16xf32>
      %parallel_loop3A_406 = arith.addf %parallel_loop3A_405, %parallel_loop3A_395 : vector<16xf32>
      %parallel_loop3A_407 = arith.addf %parallel_loop3A_404, %parallel_loop3A_406 : vector<16xf32>
      %parallel_loop3A_408 = arith.index_cast %parallel_loop3A_81 : i32 to index
      %parallel_loop3A_409 = arith.constant 96 : index
      %parallel_loop3A_410 = tpu.vector_load %arg14[%parallel_loop3A_408, %parallel_loop3A_409] {strides = array<i32>} : memref<128x128xf32, #tpu.memory_space<vmem>>, vector<16xf32>,
      tpu.vector_store %arg14[%parallel_loop3A_408, %parallel_loop3A_409], %parallel_loop3A_401 {strides = array<i32>} : memref<128x128xf32, #tpu.memory_space<vmem>>, vector<16xf32>,
      %parallel_loop3A_411 = arith.index_cast %parallel_loop3A_81 : i32 to index
      %parallel_loop3A_412 = arith.constant 112 : index
      %parallel_loop3A_413 = tpu.vector_load %arg14[%parallel_loop3A_411, %parallel_loop3A_412] {strides = array<i32>} : memref<128x128xf32, #tpu.memory_space<vmem>>, vector<16xf32>,
      tpu.vector_store %arg14[%parallel_loop3A_411, %parallel_loop3A_412], %parallel_loop3A_407 {strides = array<i32>} : memref<128x128xf32, #tpu.memory_space<vmem>>, vector<16xf32>,
    } {sc.loop_unroll_factor = 2 : i64, sc.parallel_access}
    %add3A_67 = arith.constant 384 : i32
    %add3A_68 = arith.addi %mul3A_2, %add3A_67 : i32
    %dma_start3A_69 = arith.constant 0 : i32
    %dma_start3A_70 = tpu.memref_slice %arg6[%add3A_68, %dma_start3A_69] : memref<16384x128xf32, #tpu.memory_space<hbm>> -> memref<128x128xf32, #tpu.memory_space<hbm>>
    %dma_start3A_71 = arith.constant 0 : i32
    %dma_start3A_72 = tpu.memref_slice %arg6[%add3A_68, %dma_start3A_71] : memref<16384x128xf32, #tpu.memory_space<hbm>> -> memref<128x128xf32, #tpu.memory_space<hbm>>
    tpu.enqueue_dma source(%arg14 : memref<128x128xf32, #tpu.memory_space<vmem>>) target(%dma_start3A_72 : memref<128x128xf32, #tpu.memory_space<hbm>>) target_semaphore(%arg17 : memref<!tpu.dma_semaphore, #tpu.memory_space<semaphore_mem>>)
    %dma_wait3A_73 = arith.constant 0 : i32
    %dma_wait3A_74 = tpu.memref_slice %arg6[%add3A_55, %dma_wait3A_73] : memref<16384x128xf32, #tpu.memory_space<hbm>> -> memref<128x128xf32, #tpu.memory_space<hbm>>
    %dma_wait3A_75 = arith.constant 0 : i32
    %dma_wait3A_76 = tpu.memref_slice %arg6[%add3A_55, %dma_wait3A_75] : memref<16384x128xf32, #tpu.memory_space<hbm>> -> memref<128x128xf32, #tpu.memory_space<hbm>>
    tpu.wait_dma2 semaphore(%arg16 : memref<!tpu.dma_semaphore, #tpu.memory_space<semaphore_mem>>) src(%arg13 : memref<128x128xf32, #tpu.memory_space<vmem>>) dst(%dma_wait3A_76 : memref<128x128xf32, #tpu.memory_space<hbm>>)
    %dma_wait3A_77 = arith.constant 0 : i32
    %dma_wait3A_78 = tpu.memref_slice %arg6[%add3A_68, %dma_wait3A_77] : memref<16384x128xf32, #tpu.memory_space<hbm>> -> memref<128x128xf32, #tpu.memory_space<hbm>>
    %dma_wait3A_79 = arith.constant 0 : i32
    %dma_wait3A_80 = tpu.memref_slice %arg6[%add3A_68, %dma_wait3A_79] : memref<16384x128xf32, #tpu.memory_space<hbm>> -> memref<128x128xf32, #tpu.memory_space<hbm>>
    tpu.wait_dma2 semaphore(%arg17 : memref<!tpu.dma_semaphore, #tpu.memory_space<semaphore_mem>>) src(%arg14 : memref<128x128xf32, #tpu.memory_space<vmem>>) dst(%dma_wait3A_80 : memref<128x128xf32, #tpu.memory_space<hbm>>)
    return
  }
}

</mosaic_0001>

<sc_bundles>
// kernel: kernel.3.cloned.1.call-start
scs
__scs_entry_jumppad:
0x0: {  	(pc) =	sbr.rel $0x88, $3  }
0x1: {  	(tag) =	ssettag $0x0;
	lr =	simm.s32 $0x1  }
0x2: {  	[smem:$0x3F9D] =	sst lr;
	_ =	strace $0xD0000000  }
0x3: {  	_ = 	snop  }
0x4: {  	_ = 	snop  }
0x5: {  	_ = 	snop  }
0x6: {  	_ = 	snop  }
0x7: {  	_ = 	snop  }
__scs_overlays_trampoline_lowered:
0x8: {  	[smem:$0x3FAC] =	sst s0  }
0x9: {  	[smem:$0x3FAD] =	sst s1  }
0xa: {  	[smem:$0x3FAE] =	sst s2  }
0xb: {  	[smem:$0x3FAF] =	sst s3  }
0xc: {  	[smem:$0x3FB0] =	sst s4  }
0xd: {  	[smem:$0x3FB1] =	sst s5  }
0xe: {  	[smem:$0x3FB2] =	sst s6  }
0xf: {  	[smem:$0x3FB3] =	sst s7  }
0x10: {  	[smem:$0x3FB4] =	sst s8  }
0x11: {  	[smem:$0x3FB5] =	sst s9;
	s0 =	simm.s32 @!p0 $0x0  }
0x12: {  	s1 =	sld [smem:$0x3F9B];
	s0 =	simm.s32 @p0 $0x1  }
0x13: {  	[smem:$0x3FB6] =	sst s0;
	s0 =	simm.s32 @!p1 $0x0  }
0x14: {  	s2 =	sld [smem:$0x3F9A];
	s0 =	simm.s32 @p1 $0x1  }
0x15: {  	[smem:$0x3FB7] =	sst s0;
	s0 =	simm.s32 @!p2 $0x0  }
0x16: {  	s3 =	sld [smem:$0x3FDB];
	s0 =	simm.s32 @p2 $0x1  }
0x17: {  	s4 =	simm.s32 $0x1BF5;
	[smem:$0x3FB9] =	sst s0  }
0x18: {  	s0 =	sld [smem:$0x3F9C];
	_ =	swait.ge [sflag:s4], $0x0  }
0x19: {  	s7 =	sld [smem:$0x3F9D]  }
0x1a: {  	s8 =	sadd.s32 $0xFFFFE003, lr  }
0x1b: {  	s9 =	sadd.s32 $0xFFFFFEF7, lr;
	s5 =	simm.s32 $0xFFFFFFFF;
	p2 =	slt.u32 s8, $0xFFFFF086  }
0x1c: {  	p1 =	slt.u32 s9, $0xF7A;
	s5 =	simm.s32 @!p2 $0x0  }
0x1d: {  	s5 =	simm.s32 @p1 $0x1;
	p0 =	seq.s32 s7, s2  }
0x1e: {  	s7 =	smul.u32 @!p0 $0xF7A, s2;
	p2 =	seq.s32 @!p0 s5, $0x0  }
0x1f: {  	s9 =	smul.u32 $0xF7A, s1;
	s8 =	simm.s32 @!p0 $0x1BF5;
	p2 =	por !p2, p0  }
0x20: {  	[sflag:s8] =	ssyncset.s32 @!p0 $0xFFFFF086;
	s6 =	sadd.s32 @!p0 s3, s7;
	s7 =	simm.s32 @!p0 $0x108  }
0x21: {  	s3 =	sadd.s32 s3, s9;
	s6 =	sadd.s32 @!p0 $0x88, s6;
	s7 =	simm.s32 @p2 $0x1082  }
0x22: {  	[simem:s7], [sflag:s8] =	dma.local @!p0 [hbm:s6], $0xF7A  }
0x23: {  	s9 =	sor.u32 $0xD0000000, s2;
	s6 =	simm.s32 $0x108;
	_ =	swait.ge @!p0 [sflag:s8], $0x0  }
0x24: {  	s3 =	sadd.s32 $0x88, s3;
	s6 =	simm.s32 @!p1 $0x1082;
	[sflag:s4] =	ssyncset.s32 $0xFFFFF086  }
0x25: {  	[simem:s6], [sflag:s4] =	dma.local [hbm:s3], $0xF7A  }
0x26: {  	[smem:$0x3F9D] =	sst s1;
	(tag) =	ssettag s2;
	_ =	strace s9  }
0x27: {  	s1 =	sld [smem:$0x3FAD]  }
0x28: {  	s2 =	sld [smem:$0x3FAE]  }
0x29: {  	s4 =	sld [smem:$0x3FB0]  }
0x2a: {  	p0 =	seq.s32 s5, $0x0;
	s5 =	sld [smem:$0x3FB1]  }
0x2b: {  	s6 =	sld [smem:$0x3FB2]  }
0x2c: {  	s7 =	sld [smem:$0x3FB3]  }
0x2d: {  	s3 =	simm.s32 $0x108;
	s8 =	sld [smem:$0x3FB4]  }
0x2e: {  	s3 =	simm.s32 @!p0 $0x1082;
	s9 =	sld [smem:$0x3FB5]  }
0x2f: {  	lr =	sadd.s32 s0, s3;
	s0 =	sld [smem:$0x3FAC]  }
0x30: {  	s3 =	sld [smem:$0x3FAF]  }
0x31: {  	[smem:$0x3FB8] =	sst s10  }
0x32: {  	s10 =	sld [smem:$0x3FB6];
	_ =	sdelay $0x3  }
0x33: {  	p0 =	seq.s32 s10, $0x1;
	s10 =	sld [smem:$0x3FB8];
	_ =	sdelay $0x3  }
0x34: {  	[smem:$0x3FB8] =	sst s10  }
0x35: {  	s10 =	sld [smem:$0x3FB7];
	_ =	sdelay $0x3  }
0x36: {  	p1 =	seq.s32 s10, $0x1;
	s10 =	sld [smem:$0x3FB8];
	_ =	sdelay $0x3  }
0x37: {  	[smem:$0x3FB8] =	sst s10  }
0x38: {  	s10 =	sld [smem:$0x3FB9]  }
0x39: {  	_ = 	snop;
	(pc) =	sbr.ind lr, $3  }
0x3a: {  	_ = 	snop  }
0x3b: {  	_ = 	snop  }
0x3c: {  	p2 =	seq.s32 s10, $0x1;
	s10 =	sld [smem:$0x3FB8]  }
0x3d: {  	_ =	shalt  }
0x3e: {  	_ =	shalt  }
0x3f: {  	_ =	shalt  }
0x40: {  	_ =	shalt  }
0x41: {  	_ =	shalt  }
0x42: {  	_ =	shalt  }
0x43: {  	_ =	shalt  }
0x44: {  	_ =	shalt  }
0x45: {  	_ =	shalt  }
0x46: {  	_ =	shalt  }
0x47: {  	_ =	shalt  }
0x48: {  	_ =	shalt  }
0x49: {  	_ =	shalt  }
0x4a: {  	_ =	shalt  }
0x4b: {  	_ =	shalt  }
0x4c: {  	_ =	shalt  }
0x4d: {  	_ =	shalt  }
0x4e: {  	_ =	shalt  }
0x4f: {  	_ =	shalt  }
0x50: {  	_ =	shalt  }
0x51: {  	_ =	shalt  }
0x52: {  	_ =	shalt  }
0x53: {  	_ =	shalt  }
0x54: {  	_ =	shalt  }
0x55: {  	_ =	shalt  }
0x56: {  	_ =	shalt  }
0x57: {  	_ =	shalt  }
0x58: {  	_ =	shalt  }
0x59: {  	_ =	shalt  }
0x5a: {  	_ =	shalt  }
0x5b: {  	_ =	shalt  }
0x5c: {  	_ =	shalt  }
0x5d: {  	_ =	shalt  }
0x5e: {  	_ =	shalt  }
0x5f: {  	_ =	shalt  }
0x60: {  	_ =	shalt  }
0x61: {  	_ =	shalt  }
0x62: {  	_ =	shalt  }
0x63: {  	_ =	shalt  }
0x64: {  	_ =	shalt  }
0x65: {  	_ =	shalt  }
0x66: {  	_ =	shalt  }
0x67: {  	_ =	shalt  }
0x68: {  	_ =	shalt  }
0x69: {  	_ =	shalt  }
0x6a: {  	_ =	shalt  }
0x6b: {  	_ =	shalt  }
0x6c: {  	_ =	shalt  }
0x6d: {  	_ =	shalt  }
0x6e: {  	_ =	shalt  }
0x6f: {  	_ =	shalt  }
0x70: {  	_ =	shalt  }
0x71: {  	_ =	shalt  }
0x72: {  	_ =	shalt  }
0x73: {  	_ =	shalt  }
0x74: {  	_ =	shalt  }
0x75: {  	_ =	shalt  }
0x76: {  	_ =	shalt  }
0x77: {  	_ =	shalt  }
0x78: {  	_ =	shalt  }
0x79: {  	_ =	shalt  }
0x7a: {  	_ =	shalt  }
0x7b: {  	_ =	shalt  }
0x7c: {  	_ =	shalt  }
0x7d: {  	_ =	shalt  }
0x7e: {  	_ =	shalt  }
0x7f: {  	_ =	shalt  }
0x80: {  	_ =	shalt  }
0x81: {  	_ =	shalt  }
0x82: {  	_ =	shalt  }
0x83: {  	_ =	shalt  }
0x84: {  	_ =	shalt  }
0x85: {  	_ =	shalt  }
0x86: {  	_ =	shalt  }
0x87: {  	_ =	shalt  }
.Lfunc_end0:
.L_simem_size_0:
called_computation_lowered:
.L_overlay_start_0:
0x88: {  	s2 =	sld [smem:$0x3FD9]  }
0x89: {  	s3 =	sld [smem:$0x3FFE];
	_ =	sdelay $0x1  }
0x8a: {  	s1 =	srdreg.scid  }
0x8b: {  	s0 =	sand.u32 $0x1, s1  }
0x8c: {  	s18 =	sshll.u32 s0, $0xA;
	s2 =	sadd.s32 s3, s2  }
0x8d: {  	s2 =	sadd.s32 s2, s18  }
0x8e: {  	[smem:$0x3FC4] =	sst s2  }
0x8f: {  	_ = 	snop  }
0x90: {  	s2 =	sld [smem:$0x3FC9]  }
0x91: {  	s19 =	sld [smem:$0x3FC8]  }
0x92: {  	s4 =	sld [smem:$0x3FC7]  }
0x93: {  	s5 =	sld [smem:$0x3FC6]  }
0x94: {  	s6 =	sld [smem:$0x3FD0];
	(tm) =	ssettm $0x1  }
0x95: {  	s7 =	sld [smem:$0x3FFB];
	_ =	sdelay $0x3  }
0x96: {  	_ =	strace s7  }
0x97: {  	s7 =	sld [smem:$0x3FFC];
	_ =	sdelay $0x3  }
0x98: {  	_ =	strace s7  }
0x99: {  	s7 =	sld [smem:$0x3FFD];
	_ =	sdelay $0x3  }
0x9a: {  	_ =	strace s7  }
0x9b: {  	_ =	strace $0x8FFFFFFF  }
0x9c: {  	s20 =	sld [smem:$0x3FDB];
	_ =	sdelay $0x1  }
0x9d: {  	s8 =	simm.s32 $_scs_section_size  }
0x9e: {  	s9 =	simm.s32 $_size__tile_overlayer_lowered;
	s10 =	simm.s32 $_tile_overlayer_lowered  }
0x9f: {  	s23 =	simm.s32 $0x1BFF;
	s22 =	sshll.u32 s10, $0x1;
	s7 =	sadd.s32 s8, s20  }
0xa0: {  	s11 =	simm.s32 $0x0;
	s21 =	sshll.u32 s9, $0x1;
	s9 =	sadd.s32 s22, s7  }
0xa1: {  	[timem:s11], [sflag:s23] =	dma.local [hbm:s9], s21  }
0xa2: {  	_ =	swait.ge [sflag:s23], s21  }
0xa3: {  	s8 =	ssub.s32 $0x0, s21;
	[sflag:s23] =	ssyncset.done $0x0  }
0xa4: {  	[sflag:s23] =	ssyncadd.s32 s8;
	_ =	sdelay $0x1  }
0xa5: {  	s24 =	simm.s32 $0x1B8B  }
0xa6: {  	_ =	swait.ge [sflag:s24], $0x1  }
0xa7: {  	[sflag:s24] =	ssyncset.done $0x0  }
0xa8: {  	s25 =	simm.s32 $0x1B8E;
	[sflag:s24] =	ssyncadd.s32 $0xFFFFFFFF  }
0xa9: {  	s26 =	simm.s32 $execute0_lowered;
	[smem:$0x3FD2] =	sst s25  }
0xaa: {  	s8 =	sshll.u32 s26, $0x1;
	_ =	strace $0x80000046;
	[dreg:$0x1] =	wrdreg $0xFFFFFFFF  }
0xab: {  	s28 =	simm.s32 $_size_execute0_lowered;
	s7 =	sadd.s32 s7, s8;
	[dreg:$0x0] =	wrdreg $0x0  }
0xac: {  	s8 =	sshll.u32 s28, $0x1;
	[dreg:$0x2] =	wrdreg s7  }
0xad: {  	[dreg:$0x3] =	wrdreg s8  }
0xae: {  	[dreg:$0x4] =	wrdreg $0xC0  }
0xaf: {  	_ =	task [dreg:s11], $0x5FFFF  }
0xb0: {  	[dreg:$0x1] =	wrdreg $0xFFFFFFFF  }
0xb1: {  	[dreg:$0x0] =	wrdreg $0x60  }
0xb2: {  	[dreg:$0x2] =	wrdreg s2  }
0xb3: {  	[dreg:$0x3] =	wrdreg s19  }
0xb4: {  	[dreg:$0x4] =	wrdreg s4  }
0xb5: {  	[dreg:$0x5] =	wrdreg s5  }
0xb6: {  	[dreg:$0x6] =	wrdreg s6  }
0xb7: {  	[dreg:$0x7] =	wrdreg $0x9  }
0xb8: {  	_ =	task.clear_ibuf [dreg:s11], $0x8FFFF;
	_ =	strace $0x90000046  }
0xb9: {  	s29 =	simm.s32 $0x9;
	_ =	strace $0x80000048  }
0xba: {  	_ =	swait.ge [sflag:s29], $0x1  }
0xbb: {  	[sflag:s29] =	ssyncadd.s32 $0xFFFFFFFF  }
0xbc: {  	_ =	strace $0x90000048  }
0xbd: {  	_ =	sfence  }
0xbe: {  	s30 =	sld [smem:$0x0];
	_ =	sdelay $0x2  }
0xbf: {  	s31 =	sshll.u32 s1, $0xD;
	s1 =	sshrl.u32 s1, $0x2  }
0xc0: {  	s3 =	sand.u32 $0x4000, s31;
	s1 =	sadd.s32 s1, s30  }
0xc1: {  	s0 =	sor.u32 s3, s0;
	s1 =	sshll.u32 s1, $0x11  }
0xc2: {  	s0 =	sor.u32 s1, s0  }
0xc3: {  	s0 =	sadd.s32 $0x8F2B, s0  }
0xc4: {  	[sflag:s0] =	ssyncadd.remote.s32 $0x1  }
0xc5: {  	_ =	sfence.sel $0xFFFF  }
0xc6: {  	[dreg:$0x0] =	wrdreg $0xFFFFFFFF;
	(pc) =	sbr.abs _section_cstart, $3  }
0xc7: {  	[dreg:$0x1] =	wrdreg $0xFFFFFFFF  }
0xc8: {  	_ =	task.clear_ibuf [dreg:s11], $0x2FFFF;
	_ =	strace $0x9FFFFFFF  }
0xc9: {  	(tm) =	ssettm $0x7FFFFFFF  }
tec
execute0_lowered:
.L_overlay_start_1:
0x0: {  	(tag) =	ssettag $0x1  }
0x1: {  	s0 =	rddreg [dreg:$0x0]  }
0x2: {  	s1 =	rddreg [dreg:$0x4];
	s2 =	srdreg.scid  }
0x3: {  	s3 =	stileid.u32;
	s5 =	simm.s32 $0x0;
	s2 =	sand.u32 $0x1, s2  }
0x4: {  	s3 =	sshll.u32 s3, $0xA;
	[smem:$0x7FF] =	sst s5;
	s4 =	sshll.u32 s2, $0x9  }
0x5: {  	s2 =	ssub.s32 $0x2, s2;
	_ =	strace $0x80000047;
	s3 =	sor.u32 s4, s3  }
0x6: {  	s28 =	sshrl.u32 s2, $0x1;
	s6 =	sshll.u32 s3, $0x4;
	s0 =	sadd.s32 s0, s3  }
0x7: {  	s2 =	ssub.s32 s2, s28;
	[dreg:$0x6] =	wrdreg s0;
	s29 =	sadd.s32 s1, s6  }
0x8: {  	s31 =	smax.u32 s2, $0x1;
	[dreg:$0x7] =	wrdreg s29  }
0x9: {  	s13 =	simm.s32 $0x4;
	s1 =	sadd.s32 $0x800, s29;
	[dreg:$0xb] =	wrdreg s31  }
0xa: {  	v1 =	vlaneseq.u32;
	s17 =	simm.s32 $0x4300;
	s30 =	sadd.s32 $0x1000, s29;
	[dreg:$0x8] =	wrdreg s1  }
0xb: {  	s20 =	simm.s32 $0x2;
	v1 =	vmul.u32 $0x7, v1;
	s0 =	sadd.s32 $0x1800, s29;
	[dreg:$0x9] =	wrdreg s30  }
0xc: {  	v0 =	vimm.s32 $0x0;
	s21 =	simm.s32 $0x3;
	s22 =	simm.s32 $0x0;
	[dreg:$0xa] =	wrdreg s0  }
.LBB2_1:
0xd: {  	s0 =	rddreg [dreg:$0x6];
	s1 =	simm.s32 $0x3300  }
0xe: {  	[tilespmem:s1], [sflag:$0x1] =	stream.linear.gather [hbm4b:s0+s5], $0x1000, $0x38;
	[tilespmem:$0xD180] =	vst v63  }
0xf: {  	s24 =	rddreg [dreg:$0x1]  }
0x10: {  	[tilespmem:s5], [sflag:$0x4] =	stream.linear.gather [hbm4b:s24+s5], $0x1A00, $0x38;
	[tilespmem:$0xD180] =	vst v63  }
0x11: {  	_ =	swait.ge [sflag:s13], $0x1A00  }
0x12: {  	[sflag:s13] =	ssyncset.done $0x0  }
0x13: {  	[sflag:s13] =	ssyncadd.s32 $0xFFFFE600  }
0x14: {  	s26 =	simm.s32 $0x1C00;
	s25 =	rddreg [dreg:$0x2]  }
0x15: {  	[tilespmem:s26], [sflag:$0x4] =	stream.linear.gather [hbm4b:s25+s5], $0x680, $0x38;
	[tilespmem:$0xD180] =	vst v63  }
0x16: {  	_ =	swait.ge [sflag:s13], $0x680  }
0x17: {  	[sflag:s13] =	ssyncset.done $0x0  }
0x18: {  	[sflag:s13] =	ssyncadd.s32 $0xFFFFF980  }
0x19: {  	s29 =	simm.s32 $0x2400;
	s28 =	rddreg [dreg:$0x3]  }
0x1a: {  	[tilespmem:s29], [sflag:$0x4] =	stream.linear.gather [hbm4b:s28+s5], $0x200, $0x38;
	[tilespmem:$0xD180] =	vst v63  }
0x1b: {  	_ =	swait.ge [sflag:s13], $0x200  }
0x1c: {  	s30 =	simm.s32 $0x20;
	[sflag:s13] =	ssyncset.done $0x0  }
0x1d: {  	s1 =	sand.u32 $0x1FFFFF80, s30;
	[sflag:s13] =	ssyncadd.s32 $0xFFFFFE00  }
0x1e: {  	s3 =	simm.s32 $0xF0;
	v2 =	vld [tilespmem:s1+$0x1C10]  }
0x1f: {  	v3 =	vld [tilespmem:s3+$0xFFFFFFA0]  }
0x20: {  	s31 =	simm.s32 $0x80;
	v4 =	vld [tilespmem:s1+$0x1C00]  }
0x21: {  	s2 =	sand.u32 $0x180, s31;
	v5 =	vld [tilespmem:s3+$0xFFFFFF90]  }
0x22: {  	v6 =	vld [tilespmem:s2+$0x2410]  }
0x23: {  	v7 =	vld [tilespmem:s2+$0x2400];
	_ =	sdelay $0x2  }
0x24: {  	v2 =	vadd.f32 v2, v3;
	v3 =	vadd.f32 v4, v5;
	_ =	sdelay $0x1  }
0x25: {  	v2 =	vadd.f32 v6, v2;
	v3 =	vadd.f32 v7, v3;
	_ =	sdelay $0x1  }
0x26: {  	v2 =	vadd.s32 $0x8000, v2;
	v3 =	vadd.s32 $0x8000, v3  }
0x27: {  	v2 =	vand.u32 $0xFFFF0000, v2;
	v3 =	vshrl.u32 v3, $0x10  }
0x28: {  	s0 =	simm.s32 $0x2670;
	v2 =	vor.u32 v3, v2  }
0x29: {  	[tilespmem:s0+$0xFFFFFFD0] =	vst v2  }
0x2a: {  	v2 =	vld [tilespmem:s1+$0x1C20]  }
0x2b: {  	v3 =	vld [tilespmem:s3+$0xFFFFFFC0]  }
0x2c: {  	v4 =	vld [tilespmem:s3+$0xFFFFFFB0]  }
0x2d: {  	v5 =	vld [tilespmem:s1+$0x1C30]  }
0x2e: {  	s4 =	simm.s32 $0x40;
	v6 =	vld [tilespmem:s2+$0x2420]  }
0x2f: {  	s4 =	sand.u32 $0x1FFFFF80, s4;
	v7 =	vld [tilespmem:s2+$0x2430]  }
0x30: {  	s6 =	simm.s32 $0x170;
	v8 =	vld [tilespmem:s4+$0x1C10]  }
0x31: {  	v9 =	vld [tilespmem:s6+$0xFFFFFFA0]  }
0x32: {  	s7 =	simm.s32 $0x100;
	v10 =	vld [tilespmem:s4+$0x1C00];
	v2 =	vadd.f32 v2, v4;
	v3 =	vadd.f32 v5, v3  }
0x33: {  	s7 =	sand.u32 $0x180, s7;
	v4 =	vld [tilespmem:s6+$0xFFFFFF90]  }
0x34: {  	v5 =	vld [tilespmem:s7+$0x2410];
	v2 =	vadd.f32 v6, v2;
	v3 =	vadd.f32 v7, v3  }
0x35: {  	v6 =	vld [tilespmem:s7+$0x2400]  }
0x36: {  	v2 =	vadd.s32 $0x8000, v2;
	v3 =	vadd.s32 $0x8000, v3  }
0x37: {  	v2 =	vshrl.u32 v2, $0x10;
	v3 =	vand.u32 $0xFFFF0000, v3  }
0x38: {  	v7 =	vadd.f32 v8, v9;
	v4 =	vadd.f32 v10, v4;
	v2 =	vor.u32 v2, v3  }
0x39: {  	[tilespmem:s0+$0xFFFFFFE0] =	vst v2  }
0x3a: {  	v2 =	vadd.f32 v5, v7;
	v3 =	vadd.f32 v6, v4;
	v6 =	vld [tilespmem:s3+$0xFFFFFFD0]  }
0x3b: {  	v7 =	vld [tilespmem:s1+$0x1C40]  }
0x3c: {  	v9 =	vld [tilespmem:s3+$0xFFFFFFE0];
	v2 =	vadd.s32 $0x8000, v2;
	v3 =	vadd.s32 $0x8000, v3  }
0x3d: {  	v10 =	vld [tilespmem:s1+$0x1C50];
	v2 =	vand.u32 $0xFFFF0000, v2;
	v3 =	vshrl.u32 v3, $0x10  }
0x3e: {  	s9 =	simm.s32 $0x26B0;
	v5 =	vld [tilespmem:s2+$0x2440];
	v3 =	vor.u32 v3, v2  }
0x3f: {  	v2 =	vld [tilespmem:s2+$0x2450];
	[tilespmem:s9+$0xFFFFFFD0] =	vst v3  }
0x40: {  	v3 =	vld [tilespmem:s7+$0x2420]  }
0x41: {  	v4 =	vld [tilespmem:s7+$0x2430]  }
0x42: {  	v8 =	vld [tilespmem:s4+$0x1C20]  }
0x43: {  	s10 =	simm.s32 $0x180;
	s11 =	simm.s32 $0x1F0;
	s8 =	simm.s32 $0x26B0;
	v6 =	vadd.f32 v7, v6;
	v7 =	vadd.f32 v10, v9;
	v9 =	vld [tilespmem:s6+$0xFFFFFFC0]  }
.LBB2_2:
0x44: {  	s12 =	sshrl.u32 s10, $0x2  }
0x45: {  	p0 =	sne.s32 s10, $0x1980;
	v10 =	vld [tilespmem:s6+$0xFFFFFFB0];
	v5 =	vadd.f32 v5, v6;
	s14 =	smov.u32 s10;
	s10 =	sadd.s32 $0x80, s10  }
0x46: {  	s12 =	sand.u32 $0x1FFFFF80, s12;
	v6 =	vld [tilespmem:s4+$0x1C30]  }
0x47: {  	v2 =	vadd.f32 v2, v7;
	v11 =	vld [tilespmem:s12+$0x1C10];
	v5 =	vadd.s32 $0x8000, v5  }
0x48: {  	s14 =	sand.u32 $0x180, s14;
	v7 =	vld [tilespmem:s11+$0xFFFFFFA0];
	v5 =	vshrl.u32 v5, $0x10  }
0x49: {  	v2 =	vadd.s32 $0x8000, v2;
	v12 =	vld [tilespmem:s12+$0x1C00]  }
0x4a: {  	v2 =	vand.u32 $0xFFFF0000, v2;
	v13 =	vld [tilespmem:s14+$0x2410];
	v8 =	vadd.f32 v8, v10  }
0x4b: {  	v2 =	vor.u32 v5, v2;
	v10 =	vld [tilespmem:s14+$0x2400];
	v6 =	vadd.f32 v6, v9  }
0x4c: {  	v5 =	vld [tilespmem:s11+$0xFFFFFF90];
	v3 =	vadd.f32 v3, v8;
	[tilespmem:s0+$0xFFFFFFF0] =	vst v2  }
0x4d: {  	v2 =	vadd.f32 v11, v7;
	v4 =	vadd.f32 v4, v6;
	v6 =	vld [tilespmem:s3+$0xFFFFFFF0]  }
0x4e: {  	v7 =	vld [tilespmem:s1+$0x1C60]  }
0x4f: {  	v3 =	vadd.s32 $0x8000, v3;
	v2 =	vadd.f32 v13, v2;
	v4 =	vadd.s32 $0x8000, v4;
	v8 =	vld [tilespmem:s3+$0x0];
	s3 =	smov.u32 s6;
	s6 =	smov.u32 s11  }
0x50: {  	v3 =	vshrl.u32 v3, $0x10;
	v4 =	vand.u32 $0xFFFF0000, v4;
	v9 =	vld [tilespmem:s1+$0x1C70];
	s1 =	smov.u32 s4;
	s4 =	smov.u32 s12  }
0x51: {  	v5 =	vadd.f32 v12, v5;
	v2 =	vadd.s32 $0x8000, v2;
	v3 =	vor.u32 v3, v4;
	v4 =	vld [tilespmem:s2+$0x2460]  }
0x52: {  	v2 =	vand.u32 $0xFFFF0000, v2;
	[tilespmem:s9+$0xFFFFFFE0] =	vst v3;
	v3 =	vld [tilespmem:s2+$0x2470];
	s2 =	smov.u32 s7;
	s7 =	smov.u32 s14  }
0x53: {  	s9 =	sadd.s32 $0x40, s9;
	v5 =	vadd.f32 v10, v5;
	v10 =	vld [tilespmem:s3+$0xFFFFFFD0];
	v6 =	vadd.f32 v7, v6  }
0x54: {  	v7 =	vld [tilespmem:s1+$0x1C40]  }
0x55: {  	v5 =	vadd.s32 $0x8000, v5;
	v11 =	vld [tilespmem:s3+$0xFFFFFFE0];
	v8 =	vadd.f32 v9, v8  }
0x56: {  	v5 =	vshrl.u32 v5, $0x10;
	v9 =	vld [tilespmem:s1+$0x1C50];
	v4 =	vadd.f32 v4, v6  }
0x57: {  	v5 =	vor.u32 v5, v2;
	v2 =	vld [tilespmem:s2+$0x2450];
	v8 =	vadd.f32 v3, v8  }
.Ltmp0:
0x58: {  	[tilespmem:s9+$0xFFFFFFD0] =	vst v5;
	v5 =	vld [tilespmem:s2+$0x2440];
	v12 =	vadd.s32 $0x8000, v4;
	(pc) =	sbr.rel @p0 .LBB2_2-.Ltmp0, $4  }
0x59: {  	v3 =	vld [tilespmem:s7+$0x2420];
	v6 =	vadd.f32 v7, v10;
	v7 =	vadd.s32 $0x8000, v8  }
0x5a: {  	v10 =	vshrl.u32 v12, $0x10;
	v4 =	vld [tilespmem:s7+$0x2430];
	v12 =	vand.u32 $0xFFFF0000, v7  }
0x5b: {  	v8 =	vld [tilespmem:s4+$0x1C20];
	v7 =	vadd.f32 v9, v11;
	v10 =	vor.u32 v10, v12  }
0x5c: {  	s11 =	sadd.s32 $0x80, s11;
	v9 =	vld [tilespmem:s6+$0xFFFFFFC0];
	[tilespmem:s0+$0x0] =	vst v10;
	s0 =	smov.u32 s8;
	s8 =	smov.u32 s9  }
0x5d: {  	v10 =	vld [tilespmem:s6+$0xFFFFFFB0]  }
0x5e: {  	v11 =	vld [tilespmem:s4+$0x1C30];
	_ =	sdelay $0x4  }
0x5f: {  	v8 =	vadd.f32 v8, v10;
	v9 =	vadd.f32 v11, v9;
	_ =	sdelay $0x1  }
0x60: {  	v3 =	vadd.f32 v3, v8;
	v4 =	vadd.f32 v4, v9;
	_ =	sdelay $0x1  }
0x61: {  	v3 =	vadd.s32 $0x8000, v3;
	v4 =	vadd.s32 $0x8000, v4  }
0x62: {  	v3 =	vshrl.u32 v3, $0x10;
	v4 =	vand.u32 $0xFFFF0000, v4  }
0x63: {  	v3 =	vor.u32 v3, v4  }
0x64: {  	[tilespmem:s9+$0xFFFFFFE0] =	vst v3  }
0x65: {  	v3 =	vld [tilespmem:s6+$0xFFFFFFD0]  }
0x66: {  	v4 =	vld [tilespmem:s4+$0x1C40]  }
0x67: {  	v8 =	vld [tilespmem:s6+$0xFFFFFFE0]  }
0x68: {  	v9 =	vld [tilespmem:s4+$0x1C50]  }
0x69: {  	v5 =	vadd.f32 v5, v6;
	v2 =	vadd.f32 v2, v7;
	v6 =	vld [tilespmem:s7+$0x2450]  }
0x6a: {  	v7 =	vld [tilespmem:s7+$0x2440]  }
0x6b: {  	v5 =	vadd.s32 $0x8000, v5;
	v2 =	vadd.s32 $0x8000, v2  }
0x6c: {  	v5 =	vshrl.u32 v5, $0x10;
	v2 =	vand.u32 $0xFFFF0000, v2  }
0x6d: {  	v2 =	vor.u32 v5, v2;
	v3 =	vadd.f32 v4, v3;
	v4 =	vadd.f32 v9, v8  }
0x6e: {  	[tilespmem:s0+$0xFFFFFFF0] =	vst v2  }
0x6f: {  	v2 =	vld [tilespmem:s3+$0xFFFFFFF0];
	v3 =	vadd.f32 v7, v3;
	v4 =	vadd.f32 v6, v4  }
0x70: {  	v5 =	vld [tilespmem:s1+$0x1C60]  }
0x71: {  	v8 =	vld [tilespmem:s2+$0x2460];
	v3 =	vadd.s32 $0x8000, v3;
	v4 =	vadd.s32 $0x8000, v4  }
0x72: {  	v6 =	vld [tilespmem:s3+$0x0];
	v3 =	vshrl.u32 v3, $0x10;
	v4 =	vand.u32 $0xFFFF0000, v4  }
0x73: {  	v7 =	vld [tilespmem:s1+$0x1C70];
	v3 =	vor.u32 v3, v4  }
0x74: {  	v4 =	vld [tilespmem:s2+$0x2470];
	[tilespmem:s8+$0xFFFFFFF0] =	vst v3  }
0x75: {  	v3 =	vld [tilespmem:s6+$0xFFFFFFF0]  }
0x76: {  	v9 =	vld [tilespmem:s4+$0x1C60]  }
0x77: {  	v10 =	vld [tilespmem:s6+$0x0]  }
0x78: {  	v11 =	vld [tilespmem:s4+$0x1C70]  }
0x79: {  	v12 =	vld [tilespmem:s7+$0x2460]  }
0x7a: {  	v2 =	vadd.f32 v5, v2;
	v5 =	vld [tilespmem:s7+$0x2470];
	_ =	sdelay $0x1  }
0x7b: {  	v2 =	vadd.f32 v8, v2;
	v6 =	vadd.f32 v7, v6  }
0x7c: {  	v3 =	vadd.f32 v9, v3;
	v7 =	vadd.f32 v11, v10  }
0x7d: {  	v4 =	vadd.f32 v4, v6  }
0x7e: {  	v2 =	vadd.s32 $0x8000, v2;
	v3 =	vadd.f32 v12, v3;
	v5 =	vadd.f32 v5, v7  }
0x7f: {  	v2 =	vshrl.u32 v2, $0x10;
	v4 =	vadd.s32 $0x8000, v4  }
0x80: {  	v4 =	vand.u32 $0xFFFF0000, v4;
	v3 =	vadd.s32 $0x8000, v3;
	v5 =	vadd.s32 $0x8000, v5  }
0x81: {  	v2 =	vor.u32 v2, v4;
	v3 =	vshrl.u32 v3, $0x10;
	v4 =	vand.u32 $0xFFFF0000, v5  }
0x82: {  	[tilespmem:s0+$0x0] =	vst v2;
	v2 =	vor.u32 v3, v4  }
0x83: {  	[tilespmem:s8+$0x0] =	vst v2  }
0x84: {  	[tilespmem:$0x2600] =	vst v0  }
0x85: {  	[tilespmem:$0x2610] =	vst v0  }
0x86: {  	[tilespmem:$0x2620] =	vst v0  }
0x87: {  	s18 =	simm.s32 $0x1;
	[tilespmem:$0x2630] =	vst v0  }
0x88: {  	s19 =	simm.s32 $0x0;
	_ =	swait.ge [sflag:s18], $0x1000  }
0x89: {  	s23 =	sand.u32 $0x70, s19;
	s0 =	sand.u32 $0xC00, s19;
	[sflag:s18] =	ssyncset.done $0x0  }
0x8a: {  	s24 =	simm.s32 $0x0;
	s10 =	sor.u32 s23, s0;
	[sflag:s18] =	ssyncadd.s32 $0xFFFFF000  }
0x8b: {  	v2 =	vadd.s32 s24, v1;
	v3 =	vld [tilespmem:s10+$0x3300];
	_ =	sdelay $0x3  }
0x8c: {  	s26 =	simm.s32 $0x80;
	s28 =	simm.s32 $0x10  }
0x8d: {  	s25 =	simm.s32 $0x1;
	s1 =	sand.u32 $0xC00, s26;
	s2 =	sand.u32 $0x70, s28;
	[tilespmem:v2+s17+$0x0] =	vst.idx.msk $0xffff, v3  }
0x8e: {  	s29 =	simm.s32 $0x70;
	s0 =	sor.u32 s2, s1;
	v2 =	vadd.s32 s25, v1;
	v3 =	vld [tilespmem:s10+$0x3380]  }
0x8f: {  	v4 =	vadd.s32 s29, v1;
	v5 =	vld [tilespmem:s0+$0x3300];
	_ =	sdelay $0x3  }
0x90: {  	s30 =	simm.s32 $0x2;
	[tilespmem:v2+s17+$0x0] =	vst.idx.msk $0xffff, v3  }
0x91: {  	s31 =	simm.s32 $0x71;
	[tilespmem:v4+s17+$0x0] =	vst.idx.msk $0xffff, v5;
	v2 =	vadd.s32 s30, v1;
	v3 =	vld [tilespmem:s10+$0x3400]  }
0x92: {  	s4 =	simm.s32 $0x100;
	s6 =	simm.s32 $0x20;
	v4 =	vadd.s32 s31, v1;
	v5 =	vld [tilespmem:s0+$0x3380]  }
0x93: {  	s3 =	sand.u32 $0x70, s6;
	s2 =	sand.u32 $0xC00, s4  }
0x94: {  	s7 =	simm.s32 $0xE0;
	s1 =	sor.u32 s3, s2  }
0x95: {  	v6 =	vadd.s32 s7, v1;
	v7 =	vld [tilespmem:s1+$0x3300]  }
0x96: {  	s8 =	simm.s32 $0x3;
	[tilespmem:v2+s17+$0x0] =	vst.idx.msk $0xffff, v3  }
0x97: {  	s11 =	simm.s32 $0x180;
	s12 =	simm.s32 $0x30;
	s9 =	simm.s32 $0x72;
	[tilespmem:v4+s17+$0x0] =	vst.idx.msk $0xffff, v5;
	v2 =	vadd.s32 s8, v1;
	v3 =	vld [tilespmem:s10+$0x3480]  }
0x98: {  	s3 =	sand.u32 $0x70, s12;
	s2 =	sand.u32 $0xC00, s11;
	v4 =	vadd.s32 s9, v1;
	v5 =	vld [tilespmem:s0+$0x3400]  }
0x99: {  	s15 =	simm.s32 $0x150;
	s2 =	sor.u32 s3, s2  }
0x9a: {  	s14 =	simm.s32 $0xE1;
	v8 =	vadd.s32 s15, v1;
	v9 =	vld [tilespmem:s2+$0x3300];
	[tilespmem:v6+s17+$0x0] =	vst.idx.msk $0xffff, v7  }
0x9b: {  	v6 =	vadd.s32 s14, v1;
	v7 =	vld [tilespmem:s1+$0x3380]  }
0x9c: {  	s16 =	simm.s32 $0x4;
	[tilespmem:v2+s17+$0x0] =	vst.idx.msk $0xffff, v3  }
0x9d: {  	s18 =	simm.s32 $0x73;
	[tilespmem:v4+s17+$0x0] =	vst.idx.msk $0xffff, v5;
	v2 =	vadd.s32 s16, v1;
	v3 =	vld [tilespmem:s10+$0x3500]  }
0x9e: {  	v4 =	vadd.s32 s18, v1;
	v5 =	vld [tilespmem:s0+$0x3480]  }
0x9f: {  	s23 =	simm.s32 $0x151;
	s24 =	simm.s32 $0x200;
	[tilespmem:v8+s17+$0x0] =	vst.idx.msk $0xffff, v9;
	s25 =	simm.s32 $0x40  }
0xa0: {  	s19 =	simm.s32 $0xE2;
	s4 =	sand.u32 $0xC00, s24;
	v8 =	vadd.s32 s23, v1;
	s6 =	sand.u32 $0x70, s25;
	v9 =	vld [tilespmem:s2+$0x3380];
	[tilespmem:v6+s17+$0x0] =	vst.idx.msk $0xffff, v7  }
0xa1: {  	s28 =	simm.s32 $0x1C0;
	s3 =	sor.u32 s6, s4;
	v6 =	vadd.s32 s19, v1;
	v7 =	vld [tilespmem:s1+$0x3400]  }
0xa2: {  	s26 =	simm.s32 $0x5;
	v10 =	vadd.s32 s28, v1;
	v11 =	vld [tilespmem:s3+$0x3300];
	[tilespmem:v2+s17+$0x0] =	vst.idx.msk $0xffff, v3  }
0xa3: {  	s29 =	simm.s32 $0x74;
	[tilespmem:v4+s17+$0x0] =	vst.idx.msk $0xffff, v5;
	v2 =	vadd.s32 s26, v1;
	v3 =	vld [tilespmem:s10+$0x3580]  }
0xa4: {  	v4 =	vadd.s32 s29, v1;
	v5 =	vld [tilespmem:s0+$0x3500]  }
0xa5: {  	s15 =	simm.s32 $0xE3;
	s7 =	simm.s32 $0x76;
	[tilespmem:v8+s17+$0x0] =	vst.idx.msk $0xffff, v9  }
0xa6: {  	s11 =	simm.s32 $0x280;
	s12 =	simm.s32 $0x50;
	s14 =	simm.s32 $0x6;
	v8 =	vld [tilespmem:s2+$0x3400];
	[tilespmem:v6+s17+$0x0] =	vst.idx.msk $0xffff, v7  }
0xa7: {  	s31 =	sand.u32 $0xC00, s11;
	s4 =	simm.s32 $0x156;
	[tilespmem:v10+s17+$0x0] =	vst.idx.msk $0xffff, v11;
	v7 =	vadd.s32 s15, v1;
	v6 =	vld [tilespmem:s1+$0x3480];
	s16 =	simm.s32 $0x152  }
0xa8: {  	s6 =	simm.s32 $0x236;
	s9 =	simm.s32 $0xE6;
	s30 =	sand.u32 $0x70, s12;
	v10 =	vld [tilespmem:s3+$0x3380];
	v9 =	vadd.s32 s16, v1;
	[tilespmem:v2+s17+$0x0] =	vst.idx.msk $0xffff, v3  }
0xa9: {  	s19 =	simm.s32 $0x75;
	s8 =	simm.s32 $0x1C6;
	s18 =	simm.s32 $0x1C1;
	[tilespmem:v4+s17+$0x0] =	vst.idx.msk $0xffff, v5;
	v3 =	vadd.s32 s14, v1;
	v2 =	vld [tilespmem:s10+$0x3600]  }
0xaa: {  	s15 =	simm.s32 $0x230;
	v11 =	vadd.s32 s18, v1;
	v4 =	vadd.s32 s19, v1;
	v5 =	vld [tilespmem:s0+$0x3580];
	s14 =	simm.s32 $0x2A6;
	s10 =	sor.u32 s30, s31  }
.LBB2_4:
0xab: {  	p0 =	sne.s32 s14, $0xD96;
	v12 =	vadd.s32 s15, v1;
	s15 =	sadd.s32 $0xFFFFFFFE, s9;
	s16 =	smov.u32 s0  }
0xac: {  	v13 =	vld [tilespmem:s10+$0x3300];
	[tilespmem:v7+s17+$0x0] =	vst.idx.msk $0xffff, v6;
	s0 =	smov.u32 s1;
	s1 =	smov.u32 s2;
	s2 =	smov.u32 s3  }
0xad: {  	s3 =	smov.u32 s10;
	s10 =	smov.u32 s7;
	s7 =	smov.u32 s9;
	[tilespmem:v9+s17+$0x0] =	vst.idx.msk $0xffff, v8;
	v14 =	vadd.s32 s15, v1;
	v15 =	vld [tilespmem:s0+$0x3500]  }
0xae: {  	s9 =	smov.u32 s4;
	s15 =	sadd.s32 $0xFFFFFFFD, s4;
	s4 =	smov.u32 s8;
	[tilespmem:v3+s17+$0x0] =	vst.idx.msk $0xffff, v2  }
.Ltmp1:
0xaf: {  	s8 =	smov.u32 s6;
	s18 =	sadd.s32 $0xFFFFFFFC, s4;
	v7 =	vadd.s32 s15, v1;
	[tilespmem:v11+s17+$0x0] =	vst.idx.msk $0xffff, v10;
	v6 =	vld [tilespmem:s1+$0x3480];
	(pc) =	sbr.rel @p0 .LBB2_4-.Ltmp1, $4  }
0xb0: {  	s6 =	smov.u32 s14;
	v9 =	vadd.s32 s18, v1;
	v8 =	vld [tilespmem:s2+$0x3400];
	[tilespmem:v4+s17+$0x0] =	vst.idx.msk $0xffff, v5  }
0xb1: {  	s11 =	sadd.s32 $0x80, s11;
	s12 =	sadd.s32 $0x10, s12;
	s15 =	sadd.s32 $0xFFFFFFFB, s8;
	v3 =	vadd.s32 s10, v1;
	[tilespmem:v12+s17+$0x0] =	vst.idx.msk $0xffff, v13;
	v2 =	vld [tilespmem:s16+$0x3600]  }
0xb2: {  	s10 =	sand.u32 $0x70, s12;
	v11 =	vadd.s32 s15, v1;
	s18 =	sadd.s32 $0xFFFFFFFF, s7;
	s16 =	sand.u32 $0xC00, s11;
	v10 =	vld [tilespmem:s3+$0x3380];
	[tilespmem:v14+s17+$0x0] =	vst.idx.msk $0xffff, v15  }
0xb3: {  	s14 =	sadd.s32 $0x70, s14;
	s15 =	sadd.s32 $0xFFFFFFFA, s6;
	v4 =	vadd.s32 s18, v1;
	s10 =	sor.u32 s10, s16;
	v5 =	vld [tilespmem:s0+$0x3580]  }
0xb4: {  	v12 =	vadd.s32 s15, v1;
	v13 =	vld [tilespmem:s10+$0x3300];
	_ =	sdelay $0x4  }
0xb5: {  	s11 =	sadd.s32 $0xFFFFFFFB, s6;
	[tilespmem:v12+s17+$0x0] =	vst.idx.msk $0xffff, v13  }
0xb6: {  	v12 =	vadd.s32 s11, v1;
	v13 =	vld [tilespmem:s10+$0x3380];
	_ =	sdelay $0x3  }
0xb7: {  	s18 =	sadd.s32 $0xFFFFFFFC, s8;
	[tilespmem:v11+s17+$0x0] =	vst.idx.msk $0xffff, v10  }
0xb8: {  	s19 =	sadd.s32 $0xFFFFFFFC, s6;
	v10 =	vadd.s32 s18, v1;
	v11 =	vld [tilespmem:s3+$0x3400];
	[tilespmem:v12+s17+$0x0] =	vst.idx.msk $0xffff, v13  }
0xb9: {  	v12 =	vadd.s32 s19, v1;
	v13 =	vld [tilespmem:s10+$0x3400];
	_ =	sdelay $0x2  }
0xba: {  	s23 =	sadd.s32 $0xFFFFFFFD, s4;
	[tilespmem:v9+s17+$0x0] =	vst.idx.msk $0xffff, v8  }
0xbb: {  	s24 =	sadd.s32 $0xFFFFFFFD, s8;
	v8 =	vadd.s32 s23, v1;
	v9 =	vld [tilespmem:s2+$0x3480];
	[tilespmem:v10+s17+$0x0] =	vst.idx.msk $0xffff, v11  }
0xbc: {  	s25 =	sadd.s32 $0xFFFFFFFD, s6;
	v10 =	vadd.s32 s24, v1;
	v11 =	vld [tilespmem:s3+$0x3480];
	[tilespmem:v12+s17+$0x0] =	vst.idx.msk $0xffff, v13  }
0xbd: {  	v12 =	vadd.s32 s25, v1;
	v13 =	vld [tilespmem:s10+$0x3480];
	_ =	sdelay $0x1  }
0xbe: {  	[tilespmem:v7+s17+$0x0] =	vst.idx.msk $0xffff, v6;
	s26 =	sadd.s32 $0xFFFFFFFE, s9  }
0xbf: {  	s12 =	sadd.s32 $0xFFFFFFFE, s4;
	v6 =	vadd.s32 s26, v1;
	v7 =	vld [tilespmem:s1+$0x3500];
	[tilespmem:v8+s17+$0x0] =	vst.idx.msk $0xffff, v9  }
0xc0: {  	s14 =	sadd.s32 $0xFFFFFFFE, s8;
	v8 =	vadd.s32 s12, v1;
	v9 =	vld [tilespmem:s2+$0x3500];
	[tilespmem:v10+s17+$0x0] =	vst.idx.msk $0xffff, v11  }
0xc1: {  	s15 =	sadd.s32 $0xFFFFFFFE, s6;
	v10 =	vadd.s32 s14, v1;
	v11 =	vld [tilespmem:s3+$0x3500];
	[tilespmem:v12+s17+$0x0] =	vst.idx.msk $0xffff, v13  }
0xc2: {  	v12 =	vadd.s32 s15, v1;
	v13 =	vld [tilespmem:s10+$0x3500];
	_ =	sdelay $0x1  }
0xc3: {  	s16 =	sadd.s32 $0xFFFFFFFF, s9;
	[tilespmem:v6+s17+$0x0] =	vst.idx.msk $0xffff, v7  }
0xc4: {  	s18 =	sadd.s32 $0xFFFFFFFF, s4;
	v6 =	vadd.s32 s16, v1;
	v7 =	vld [tilespmem:s1+$0x3580];
	[tilespmem:v8+s17+$0x0] =	vst.idx.msk $0xffff, v9  }
0xc5: {  	s19 =	sadd.s32 $0xFFFFFFFF, s8;
	v8 =	vadd.s32 s18, v1;
	v9 =	vld [tilespmem:s2+$0x3580];
	[tilespmem:v10+s17+$0x0] =	vst.idx.msk $0xffff, v11  }
0xc6: {  	s23 =	sadd.s32 $0xFFFFFFFF, s6;
	v10 =	vadd.s32 s19, v1;
	v11 =	vld [tilespmem:s3+$0x3580];
	[tilespmem:v12+s17+$0x0] =	vst.idx.msk $0xffff, v13  }
0xc7: {  	v12 =	vadd.s32 s23, v1;
	v13 =	vld [tilespmem:s10+$0x3580]  }
0xc8: {  	[tilespmem:v4+s17+$0x0] =	vst.idx.msk $0xffff, v5  }
0xc9: {  	v4 =	vadd.s32 s7, v1;
	v5 =	vld [tilespmem:s0+$0x3600];
	[tilespmem:v6+s17+$0x0] =	vst.idx.msk $0xffff, v7  }
0xca: {  	v6 =	vadd.s32 s9, v1;
	v7 =	vld [tilespmem:s1+$0x3600];
	[tilespmem:v8+s17+$0x0] =	vst.idx.msk $0xffff, v9  }
0xcb: {  	v8 =	vadd.s32 s4, v1;
	v9 =	vld [tilespmem:s2+$0x3600];
	[tilespmem:v10+s17+$0x0] =	vst.idx.msk $0xffff, v11  }
0xcc: {  	v10 =	vadd.s32 s8, v1;
	v11 =	vld [tilespmem:s3+$0x3600];
	[tilespmem:v12+s17+$0x0] =	vst.idx.msk $0xffff, v13  }
0xcd: {  	[tilespmem:v3+s17+$0x0] =	vst.idx.msk $0xffff, v2;
	v2 =	vadd.s32 s6, v1;
	v3 =	vld [tilespmem:s10+$0x3600]  }
0xce: {  	[tilespmem:v4+s17+$0x0] =	vst.idx.msk $0xffff, v5  }
0xcf: {  	[tilespmem:v6+s17+$0x0] =	vst.idx.msk $0xffff, v7  }
0xd0: {  	[tilespmem:v8+s17+$0x0] =	vst.idx.msk $0xffff, v9  }
0xd1: {  	[tilespmem:v10+s17+$0x0] =	vst.idx.msk $0xffff, v11  }
0xd2: {  	s24 =	simm.s32 $0x4307;
	[tilespmem:v2+s17+$0x0] =	vst.idx.msk $0xffff, v3  }
0xd3: {  	v2 =	vld [tilespmem:s24+$0x0];
	_ =	sdelay $0x4  }
0xd4: {  	v2 =	vshll.u32 v2, $0x8  }
0xd5: {  	v2 =	vshra.s32 v2, $0x2  }
0xd6: {  	v3 =	vld [tilespmem:s24+$0xFFFFFFF9];
	(v2sf) =	vpush v2, $0x0  }
0xd7: {  	(v2sf) =	vpush v2, $0x1;
	_ =	sdelay $0x1  }
0xd8: {  	(v2sf) =	vpush v2, $0x2  }
0xd9: {  	(v2sf) =	vpush v2, $0x3  }
0xda: {  	v3 =	vshll.u32 v3, $0x8;
	(v2sf) =	vpush v2, $0x4  }
0xdb: {  	v3 =	vshra.s32 v3, $0x2;
	(v2sf) =	vpush v2, $0x5  }
0xdc: {  	(v2sf) =	vpush v3, $0x0  }
0xdd: {  	(v2sf) =	vpush v3, $0x1  }
0xde: {  	(v2sf) =	vpush v2, $0x6;
	_ =	sdelay $0x3  }
0xdf: {  	(v2sf) =	vpush v3, $0x2;
	_ =	sdelay $0x1  }
0xe0: {  	s25 =	spop (v2sf);
	(v2sf) =	vpush v3, $0x3  }
0xe1: {  	s0 =	spop (v2sf);
	(v2sf) =	vpush v3, $0x4  }
0xe2: {  	(v2sf) =	vpush v3, $0x5  }
0xe3: {  	v2 =	vld [tilespmem:s25+$0x2600];
	s1 =	spop (v2sf)  }
0xe4: {  	v4 =	vld [tilespmem:s0+$0x2600];
	s2 =	spop (v2sf);
	(v2sf) =	vpush v3, $0x6  }
0xe5: {  	v5 =	vld [tilespmem:s1+$0x2600];
	s3 =	spop (v2sf)  }
0xe6: {  	v6 =	vld [tilespmem:s2+$0x2600];
	s6 =	spop (v2sf)  }
0xe7: {  	v3 =	vld [tilespmem:s3+$0x2600];
	s28 =	spop (v2sf)  }
0xe8: {  	v7 =	vld [tilespmem:s6+$0x2600];
	s11 =	spop (v2sf)  }
0xe9: {  	v8 =	vshll.u32 v2, $0x10;
	v2 =	vand.u32 $0xFFFF0000, v2;
	s15 =	spop (v2sf)  }
0xea: {  	v10 =	vshll.u32 v4, $0x10;
	v4 =	vand.u32 $0xFFFF0000, v4;
	v11 =	vshll.u32 v5, $0x10;
	v9 =	vld [tilespmem:s15+$0x2600]  }
0xeb: {  	v5 =	vand.u32 $0xFFFF0000, v5;
	v8 =	vadd.f32 v10, v8;
	v2 =	vadd.f32 v4, v2  }
0xec: {  	v12 =	vshll.u32 v6, $0x10;
	v6 =	vand.u32 $0xFFFF0000, v6;
	v13 =	vshll.u32 v3, $0x10  }
0xed: {  	v4 =	vld [tilespmem:s11+$0x2600];
	s29 =	spop (v2sf);
	v3 =	vand.u32 $0xFFFF0000, v3;
	v10 =	vadd.f32 v12, v11;
	v14 =	vshll.u32 v7, $0x10  }
0xee: {  	v5 =	vadd.f32 v6, v5;
	v6 =	vld [tilespmem:s29+$0x2600];
	v7 =	vand.u32 $0xFFFF0000, v7;
	v12 =	vadd.f32 v14, v13  }
0xef: {  	v11 =	vld [tilespmem:s28+$0x2600];
	v3 =	vadd.f32 v7, v3;
	v13 =	vshll.u32 v9, $0x10;
	s24 =	spop (v2sf)  }
0xf0: {  	v8 =	vadd.f32 v10, v8;
	v7 =	vand.u32 $0xFFFF0000, v9;
	v9 =	vadd.f32 v13, v12;
	v10 =	vld [tilespmem:s24+$0x2600];
	s16 =	spop (v2sf)  }
0xf1: {  	v2 =	vadd.f32 v5, v2;
	v3 =	vadd.f32 v7, v3;
	v5 =	vld [tilespmem:s16+$0x2600];
	s19 =	spop (v2sf)  }
0xf2: {  	v7 =	vadd.f32 v9, v8;
	v8 =	vld [tilespmem:s19+$0x2600]  }
0xf3: {  	s23 =	simm.s32 $0x5200;
	v12 =	vshll.u32 v6, $0x10;
	v2 =	vadd.f32 v3, v2;
	s18 =	spop (v2sf)  }
0xf4: {  	v6 =	vand.u32 $0xFFFF0000, v6;
	v3 =	vshll.u32 v11, $0x10;
	v9 =	vshll.u32 v4, $0x10;
	[tilespmem:s23+$0x0] =	vst v7;
	v7 =	vld [tilespmem:s18+$0x2600]  }
0xf5: {  	v11 =	vand.u32 $0xFFFF0000, v11;
	v3 =	vadd.f32 v9, v3;
	[tilespmem:s23+$0x10] =	vst v2;
	v2 =	vand.u32 $0xFFFF0000, v4  }
0xf6: {  	v13 =	vld [tilespmem:s25+$0x2610];
	v2 =	vadd.f32 v2, v11;
	v4 =	vshll.u32 v10, $0x10;
	v10 =	vand.u32 $0xFFFF0000, v10  }
0xf7: {  	v11 =	vld [tilespmem:s2+$0x2610];
	v14 =	vshll.u32 v5, $0x10;
	v5 =	vand.u32 $0xFFFF0000, v5;
	v9 =	vshll.u32 v8, $0x10  }
0xf8: {  	v4 =	vadd.f32 v4, v12;
	v12 =	vld [tilespmem:s1+$0x2610];
	v8 =	vand.u32 $0xFFFF0000, v8;
	v9 =	vadd.f32 v9, v14  }
0xf9: {  	v15 =	vld [tilespmem:s0+$0x2610];
	v6 =	vadd.f32 v10, v6;
	v14 =	vshll.u32 v7, $0x10;
	v5 =	vadd.f32 v8, v5  }
0xfa: {  	v8 =	vld [tilespmem:s3+$0x2610];
	v7 =	vand.u32 $0xFFFF0000, v7;
	v3 =	vadd.f32 v4, v3;
	v4 =	vadd.f32 v14, v9  }
0xfb: {  	v2 =	vadd.f32 v6, v2;
	v9 =	vld [tilespmem:s6+$0x2610];
	v5 =	vadd.f32 v7, v5  }
0xfc: {  	v10 =	vshll.u32 v11, $0x10;
	v11 =	vand.u32 $0xFFFF0000, v11;
	v3 =	vadd.f32 v4, v3  }
0xfd: {  	v7 =	vshll.u32 v12, $0x10;
	v12 =	vand.u32 $0xFFFF0000, v12;
	v2 =	vadd.f32 v5, v2;
	v5 =	vld [tilespmem:s15+$0x2610]  }
0xfe: {  	v6 =	vshll.u32 v15, $0x10;
	v4 =	vshll.u32 v13, $0x10;
	v11 =	vadd.f32 v11, v12;
	[tilespmem:s23+$0xFFFFFF80] =	vst v3  }
0xff: {  	v13 =	vand.u32 $0xFFFF0000, v13;
	v4 =	vadd.f32 v6, v4;
	v6 =	vadd.f32 v10, v7;
	[tilespmem:s23+$0xFFFFFF90] =	vst v2  }
0x100: {  	v3 =	vshll.u32 v8, $0x10;
	v2 =	vand.u32 $0xFFFF0000, v15;
	v14 =	vshll.u32 v9, $0x10;
	v15 =	vld [tilespmem:s28+$0x2610]  }
0x101: {  	v8 =	vand.u32 $0xFFFF0000, v8;
	v7 =	vld [tilespmem:s11+$0x2610];
	v9 =	vand.u32 $0xFFFF0000, v9;
	v3 =	vadd.f32 v14, v3  }
0x102: {  	v2 =	vadd.f32 v2, v13;
	v10 =	vld [tilespmem:s29+$0x2610];
	v8 =	vadd.f32 v9, v8;
	v13 =	vshll.u32 v5, $0x10  }
0x103: {  	v4 =	vadd.f32 v6, v4;
	v6 =	vld [tilespmem:s16+$0x2610];
	v5 =	vand.u32 $0xFFFF0000, v5;
	v3 =	vadd.f32 v13, v3  }
0x104: {  	v9 =	vld [tilespmem:s24+$0x2610];
	v2 =	vadd.f32 v11, v2;
	v5 =	vadd.f32 v5, v8  }
0x105: {  	v3 =	vadd.f32 v3, v4  }
0x106: {  	v8 =	vld [tilespmem:s19+$0x2610];
	v2 =	vadd.f32 v5, v2  }
0x107: {  	v4 =	vshll.u32 v15, $0x10;
	[tilespmem:s23+$0x20] =	vst v3  }
0x108: {  	v5 =	vshll.u32 v7, $0x10;
	v11 =	vshll.u32 v10, $0x10;
	v13 =	vshll.u32 v6, $0x10;
	v3 =	vld [tilespmem:s18+$0x2610];
	[tilespmem:s23+$0x30] =	vst v2  }
0x109: {  	v7 =	vand.u32 $0xFFFF0000, v7;
	v10 =	vand.u32 $0xFFFF0000, v10;
	v12 =	vshll.u32 v9, $0x10;
	v16 =	vld [tilespmem:s0+$0x2620]  }
0x10a: {  	v4 =	vadd.f32 v5, v4;
	v2 =	vand.u32 $0xFFFF0000, v15;
	v5 =	vadd.f32 v12, v11;
	v11 =	vld [tilespmem:s1+$0x2620]  }
0x10b: {  	v6 =	vand.u32 $0xFFFF0000, v6;
	v15 =	vshll.u32 v8, $0x10;
	v2 =	vadd.f32 v7, v2;
	v7 =	vld [tilespmem:s2+$0x2620]  }
0x10c: {  	v9 =	vand.u32 $0xFFFF0000, v9;
	v14 =	vld [tilespmem:s25+$0x2620];
	v8 =	vand.u32 $0xFFFF0000, v8;
	v12 =	vadd.f32 v15, v13  }
0x10d: {  	v9 =	vadd.f32 v9, v10;
	v6 =	vadd.f32 v8, v6;
	v8 =	vld [tilespmem:s3+$0x2620];
	v13 =	vshll.u32 v3, $0x10  }
0x10e: {  	v4 =	vadd.f32 v5, v4;
	v3 =	vand.u32 $0xFFFF0000, v3;
	v5 =	vadd.f32 v13, v12  }
0x10f: {  	v10 =	vld [tilespmem:s6+$0x2620];
	v2 =	vadd.f32 v9, v2;
	v3 =	vadd.f32 v3, v6;
	v6 =	vshll.u32 v16, $0x10  }
0x110: {  	s26 =	simm.s32 $0x4315;
	v9 =	vshll.u32 v11, $0x10;
	v12 =	vshll.u32 v7, $0x10;
	v4 =	vadd.f32 v5, v4  }
0x111: {  	v15 =	vand.u32 $0xFFFF0000, v16;
	v16 =	vld [tilespmem:s26+$0x0];
	v7 =	vand.u32 $0xFFFF0000, v7;
	v2 =	vadd.f32 v3, v2  }
0x112: {  	v13 =	vshll.u32 v8, $0x10;
	v8 =	vand.u32 $0xFFFF0000, v8;
	v3 =	vshll.u32 v14, $0x10;
	v5 =	vld [tilespmem:s15+$0x2620];
	[tilespmem:s23+$0xFFFFFFA0] =	vst v4  }
0x113: {  	v14 =	vand.u32 $0xFFFF0000, v14;
	v3 =	vadd.f32 v6, v3;
	v6 =	vadd.f32 v12, v9;
	[tilespmem:s23+$0xFFFFFFB0] =	vst v2  }
0x114: {  	v12 =	vadd.f32 v15, v14;
	v4 =	vshll.u32 v10, $0x10;
	v2 =	vand.u32 $0xFFFF0000, v11;
	v11 =	vld [tilespmem:s28+$0x2620]  }
0x115: {  	v9 =	vand.u32 $0xFFFF0000, v10;
	v10 =	vld [tilespmem:s11+$0x2620];
	v4 =	vadd.f32 v4, v13;
	v2 =	vadd.f32 v7, v2  }
0x116: {  	v14 =	vld [tilespmem:s29+$0x2620];
	v7 =	vadd.f32 v9, v8;
	v3 =	vadd.f32 v6, v3;
	v6 =	vshll.u32 v16, $0x8  }
0x117: {  	v8 =	vld [tilespmem:s24+$0x2620];
	v6 =	vshra.s32 v6, $0x2;
	v13 =	vshll.u32 v5, $0x10;
	v2 =	vadd.f32 v2, v12  }
0x118: {  	v9 =	vld [tilespmem:s26+$0xFFFFFFF9];
	v5 =	vand.u32 $0xFFFF0000, v5;
	(v2sf) =	vpush v6, $0x0;
	v4 =	vadd.f32 v13, v4  }
0x119: {  	v5 =	vadd.f32 v5, v7;
	(v2sf) =	vpush v6, $0x1  }
0x11a: {  	v12 =	vld [tilespmem:s19+$0x2620];
	(v2sf) =	vpush v6, $0x2;
	v3 =	vadd.f32 v4, v3;
	v4 =	vshll.u32 v11, $0x10  }
0x11b: {  	v2 =	vadd.f32 v5, v2;
	v5 =	vshll.u32 v10, $0x10;
	v13 =	vshll.u32 v14, $0x10  }
0x11c: {  	v7 =	vld [tilespmem:s16+$0x2620];
	v15 =	vshll.u32 v8, $0x10;
	v11 =	vand.u32 $0xFFFF0000, v11;
	(v2sf) =	vpush v6, $0x3  }
0x11d: {  	v9 =	vshll.u32 v9, $0x8;
	v8 =	vand.u32 $0xFFFF0000, v8;
	(v2sf) =	vpush v6, $0x4  }
0x11e: {  	v9 =	vshra.s32 v9, $0x2;
	v4 =	vadd.f32 v5, v4;
	[tilespmem:s23+$0x50] =	vst v2;
	v2 =	vand.u32 $0xFFFF0000, v10  }
0x11f: {  	[tilespmem:s23+$0x40] =	vst v3;
	v3 =	vld [tilespmem:s18+$0x2620];
	v10 =	vand.u32 $0xFFFF0000, v14;
	(v2sf) =	vpush v6, $0x5;
	v18 =	vshll.u32 v12, $0x10  }
0x120: {  	v5 =	vand.u32 $0xFFFF0000, v12;
	v12 =	vadd.f32 v15, v13;
	v14 =	vld [tilespmem:s25+$0x2630];
	(v2sf) =	vpush v9, $0x0  }
0x121: {  	v16 =	vld [tilespmem:s0+$0x2630];
	v17 =	vshll.u32 v7, $0x10;
	v2 =	vadd.f32 v2, v11;
	v8 =	vadd.f32 v8, v10  }
0x122: {  	v19 =	vld [tilespmem:s1+$0x2630];
	v7 =	vand.u32 $0xFFFF0000, v7;
	(v2sf) =	vpush v9, $0x1;
	v17 =	vadd.f32 v18, v17  }
0x123: {  	v13 =	vld [tilespmem:s2+$0x2630];
	v5 =	vadd.f32 v5, v7;
	(v2sf) =	vpush v6, $0x6  }
0x124: {  	v4 =	vadd.f32 v12, v4;
	(v2sf) =	vpush v9, $0x2  }
0x125: {  	v18 =	vld [tilespmem:s3+$0x2630];
	v2 =	vadd.f32 v8, v2;
	v15 =	vshll.u32 v3, $0x10;
	(v2sf) =	vpush v9, $0x3  }
0x126: {  	v3 =	vand.u32 $0xFFFF0000, v3;
	v11 =	vshll.u32 v14, $0x10;
	v10 =	vshll.u32 v16, $0x10  }
0x127: {  	v6 =	vld [tilespmem:s6+$0x2630];
	v7 =	vshll.u32 v19, $0x10;
	v12 =	vand.u32 $0xFFFF0000, v14;
	v14 =	vand.u32 $0xFFFF0000, v16  }
0x128: {  	v16 =	vand.u32 $0xFFFF0000, v19;
	v19 =	vand.u32 $0xFFFF0000, v13;
	(v2sf) =	vpush v9, $0x4  }
0x129: {  	v20 =	vld [tilespmem:s15+$0x2630];
	v13 =	vshll.u32 v13, $0x10;
	v15 =	vadd.f32 v15, v17;
	v3 =	vadd.f32 v3, v5  }
0x12a: {  	v21 =	vand.u32 $0xFFFF0000, v18;
	v12 =	vadd.f32 v14, v12;
	s3 =	spop (v2sf);
	(v2sf) =	vpush v9, $0x5  }
0x12b: {  	v16 =	vadd.f32 v19, v16;
	v18 =	vshll.u32 v18, $0x10;
	v8 =	vadd.f32 v10, v11  }
0x12c: {  	v7 =	vadd.f32 v13, v7;
	v14 =	vand.u32 $0xFFFF0000, v6;
	v19 =	vld [tilespmem:s3+$0x2600];
	s1 =	spop (v2sf);
	(v2sf) =	vpush v9, $0x6  }
0x12d: {  	v6 =	vshll.u32 v6, $0x10;
	v14 =	vadd.f32 v14, v21;
	v12 =	vadd.f32 v16, v12;
	v16 =	vld [tilespmem:s1+$0x2600];
	s2 =	spop (v2sf)  }
0x12e: {  	v17 =	vand.u32 $0xFFFF0000, v20;
	v4 =	vadd.f32 v15, v4;
	v6 =	vadd.f32 v6, v18;
	v9 =	vld [tilespmem:s2+$0x2600];
	s4 =	spop (v2sf)  }
0x12f: {  	v10 =	vshll.u32 v20, $0x10;
	v2 =	vadd.f32 v3, v2;
	v14 =	vadd.f32 v17, v14;
	v17 =	vld [tilespmem:s4+$0x2600];
	s12 =	spop (v2sf)  }
0x130: {  	v7 =	vadd.f32 v7, v8;
	[tilespmem:s23+$0xFFFFFFC0] =	vst v4;
	v6 =	vadd.f32 v10, v6;
	v13 =	vld [tilespmem:s12+$0x2600];
	s14 =	spop (v2sf)  }
0x131: {  	[tilespmem:s23+$0xFFFFFFD0] =	vst v2;
	v5 =	vld [tilespmem:s14+$0x2600];
	s25 =	spop (v2sf)  }
0x132: {  	v21 =	vld [tilespmem:s29+$0x2630];
	v11 =	vadd.f32 v14, v12;
	v10 =	vadd.f32 v6, v7;
	v8 =	vshll.u32 v19, $0x10;
	s26 =	spop (v2sf)  }
0x133: {  	v19 =	vand.u32 $0xFFFF0000, v19;
	v6 =	vshll.u32 v16, $0x10;
	v16 =	vand.u32 $0xFFFF0000, v16;
	v4 =	vld [tilespmem:s26+$0x2600];
	s15 =	spop (v2sf)  }
0x134: {  	v7 =	vshll.u32 v9, $0x10;
	v9 =	vand.u32 $0xFFFF0000, v9;
	v6 =	vadd.f32 v6, v8;
	v2 =	vld [tilespmem:s15+$0x2600]  }
0x135: {  	v14 =	vld [tilespmem:s28+$0x2630];
	v12 =	vshll.u32 v17, $0x10;
	v17 =	vand.u32 $0xFFFF0000, v17;
	v15 =	vshll.u32 v13, $0x10  }
0x136: {  	v3 =	vld [tilespmem:s25+$0x2600];
	s28 =	spop (v2sf);
	v13 =	vand.u32 $0xFFFF0000, v13;
	v7 =	vadd.f32 v12, v7;
	v18 =	vshll.u32 v5, $0x10  }
0x137: {  	v8 =	vld [tilespmem:s28+$0x2600];
	s29 =	spop (v2sf);
	v9 =	vadd.f32 v17, v9;
	v5 =	vand.u32 $0xFFFF0000, v5;
	v12 =	vadd.f32 v18, v15  }
0x138: {  	s31 =	spop (v2sf);
	v15 =	vadd.f32 v16, v19;
	v16 =	vld [tilespmem:s29+$0x2600];
	v5 =	vadd.f32 v5, v13  }
0x139: {  	v13 =	vld [tilespmem:s31+$0x2600];
	v6 =	vadd.f32 v7, v6;
	v17 =	vshll.u32 v4, $0x10;
	v18 =	vshll.u32 v2, $0x10;
	s0 =	spop (v2sf)  }
0x13a: {  	v4 =	vand.u32 $0xFFFF0000, v4;
	v2 =	vand.u32 $0xFFFF0000, v2;
	v7 =	vadd.f32 v18, v12;
	v12 =	vld [tilespmem:s0+$0x2600]  }
0x13b: {  	v9 =	vadd.f32 v9, v15;
	v15 =	vshll.u32 v3, $0x10;
	v2 =	vadd.f32 v2, v5;
	s30 =	spop (v2sf)  }
0x13c: {  	v3 =	vand.u32 $0xFFFF0000, v3;
	v18 =	vshll.u32 v8, $0x10;
	v6 =	vadd.f32 v7, v6;
	v7 =	vld [tilespmem:s30+$0x2600]  }
0x13d: {  	v5 =	vld [tilespmem:s24+$0x2630];
	s24 =	simm.s32 $0x5300;
	v8 =	vand.u32 $0xFFFF0000, v8;
	v3 =	vadd.f32 v4, v3;
	v2 =	vadd.f32 v2, v9  }
0x13e: {  	v20 =	vld [tilespmem:s11+$0x2630];
	v19 =	vshll.u32 v16, $0x10;
	v22 =	vshll.u32 v13, $0x10;
	v13 =	vand.u32 $0xFFFF0000, v13;
	[tilespmem:s24+$0x0] =	vst v6  }
0x13f: {  	v9 =	vld [tilespmem:s16+$0x2630];
	v6 =	vand.u32 $0xFFFF0000, v16;
	[tilespmem:s24+$0x10] =	vst v2;
	v2 =	vadd.f32 v17, v15;
	v15 =	vshll.u32 v12, $0x10  }
0x140: {  	v17 =	vadd.f32 v19, v18;
	v18 =	vld [tilespmem:s3+$0x2610];
	v12 =	vand.u32 $0xFFFF0000, v12;
	v15 =	vadd.f32 v15, v22  }
0x141: {  	v4 =	vld [tilespmem:s1+$0x2610];
	v6 =	vadd.f32 v6, v8;
	v19 =	vshll.u32 v7, $0x10;
	v8 =	vadd.f32 v12, v13  }
0x142: {  	v2 =	vadd.f32 v17, v2;
	v12 =	vld [tilespmem:s2+$0x2610];
	v7 =	vand.u32 $0xFFFF0000, v7;
	v13 =	vadd.f32 v19, v15  }
0x143: {  	v3 =	vadd.f32 v6, v3;
	v15 =	vld [tilespmem:s4+$0x2610];
	v6 =	vadd.f32 v7, v8  }
0x144: {  	v52 =	vand.u32 $0xFFFF0000, v5;
	v17 =	vshll.u32 v20, $0x10;
	v7 =	vld [tilespmem:s12+$0x2610];
	v2 =	vadd.f32 v13, v2  }
0x145: {  	v20 =	vand.u32 $0xFFFF0000, v20;
	v22 =	vshll.u32 v5, $0x10;
	v3 =	vadd.f32 v6, v3  }
0x146: {  	v23 =	vshll.u32 v9, $0x10;
	v9 =	vand.u32 $0xFFFF0000, v9;
	v8 =	vshll.u32 v14, $0x10;
	v13 =	vld [tilespmem:s14+$0x2610];
	[tilespmem:s24+$0xFFFFFF80] =	vst v2  }
0x147: {  	v19 =	vshll.u32 v21, $0x10;
	v6 =	vshll.u32 v4, $0x10;
	v4 =	vand.u32 $0xFFFF0000, v4;
	[tilespmem:s24+$0xFFFFFF90] =	vst v3;
	v3 =	vld [tilespmem:s15+$0x2610]  }
0x148: {  	v25 =	vshll.u32 v12, $0x10;
	v12 =	vand.u32 $0xFFFF0000, v12;
	v2 =	vshll.u32 v18, $0x10;
	v27 =	vld [tilespmem:s25+$0x2610]  }
0x149: {  	v18 =	vand.u32 $0xFFFF0000, v18;
	v26 =	vshll.u32 v15, $0x10;
	v28 =	vshll.u32 v7, $0x10;
	v30 =	vld [tilespmem:s26+$0x2610]  }
0x14a: {  	v15 =	vand.u32 $0xFFFF0000, v15;
	v2 =	vadd.f32 v6, v2;
	v7 =	vand.u32 $0xFFFF0000, v7;
	v50 =	vld [tilespmem:s29+$0x2610]  }
0x14b: {  	v4 =	vadd.f32 v4, v18;
	v18 =	vld [tilespmem:s31+$0x2610];
	v25 =	vadd.f32 v26, v25;
	v29 =	vshll.u32 v13, $0x10  }
0x14c: {  	v12 =	vadd.f32 v15, v12;
	v13 =	vand.u32 $0xFFFF0000, v13;
	v28 =	vadd.f32 v29, v28  }
0x14d: {  	v21 =	vand.u32 $0xFFFF0000, v21;
	v6 =	vld [tilespmem:s28+$0x2610];
	v7 =	vadd.f32 v13, v7;
	v2 =	vadd.f32 v25, v2  }
0x14e: {  	v13 =	vld [tilespmem:s0+$0x2610];
	v4 =	vadd.f32 v12, v4;
	v51 =	vshll.u32 v3, $0x10;
	v3 =	vand.u32 $0xFFFF0000, v3  }
0x14f: {  	v15 =	vadd.f32 v51, v28;
	v3 =	vadd.f32 v3, v7;
	v5 =	vshll.u32 v27, $0x10  }
0x150: {  	v7 =	vshll.u32 v30, $0x10;
	v53 =	vshll.u32 v50, $0x10;
	v54 =	vshll.u32 v18, $0x10  }
0x151: {  	v12 =	vld [tilespmem:s30+$0x2610];
	v55 =	vand.u32 $0xFFFF0000, v30;
	v26 =	vand.u32 $0xFFFF0000, v50;
	v2 =	vadd.f32 v15, v2  }
0x152: {  	v5 =	vadd.f32 v7, v5;
	v15 =	vshll.u32 v6, $0x10;
	v3 =	vadd.f32 v3, v4  }
0x153: {  	v16 =	vld [tilespmem:s19+$0x2630];
	v4 =	vand.u32 $0xFFFF0000, v27;
	v6 =	vand.u32 $0xFFFF0000, v6;
	v56 =	vshll.u32 v13, $0x10;
	[tilespmem:s24+$0x20] =	vst v2  }
0x154: {  	v7 =	vadd.f32 v53, v15;
	v13 =	vand.u32 $0xFFFF0000, v13;
	v4 =	vadd.f32 v55, v4;
	v2 =	vld [tilespmem:s18+$0x2630];
	[tilespmem:s24+$0x30] =	vst v3  }
0x155: {  	v6 =	vadd.f32 v26, v6;
	v3 =	vand.u32 $0xFFFF0000, v18;
	v18 =	vadd.f32 v56, v54;
	v15 =	vld [tilespmem:s3+$0x2620]  }
0x156: {  	v58 =	vshll.u32 v12, $0x10;
	v57 =	vld [tilespmem:s1+$0x2620];
	v3 =	vadd.f32 v13, v3;
	v5 =	vadd.f32 v7, v5  }
0x157: {  	v12 =	vand.u32 $0xFFFF0000, v12;
	v59 =	vld [tilespmem:s2+$0x2620];
	v6 =	vadd.f32 v6, v4;
	v4 =	vadd.f32 v17, v8  }
0x158: {  	v60 =	vld [tilespmem:s12+$0x2620];
	v13 =	vand.u32 $0xFFFF0000, v16;
	v8 =	vadd.f32 v52, v21;
	v7 =	vadd.f32 v58, v18  }
0x159: {  	v24 =	vshll.u32 v16, $0x10;
	v61 =	vld [tilespmem:s14+$0x2620];
	v9 =	vadd.f32 v13, v9;
	v12 =	vadd.f32 v12, v3  }
0x15a: {  	v14 =	vand.u32 $0xFFFF0000, v14;
	v18 =	vld [tilespmem:s4+$0x2620];
	v16 =	vadd.f32 v7, v5;
	v7 =	vadd.f32 v24, v23  }
0x15b: {  	v5 =	vadd.f32 v20, v14;
	v3 =	vshll.u32 v2, $0x10;
	v12 =	vadd.f32 v12, v6  }
0x15c: {  	v6 =	vadd.f32 v22, v19;
	v2 =	vand.u32 $0xFFFF0000, v2;
	[tilespmem:s24+$0xFFFFFFA0] =	vst v16;
	v17 =	vshll.u32 v15, $0x10  }
0x15d: {  	v14 =	vld [tilespmem:s15+$0x2620];
	v20 =	vshll.u32 v57, $0x10;
	v21 =	vshll.u32 v59, $0x10;
	v23 =	vshll.u32 v60, $0x10;
	[tilespmem:s24+$0xFFFFFFB0] =	vst v12  }
0x15e: {  	v62 =	vshll.u32 v61, $0x10;
	v63 =	vand.u32 $0xFFFF0000, v15;
	v27 =	vand.u32 $0xFFFF0000, v57;
	v12 =	vld [tilespmem:s25+$0x2620]  }
0x15f: {  	v15 =	vand.u32 $0xFFFF0000, v59;
	v19 =	vand.u32 $0xFFFF0000, v60;
	v22 =	vshll.u32 v18, $0x10;
	v13 =	vld [tilespmem:s26+$0x2620]  }
0x160: {  	[tilespmem:s23+$0x70] =	vst v11;
	v16 =	vand.u32 $0xFFFF0000, v18;
	v17 =	vadd.f32 v20, v17;
	v20 =	vadd.f32 v27, v63;
	v11 =	vld [tilespmem:s28+$0x2620]  }
0x161: {  	[tilespmem:s23+$0x60] =	vst v10;
	s19 =	simm.s32 $0x4323;
	s18 =	simm.s32 $0x2;
	v18 =	vadd.f32 v22, v21;
	v10 =	vld [tilespmem:s29+$0x2620];
	v22 =	vand.u32 $0xFFFF0000, v61;
	v21 =	vadd.f32 v62, v23  }
.LBB2_6:
0x162: {  	v23 =	vld [tilespmem:s19+$0x0];
	v24 =	vshll.u32 v14, $0x10;
	v15 =	vadd.f32 v16, v15;
	v16 =	vadd.f32 v22, v19  }
0x163: {  	v14 =	vand.u32 $0xFFFF0000, v14;
	v17 =	vadd.f32 v18, v17;
	v19 =	vld [tilespmem:s19+$0xFFFFFFF9];
	v18 =	vadd.f32 v24, v21  }
0x164: {  	v22 =	vshll.u32 v12, $0x10;
	v21 =	vld [tilespmem:s31+$0x2620];
	v15 =	vadd.f32 v15, v20;
	v14 =	vadd.f32 v14, v16  }
0x165: {  	v20 =	vshll.u32 v13, $0x10;
	v16 =	vld [tilespmem:s0+$0x2620];
	v24 =	vshll.u32 v11, $0x10;
	v17 =	vadd.f32 v18, v17  }
0x166: {  	v12 =	vand.u32 $0xFFFF0000, v12;
	v18 =	vld [tilespmem:s30+$0x2620];
	v25 =	vshll.u32 v10, $0x10;
	v14 =	vadd.f32 v14, v15  }
0x167: {  	v13 =	vand.u32 $0xFFFF0000, v13;
	v11 =	vand.u32 $0xFFFF0000, v11;
	v15 =	vshll.u32 v23, $0x8;
	[tilespmem:s24+$0x40] =	vst v17  }
0x168: {  	v10 =	vand.u32 $0xFFFF0000, v10;
	v17 =	vshll.u32 v19, $0x8;
	v15 =	vshra.s32 v15, $0x2;
	[tilespmem:s24+$0x50] =	vst v14  }
0x169: {  	v14 =	vshra.s32 v17, $0x2;
	(v2sf) =	vpush v15, $0x0;
	v17 =	vshll.u32 v21, $0x10;
	v19 =	vld [tilespmem:s3+$0x2630]  }
0x16a: {  	v21 =	vand.u32 $0xFFFF0000, v21;
	(v2sf) =	vpush v15, $0x1;
	v23 =	vshll.u32 v16, $0x10;
	v26 =	vld [tilespmem:s1+$0x2630]  }
0x16b: {  	v20 =	vadd.f32 v20, v22;
	v16 =	vand.u32 $0xFFFF0000, v16;
	(v2sf) =	vpush v15, $0x2;
	v22 =	vld [tilespmem:s2+$0x2630]  }
0x16c: {  	v24 =	vadd.f32 v25, v24;
	v27 =	vshll.u32 v18, $0x10;
	(v2sf) =	vpush v15, $0x3;
	v25 =	vld [tilespmem:s4+$0x2630]  }
0x16d: {  	v18 =	vand.u32 $0xFFFF0000, v18;
	v17 =	vadd.f32 v23, v17;
	(v2sf) =	vpush v15, $0x4;
	v23 =	vld [tilespmem:s12+$0x2630]  }
0x16e: {  	v12 =	vadd.f32 v13, v12;
	(v2sf) =	vpush v15, $0x5;
	v13 =	vld [tilespmem:s14+$0x2630];
	v28 =	vshll.u32 v19, $0x10  }
0x16f: {  	v10 =	vadd.f32 v10, v11;
	(v2sf) =	vpush v14, $0x0;
	v11 =	vshll.u32 v26, $0x10  }
0x170: {  	v16 =	vadd.f32 v16, v21;
	(v2sf) =	vpush v14, $0x1;
	v21 =	vld [tilespmem:s15+$0x2630];
	v29 =	vshll.u32 v22, $0x10  }
0x171: {  	v19 =	vand.u32 $0xFFFF0000, v19;
	(v2sf) =	vpush v15, $0x6;
	v15 =	vadd.f32 v24, v20  }
0x172: {  	v22 =	vand.u32 $0xFFFF0000, v22;
	v20 =	vand.u32 $0xFFFF0000, v26;
	v24 =	vand.u32 $0xFFFF0000, v25  }
0x173: {  	v26 =	vand.u32 $0xFFFF0000, v23;
	v19 =	vadd.f32 v20, v19;
	v30 =	vand.u32 $0xFFFF0000, v13  }
0x174: {  	v20 =	vshll.u32 v25, $0x10;
	v22 =	vadd.f32 v24, v22;
	v24 =	vadd.f32 v30, v26  }
0x175: {  	v17 =	vadd.f32 v27, v17;
	(v2sf) =	vpush v14, $0x2;
	v25 =	vand.u32 $0xFFFF0000, v21  }
0x176: {  	v23 =	vshll.u32 v23, $0x10;
	v19 =	vadd.f32 v22, v19;
	v22 =	vadd.f32 v25, v24  }
0x177: {  	v10 =	vadd.f32 v10, v12;
	v12 =	vshll.u32 v13, $0x10;
	(v2sf) =	vpush v14, $0x3  }
0x178: {  	v13 =	vshll.u32 v21, $0x10;
	(v2sf) =	vpush v14, $0x4;
	s3 =	spop (v2sf);
	v19 =	vadd.f32 v22, v19  }
0x179: {  	v16 =	vadd.f32 v18, v16;
	v21 =	vld [tilespmem:s3+$0x2600];
	(v2sf) =	vpush v14, $0x5;
	s1 =	spop (v2sf)  }
0x17a: {  	v18 =	vld [tilespmem:s1+$0x2600];
	(v2sf) =	vpush v14, $0x6;
	s2 =	spop (v2sf);
	v14 =	vadd.f32 v17, v15;
	[tilespmem:s24+$0x70] =	vst v19  }
0x17b: {  	v10 =	vadd.f32 v16, v10;
	v11 =	vadd.f32 v11, v28;
	v15 =	vld [tilespmem:s2+$0x2600];
	s4 =	spop (v2sf)  }
0x17c: {  	v12 =	vadd.f32 v12, v23;
	v16 =	vld [tilespmem:s4+$0x2600];
	s12 =	spop (v2sf);
	[tilespmem:s24+$0xFFFFFFC0] =	vst v14;
	v14 =	vadd.f32 v20, v29  }
0x17d: {  	v4 =	vadd.f32 v6, v4;
	v3 =	vadd.f32 v3, v7;
	v17 =	vld [tilespmem:s12+$0x2600];
	s14 =	spop (v2sf);
	[tilespmem:s24+$0xFFFFFFD0] =	vst v10  }
0x17e: {  	v5 =	vadd.f32 v8, v5;
	v2 =	vadd.f32 v2, v9;
	v6 =	vld [tilespmem:s14+$0x2600];
	s6 =	spop (v2sf)  }
0x17f: {  	s18 =	sadd.s32 $0x2, s18;
	v9 =	vadd.f32 v13, v12;
	v8 =	vadd.f32 v14, v11;
	v7 =	vld [tilespmem:s6+$0x2600];
	s7 =	spop (v2sf)  }
0x180: {  	p0 =	slt.u32 s18, $0x7E;
	v3 =	vadd.f32 v3, v4;
	v2 =	vadd.f32 v2, v5;
	v10 =	vld [tilespmem:s7+$0x2600];
	s15 =	spop (v2sf)  }
0x181: {  	v4 =	vshll.u32 v21, $0x10;
	v8 =	vadd.f32 v9, v8;
	v5 =	vld [tilespmem:s25+$0x2630];
	s25 =	smov.u32 s6  }
0x182: {  	v11 =	vshll.u32 v18, $0x10;
	v12 =	vshll.u32 v15, $0x10;
	v13 =	vshll.u32 v16, $0x10;
	v9 =	vld [tilespmem:s15+$0x2600];
	[tilespmem:s23+$0xFFFFFFE0] =	vst v3  }
0x183: {  	v19 =	vand.u32 $0xFFFF0000, v21;
	v3 =	vshll.u32 v17, $0x10;
	v14 =	vshll.u32 v6, $0x10;
	v20 =	vld [tilespmem:s26+$0x2630];
	[tilespmem:s23+$0xFFFFFFF0] =	vst v2;
	s26 =	smov.u32 s7;
	s23 =	smov.u32 s24  }
0x184: {  	v15 =	vand.u32 $0xFFFF0000, v15;
	v16 =	vand.u32 $0xFFFF0000, v16;
	v2 =	vand.u32 $0xFFFF0000, v18;
	v18 =	vld [tilespmem:s28+$0x2630];
	s28 =	spop (v2sf);
	[tilespmem:s24+$0x60] =	vst v8  }
0x185: {  	v4 =	vadd.f32 v11, v4;
	v17 =	vand.u32 $0xFFFF0000, v17;
	v11 =	vadd.f32 v13, v12;
	v8 =	vld [tilespmem:s28+$0x2600]  }
0x186: {  	v6 =	vand.u32 $0xFFFF0000, v6;
	v3 =	vadd.f32 v14, v3;
	v2 =	vadd.f32 v2, v19;
	v12 =	vld [tilespmem:s29+$0x2630];
	s29 =	spop (v2sf)  }
0x187: {  	v15 =	vadd.f32 v16, v15;
	v6 =	vadd.f32 v6, v17;
	v13 =	vld [tilespmem:s29+$0x2600];
	v14 =	vshll.u32 v9, $0x10;
	s6 =	spop (v2sf)  }
0x188: {  	v4 =	vadd.f32 v11, v4;
	v9 =	vand.u32 $0xFFFF0000, v9;
	v16 =	vld [tilespmem:s6+$0x2600];
	v3 =	vadd.f32 v14, v3;
	s7 =	spop (v2sf)  }
0x189: {  	v2 =	vadd.f32 v15, v2;
	v14 =	vshll.u32 v7, $0x10;
	v6 =	vadd.f32 v9, v6;
	v11 =	vld [tilespmem:s7+$0x2600];
	s8 =	spop (v2sf)  }
0x18a: {  	v15 =	vshll.u32 v10, $0x10;
	v9 =	vld [tilespmem:s8+$0x2600];
	v17 =	vshll.u32 v8, $0x10;
	v3 =	vadd.f32 v3, v4  }
0x18b: {  	s24 =	sadd.s32 $0x100, s24;
	v4 =	vand.u32 $0xFFFF0000, v7;
	v7 =	vand.u32 $0xFFFF0000, v10;
	v2 =	vadd.f32 v6, v2;
	v6 =	vld [tilespmem:s31+$0x2630];
	s31 =	smov.u32 s6  }
0x18c: {  	v8 =	vand.u32 $0xFFFF0000, v8;
	v10 =	vshll.u32 v13, $0x10;
	v13 =	vand.u32 $0xFFFF0000, v13;
	[tilespmem:s24+$0x0] =	vst v3;
	v3 =	vld [tilespmem:s0+$0x2630];
	s0 =	smov.u32 s7  }
0x18d: {  	v14 =	vadd.f32 v15, v14;
	v19 =	vshll.u32 v16, $0x10;
	v16 =	vand.u32 $0xFFFF0000, v16;
	[tilespmem:s24+$0x10] =	vst v2;
	v2 =	vld [tilespmem:s30+$0x2630];
	s30 =	smov.u32 s8  }
0x18e: {  	v10 =	vadd.f32 v10, v17;
	v15 =	vshll.u32 v11, $0x10;
	v11 =	vand.u32 $0xFFFF0000, v11;
	v17 =	vld [tilespmem:s3+$0x2610]  }
0x18f: {  	v4 =	vadd.f32 v7, v4;
	v21 =	vshll.u32 v9, $0x10;
	v15 =	vadd.f32 v15, v19;
	v7 =	vld [tilespmem:s1+$0x2610]  }
0x190: {  	v8 =	vadd.f32 v13, v8;
	v9 =	vand.u32 $0xFFFF0000, v9;
	v11 =	vadd.f32 v11, v16;
	v13 =	vld [tilespmem:s2+$0x2610]  }
0x191: {  	v10 =	vadd.f32 v10, v14;
	v16 =	vshll.u32 v5, $0x10;
	v14 =	vadd.f32 v21, v15;
	v15 =	vld [tilespmem:s4+$0x2610]  }
0x192: {  	v4 =	vadd.f32 v8, v4;
	v8 =	vadd.f32 v9, v11;
	v11 =	vshll.u32 v20, $0x10;
	v9 =	vld [tilespmem:s12+$0x2610]  }
0x193: {  	v19 =	vshll.u32 v18, $0x10;
	v21 =	vshll.u32 v12, $0x10;
	v10 =	vadd.f32 v14, v10;
	v14 =	vld [tilespmem:s14+$0x2610]  }
0x194: {  	v22 =	vshll.u32 v3, $0x10;
	v4 =	vadd.f32 v8, v4;
	v8 =	vshll.u32 v6, $0x10  }
0x195: {  	v5 =	vand.u32 $0xFFFF0000, v5;
	v18 =	vand.u32 $0xFFFF0000, v18;
	[tilespmem:s24+$0xFFFFFF80] =	vst v10;
	v10 =	vand.u32 $0xFFFF0000, v20  }
0x196: {  	v12 =	vand.u32 $0xFFFF0000, v12;
	v20 =	vand.u32 $0xFFFF0000, v6;
	[tilespmem:s24+$0xFFFFFF90] =	vst v4;
	v4 =	vshll.u32 v17, $0x10  }
0x197: {  	v23 =	vshll.u32 v7, $0x10;
	v24 =	vshll.u32 v13, $0x10;
	v25 =	vshll.u32 v15, $0x10;
	v6 =	vld [tilespmem:s15+$0x2610]  }
0x198: {  	v17 =	vand.u32 $0xFFFF0000, v17;
	v27 =	vshll.u32 v9, $0x10;
	v26 =	vld [tilespmem:s25+$0x2610];
	v28 =	vshll.u32 v14, $0x10  }
0x199: {  	v7 =	vand.u32 $0xFFFF0000, v7;
	v13 =	vand.u32 $0xFFFF0000, v13;
	v15 =	vand.u32 $0xFFFF0000, v15;
	v29 =	vld [tilespmem:s26+$0x2610]  }
0x19a: {  	v9 =	vand.u32 $0xFFFF0000, v9;
	v4 =	vadd.f32 v23, v4;
	v23 =	vadd.f32 v25, v24;
	v30 =	vld [tilespmem:s28+$0x2610]  }
0x19b: {  	v7 =	vadd.f32 v7, v17;
	v14 =	vand.u32 $0xFFFF0000, v14;
	v25 =	vadd.f32 v28, v27;
	v24 =	vld [tilespmem:s29+$0x2610]  }
0x19c: {  	v13 =	vadd.f32 v15, v13;
	v9 =	vadd.f32 v14, v9;
	v17 =	vld [tilespmem:s31+$0x2610];
	v27 =	vshll.u32 v6, $0x10  }
0x19d: {  	v4 =	vadd.f32 v23, v4;
	v6 =	vand.u32 $0xFFFF0000, v6;
	v14 =	vld [tilespmem:s0+$0x2610];
	v15 =	vadd.f32 v27, v25  }
0x19e: {  	v7 =	vadd.f32 v13, v7;
	v25 =	vshll.u32 v26, $0x10;
	v6 =	vadd.f32 v6, v9;
	v23 =	vld [tilespmem:s30+$0x2610]  }
0x19f: {  	v9 =	vshll.u32 v29, $0x10;
	v13 =	vshll.u32 v30, $0x10;
	v4 =	vadd.f32 v15, v4  }
0x1a0: {  	v26 =	vand.u32 $0xFFFF0000, v26;
	v6 =	vadd.f32 v6, v7;
	v15 =	vshll.u32 v24, $0x10  }
0x1a1: {  	v27 =	vand.u32 $0xFFFF0000, v29;
	v28 =	vand.u32 $0xFFFF0000, v30;
	v7 =	vshll.u32 v17, $0x10;
	[tilespmem:s24+$0x20] =	vst v4  }
0x1a2: {  	v24 =	vand.u32 $0xFFFF0000, v24;
	v17 =	vand.u32 $0xFFFF0000, v17;
	v4 =	vshll.u32 v14, $0x10;
	[tilespmem:s24+$0x30] =	vst v6  }
0x1a3: {  	v9 =	vadd.f32 v9, v25;
	v13 =	vadd.f32 v15, v13;
	v6 =	vand.u32 $0xFFFF0000, v14;
	v15 =	vld [tilespmem:s3+$0x2620]  }
0x1a4: {  	v14 =	vshll.u32 v23, $0x10;
	v4 =	vadd.f32 v4, v7;
	v7 =	vadd.f32 v27, v26;
	v25 =	vld [tilespmem:s1+$0x2620]  }
0x1a5: {  	v24 =	vadd.f32 v24, v28;
	v23 =	vand.u32 $0xFFFF0000, v23;
	v6 =	vadd.f32 v6, v17;
	v17 =	vld [tilespmem:s2+$0x2620]  }
0x1a6: {  	v9 =	vadd.f32 v13, v9;
	v13 =	vand.u32 $0xFFFF0000, v3;
	v4 =	vadd.f32 v14, v4;
	v26 =	vld [tilespmem:s4+$0x2620]  }
0x1a7: {  	v3 =	vshll.u32 v2, $0x10;
	v7 =	vadd.f32 v24, v7;
	v6 =	vadd.f32 v23, v6;
	v23 =	vld [tilespmem:s12+$0x2620]  }
0x1a8: {  	v2 =	vand.u32 $0xFFFF0000, v2;
	v9 =	vadd.f32 v4, v9;
	v4 =	vadd.f32 v11, v16;
	v24 =	vld [tilespmem:s14+$0x2620]  }
0x1a9: {  	v11 =	vadd.f32 v6, v7;
	v6 =	vadd.f32 v21, v19  }
0x1aa: {  	v5 =	vadd.f32 v10, v5;
	v7 =	vadd.f32 v22, v8;
	[tilespmem:s24+$0xFFFFFFA0] =	vst v9  }
0x1ab: {  	v8 =	vadd.f32 v12, v18;
	v10 =	vshll.u32 v15, $0x10;
	v9 =	vadd.f32 v13, v20;
	[tilespmem:s24+$0xFFFFFFB0] =	vst v11  }
.Ltmp2:
0x1ac: {  	v18 =	vshll.u32 v25, $0x10;
	v20 =	vshll.u32 v17, $0x10;
	v21 =	vshll.u32 v26, $0x10;
	v14 =	vld [tilespmem:s15+$0x2620];
	(pc) =	sbr.rel @p0 .LBB2_6-.Ltmp2, $4  }
0x1ad: {  	v29 =	vand.u32 $0xFFFF0000, v15;
	v27 =	vshll.u32 v23, $0x10;
	v12 =	vld [tilespmem:s25+$0x2620];
	v28 =	vshll.u32 v24, $0x10  }
0x1ae: {  	v25 =	vand.u32 $0xFFFF0000, v25;
	v15 =	vand.u32 $0xFFFF0000, v17;
	v16 =	vand.u32 $0xFFFF0000, v26;
	v13 =	vld [tilespmem:s26+$0x2620]  }
0x1af: {  	v17 =	vadd.f32 v18, v10;
	v19 =	vand.u32 $0xFFFF0000, v23;
	v18 =	vadd.f32 v21, v20;
	v11 =	vld [tilespmem:s28+$0x2620]  }
0x1b0: {  	s19 =	sadd.s32 $0xE, s19;
	v20 =	vadd.f32 v25, v29;
	v22 =	vand.u32 $0xFFFF0000, v24;
	v21 =	vadd.f32 v28, v27;
	v10 =	vld [tilespmem:s29+$0x2620]  }
0x1b1: {  	v23 =	vshll.u32 v14, $0x10;
	v15 =	vadd.f32 v16, v15;
	v16 =	vadd.f32 v22, v19  }
0x1b2: {  	v14 =	vand.u32 $0xFFFF0000, v14;
	v17 =	vadd.f32 v18, v17;
	v18 =	vadd.f32 v23, v21  }
0x1b3: {  	v19 =	vld [tilespmem:s31+$0x2620];
	v15 =	vadd.f32 v15, v20;
	v14 =	vadd.f32 v14, v16  }
0x1b4: {  	v16 =	vld [tilespmem:s0+$0x2620];
	v17 =	vadd.f32 v18, v17  }
0x1b5: {  	v18 =	vshll.u32 v11, $0x10;
	v14 =	vadd.f32 v14, v15  }
0x1b6: {  	v20 =	vld [tilespmem:s30+$0x2620];
	v11 =	vand.u32 $0xFFFF0000, v11;
	v15 =	vshll.u32 v12, $0x10;
	v39 =	vshll.u32 v10, $0x10;
	[tilespmem:s24+$0x40] =	vst v17  }
0x1b7: {  	v12 =	vand.u32 $0xFFFF0000, v12;
	v10 =	vand.u32 $0xFFFF0000, v10;
	v17 =	vshll.u32 v13, $0x10;
	[tilespmem:s24+$0x50] =	vst v14  }
0x1b8: {  	v13 =	vand.u32 $0xFFFF0000, v13;
	v40 =	vshll.u32 v19, $0x10;
	v19 =	vand.u32 $0xFFFF0000, v19;
	v14 =	vld [tilespmem:s3+$0x2630]  }
0x1b9: {  	v18 =	vadd.f32 v39, v18;
	v10 =	vadd.f32 v10, v11;
	v41 =	vshll.u32 v16, $0x10;
	v24 =	vld [tilespmem:s1+$0x2630]  }
0x1ba: {  	v15 =	vadd.f32 v17, v15;
	v17 =	vld [tilespmem:s2+$0x2630];
	v16 =	vand.u32 $0xFFFF0000, v16;
	v22 =	vadd.f32 v41, v40  }
0x1bb: {  	v12 =	vadd.f32 v13, v12;
	v42 =	vld [tilespmem:s4+$0x2630];
	v13 =	vshll.u32 v20, $0x10;
	v11 =	vadd.f32 v16, v19  }
0x1bc: {  	v16 =	vand.u32 $0xFFFF0000, v20;
	v15 =	vadd.f32 v18, v15;
	v13 =	vadd.f32 v13, v22  }
0x1bd: {  	v43 =	vld [tilespmem:s12+$0x2630];
	v10 =	vadd.f32 v10, v12;
	v11 =	vadd.f32 v16, v11  }
0x1be: {  	v4 =	vadd.f32 v6, v4;
	v19 =	vld [tilespmem:s14+$0x2630];
	v13 =	vadd.f32 v13, v15  }
0x1bf: {  	v12 =	vshll.u32 v14, $0x10;
	v14 =	vand.u32 $0xFFFF0000, v14;
	v10 =	vadd.f32 v11, v10  }
0x1c0: {  	v15 =	vand.u32 $0xFFFF0000, v24;
	v11 =	vand.u32 $0xFFFF0000, v17;
	v20 =	vand.u32 $0xFFFF0000, v42;
	[tilespmem:s24+$0xFFFFFFC0] =	vst v13  }
0x1c1: {  	v18 =	vld [tilespmem:s15+$0x2630];
	v16 =	vshll.u32 v24, $0x10;
	v14 =	vadd.f32 v15, v14;
	v11 =	vadd.f32 v20, v11;
	[tilespmem:s24+$0xFFFFFFD0] =	vst v10  }
0x1c2: {  	v44 =	vand.u32 $0xFFFF0000, v43;
	v45 =	vshll.u32 v43, $0x10;
	v10 =	vshll.u32 v17, $0x10;
	v17 =	vld [tilespmem:s25+$0x2630]  }
0x1c3: {  	v15 =	vshll.u32 v42, $0x10;
	v13 =	vand.u32 $0xFFFF0000, v19;
	v11 =	vadd.f32 v11, v14;
	v14 =	vld [tilespmem:s26+$0x2630]  }
0x1c4: {  	v12 =	vadd.f32 v16, v12;
	v19 =	vshll.u32 v19, $0x10;
	v13 =	vadd.f32 v13, v44;
	v16 =	vld [tilespmem:s28+$0x2630]  }
0x1c5: {  	v10 =	vadd.f32 v15, v10;
	v15 =	vadd.f32 v19, v45;
	v19 =	vld [tilespmem:s29+$0x2630]  }
0x1c6: {  	v3 =	vadd.f32 v3, v7;
	v5 =	vadd.f32 v8, v5;
	v20 =	vand.u32 $0xFFFF0000, v18;
	v6 =	vld [tilespmem:s31+$0x2630]  }
0x1c7: {  	v2 =	vadd.f32 v2, v9;
	v7 =	vshll.u32 v18, $0x10;
	v8 =	vld [tilespmem:s0+$0x2630];
	v13 =	vadd.f32 v20, v13  }
0x1c8: {  	v9 =	vadd.f32 v10, v12;
	v7 =	vadd.f32 v7, v15  }
0x1c9: {  	v3 =	vadd.f32 v3, v4;
	v2 =	vadd.f32 v2, v5  }
0x1ca: {  	v10 =	vadd.f32 v13, v11;
	v4 =	vadd.f32 v7, v9;
	v5 =	vshll.u32 v17, $0x10  }
0x1cb: {  	v7 =	vld [tilespmem:s30+$0x2630];
	v9 =	vshll.u32 v14, $0x10;
	v11 =	vshll.u32 v16, $0x10;
	v12 =	vshll.u32 v19, $0x10  }
0x1cc: {  	v13 =	vshll.u32 v6, $0x10;
	v15 =	vshll.u32 v8, $0x10;
	v17 =	vand.u32 $0xFFFF0000, v17  }
0x1cd: {  	v14 =	vand.u32 $0xFFFF0000, v14;
	v16 =	vand.u32 $0xFFFF0000, v16;
	v18 =	vand.u32 $0xFFFF0000, v19  }
0x1ce: {  	v6 =	vand.u32 $0xFFFF0000, v6;
	v5 =	vadd.f32 v9, v5;
	v9 =	vadd.f32 v12, v11  }
0x1cf: {  	v8 =	vand.u32 $0xFFFF0000, v8;
	v11 =	vadd.f32 v15, v13;
	v12 =	vadd.f32 v14, v17  }
0x1d0: {  	v14 =	vadd.f32 v18, v16;
	v6 =	vadd.f32 v8, v6;
	v13 =	vshll.u32 v7, $0x10  }
0x1d1: {  	[tilespmem:s23+$0xFFFFFFE0] =	vst v3;
	v5 =	vadd.f32 v9, v5;
	v7 =	vand.u32 $0xFFFF0000, v7;
	v8 =	vadd.f32 v13, v11  }
0x1d2: {  	[tilespmem:s23+$0xFFFFFFF0] =	vst v2;
	v3 =	vadd.f32 v14, v12;
	v6 =	vadd.f32 v7, v6  }
0x1d3: {  	[tilespmem:s24+$0x70] =	vst v10;
	v2 =	vadd.f32 v8, v5  }
0x1d4: {  	[tilespmem:s24+$0x60] =	vst v4;
	v3 =	vadd.f32 v6, v3  }
0x1d5: {  	[tilespmem:s24+$0xFFFFFFE0] =	vst v2  }
0x1d6: {  	s3 =	simm.s32 $0x4687;
	[tilespmem:s24+$0xFFFFFFF0] =	vst v3  }
0x1d7: {  	s26 =	simm.s32 $0x5180;
	s24 =	simm.s32 $0x0;
	s25 =	rddreg [dreg:$0x7]  }
0x1d8: {  	[hbm4b:s25+s24] =	stream.linear.scatter [tilespmem:s26], [sflag:$0x2], $0x4000, $0x38;
	[tilespmem:$0xD180] =	vst v63  }
0x1d9: {  	v2 =	vld [tilespmem:s3+$0x0];
	_ =	sdelay $0x4  }
0x1da: {  	v2 =	vshll.u32 v2, $0x8  }
0x1db: {  	v2 =	vshra.s32 v2, $0x2  }
0x1dc: {  	(v2sf) =	vpush v2, $0x0  }
0x1dd: {  	s0 =	sand.u32 $0x3FE, s24;
	(v2sf) =	vpush v2, $0x1  }
0x1de: {  	v3 =	vld [tilespmem:s0+$0x4680];
	_ =	sdelay $0x1  }
0x1df: {  	(v2sf) =	vpush v2, $0x2  }
0x1e0: {  	(v2sf) =	vpush v2, $0x3  }
0x1e1: {  	(v2sf) =	vpush v2, $0x4  }
0x1e2: {  	v3 =	vshll.u32 v3, $0x8;
	(v2sf) =	vpush v2, $0x5  }
0x1e3: {  	(v2sf) =	vpush v2, $0x6;
	v2 =	vshra.s32 v3, $0x2  }
0x1e4: {  	(v2sf) =	vpush v2, $0x0  }
0x1e5: {  	(v2sf) =	vpush v2, $0x1  }
0x1e6: {  	(v2sf) =	vpush v2, $0x2  }
0x1e7: {  	(v2sf) =	vpush v2, $0x3  }
0x1e8: {  	(v2sf) =	vpush v2, $0x4  }
0x1e9: {  	(v2sf) =	vpush v2, $0x5  }
0x1ea: {  	s4 =	spop (v2sf)  }
0x1eb: {  	s12 =	spop (v2sf);
	(v2sf) =	vpush v2, $0x6;
	_ =	sdelay $0x2  }
0x1ec: {  	s1 =	spop (v2sf)  }
0x1ed: {  	s2 =	spop (v2sf)  }
0x1ee: {  	v2 =	vld [tilespmem:s4+$0x2600];
	s3 =	spop (v2sf)  }
0x1ef: {  	v3 =	vld [tilespmem:s12+$0x2600];
	s11 =	spop (v2sf)  }
0x1f0: {  	v4 =	vld [tilespmem:s1+$0x2600];
	s16 =	spop (v2sf)  }
0x1f1: {  	v5 =	vld [tilespmem:s2+$0x2600];
	s10 =	spop (v2sf)  }
0x1f2: {  	s8 =	spop (v2sf);
	v8 =	vld [tilespmem:s10+$0x2600]  }
0x1f3: {  	s31 =	spop (v2sf);
	v9 =	vld [tilespmem:s8+$0x2600]  }
0x1f4: {  	s19 =	spop (v2sf);
	v10 =	vld [tilespmem:s31+$0x2600]  }
0x1f5: {  	s6 =	spop (v2sf);
	v11 =	vld [tilespmem:s19+$0x2600]  }
0x1f6: {  	v12 =	vshll.u32 v2, $0x10;
	v2 =	vand.u32 $0xFFFF0000, v2;
	v14 =	vshll.u32 v3, $0x10;
	s18 =	spop (v2sf);
	v13 =	vld [tilespmem:s6+$0x2600]  }
0x1f7: {  	v3 =	vand.u32 $0xFFFF0000, v3;
	v15 =	vshll.u32 v4, $0x10;
	v16 =	vshll.u32 v5, $0x10;
	v17 =	vld [tilespmem:s18+$0x2600]  }
0x1f8: {  	v12 =	vadd.f32 v14, v12;
	v14 =	vadd.f32 v16, v15;
	v15 =	vshll.u32 v8, $0x10;
	s9 =	spop (v2sf)  }
0x1f9: {  	v8 =	vand.u32 $0xFFFF0000, v8;
	v20 =	vshll.u32 v9, $0x10;
	v9 =	vand.u32 $0xFFFF0000, v9;
	v16 =	vld [tilespmem:s9+$0x2600]  }
0x1fa: {  	v46 =	vshll.u32 v10, $0x10;
	v10 =	vand.u32 $0xFFFF0000, v10;
	v15 =	vadd.f32 v20, v15  }
0x1fb: {  	v8 =	vadd.f32 v9, v8;
	v47 =	vshll.u32 v11, $0x10;
	v11 =	vand.u32 $0xFFFF0000, v11  }
0x1fc: {  	v48 =	vshll.u32 v13, $0x10;
	v13 =	vand.u32 $0xFFFF0000, v13;
	v49 =	vshll.u32 v17, $0x10  }
0x1fd: {  	v6 =	vld [tilespmem:s3+$0x2600];
	v20 =	vadd.f32 v47, v46;
	v17 =	vand.u32 $0xFFFF0000, v17;
	v51 =	vadd.f32 v49, v48  }
0x1fe: {  	s26 =	simm.s32 $0x4695;
	v7 =	vld [tilespmem:s11+$0x2600];
	v10 =	vadd.f32 v11, v10;
	v11 =	vadd.f32 v17, v13;
	v9 =	vshll.u32 v16, $0x10  }
0x1ff: {  	v50 =	vld [tilespmem:s26+$0x0];
	v15 =	vadd.f32 v20, v15;
	v16 =	vand.u32 $0xFFFF0000, v16;
	v9 =	vadd.f32 v9, v51  }
0x200: {  	v4 =	vand.u32 $0xFFFF0000, v4;
	v13 =	vld [tilespmem:s16+$0x2600];
	v8 =	vadd.f32 v10, v8;
	v10 =	vadd.f32 v16, v11  }
0x201: {  	v2 =	vadd.f32 v3, v2;
	v5 =	vand.u32 $0xFFFF0000, v5;
	v9 =	vadd.f32 v9, v15  }
0x202: {  	s30 =	simm.s32 $0x9200;
	v18 =	vshll.u32 v6, $0x10;
	v6 =	vand.u32 $0xFFFF0000, v6;
	v8 =	vadd.f32 v10, v8  }
0x203: {  	v4 =	vadd.f32 v5, v4;
	v19 =	vshll.u32 v7, $0x10;
	v7 =	vand.u32 $0xFFFF0000, v7;
	[tilespmem:s30+$0xFFFFFF80] =	vst v9  }
0x204: {  	v3 =	vshll.u32 v50, $0x8;
	v5 =	vadd.f32 v7, v6;
	v11 =	vadd.f32 v19, v18;
	[tilespmem:s30+$0xFFFFFF90] =	vst v8  }
0x205: {  	v6 =	vadd.f32 v14, v12;
	v10 =	vshra.s32 v3, $0x2;
	v3 =	vshll.u32 v13, $0x10;
	v7 =	vld [tilespmem:s10+$0x2610]  }
0x206: {  	v2 =	vadd.f32 v4, v2;
	v3 =	vadd.f32 v3, v11;
	v8 =	vand.u32 $0xFFFF0000, v13;
	v4 =	vld [tilespmem:s8+$0x2610]  }
0x207: {  	(v2sf) =	vpush v10, $0x0;
	v5 =	vadd.f32 v8, v5;
	v8 =	vld [tilespmem:s31+$0x2610]  }
0x208: {  	(v2sf) =	vpush v10, $0x1;
	v3 =	vadd.f32 v3, v6;
	v6 =	vld [tilespmem:s19+$0x2610];
	_ =	sdelay $0x1  }
0x209: {  	(v2sf) =	vpush v10, $0x2;
	v2 =	vadd.f32 v5, v2;
	v5 =	vld [tilespmem:s6+$0x2610]  }
0x20a: {  	(v2sf) =	vpush v10, $0x3;
	[tilespmem:s30+$0x0] =	vst v3;
	v3 =	vld [tilespmem:s18+$0x2610]  }
0x20b: {  	(v2sf) =	vpush v10, $0x4;
	v11 =	vshll.u32 v7, $0x10  }
0x20c: {  	v12 =	vld [tilespmem:s9+$0x2610];
	[tilespmem:s30+$0x10] =	vst v2;
	v13 =	vshll.u32 v4, $0x10;
	v14 =	vshll.u32 v8, $0x10;
	v15 =	vshll.u32 v6, $0x10  }
0x20d: {  	v2 =	vld [tilespmem:s4+$0x2610];
	v7 =	vand.u32 $0xFFFF0000, v7;
	v4 =	vand.u32 $0xFFFF0000, v4;
	v8 =	vand.u32 $0xFFFF0000, v8  }
0x20e: {  	v9 =	vld [tilespmem:s12+$0x2610];
	v6 =	vand.u32 $0xFFFF0000, v6;
	v11 =	vadd.f32 v13, v11;
	v13 =	vadd.f32 v15, v14  }
0x20f: {  	v16 =	vld [tilespmem:s1+$0x2610];
	v4 =	vadd.f32 v4, v7;
	v17 =	vshll.u32 v5, $0x10;
	v18 =	vshll.u32 v3, $0x10  }
0x210: {  	v19 =	vld [tilespmem:s2+$0x2610];
	v5 =	vand.u32 $0xFFFF0000, v5;
	v3 =	vand.u32 $0xFFFF0000, v3;
	v15 =	vadd.f32 v18, v17  }
0x211: {  	v20 =	vld [tilespmem:s3+$0x2610];
	v7 =	vshll.u32 v12, $0x10;
	v6 =	vadd.f32 v6, v8;
	v5 =	vadd.f32 v3, v5  }
0x212: {  	v14 =	vld [tilespmem:s11+$0x2610];
	v12 =	vand.u32 $0xFFFF0000, v12;
	v11 =	vadd.f32 v13, v11;
	v7 =	vadd.f32 v7, v15  }
0x213: {  	v6 =	vadd.f32 v6, v4;
	v12 =	vadd.f32 v12, v5  }
0x214: {  	(v2sf) =	vpush v10, $0x5;
	v7 =	vadd.f32 v7, v11  }
0x215: {  	v17 =	vld [tilespmem:s16+$0x2610];
	v13 =	vshll.u32 v2, $0x10;
	v15 =	vshll.u32 v16, $0x10;
	v12 =	vadd.f32 v12, v6;
	s23 =	spop (v2sf)  }
0x216: {  	v18 =	vshll.u32 v19, $0x10;
	v52 =	vshll.u32 v20, $0x10;
	v2 =	vand.u32 $0xFFFF0000, v2;
	v8 =	vld [tilespmem:s23+$0x2600];
	s24 =	spop (v2sf);
	[tilespmem:s30+$0xFFFFFFA0] =	vst v7  }
0x217: {  	v53 =	vshll.u32 v14, $0x10;
	v14 =	vand.u32 $0xFFFF0000, v14;
	v11 =	vshll.u32 v9, $0x10;
	[tilespmem:s30+$0xFFFFFFB0] =	vst v12;
	v3 =	vld [tilespmem:s24+$0x2600]  }
0x218: {  	v12 =	vand.u32 $0xFFFF0000, v16;
	v16 =	vand.u32 $0xFFFF0000, v19;
	v19 =	vand.u32 $0xFFFF0000, v20;
	v20 =	vld [tilespmem:s10+$0x2620]  }
0x219: {  	v9 =	vand.u32 $0xFFFF0000, v9;
	v11 =	vadd.f32 v11, v13;
	v13 =	vadd.f32 v18, v15;
	v15 =	vld [tilespmem:s8+$0x2620]  }
0x21a: {  	v18 =	vadd.f32 v53, v52;
	v2 =	vadd.f32 v9, v2;
	v9 =	vshll.u32 v17, $0x10;
	v54 =	vld [tilespmem:s31+$0x2620]  }
0x21b: {  	v12 =	vadd.f32 v16, v12;
	v14 =	vadd.f32 v14, v19;
	v16 =	vand.u32 $0xFFFF0000, v17;
	v17 =	vld [tilespmem:s19+$0x2620]  }
0x21c: {  	v11 =	vadd.f32 v13, v11;
	v9 =	vadd.f32 v9, v18;
	v13 =	vld [tilespmem:s6+$0x2620]  }
0x21d: {  	v2 =	vadd.f32 v12, v2;
	v12 =	vadd.f32 v16, v14  }
0x21e: {  	(v2sf) =	vpush v10, $0x6;
	v9 =	vadd.f32 v9, v11  }
0x21f: {  	s25 =	spop (v2sf);
	v11 =	vshll.u32 v8, $0x10;
	v2 =	vadd.f32 v12, v2;
	v8 =	vand.u32 $0xFFFF0000, v8  }
0x220: {  	v4 =	vld [tilespmem:s25+$0x2600];
	v10 =	vshll.u32 v3, $0x10;
	v19 =	vshll.u32 v20, $0x10;
	v55 =	vshll.u32 v15, $0x10  }
0x221: {  	s26 =	spop (v2sf);
	v14 =	vld [tilespmem:s18+$0x2620];
	v56 =	vshll.u32 v54, $0x10;
	v57 =	vshll.u32 v17, $0x10;
	v25 =	vshll.u32 v13, $0x10  }
0x222: {  	v5 =	vld [tilespmem:s26+$0x2600];
	[tilespmem:s30+$0x20] =	vst v9;
	v20 =	vand.u32 $0xFFFF0000, v20;
	v15 =	vand.u32 $0xFFFF0000, v15;
	v21 =	vand.u32 $0xFFFF0000, v54  }
0x223: {  	v17 =	vand.u32 $0xFFFF0000, v17;
	v13 =	vand.u32 $0xFFFF0000, v13;
	[tilespmem:s30+$0x30] =	vst v2;
	v2 =	vld [tilespmem:s9+$0x2620];
	v19 =	vadd.f32 v55, v19  }
0x224: {  	v3 =	vand.u32 $0xFFFF0000, v3;
	v58 =	vadd.f32 v57, v56;
	v15 =	vadd.f32 v15, v20;
	v27 =	vld [tilespmem:s4+$0x2620]  }
0x225: {  	v12 =	vshll.u32 v4, $0x10;
	v17 =	vadd.f32 v17, v21;
	v10 =	vadd.f32 v10, v11;
	v28 =	vld [tilespmem:s12+$0x2620]  }
0x226: {  	s0 =	simm.s32 $0xE;
	v3 =	vadd.f32 v3, v8;
	v26 =	vshll.u32 v14, $0x10;
	v59 =	vld [tilespmem:s1+$0x2620];
	v14 =	vand.u32 $0xFFFF0000, v14  }
0x227: {  	s7 =	sand.u32 $0x3FE, s0;
	v16 =	vshll.u32 v5, $0x10;
	v20 =	vld [tilespmem:s2+$0x2620];
	v60 =	vadd.f32 v26, v25;
	v13 =	vadd.f32 v14, v13  }
0x228: {  	v19 =	vadd.f32 v58, v19;
	v15 =	vadd.f32 v17, v15;
	v17 =	vld [tilespmem:s7+$0x4680];
	v61 =	vshll.u32 v2, $0x10  }
0x229: {  	v11 =	vadd.f32 v16, v12;
	v2 =	vand.u32 $0xFFFF0000, v2;
	v62 =	vadd.f32 v61, v60  }
0x22a: {  	v63 =	vld [tilespmem:s11+$0x2620];
	v2 =	vadd.f32 v2, v13;
	v13 =	vshll.u32 v27, $0x10;
	v32 =	vshll.u32 v28, $0x10  }
0x22b: {  	v14 =	vld [tilespmem:s3+$0x2620];
	v33 =	vshll.u32 v59, $0x10;
	v34 =	vand.u32 $0xFFFF0000, v27;
	v36 =	vand.u32 $0xFFFF0000, v28  }
0x22c: {  	v23 =	vand.u32 $0xFFFF0000, v59;
	v13 =	vadd.f32 v32, v13;
	v19 =	vadd.f32 v62, v19  }
0x22d: {  	v17 =	vshll.u32 v17, $0x8;
	v2 =	vadd.f32 v2, v15;
	v15 =	vshll.u32 v20, $0x10  }
0x22e: {  	s28 =	spop (v2sf);
	v35 =	vld [tilespmem:s16+$0x2620];
	v20 =	vand.u32 $0xFFFF0000, v20;
	v17 =	vshra.s32 v17, $0x2;
	v15 =	vadd.f32 v15, v33;
	[tilespmem:s30+$0xFFFFFFC0] =	vst v19  }
0x22f: {  	v6 =	vld [tilespmem:s28+$0x2600];
	v22 =	vand.u32 $0xFFFF0000, v63;
	v20 =	vadd.f32 v20, v23;
	(v2sf) =	vpush v17, $0x0;
	[tilespmem:s30+$0xFFFFFFD0] =	vst v2  }
0x230: {  	v19 =	vshll.u32 v14, $0x10;
	v2 =	vshll.u32 v63, $0x10;
	(v2sf) =	vpush v17, $0x1;
	v37 =	vld [tilespmem:s10+$0x2630]  }
0x231: {  	v14 =	vand.u32 $0xFFFF0000, v14;
	v38 =	vld [tilespmem:s8+$0x2630];
	v2 =	vadd.f32 v2, v19;
	v19 =	vadd.f32 v36, v34  }
0x232: {  	v4 =	vand.u32 $0xFFFF0000, v4;
	v39 =	vld [tilespmem:s31+$0x2630];
	v14 =	vadd.f32 v22, v14;
	(v2sf) =	vpush v17, $0x2  }
0x233: {  	v41 =	vshll.u32 v35, $0x10;
	v40 =	vld [tilespmem:s19+$0x2630];
	v13 =	vadd.f32 v15, v13;
	(v2sf) =	vpush v17, $0x3  }
0x234: {  	v42 =	vand.u32 $0xFFFF0000, v35;
	v43 =	vld [tilespmem:s6+$0x2630];
	v2 =	vadd.f32 v41, v2;
	v19 =	vadd.f32 v20, v19  }
0x235: {  	v5 =	vand.u32 $0xFFFF0000, v5;
	v15 =	vld [tilespmem:s18+$0x2630];
	(v2sf) =	vpush v17, $0x4;
	v14 =	vadd.f32 v42, v14  }
0x236: {  	s29 =	spop (v2sf);
	v9 =	vshll.u32 v6, $0x10;
	(v2sf) =	vpush v17, $0x5;
	v2 =	vadd.f32 v2, v13  }
0x237: {  	s31 =	spop (v2sf);
	v14 =	vadd.f32 v14, v19;
	(v2sf) =	vpush v17, $0x6;
	v44 =	vshll.u32 v37, $0x10  }
0x238: {  	v20 =	vld [tilespmem:s9+$0x2630];
	v45 =	vshll.u32 v38, $0x10;
	v29 =	vshll.u32 v39, $0x10;
	v46 =	vand.u32 $0xFFFF0000, v37  }
0x239: {  	v13 =	vand.u32 $0xFFFF0000, v38;
	v47 =	vand.u32 $0xFFFF0000, v39;
	v48 =	vand.u32 $0xFFFF0000, v40  }
0x23a: {  	v49 =	vand.u32 $0xFFFF0000, v43;
	v30 =	vand.u32 $0xFFFF0000, v15;
	v22 =	vshll.u32 v40, $0x10;
	[tilespmem:s30+$0x40] =	vst v2  }
0x23b: {  	v7 =	vld [tilespmem:s29+$0x2600];
	v51 =	vshll.u32 v43, $0x10;
	v13 =	vadd.f32 v13, v46;
	v21 =	vadd.f32 v48, v47;
	[tilespmem:s30+$0x50] =	vst v14  }
0x23c: {  	v15 =	vshll.u32 v15, $0x10;
	v50 =	vadd.f32 v30, v49;
	v53 =	vadd.f32 v45, v44;
	v14 =	vld [tilespmem:s4+$0x2630]  }
0x23d: {  	v22 =	vadd.f32 v22, v29;
	v15 =	vadd.f32 v15, v51;
	v52 =	vand.u32 $0xFFFF0000, v20;
	v12 =	vld [tilespmem:s1+$0x2630]  }
0x23e: {  	v20 =	vshll.u32 v20, $0x10;
	v16 =	vld [tilespmem:s2+$0x2630];
	v13 =	vadd.f32 v21, v13;
	v19 =	vadd.f32 v52, v50  }
0x23f: {  	v6 =	vand.u32 $0xFFFF0000, v6;
	v8 =	vld [tilespmem:s3+$0x2630];
	v17 =	vadd.f32 v22, v53;
	v15 =	vadd.f32 v20, v15  }
0x240: {  	v4 =	vadd.f32 v5, v4;
	v18 =	vshll.u32 v7, $0x10;
	v13 =	vadd.f32 v19, v13;
	v19 =	vld [tilespmem:s12+$0x2630]  }
0x241: {  	v7 =	vand.u32 $0xFFFF0000, v7;
	v9 =	vadd.f32 v18, v9;
	v15 =	vadd.f32 v15, v17;
	v17 =	vld [tilespmem:s11+$0x2630]  }
0x242: {  	v5 =	vadd.f32 v7, v6;
	v18 =	vshll.u32 v14, $0x10;
	v14 =	vand.u32 $0xFFFF0000, v14  }
0x243: {  	v6 =	vld [tilespmem:s16+$0x2630];
	v54 =	vshll.u32 v12, $0x10;
	v12 =	vand.u32 $0xFFFF0000, v12;
	v55 =	vshll.u32 v16, $0x10  }
0x244: {  	v16 =	vand.u32 $0xFFFF0000, v16;
	v56 =	vshll.u32 v8, $0x10;
	v8 =	vand.u32 $0xFFFF0000, v8  }
0x245: {  	v2 =	vld [tilespmem:s31+$0x2600];
	s1 =	spop (v2sf);
	v21 =	vadd.f32 v55, v54;
	v12 =	vadd.f32 v16, v12;
	v7 =	vshll.u32 v19, $0x10  }
0x246: {  	s2 =	spop (v2sf);
	v20 =	vld [tilespmem:s1+$0x2600];
	v19 =	vand.u32 $0xFFFF0000, v19;
	v58 =	vshll.u32 v17, $0x10;
	v7 =	vadd.f32 v7, v18  }
0x247: {  	s3 =	spop (v2sf);
	v17 =	vand.u32 $0xFFFF0000, v17;
	v18 =	vld [tilespmem:s2+$0x2600];
	v14 =	vadd.f32 v19, v14;
	v23 =	vadd.f32 v58, v56  }
0x248: {  	v59 =	vshll.u32 v6, $0x10;
	s4 =	spop (v2sf);
	v19 =	vld [tilespmem:s3+$0x2600];
	v17 =	vadd.f32 v17, v8;
	v21 =	vadd.f32 v21, v7  }
0x249: {  	v6 =	vand.u32 $0xFFFF0000, v6;
	s12 =	spop (v2sf);
	v57 =	vld [tilespmem:s4+$0x2600];
	v12 =	vadd.f32 v12, v14;
	v14 =	vadd.f32 v59, v23  }
0x24a: {  	s14 =	spop (v2sf);
	v16 =	vld [tilespmem:s12+$0x2600];
	v7 =	vshll.u32 v2, $0x10;
	v17 =	vadd.f32 v6, v17  }
0x24b: {  	v8 =	vld [tilespmem:s14+$0x2600];
	v7 =	vadd.f32 v7, v9;
	v9 =	vadd.f32 v14, v21  }
0x24c: {  	[tilespmem:s30+$0xFFFFFFF0] =	vst v13;
	v6 =	vadd.f32 v11, v10;
	v60 =	vshll.u32 v20, $0x10;
	s15 =	spop (v2sf);
	v17 =	vadd.f32 v17, v12  }
0x24d: {  	v12 =	vand.u32 $0xFFFF0000, v20;
	v61 =	vshll.u32 v18, $0x10;
	v62 =	vshll.u32 v19, $0x10;
	[tilespmem:s30+$0x60] =	vst v9;
	v9 =	vld [tilespmem:s15+$0x2600]  }
0x24e: {  	[tilespmem:s30+$0xFFFFFFE0] =	vst v15;
	v15 =	vand.u32 $0xFFFF0000, v18;
	v13 =	vand.u32 $0xFFFF0000, v19;
	v63 =	vshll.u32 v57, $0x10  }
0x24f: {  	v14 =	vand.u32 $0xFFFF0000, v57;
	v10 =	vshll.u32 v16, $0x10;
	v18 =	vand.u32 $0xFFFF0000, v16  }
0x250: {  	s18 =	simm.s32 $0x2;
	s19 =	simm.s32 $0x46A3;
	[tilespmem:s30+$0x70] =	vst v17;
	v16 =	vadd.f32 v61, v60;
	v17 =	vadd.f32 v63, v62;
	v11 =	vshll.u32 v8, $0x10  }
.LBB2_8:
0x251: {  	v19 =	vld [tilespmem:s19+$0x0];
	v8 =	vand.u32 $0xFFFF0000, v8;
	v10 =	vadd.f32 v11, v10;
	v11 =	vadd.f32 v15, v12  }
0x252: {  	v13 =	vadd.f32 v14, v13;
	v12 =	vshll.u32 v9, $0x10;
	v8 =	vadd.f32 v8, v18  }
0x253: {  	v9 =	vand.u32 $0xFFFF0000, v9;
	v14 =	vadd.f32 v17, v16;
	v10 =	vadd.f32 v12, v10  }
0x254: {  	v11 =	vadd.f32 v13, v11;
	v8 =	vadd.f32 v9, v8  }
0x255: {  	v2 =	vand.u32 $0xFFFF0000, v2;
	v3 =	vadd.f32 v4, v3;
	v9 =	vadd.f32 v10, v14  }
0x256: {  	s30 =	sadd.s32 $0x100, s30;
	v2 =	vadd.f32 v2, v5;
	v4 =	vshll.u32 v19, $0x8;
	v8 =	vadd.f32 v8, v11  }
0x257: {  	v10 =	vshra.s32 v4, $0x2;
	[tilespmem:s30+$0xFFFFFF80] =	vst v9;
	v4 =	vadd.f32 v7, v6  }
0x258: {  	v2 =	vadd.f32 v2, v3;
	(v2sf) =	vpush v10, $0x0;
	[tilespmem:s30+$0xFFFFFF90] =	vst v8  }
0x259: {  	(v2sf) =	vpush v10, $0x1;
	v3 =	vld [tilespmem:s1+$0x2610];
	[tilespmem:s30+$0x0] =	vst v4  }
0x25a: {  	(v2sf) =	vpush v10, $0x2;
	v4 =	vld [tilespmem:s2+$0x2610];
	[tilespmem:s30+$0x10] =	vst v2  }
0x25b: {  	(v2sf) =	vpush v10, $0x3;
	v2 =	vld [tilespmem:s3+$0x2610]  }
0x25c: {  	(v2sf) =	vpush v10, $0x4;
	v5 =	vld [tilespmem:s4+$0x2610]  }
0x25d: {  	(v2sf) =	vpush v10, $0x5;
	v6 =	vld [tilespmem:s12+$0x2610]  }
0x25e: {  	v7 =	vld [tilespmem:s14+$0x2610]  }
0x25f: {  	v8 =	vld [tilespmem:s23+$0x2610]  }
0x260: {  	v9 =	vld [tilespmem:s24+$0x2610]  }
0x261: {  	v11 =	vshll.u32 v3, $0x10;
	v12 =	vld [tilespmem:s25+$0x2610]  }
0x262: {  	v14 =	vshll.u32 v4, $0x10;
	v15 =	vshll.u32 v2, $0x10;
	v16 =	vshll.u32 v5, $0x10;
	v13 =	vld [tilespmem:s15+$0x2610]  }
0x263: {  	v3 =	vand.u32 $0xFFFF0000, v3;
	v17 =	vshll.u32 v6, $0x10;
	v18 =	vshll.u32 v7, $0x10;
	v19 =	vld [tilespmem:s26+$0x2610]  }
0x264: {  	v4 =	vand.u32 $0xFFFF0000, v4;
	v2 =	vand.u32 $0xFFFF0000, v2;
	v5 =	vand.u32 $0xFFFF0000, v5;
	v20 =	vld [tilespmem:s28+$0x2610]  }
0x265: {  	v11 =	vadd.f32 v14, v11;
	v6 =	vand.u32 $0xFFFF0000, v6;
	v14 =	vadd.f32 v16, v15;
	v15 =	vld [tilespmem:s29+$0x2610]  }
0x266: {  	v3 =	vadd.f32 v4, v3;
	v7 =	vand.u32 $0xFFFF0000, v7;
	v16 =	vadd.f32 v18, v17;
	v17 =	vld [tilespmem:s31+$0x2610]  }
0x267: {  	v18 =	vadd.f32 v5, v2;
	v6 =	vadd.f32 v7, v6;
	s11 =	spop (v2sf);
	v4 =	vshll.u32 v13, $0x10  }
0x268: {  	v11 =	vadd.f32 v14, v11;
	v7 =	vand.u32 $0xFFFF0000, v13;
	v2 =	vld [tilespmem:s11+$0x2600];
	s7 =	spop (v2sf);
	v4 =	vadd.f32 v4, v16  }
0x269: {  	v14 =	vshll.u32 v8, $0x10;
	v3 =	vadd.f32 v18, v3;
	v13 =	vadd.f32 v7, v6;
	v5 =	vld [tilespmem:s7+$0x2600];
	s10 =	spop (v2sf)  }
0x26a: {  	v16 =	vshll.u32 v12, $0x10;
	v6 =	vld [tilespmem:s10+$0x2600];
	s9 =	spop (v2sf);
	v4 =	vadd.f32 v4, v11;
	v11 =	vshll.u32 v9, $0x10  }
0x26b: {  	v18 =	vshll.u32 v19, $0x10;
	v21 =	vshll.u32 v20, $0x10;
	v13 =	vadd.f32 v13, v3;
	v7 =	vld [tilespmem:s9+$0x2600];
	s8 =	spop (v2sf)  }
0x26c: {  	v8 =	vand.u32 $0xFFFF0000, v8;
	v22 =	vshll.u32 v15, $0x10;
	v9 =	vand.u32 $0xFFFF0000, v9;
	v3 =	vld [tilespmem:s8+$0x2600];
	s6 =	spop (v2sf);
	[tilespmem:s30+$0xFFFFFFA0] =	vst v4  }
0x26d: {  	v12 =	vand.u32 $0xFFFF0000, v12;
	v4 =	vld [tilespmem:s6+$0x2600];
	[tilespmem:s30+$0xFFFFFFB0] =	vst v13;
	v13 =	vand.u32 $0xFFFF0000, v19;
	v19 =	vand.u32 $0xFFFF0000, v20  }
0x26e: {  	v15 =	vand.u32 $0xFFFF0000, v15;
	v11 =	vadd.f32 v11, v14;
	v14 =	vadd.f32 v18, v16;
	v20 =	vld [tilespmem:s1+$0x2620]  }
0x26f: {  	v18 =	vshll.u32 v17, $0x10;
	v21 =	vadd.f32 v22, v21;
	v8 =	vadd.f32 v9, v8;
	v16 =	vld [tilespmem:s2+$0x2620]  }
0x270: {  	v9 =	vand.u32 $0xFFFF0000, v17;
	v12 =	vadd.f32 v13, v12;
	v13 =	vadd.f32 v15, v19;
	v22 =	vld [tilespmem:s3+$0x2620]  }
0x271: {  	v11 =	vadd.f32 v14, v11;
	v14 =	vadd.f32 v18, v21;
	v15 =	vld [tilespmem:s4+$0x2620]  }
0x272: {  	v12 =	vadd.f32 v12, v8;
	v9 =	vadd.f32 v9, v13;
	v17 =	vld [tilespmem:s12+$0x2620]  }
0x273: {  	v14 =	vadd.f32 v14, v11;
	v18 =	vld [tilespmem:s14+$0x2620]  }
0x274: {  	v8 =	vshll.u32 v2, $0x10;
	v19 =	vadd.f32 v9, v12;
	(v2sf) =	vpush v10, $0x6  }
0x275: {  	v11 =	vshll.u32 v5, $0x10;
	v13 =	vshll.u32 v7, $0x10;
	v12 =	vshll.u32 v6, $0x10;
	[tilespmem:s30+$0x20] =	vst v14  }
0x276: {  	v9 =	vshll.u32 v3, $0x10;
	v10 =	vshll.u32 v4, $0x10;
	v14 =	vshll.u32 v20, $0x10;
	[tilespmem:s30+$0x30] =	vst v19  }
0x277: {  	v21 =	vshll.u32 v16, $0x10;
	v23 =	vshll.u32 v22, $0x10;
	v24 =	vshll.u32 v15, $0x10;
	v19 =	vld [tilespmem:s15+$0x2620]  }
0x278: {  	v20 =	vand.u32 $0xFFFF0000, v20;
	v25 =	vshll.u32 v17, $0x10;
	v26 =	vshll.u32 v18, $0x10;
	v27 =	vld [tilespmem:s23+$0x2620]  }
0x279: {  	v16 =	vand.u32 $0xFFFF0000, v16;
	v22 =	vand.u32 $0xFFFF0000, v22;
	v15 =	vand.u32 $0xFFFF0000, v15;
	v28 =	vld [tilespmem:s24+$0x2620]  }
0x27a: {  	v14 =	vadd.f32 v21, v14;
	v17 =	vand.u32 $0xFFFF0000, v17;
	v21 =	vadd.f32 v24, v23;
	v23 =	vld [tilespmem:s25+$0x2620]  }
0x27b: {  	v16 =	vadd.f32 v16, v20;
	v18 =	vand.u32 $0xFFFF0000, v18;
	v24 =	vadd.f32 v26, v25;
	v20 =	vld [tilespmem:s26+$0x2620]  }
0x27c: {  	v15 =	vadd.f32 v15, v22;
	v17 =	vadd.f32 v18, v17;
	v25 =	vshll.u32 v19, $0x10;
	v18 =	vld [tilespmem:s28+$0x2620]  }
0x27d: {  	s0 =	sadd.s32 $0xE, s0;
	v14 =	vadd.f32 v21, v14;
	v19 =	vand.u32 $0xFFFF0000, v19;
	v21 =	vadd.f32 v25, v24;
	v22 =	vld [tilespmem:s29+$0x2620]  }
0x27e: {  	s16 =	sand.u32 $0x3FE, s0;
	v15 =	vadd.f32 v15, v16;
	v16 =	vadd.f32 v19, v17;
	v19 =	vshll.u32 v27, $0x10;
	v17 =	vld [tilespmem:s31+$0x2620]  }
0x27f: {  	v24 =	vld [tilespmem:s16+$0x4680];
	v14 =	vadd.f32 v21, v14;
	v21 =	vshll.u32 v28, $0x10;
	v25 =	vshll.u32 v23, $0x10  }
0x280: {  	v26 =	vand.u32 $0xFFFF0000, v27;
	v15 =	vadd.f32 v16, v15;
	v16 =	vshll.u32 v20, $0x10  }
0x281: {  	v27 =	vand.u32 $0xFFFF0000, v28;
	v23 =	vand.u32 $0xFFFF0000, v23;
	[tilespmem:s30+$0xFFFFFFC0] =	vst v14;
	v14 =	vshll.u32 v18, $0x10  }
0x282: {  	v20 =	vand.u32 $0xFFFF0000, v20;
	v18 =	vand.u32 $0xFFFF0000, v18;
	[tilespmem:s30+$0xFFFFFFD0] =	vst v15;
	v15 =	vshll.u32 v22, $0x10  }
0x283: {  	v19 =	vadd.f32 v21, v19;
	v16 =	vadd.f32 v16, v25;
	v22 =	vand.u32 $0xFFFF0000, v22;
	s16 =	spop (v2sf);
	v28 =	vld [tilespmem:s1+$0x2630]  }
0x284: {  	v14 =	vadd.f32 v15, v14;
	v15 =	vadd.f32 v27, v26;
	v21 =	vshll.u32 v24, $0x8;
	v24 =	vld [tilespmem:s2+$0x2630]  }
0x285: {  	v20 =	vadd.f32 v20, v23;
	v18 =	vadd.f32 v22, v18;
	v21 =	vshra.s32 v21, $0x2;
	v25 =	vld [tilespmem:s3+$0x2630]  }
0x286: {  	v23 =	vshll.u32 v17, $0x10;
	v17 =	vand.u32 $0xFFFF0000, v17;
	(v2sf) =	vpush v21, $0x0;
	v22 =	vld [tilespmem:s4+$0x2630]  }
0x287: {  	v26 =	vand.u32 $0xFFFF0000, v2;
	v16 =	vadd.f32 v16, v19;
	(v2sf) =	vpush v21, $0x1;
	v2 =	vld [tilespmem:s12+$0x2630]  }
0x288: {  	v14 =	vadd.f32 v23, v14;
	(v2sf) =	vpush v21, $0x2;
	v19 =	vld [tilespmem:s14+$0x2630];
	v27 =	vshll.u32 v28, $0x10  }
0x289: {  	v15 =	vadd.f32 v20, v15;
	(v2sf) =	vpush v21, $0x3;
	v23 =	vshll.u32 v24, $0x10  }
0x28a: {  	v17 =	vadd.f32 v17, v18;
	(v2sf) =	vpush v21, $0x4;
	v20 =	vld [tilespmem:s15+$0x2630];
	v29 =	vshll.u32 v25, $0x10  }
0x28b: {  	v14 =	vadd.f32 v14, v16;
	v18 =	vand.u32 $0xFFFF0000, v28;
	(v2sf) =	vpush v21, $0x5  }
0x28c: {  	v16 =	vand.u32 $0xFFFF0000, v24;
	v24 =	vand.u32 $0xFFFF0000, v25;
	v25 =	vand.u32 $0xFFFF0000, v22  }
0x28d: {  	v16 =	vadd.f32 v16, v18;
	v28 =	vand.u32 $0xFFFF0000, v2;
	v30 =	vand.u32 $0xFFFF0000, v19;
	[tilespmem:s30+$0x40] =	vst v14  }
0x28e: {  	v18 =	vadd.f32 v25, v24;
	v14 =	vshll.u32 v22, $0x10;
	v22 =	vadd.f32 v30, v28  }
0x28f: {  	v15 =	vadd.f32 v17, v15;
	v24 =	vshll.u32 v2, $0x10;
	v2 =	vand.u32 $0xFFFF0000, v20  }
0x290: {  	v17 =	vshll.u32 v19, $0x10;
	v16 =	vadd.f32 v18, v16;
	v18 =	vadd.f32 v2, v22  }
0x291: {  	v14 =	vadd.f32 v14, v29;
	v19 =	vshll.u32 v20, $0x10;
	v20 =	vadd.f32 v23, v27;
	v2 =	vld [tilespmem:s16+$0x2600];
	[tilespmem:s30+$0x50] =	vst v15  }
0x292: {  	v5 =	vand.u32 $0xFFFF0000, v5;
	(v2sf) =	vpush v21, $0x6;
	v15 =	vadd.f32 v18, v16;
	v16 =	vld [tilespmem:s23+$0x2630];
	s23 =	smov.u32 s11  }
0x293: {  	v6 =	vand.u32 $0xFFFF0000, v6;
	v17 =	vadd.f32 v17, v24;
	v14 =	vadd.f32 v14, v20;
	v18 =	vld [tilespmem:s24+$0x2630];
	s24 =	smov.u32 s7  }
0x294: {  	v7 =	vand.u32 $0xFFFF0000, v7;
	v11 =	vadd.f32 v11, v8;
	v12 =	vadd.f32 v13, v12;
	[tilespmem:s30+$0xFFFFFFF0] =	vst v15;
	v8 =	vld [tilespmem:s25+$0x2630];
	s25 =	smov.u32 s10  }
0x295: {  	v13 =	vand.u32 $0xFFFF0000, v3;
	v9 =	vadd.f32 v10, v9;
	v10 =	vadd.f32 v19, v17;
	s1 =	spop (v2sf);
	v15 =	vld [tilespmem:s26+$0x2630];
	s26 =	smov.u32 s9  }
0x296: {  	v3 =	vadd.f32 v5, v26;
	v17 =	vand.u32 $0xFFFF0000, v4;
	v4 =	vadd.f32 v7, v6;
	s2 =	spop (v2sf);
	v6 =	vld [tilespmem:s28+$0x2630];
	s28 =	smov.u32 s8  }
0x297: {  	v7 =	vadd.f32 v10, v14;
	s3 =	spop (v2sf);
	v10 =	vld [tilespmem:s29+$0x2630];
	v14 =	vshll.u32 v16, $0x10;
	v16 =	vand.u32 $0xFFFF0000, v16;
	s29 =	smov.u32 s6  }
0x298: {  	v5 =	vadd.f32 v17, v13;
	s4 =	spop (v2sf);
	v13 =	vld [tilespmem:s31+$0x2630];
	v17 =	vshll.u32 v18, $0x10;
	v18 =	vand.u32 $0xFFFF0000, v18;
	s31 =	smov.u32 s16  }
0x299: {  	v19 =	vld [tilespmem:s1+$0x2600];
	s12 =	spop (v2sf);
	[tilespmem:s30+$0xFFFFFFE0] =	vst v7;
	v7 =	vshll.u32 v8, $0x10;
	v8 =	vand.u32 $0xFFFF0000, v8;
	v14 =	vadd.f32 v17, v14  }
0x29a: {  	v16 =	vadd.f32 v18, v16;
	v17 =	vld [tilespmem:s2+$0x2600];
	s14 =	spop (v2sf);
	v20 =	vshll.u32 v15, $0x10;
	v15 =	vand.u32 $0xFFFF0000, v15  }
0x29b: {  	v18 =	vld [tilespmem:s3+$0x2600];
	v21 =	vshll.u32 v6, $0x10;
	v6 =	vand.u32 $0xFFFF0000, v6;
	v7 =	vadd.f32 v20, v7  }
0x29c: {  	v15 =	vadd.f32 v15, v8;
	v20 =	vld [tilespmem:s4+$0x2600];
	v22 =	vshll.u32 v10, $0x10;
	v10 =	vand.u32 $0xFFFF0000, v10  }
0x29d: {  	v23 =	vld [tilespmem:s12+$0x2600];
	v24 =	vshll.u32 v13, $0x10;
	v21 =	vadd.f32 v22, v21;
	v6 =	vadd.f32 v10, v6  }
0x29e: {  	s18 =	sadd.s32 $0x2, s18;
	v10 =	vand.u32 $0xFFFF0000, v13;
	v13 =	vadd.f32 v7, v14;
	v14 =	vadd.f32 v15, v16;
	v8 =	vld [tilespmem:s14+$0x2600]  }
0x29f: {  	p0 =	slt.u32 s18, $0x7E;
	v7 =	vshll.u32 v2, $0x10;
	v15 =	vadd.f32 v24, v21;
	v10 =	vadd.f32 v10, v6  }
0x2a0: {  	v7 =	vadd.f32 v7, v9;
	v6 =	vadd.f32 v12, v11  }
.Ltmp3:
0x2a1: {  	v16 =	vshll.u32 v19, $0x10;
	s15 =	spop (v2sf);
	v13 =	vadd.f32 v15, v13;
	v21 =	vadd.f32 v10, v14;
	(pc) =	sbr.rel @p0 .LBB2_8-.Ltmp3, $4  }
0x2a2: {  	v22 =	vshll.u32 v17, $0x10;
	v24 =	vshll.u32 v18, $0x10;
	v25 =	vshll.u32 v20, $0x10;
	v9 =	vld [tilespmem:s15+$0x2600]  }
0x2a3: {  	v12 =	vand.u32 $0xFFFF0000, v19;
	v10 =	vshll.u32 v23, $0x10;
	v11 =	vshll.u32 v8, $0x10;
	[tilespmem:s30+$0x60] =	vst v13  }
0x2a4: {  	v15 =	vand.u32 $0xFFFF0000, v17;
	v14 =	vand.u32 $0xFFFF0000, v20;
	v13 =	vand.u32 $0xFFFF0000, v18;
	[tilespmem:s30+$0x70] =	vst v21  }
0x2a5: {  	s19 =	sadd.s32 $0xE, s19;
	v16 =	vadd.f32 v22, v16;
	v17 =	vadd.f32 v25, v24;
	v18 =	vand.u32 $0xFFFF0000, v23  }
0x2a6: {  	v8 =	vand.u32 $0xFFFF0000, v8;
	v10 =	vadd.f32 v11, v10;
	v11 =	vadd.f32 v15, v12  }
0x2a7: {  	v13 =	vadd.f32 v14, v13;
	v12 =	vshll.u32 v9, $0x10;
	v8 =	vadd.f32 v8, v18  }
0x2a8: {  	v9 =	vand.u32 $0xFFFF0000, v9;
	v14 =	vadd.f32 v17, v16;
	v10 =	vadd.f32 v12, v10  }
0x2a9: {  	v11 =	vadd.f32 v13, v11;
	v8 =	vadd.f32 v9, v8  }
0x2aa: {  	v9 =	vadd.f32 v10, v14  }
0x2ab: {  	s0 =	sadd.s32 $0x100, s30;
	v8 =	vadd.f32 v8, v11  }
0x2ac: {  	[tilespmem:s0+$0xFFFFFF80] =	vst v9  }
0x2ad: {  	[tilespmem:s0+$0xFFFFFF90] =	vst v8  }
0x2ae: {  	v8 =	vld [tilespmem:s1+$0x2610]  }
0x2af: {  	v9 =	vld [tilespmem:s2+$0x2610]  }
0x2b0: {  	v10 =	vld [tilespmem:s3+$0x2610]  }
0x2b1: {  	v11 =	vld [tilespmem:s4+$0x2610]  }
0x2b2: {  	v12 =	vld [tilespmem:s12+$0x2610]  }
0x2b3: {  	v2 =	vand.u32 $0xFFFF0000, v2;
	v13 =	vld [tilespmem:s14+$0x2610]  }
0x2b4: {  	v3 =	vadd.f32 v4, v3;
	v2 =	vadd.f32 v2, v5  }
0x2b5: {  	v4 =	vadd.f32 v7, v6  }
0x2b6: {  	v2 =	vadd.f32 v2, v3;
	v3 =	vshll.u32 v8, $0x10  }
0x2b7: {  	[tilespmem:s0+$0x0] =	vst v4;
	v4 =	vld [tilespmem:s15+$0x2610];
	v5 =	vshll.u32 v9, $0x10;
	v6 =	vshll.u32 v10, $0x10;
	v7 =	vshll.u32 v11, $0x10  }
0x2b8: {  	[tilespmem:s0+$0x10] =	vst v2;
	v2 =	vshll.u32 v12, $0x10;
	v14 =	vshll.u32 v13, $0x10;
	v8 =	vand.u32 $0xFFFF0000, v8  }
0x2b9: {  	v15 =	vld [tilespmem:s23+$0x2610];
	v9 =	vand.u32 $0xFFFF0000, v9;
	v10 =	vand.u32 $0xFFFF0000, v10;
	v11 =	vand.u32 $0xFFFF0000, v11  }
0x2ba: {  	v16 =	vld [tilespmem:s24+$0x2610];
	v12 =	vand.u32 $0xFFFF0000, v12;
	v3 =	vadd.f32 v5, v3;
	v5 =	vadd.f32 v7, v6  }
0x2bb: {  	v6 =	vld [tilespmem:s25+$0x2610];
	v7 =	vand.u32 $0xFFFF0000, v13;
	v2 =	vadd.f32 v14, v2;
	v8 =	vadd.f32 v9, v8  }
0x2bc: {  	v9 =	vld [tilespmem:s26+$0x2610];
	v13 =	vshll.u32 v4, $0x10;
	v10 =	vadd.f32 v11, v10;
	v7 =	vadd.f32 v7, v12  }
0x2bd: {  	v4 =	vand.u32 $0xFFFF0000, v4;
	v3 =	vadd.f32 v5, v3;
	v2 =	vadd.f32 v13, v2  }
0x2be: {  	v11 =	vld [tilespmem:s28+$0x2610];
	v8 =	vadd.f32 v10, v8;
	v4 =	vadd.f32 v4, v7  }
0x2bf: {  	v5 =	vld [tilespmem:s29+$0x2610];
	v2 =	vadd.f32 v2, v3  }
0x2c0: {  	v13 =	vand.u32 $0xFFFF0000, v15;
	v7 =	vshll.u32 v16, $0x10;
	v3 =	vadd.f32 v4, v8  }
0x2c1: {  	v4 =	vshll.u32 v15, $0x10;
	v8 =	vshll.u32 v6, $0x10;
	v10 =	vshll.u32 v9, $0x10;
	[tilespmem:s0+$0xFFFFFFA0] =	vst v2;
	v2 =	vld [tilespmem:s31+$0x2610]  }
0x2c2: {  	v15 =	vand.u32 $0xFFFF0000, v16;
	v6 =	vand.u32 $0xFFFF0000, v6;
	v4 =	vadd.f32 v7, v4  }
0x2c3: {  	v9 =	vand.u32 $0xFFFF0000, v9;
	v7 =	vadd.f32 v10, v8;
	v10 =	vadd.f32 v15, v13;
	[tilespmem:s0+$0xFFFFFFB0] =	vst v3  }
0x2c4: {  	v6 =	vadd.f32 v9, v6;
	v3 =	vshll.u32 v11, $0x10;
	v12 =	vshll.u32 v5, $0x10;
	v8 =	vld [tilespmem:s3+$0x2620]  }
0x2c5: {  	v11 =	vand.u32 $0xFFFF0000, v11;
	v5 =	vand.u32 $0xFFFF0000, v5;
	v3 =	vadd.f32 v12, v3;
	v12 =	vld [tilespmem:s4+$0x2620]  }
0x2c6: {  	v5 =	vadd.f32 v5, v11;
	v4 =	vadd.f32 v7, v4;
	v7 =	vld [tilespmem:s14+$0x2620];
	v13 =	vshll.u32 v2, $0x10  }
0x2c7: {  	v14 =	vld [tilespmem:s1+$0x2620];
	v2 =	vand.u32 $0xFFFF0000, v2;
	v3 =	vadd.f32 v13, v3  }
0x2c8: {  	v16 =	vld [tilespmem:s2+$0x2620];
	v6 =	vadd.f32 v6, v10;
	v2 =	vadd.f32 v2, v5  }
0x2c9: {  	v9 =	vld [tilespmem:s12+$0x2620];
	v3 =	vadd.f32 v3, v4  }
0x2ca: {  	v10 =	vshll.u32 v8, $0x10;
	v2 =	vadd.f32 v2, v6  }
0x2cb: {  	v5 =	vld [tilespmem:s15+$0x2620];
	v11 =	vshll.u32 v12, $0x10;
	v13 =	vshll.u32 v7, $0x10;
	v8 =	vand.u32 $0xFFFF0000, v8;
	[tilespmem:s0+$0x20] =	vst v3  }
0x2cc: {  	v12 =	vand.u32 $0xFFFF0000, v12;
	v7 =	vand.u32 $0xFFFF0000, v7;
	v4 =	vshll.u32 v14, $0x10;
	[tilespmem:s0+$0x30] =	vst v2  }
0x2cd: {  	v6 =	vshll.u32 v16, $0x10;
	v14 =	vand.u32 $0xFFFF0000, v14;
	v8 =	vadd.f32 v12, v8;
	v15 =	vld [tilespmem:s23+$0x2620]  }
0x2ce: {  	v4 =	vadd.f32 v6, v4;
	v6 =	vadd.f32 v11, v10;
	v3 =	vshll.u32 v9, $0x10;
	v10 =	vld [tilespmem:s24+$0x2620]  }
0x2cf: {  	v2 =	vand.u32 $0xFFFF0000, v16;
	v9 =	vand.u32 $0xFFFF0000, v9;
	v3 =	vadd.f32 v13, v3;
	v11 =	vld [tilespmem:s25+$0x2620]  }
0x2d0: {  	v2 =	vadd.f32 v2, v14;
	v13 =	vshll.u32 v5, $0x10;
	v7 =	vadd.f32 v7, v9;
	v9 =	vld [tilespmem:s26+$0x2620]  }
0x2d1: {  	v5 =	vand.u32 $0xFFFF0000, v5;
	v4 =	vadd.f32 v6, v4;
	v6 =	vld [tilespmem:s28+$0x2620];
	v3 =	vadd.f32 v13, v3  }
0x2d2: {  	v2 =	vadd.f32 v8, v2;
	v5 =	vadd.f32 v5, v7  }
0x2d3: {  	v3 =	vadd.f32 v3, v4  }
0x2d4: {  	v7 =	vld [tilespmem:s29+$0x2620];
	v2 =	vadd.f32 v5, v2  }
0x2d5: {  	v4 =	vshll.u32 v15, $0x10;
	v5 =	vshll.u32 v10, $0x10;
	[tilespmem:s0+$0xFFFFFFC0] =	vst v3  }
0x2d6: {  	v8 =	vshll.u32 v11, $0x10;
	v12 =	vshll.u32 v9, $0x10;
	v13 =	vshll.u32 v6, $0x10;
	v3 =	vld [tilespmem:s31+$0x2620];
	[tilespmem:s0+$0xFFFFFFD0] =	vst v2  }
0x2d7: {  	v10 =	vand.u32 $0xFFFF0000, v10;
	v11 =	vand.u32 $0xFFFF0000, v11;
	v9 =	vand.u32 $0xFFFF0000, v9;
	v14 =	vld [tilespmem:s1+$0x2630]  }
0x2d8: {  	v6 =	vand.u32 $0xFFFF0000, v6;
	v2 =	vand.u32 $0xFFFF0000, v15;
	v4 =	vadd.f32 v5, v4;
	v16 =	vld [tilespmem:s2+$0x2630]  }
0x2d9: {  	v5 =	vadd.f32 v12, v8;
	v9 =	vadd.f32 v9, v11;
	v15 =	vshll.u32 v7, $0x10;
	v8 =	vld [tilespmem:s3+$0x2630]  }
0x2da: {  	v7 =	vand.u32 $0xFFFF0000, v7;
	v2 =	vadd.f32 v10, v2;
	v10 =	vld [tilespmem:s4+$0x2630];
	v12 =	vadd.f32 v15, v13  }
0x2db: {  	v6 =	vadd.f32 v7, v6;
	v4 =	vadd.f32 v5, v4;
	v5 =	vld [tilespmem:s14+$0x2630];
	v7 =	vshll.u32 v3, $0x10  }
0x2dc: {  	v3 =	vand.u32 $0xFFFF0000, v3;
	v7 =	vadd.f32 v7, v12  }
0x2dd: {  	v11 =	vld [tilespmem:s12+$0x2630];
	v2 =	vadd.f32 v9, v2;
	v3 =	vadd.f32 v3, v6;
	v6 =	vshll.u32 v14, $0x10  }
0x2de: {  	v12 =	vshll.u32 v8, $0x10;
	v13 =	vand.u32 $0xFFFF0000, v14;
	v4 =	vadd.f32 v7, v4  }
0x2df: {  	v8 =	vand.u32 $0xFFFF0000, v8;
	v14 =	vand.u32 $0xFFFF0000, v10;
	v2 =	vadd.f32 v3, v2  }
0x2e0: {  	v9 =	vshll.u32 v16, $0x10;
	v15 =	vand.u32 $0xFFFF0000, v5;
	v8 =	vadd.f32 v14, v8;
	v7 =	vld [tilespmem:s15+$0x2630];
	[tilespmem:s0+$0x40] =	vst v4  }
0x2e1: {  	v5 =	vshll.u32 v5, $0x10;
	v6 =	vadd.f32 v9, v6;
	v3 =	vand.u32 $0xFFFF0000, v16;
	[tilespmem:s0+$0x50] =	vst v2  }
0x2e2: {  	v3 =	vadd.f32 v3, v13;
	v4 =	vand.u32 $0xFFFF0000, v11;
	v2 =	vshll.u32 v10, $0x10;
	v10 =	vld [tilespmem:s23+$0x2630]  }
0x2e3: {  	v11 =	vshll.u32 v11, $0x10;
	v4 =	vadd.f32 v15, v4;
	v9 =	vld [tilespmem:s24+$0x2630];
	v2 =	vadd.f32 v2, v12  }
0x2e4: {  	v5 =	vadd.f32 v5, v11;
	v11 =	vld [tilespmem:s25+$0x2630];
	v3 =	vadd.f32 v8, v3  }
0x2e5: {  	v8 =	vld [tilespmem:s26+$0x2630];
	v13 =	vand.u32 $0xFFFF0000, v7;
	v7 =	vshll.u32 v7, $0x10;
	v2 =	vadd.f32 v2, v6  }
0x2e6: {  	v6 =	vld [tilespmem:s28+$0x2630];
	v4 =	vadd.f32 v13, v4;
	v5 =	vadd.f32 v7, v5  }
0x2e7: {  	v7 =	vld [tilespmem:s29+$0x2630]  }
0x2e8: {  	v3 =	vadd.f32 v4, v3;
	v2 =	vadd.f32 v5, v2;
	v4 =	vshll.u32 v10, $0x10  }
0x2e9: {  	v5 =	vand.u32 $0xFFFF0000, v10;
	v10 =	vld [tilespmem:s31+$0x2630];
	v12 =	vshll.u32 v9, $0x10;
	v9 =	vand.u32 $0xFFFF0000, v9  }
0x2ea: {  	v13 =	vshll.u32 v11, $0x10;
	v11 =	vand.u32 $0xFFFF0000, v11;
	v4 =	vadd.f32 v12, v4  }
0x2eb: {  	v12 =	vshll.u32 v8, $0x10;
	v8 =	vand.u32 $0xFFFF0000, v8;
	v5 =	vadd.f32 v9, v5  }
0x2ec: {  	v9 =	vshll.u32 v6, $0x10;
	v6 =	vand.u32 $0xFFFF0000, v6;
	v14 =	vshll.u32 v7, $0x10  }
0x2ed: {  	v12 =	vadd.f32 v12, v13;
	v7 =	vand.u32 $0xFFFF0000, v7;
	v9 =	vadd.f32 v14, v9  }
0x2ee: {  	v8 =	vadd.f32 v8, v11;
	v6 =	vadd.f32 v7, v6;
	v11 =	vshll.u32 v10, $0x10  }
0x2ef: {  	v4 =	vadd.f32 v12, v4;
	v7 =	vand.u32 $0xFFFF0000, v10;
	v9 =	vadd.f32 v11, v9  }
0x2f0: {  	v5 =	vadd.f32 v8, v5;
	v6 =	vadd.f32 v7, v6  }
0x2f1: {  	[tilespmem:s0+$0xFFFFFFF0] =	vst v3;
	v3 =	vadd.f32 v9, v4  }
0x2f2: {  	[tilespmem:s0+$0xFFFFFFE0] =	vst v2;
	v2 =	vadd.f32 v6, v5  }
0x2f3: {  	[tilespmem:s0+$0x60] =	vst v3  }
0x2f4: {  	[tilespmem:s0+$0x70] =	vst v2  }
0x2f5: {  	s24 =	simm.s32 $0x0;
	s26 =	simm.s32 $0x9180;
	s25 =	rddreg [dreg:$0x8]  }
0x2f6: {  	[hbm4b:s25+s24] =	stream.linear.scatter [tilespmem:s26], [sflag:$0x3], $0x4000, $0x38;
	[tilespmem:$0xD180] =	vst v63  }
0x2f7: {  	_ =	swait.ge [sflag:s20], $0x4000  }
0x2f8: {  	[sflag:s20] =	ssyncset.done $0x0  }
0x2f9: {  	s3 =	simm.s32 $0x4A07;
	[sflag:s20] =	ssyncadd.s32 $0xFFFFC000  }
0x2fa: {  	v2 =	vld [tilespmem:s3+$0x0];
	_ =	sdelay $0x4  }
0x2fb: {  	v2 =	vshll.u32 v2, $0x8  }
0x2fc: {  	v2 =	vshra.s32 v2, $0x2  }
0x2fd: {  	(v2sf) =	vpush v2, $0x0  }
0x2fe: {  	s0 =	sand.u32 $0x3FE, s24;
	(v2sf) =	vpush v2, $0x1  }
0x2ff: {  	v3 =	vld [tilespmem:s0+$0x4A00];
	_ =	sdelay $0x1  }
0x300: {  	(v2sf) =	vpush v2, $0x2  }
0x301: {  	(v2sf) =	vpush v2, $0x3  }
0x302: {  	(v2sf) =	vpush v2, $0x4  }
0x303: {  	v3 =	vshll.u32 v3, $0x8;
	(v2sf) =	vpush v2, $0x5  }
0x304: {  	(v2sf) =	vpush v2, $0x6;
	v2 =	vshra.s32 v3, $0x2  }
0x305: {  	(v2sf) =	vpush v2, $0x0  }
0x306: {  	(v2sf) =	vpush v2, $0x1  }
0x307: {  	(v2sf) =	vpush v2, $0x2  }
0x308: {  	(v2sf) =	vpush v2, $0x3  }
0x309: {  	(v2sf) =	vpush v2, $0x4  }
0x30a: {  	(v2sf) =	vpush v2, $0x5  }
0x30b: {  	s4 =	spop (v2sf)  }
0x30c: {  	s12 =	spop (v2sf);
	(v2sf) =	vpush v2, $0x6;
	_ =	sdelay $0x2  }
0x30d: {  	s1 =	spop (v2sf)  }
0x30e: {  	s2 =	spop (v2sf)  }
0x30f: {  	v2 =	vld [tilespmem:s4+$0x2600];
	s3 =	spop (v2sf)  }
0x310: {  	v3 =	vld [tilespmem:s12+$0x2600];
	s11 =	spop (v2sf)  }
0x311: {  	v4 =	vld [tilespmem:s1+$0x2600];
	s16 =	spop (v2sf)  }
0x312: {  	v5 =	vld [tilespmem:s2+$0x2600];
	s10 =	spop (v2sf)  }
0x313: {  	s8 =	spop (v2sf);
	v8 =	vld [tilespmem:s10+$0x2600]  }
0x314: {  	s31 =	spop (v2sf);
	v9 =	vld [tilespmem:s8+$0x2600]  }
0x315: {  	s19 =	spop (v2sf);
	v10 =	vld [tilespmem:s31+$0x2600]  }
0x316: {  	s6 =	spop (v2sf);
	v11 =	vld [tilespmem:s19+$0x2600]  }
0x317: {  	v12 =	vshll.u32 v2, $0x10;
	v2 =	vand.u32 $0xFFFF0000, v2;
	v14 =	vshll.u32 v3, $0x10;
	s18 =	spop (v2sf);
	v13 =	vld [tilespmem:s6+$0x2600]  }
0x318: {  	v3 =	vand.u32 $0xFFFF0000, v3;
	v15 =	vshll.u32 v4, $0x10;
	v16 =	vshll.u32 v5, $0x10;
	v17 =	vld [tilespmem:s18+$0x2600]  }
0x319: {  	v12 =	vadd.f32 v14, v12;
	v14 =	vadd.f32 v16, v15;
	v15 =	vshll.u32 v8, $0x10;
	s9 =	spop (v2sf)  }
0x31a: {  	v8 =	vand.u32 $0xFFFF0000, v8;
	v20 =	vshll.u32 v9, $0x10;
	v9 =	vand.u32 $0xFFFF0000, v9;
	v16 =	vld [tilespmem:s9+$0x2600]  }
0x31b: {  	v21 =	vshll.u32 v10, $0x10;
	v10 =	vand.u32 $0xFFFF0000, v10;
	v15 =	vadd.f32 v20, v15  }
0x31c: {  	v8 =	vadd.f32 v9, v8;
	v22 =	vshll.u32 v11, $0x10;
	v11 =	vand.u32 $0xFFFF0000, v11  }
0x31d: {  	v23 =	vshll.u32 v13, $0x10;
	v13 =	vand.u32 $0xFFFF0000, v13;
	v24 =	vshll.u32 v17, $0x10  }
0x31e: {  	v6 =	vld [tilespmem:s3+$0x2600];
	v20 =	vadd.f32 v22, v21;
	v17 =	vand.u32 $0xFFFF0000, v17;
	v51 =	vadd.f32 v24, v23  }
0x31f: {  	s26 =	simm.s32 $0x4A15;
	v7 =	vld [tilespmem:s11+$0x2600];
	v10 =	vadd.f32 v11, v10;
	v11 =	vadd.f32 v17, v13;
	v9 =	vshll.u32 v16, $0x10  }
0x320: {  	v50 =	vld [tilespmem:s26+$0x0];
	v15 =	vadd.f32 v20, v15;
	v16 =	vand.u32 $0xFFFF0000, v16;
	v9 =	vadd.f32 v9, v51  }
0x321: {  	v4 =	vand.u32 $0xFFFF0000, v4;
	v13 =	vld [tilespmem:s16+$0x2600];
	v8 =	vadd.f32 v10, v8;
	v10 =	vadd.f32 v16, v11  }
0x322: {  	v2 =	vadd.f32 v3, v2;
	v5 =	vand.u32 $0xFFFF0000, v5;
	v9 =	vadd.f32 v9, v15  }
0x323: {  	s30 =	simm.s32 $0x5200;
	v18 =	vshll.u32 v6, $0x10;
	v6 =	vand.u32 $0xFFFF0000, v6;
	v8 =	vadd.f32 v10, v8  }
0x324: {  	v4 =	vadd.f32 v5, v4;
	v19 =	vshll.u32 v7, $0x10;
	v7 =	vand.u32 $0xFFFF0000, v7;
	[tilespmem:s30+$0xFFFFFF80] =	vst v9  }
0x325: {  	v3 =	vshll.u32 v50, $0x8;
	v5 =	vadd.f32 v7, v6;
	v11 =	vadd.f32 v19, v18;
	[tilespmem:s30+$0xFFFFFF90] =	vst v8  }
0x326: {  	v6 =	vadd.f32 v14, v12;
	v10 =	vshra.s32 v3, $0x2;
	v3 =	vshll.u32 v13, $0x10;
	v7 =	vld [tilespmem:s10+$0x2610]  }
0x327: {  	v2 =	vadd.f32 v4, v2;
	v3 =	vadd.f32 v3, v11;
	v8 =	vand.u32 $0xFFFF0000, v13;
	v4 =	vld [tilespmem:s8+$0x2610]  }
0x328: {  	(v2sf) =	vpush v10, $0x0;
	v5 =	vadd.f32 v8, v5;
	v8 =	vld [tilespmem:s31+$0x2610]  }
0x329: {  	(v2sf) =	vpush v10, $0x1;
	v3 =	vadd.f32 v3, v6;
	v6 =	vld [tilespmem:s19+$0x2610];
	_ =	sdelay $0x1  }
0x32a: {  	(v2sf) =	vpush v10, $0x2;
	v2 =	vadd.f32 v5, v2;
	v5 =	vld [tilespmem:s6+$0x2610]  }
0x32b: {  	(v2sf) =	vpush v10, $0x3;
	[tilespmem:s30+$0x0] =	vst v3;
	v3 =	vld [tilespmem:s18+$0x2610]  }
0x32c: {  	(v2sf) =	vpush v10, $0x4;
	v11 =	vshll.u32 v7, $0x10  }
0x32d: {  	v12 =	vld [tilespmem:s9+$0x2610];
	[tilespmem:s30+$0x10] =	vst v2;
	v13 =	vshll.u32 v4, $0x10;
	v14 =	vshll.u32 v8, $0x10;
	v15 =	vshll.u32 v6, $0x10  }
0x32e: {  	v2 =	vld [tilespmem:s4+$0x2610];
	v7 =	vand.u32 $0xFFFF0000, v7;
	v4 =	vand.u32 $0xFFFF0000, v4;
	v8 =	vand.u32 $0xFFFF0000, v8  }
0x32f: {  	v9 =	vld [tilespmem:s12+$0x2610];
	v6 =	vand.u32 $0xFFFF0000, v6;
	v11 =	vadd.f32 v13, v11;
	v13 =	vadd.f32 v15, v14  }
0x330: {  	v16 =	vld [tilespmem:s1+$0x2610];
	v4 =	vadd.f32 v4, v7;
	v17 =	vshll.u32 v5, $0x10;
	v18 =	vshll.u32 v3, $0x10  }
0x331: {  	v19 =	vld [tilespmem:s2+$0x2610];
	v5 =	vand.u32 $0xFFFF0000, v5;
	v3 =	vand.u32 $0xFFFF0000, v3;
	v15 =	vadd.f32 v18, v17  }
0x332: {  	v20 =	vld [tilespmem:s3+$0x2610];
	v7 =	vshll.u32 v12, $0x10;
	v6 =	vadd.f32 v6, v8;
	v5 =	vadd.f32 v3, v5  }
0x333: {  	v14 =	vld [tilespmem:s11+$0x2610];
	v12 =	vand.u32 $0xFFFF0000, v12;
	v11 =	vadd.f32 v13, v11;
	v7 =	vadd.f32 v7, v15  }
0x334: {  	v6 =	vadd.f32 v6, v4;
	v12 =	vadd.f32 v12, v5  }
0x335: {  	(v2sf) =	vpush v10, $0x5;
	v7 =	vadd.f32 v7, v11  }
0x336: {  	v17 =	vld [tilespmem:s16+$0x2610];
	v13 =	vshll.u32 v2, $0x10;
	v15 =	vshll.u32 v16, $0x10;
	v12 =	vadd.f32 v12, v6;
	s23 =	spop (v2sf)  }
0x337: {  	v18 =	vshll.u32 v19, $0x10;
	v52 =	vshll.u32 v20, $0x10;
	v2 =	vand.u32 $0xFFFF0000, v2;
	v8 =	vld [tilespmem:s23+$0x2600];
	s24 =	spop (v2sf);
	[tilespmem:s30+$0xFFFFFFA0] =	vst v7  }
0x338: {  	v53 =	vshll.u32 v14, $0x10;
	v14 =	vand.u32 $0xFFFF0000, v14;
	v11 =	vshll.u32 v9, $0x10;
	[tilespmem:s30+$0xFFFFFFB0] =	vst v12;
	v3 =	vld [tilespmem:s24+$0x2600]  }
0x339: {  	v12 =	vand.u32 $0xFFFF0000, v16;
	v16 =	vand.u32 $0xFFFF0000, v19;
	v19 =	vand.u32 $0xFFFF0000, v20;
	v20 =	vld [tilespmem:s10+$0x2620]  }
0x33a: {  	v9 =	vand.u32 $0xFFFF0000, v9;
	v11 =	vadd.f32 v11, v13;
	v13 =	vadd.f32 v18, v15;
	v15 =	vld [tilespmem:s8+$0x2620]  }
0x33b: {  	v18 =	vadd.f32 v53, v52;
	v2 =	vadd.f32 v9, v2;
	v9 =	vshll.u32 v17, $0x10;
	v54 =	vld [tilespmem:s31+$0x2620]  }
0x33c: {  	v12 =	vadd.f32 v16, v12;
	v14 =	vadd.f32 v14, v19;
	v16 =	vand.u32 $0xFFFF0000, v17;
	v17 =	vld [tilespmem:s19+$0x2620]  }
0x33d: {  	v11 =	vadd.f32 v13, v11;
	v9 =	vadd.f32 v9, v18;
	v13 =	vld [tilespmem:s6+$0x2620]  }
0x33e: {  	v2 =	vadd.f32 v12, v2;
	v12 =	vadd.f32 v16, v14  }
0x33f: {  	(v2sf) =	vpush v10, $0x6;
	v9 =	vadd.f32 v9, v11  }
0x340: {  	s25 =	spop (v2sf);
	v11 =	vshll.u32 v8, $0x10;
	v2 =	vadd.f32 v12, v2;
	v8 =	vand.u32 $0xFFFF0000, v8  }
0x341: {  	v4 =	vld [tilespmem:s25+$0x2600];
	v10 =	vshll.u32 v3, $0x10;
	v19 =	vshll.u32 v20, $0x10;
	v55 =	vshll.u32 v15, $0x10  }
0x342: {  	s26 =	spop (v2sf);
	v14 =	vld [tilespmem:s18+$0x2620];
	v56 =	vshll.u32 v54, $0x10;
	v57 =	vshll.u32 v17, $0x10;
	v25 =	vshll.u32 v13, $0x10  }
0x343: {  	v5 =	vld [tilespmem:s26+$0x2600];
	[tilespmem:s30+$0x20] =	vst v9;
	v20 =	vand.u32 $0xFFFF0000, v20;
	v15 =	vand.u32 $0xFFFF0000, v15;
	v21 =	vand.u32 $0xFFFF0000, v54  }
0x344: {  	v17 =	vand.u32 $0xFFFF0000, v17;
	v13 =	vand.u32 $0xFFFF0000, v13;
	[tilespmem:s30+$0x30] =	vst v2;
	v2 =	vld [tilespmem:s9+$0x2620];
	v19 =	vadd.f32 v55, v19  }
0x345: {  	v3 =	vand.u32 $0xFFFF0000, v3;
	v58 =	vadd.f32 v57, v56;
	v15 =	vadd.f32 v15, v20;
	v27 =	vld [tilespmem:s4+$0x2620]  }
0x346: {  	v12 =	vshll.u32 v4, $0x10;
	v17 =	vadd.f32 v17, v21;
	v10 =	vadd.f32 v10, v11;
	v28 =	vld [tilespmem:s12+$0x2620]  }
0x347: {  	s0 =	simm.s32 $0xE;
	v3 =	vadd.f32 v3, v8;
	v26 =	vshll.u32 v14, $0x10;
	v59 =	vld [tilespmem:s1+$0x2620];
	v14 =	vand.u32 $0xFFFF0000, v14  }
0x348: {  	s7 =	sand.u32 $0x3FE, s0;
	v16 =	vshll.u32 v5, $0x10;
	v20 =	vld [tilespmem:s2+$0x2620];
	v60 =	vadd.f32 v26, v25;
	v13 =	vadd.f32 v14, v13  }
0x349: {  	v19 =	vadd.f32 v58, v19;
	v15 =	vadd.f32 v17, v15;
	v17 =	vld [tilespmem:s7+$0x4A00];
	v61 =	vshll.u32 v2, $0x10  }
0x34a: {  	v11 =	vadd.f32 v16, v12;
	v2 =	vand.u32 $0xFFFF0000, v2;
	v62 =	vadd.f32 v61, v60  }
0x34b: {  	v63 =	vld [tilespmem:s11+$0x2620];
	v2 =	vadd.f32 v2, v13;
	v13 =	vshll.u32 v27, $0x10;
	v32 =	vshll.u32 v28, $0x10  }
0x34c: {  	v14 =	vld [tilespmem:s3+$0x2620];
	v33 =	vshll.u32 v59, $0x10;
	v34 =	vand.u32 $0xFFFF0000, v27;
	v36 =	vand.u32 $0xFFFF0000, v28  }
0x34d: {  	v23 =	vand.u32 $0xFFFF0000, v59;
	v13 =	vadd.f32 v32, v13;
	v19 =	vadd.f32 v62, v19  }
0x34e: {  	v17 =	vshll.u32 v17, $0x8;
	v2 =	vadd.f32 v2, v15;
	v15 =	vshll.u32 v20, $0x10  }
0x34f: {  	s28 =	spop (v2sf);
	v35 =	vld [tilespmem:s16+$0x2620];
	v20 =	vand.u32 $0xFFFF0000, v20;
	v17 =	vshra.s32 v17, $0x2;
	v15 =	vadd.f32 v15, v33;
	[tilespmem:s30+$0xFFFFFFC0] =	vst v19  }
0x350: {  	v6 =	vld [tilespmem:s28+$0x2600];
	v22 =	vand.u32 $0xFFFF0000, v63;
	v20 =	vadd.f32 v20, v23;
	(v2sf) =	vpush v17, $0x0;
	[tilespmem:s30+$0xFFFFFFD0] =	vst v2  }
0x351: {  	v19 =	vshll.u32 v14, $0x10;
	v2 =	vshll.u32 v63, $0x10;
	(v2sf) =	vpush v17, $0x1;
	v37 =	vld [tilespmem:s10+$0x2630]  }
0x352: {  	v14 =	vand.u32 $0xFFFF0000, v14;
	v38 =	vld [tilespmem:s8+$0x2630];
	v2 =	vadd.f32 v2, v19;
	v19 =	vadd.f32 v36, v34  }
0x353: {  	v4 =	vand.u32 $0xFFFF0000, v4;
	v39 =	vld [tilespmem:s31+$0x2630];
	v14 =	vadd.f32 v22, v14;
	(v2sf) =	vpush v17, $0x2  }
0x354: {  	v41 =	vshll.u32 v35, $0x10;
	v40 =	vld [tilespmem:s19+$0x2630];
	v13 =	vadd.f32 v15, v13;
	(v2sf) =	vpush v17, $0x3  }
0x355: {  	v42 =	vand.u32 $0xFFFF0000, v35;
	v43 =	vld [tilespmem:s6+$0x2630];
	v2 =	vadd.f32 v41, v2;
	v19 =	vadd.f32 v20, v19  }
0x356: {  	v5 =	vand.u32 $0xFFFF0000, v5;
	v15 =	vld [tilespmem:s18+$0x2630];
	(v2sf) =	vpush v17, $0x4;
	v14 =	vadd.f32 v42, v14  }
0x357: {  	s29 =	spop (v2sf);
	v9 =	vshll.u32 v6, $0x10;
	(v2sf) =	vpush v17, $0x5;
	v2 =	vadd.f32 v2, v13  }
0x358: {  	s31 =	spop (v2sf);
	v14 =	vadd.f32 v14, v19;
	(v2sf) =	vpush v17, $0x6;
	v44 =	vshll.u32 v37, $0x10  }
0x359: {  	v20 =	vld [tilespmem:s9+$0x2630];
	v45 =	vshll.u32 v38, $0x10;
	v29 =	vshll.u32 v39, $0x10;
	v46 =	vand.u32 $0xFFFF0000, v37  }
0x35a: {  	v13 =	vand.u32 $0xFFFF0000, v38;
	v47 =	vand.u32 $0xFFFF0000, v39;
	v48 =	vand.u32 $0xFFFF0000, v40  }
0x35b: {  	v49 =	vand.u32 $0xFFFF0000, v43;
	v30 =	vand.u32 $0xFFFF0000, v15;
	v22 =	vshll.u32 v40, $0x10;
	[tilespmem:s30+$0x40] =	vst v2  }
0x35c: {  	v7 =	vld [tilespmem:s29+$0x2600];
	v51 =	vshll.u32 v43, $0x10;
	v13 =	vadd.f32 v13, v46;
	v21 =	vadd.f32 v48, v47;
	[tilespmem:s30+$0x50] =	vst v14  }
0x35d: {  	v15 =	vshll.u32 v15, $0x10;
	v50 =	vadd.f32 v30, v49;
	v53 =	vadd.f32 v45, v44;
	v14 =	vld [tilespmem:s4+$0x2630]  }
0x35e: {  	v22 =	vadd.f32 v22, v29;
	v15 =	vadd.f32 v15, v51;
	v52 =	vand.u32 $0xFFFF0000, v20;
	v12 =	vld [tilespmem:s1+$0x2630]  }
0x35f: {  	v20 =	vshll.u32 v20, $0x10;
	v16 =	vld [tilespmem:s2+$0x2630];
	v13 =	vadd.f32 v21, v13;
	v19 =	vadd.f32 v52, v50  }
0x360: {  	v6 =	vand.u32 $0xFFFF0000, v6;
	v8 =	vld [tilespmem:s3+$0x2630];
	v17 =	vadd.f32 v22, v53;
	v15 =	vadd.f32 v20, v15  }
0x361: {  	v4 =	vadd.f32 v5, v4;
	v18 =	vshll.u32 v7, $0x10;
	v13 =	vadd.f32 v19, v13;
	v19 =	vld [tilespmem:s12+$0x2630]  }
0x362: {  	v7 =	vand.u32 $0xFFFF0000, v7;
	v9 =	vadd.f32 v18, v9;
	v15 =	vadd.f32 v15, v17;
	v17 =	vld [tilespmem:s11+$0x2630]  }
0x363: {  	v5 =	vadd.f32 v7, v6;
	v18 =	vshll.u32 v14, $0x10;
	v14 =	vand.u32 $0xFFFF0000, v14  }
0x364: {  	v6 =	vld [tilespmem:s16+$0x2630];
	v54 =	vshll.u32 v12, $0x10;
	v12 =	vand.u32 $0xFFFF0000, v12;
	v55 =	vshll.u32 v16, $0x10  }
0x365: {  	v16 =	vand.u32 $0xFFFF0000, v16;
	v56 =	vshll.u32 v8, $0x10;
	v8 =	vand.u32 $0xFFFF0000, v8  }
0x366: {  	v2 =	vld [tilespmem:s31+$0x2600];
	s1 =	spop (v2sf);
	v21 =	vadd.f32 v55, v54;
	v12 =	vadd.f32 v16, v12;
	v7 =	vshll.u32 v19, $0x10  }
0x367: {  	s2 =	spop (v2sf);
	v20 =	vld [tilespmem:s1+$0x2600];
	v19 =	vand.u32 $0xFFFF0000, v19;
	v58 =	vshll.u32 v17, $0x10;
	v7 =	vadd.f32 v7, v18  }
0x368: {  	s3 =	spop (v2sf);
	v17 =	vand.u32 $0xFFFF0000, v17;
	v18 =	vld [tilespmem:s2+$0x2600];
	v14 =	vadd.f32 v19, v14;
	v23 =	vadd.f32 v58, v56  }
0x369: {  	v59 =	vshll.u32 v6, $0x10;
	s4 =	spop (v2sf);
	v19 =	vld [tilespmem:s3+$0x2600];
	v17 =	vadd.f32 v17, v8;
	v21 =	vadd.f32 v21, v7  }
0x36a: {  	v6 =	vand.u32 $0xFFFF0000, v6;
	s12 =	spop (v2sf);
	v57 =	vld [tilespmem:s4+$0x2600];
	v12 =	vadd.f32 v12, v14;
	v14 =	vadd.f32 v59, v23  }
0x36b: {  	s14 =	spop (v2sf);
	v16 =	vld [tilespmem:s12+$0x2600];
	v7 =	vshll.u32 v2, $0x10;
	v17 =	vadd.f32 v6, v17  }
0x36c: {  	v8 =	vld [tilespmem:s14+$0x2600];
	v7 =	vadd.f32 v7, v9;
	v9 =	vadd.f32 v14, v21  }
0x36d: {  	[tilespmem:s30+$0xFFFFFFF0] =	vst v13;
	v6 =	vadd.f32 v11, v10;
	v60 =	vshll.u32 v20, $0x10;
	s15 =	spop (v2sf);
	v17 =	vadd.f32 v17, v12  }
0x36e: {  	v12 =	vand.u32 $0xFFFF0000, v20;
	v61 =	vshll.u32 v18, $0x10;
	v62 =	vshll.u32 v19, $0x10;
	[tilespmem:s30+$0x60] =	vst v9;
	v9 =	vld [tilespmem:s15+$0x2600]  }
0x36f: {  	[tilespmem:s30+$0xFFFFFFE0] =	vst v15;
	v15 =	vand.u32 $0xFFFF0000, v18;
	v13 =	vand.u32 $0xFFFF0000, v19;
	v63 =	vshll.u32 v57, $0x10  }
0x370: {  	v14 =	vand.u32 $0xFFFF0000, v57;
	v10 =	vshll.u32 v16, $0x10;
	v18 =	vand.u32 $0xFFFF0000, v16  }
0x371: {  	s18 =	simm.s32 $0x2;
	s19 =	simm.s32 $0x4A23;
	[tilespmem:s30+$0x70] =	vst v17;
	v16 =	vadd.f32 v61, v60;
	v17 =	vadd.f32 v63, v62;
	v11 =	vshll.u32 v8, $0x10  }
.LBB2_10:
0x372: {  	v19 =	vld [tilespmem:s19+$0x0];
	v8 =	vand.u32 $0xFFFF0000, v8;
	v10 =	vadd.f32 v11, v10;
	v11 =	vadd.f32 v15, v12  }
0x373: {  	v13 =	vadd.f32 v14, v13;
	v12 =	vshll.u32 v9, $0x10;
	v8 =	vadd.f32 v8, v18  }
0x374: {  	v9 =	vand.u32 $0xFFFF0000, v9;
	v14 =	vadd.f32 v17, v16;
	v10 =	vadd.f32 v12, v10  }
0x375: {  	v11 =	vadd.f32 v13, v11;
	v8 =	vadd.f32 v9, v8  }
0x376: {  	v2 =	vand.u32 $0xFFFF0000, v2;
	v3 =	vadd.f32 v4, v3;
	v9 =	vadd.f32 v10, v14  }
0x377: {  	s30 =	sadd.s32 $0x100, s30;
	v2 =	vadd.f32 v2, v5;
	v4 =	vshll.u32 v19, $0x8;
	v8 =	vadd.f32 v8, v11  }
0x378: {  	v10 =	vshra.s32 v4, $0x2;
	[tilespmem:s30+$0xFFFFFF80] =	vst v9;
	v4 =	vadd.f32 v7, v6  }
0x379: {  	v2 =	vadd.f32 v2, v3;
	(v2sf) =	vpush v10, $0x0;
	[tilespmem:s30+$0xFFFFFF90] =	vst v8  }
0x37a: {  	(v2sf) =	vpush v10, $0x1;
	v3 =	vld [tilespmem:s1+$0x2610];
	[tilespmem:s30+$0x0] =	vst v4  }
0x37b: {  	(v2sf) =	vpush v10, $0x2;
	v4 =	vld [tilespmem:s2+$0x2610];
	[tilespmem:s30+$0x10] =	vst v2  }
0x37c: {  	(v2sf) =	vpush v10, $0x3;
	v2 =	vld [tilespmem:s3+$0x2610]  }
0x37d: {  	(v2sf) =	vpush v10, $0x4;
	v5 =	vld [tilespmem:s4+$0x2610]  }
0x37e: {  	(v2sf) =	vpush v10, $0x5;
	v6 =	vld [tilespmem:s12+$0x2610]  }
0x37f: {  	v7 =	vld [tilespmem:s14+$0x2610]  }
0x380: {  	v8 =	vld [tilespmem:s23+$0x2610]  }
0x381: {  	v9 =	vld [tilespmem:s24+$0x2610]  }
0x382: {  	v11 =	vshll.u32 v3, $0x10;
	v12 =	vld [tilespmem:s25+$0x2610]  }
0x383: {  	v14 =	vshll.u32 v4, $0x10;
	v15 =	vshll.u32 v2, $0x10;
	v16 =	vshll.u32 v5, $0x10;
	v13 =	vld [tilespmem:s15+$0x2610]  }
0x384: {  	v3 =	vand.u32 $0xFFFF0000, v3;
	v17 =	vshll.u32 v6, $0x10;
	v18 =	vshll.u32 v7, $0x10;
	v19 =	vld [tilespmem:s26+$0x2610]  }
0x385: {  	v4 =	vand.u32 $0xFFFF0000, v4;
	v2 =	vand.u32 $0xFFFF0000, v2;
	v5 =	vand.u32 $0xFFFF0000, v5;
	v20 =	vld [tilespmem:s28+$0x2610]  }
0x386: {  	v11 =	vadd.f32 v14, v11;
	v6 =	vand.u32 $0xFFFF0000, v6;
	v14 =	vadd.f32 v16, v15;
	v15 =	vld [tilespmem:s29+$0x2610]  }
0x387: {  	v3 =	vadd.f32 v4, v3;
	v7 =	vand.u32 $0xFFFF0000, v7;
	v16 =	vadd.f32 v18, v17;
	v17 =	vld [tilespmem:s31+$0x2610]  }
0x388: {  	v18 =	vadd.f32 v5, v2;
	v6 =	vadd.f32 v7, v6;
	s7 =	spop (v2sf);
	v4 =	vshll.u32 v13, $0x10  }
0x389: {  	v11 =	vadd.f32 v14, v11;
	v7 =	vand.u32 $0xFFFF0000, v13;
	v2 =	vld [tilespmem:s7+$0x2600];
	s11 =	spop (v2sf);
	v4 =	vadd.f32 v4, v16  }
0x38a: {  	v14 =	vshll.u32 v8, $0x10;
	v3 =	vadd.f32 v18, v3;
	v13 =	vadd.f32 v7, v6;
	v5 =	vld [tilespmem:s11+$0x2600];
	s10 =	spop (v2sf)  }
0x38b: {  	v16 =	vshll.u32 v12, $0x10;
	v6 =	vld [tilespmem:s10+$0x2600];
	s9 =	spop (v2sf);
	v4 =	vadd.f32 v4, v11;
	v11 =	vshll.u32 v9, $0x10  }
0x38c: {  	v18 =	vshll.u32 v19, $0x10;
	v21 =	vshll.u32 v20, $0x10;
	v13 =	vadd.f32 v13, v3;
	v7 =	vld [tilespmem:s9+$0x2600];
	s8 =	spop (v2sf)  }
0x38d: {  	v8 =	vand.u32 $0xFFFF0000, v8;
	v22 =	vshll.u32 v15, $0x10;
	v9 =	vand.u32 $0xFFFF0000, v9;
	v3 =	vld [tilespmem:s8+$0x2600];
	s6 =	spop (v2sf);
	[tilespmem:s30+$0xFFFFFFA0] =	vst v4  }
0x38e: {  	v12 =	vand.u32 $0xFFFF0000, v12;
	v4 =	vld [tilespmem:s6+$0x2600];
	[tilespmem:s30+$0xFFFFFFB0] =	vst v13;
	v13 =	vand.u32 $0xFFFF0000, v19;
	v19 =	vand.u32 $0xFFFF0000, v20  }
0x38f: {  	v15 =	vand.u32 $0xFFFF0000, v15;
	v11 =	vadd.f32 v11, v14;
	v14 =	vadd.f32 v18, v16;
	v20 =	vld [tilespmem:s1+$0x2620]  }
0x390: {  	v18 =	vshll.u32 v17, $0x10;
	v21 =	vadd.f32 v22, v21;
	v8 =	vadd.f32 v9, v8;
	v16 =	vld [tilespmem:s2+$0x2620]  }
0x391: {  	v9 =	vand.u32 $0xFFFF0000, v17;
	v12 =	vadd.f32 v13, v12;
	v13 =	vadd.f32 v15, v19;
	v22 =	vld [tilespmem:s3+$0x2620]  }
0x392: {  	v11 =	vadd.f32 v14, v11;
	v14 =	vadd.f32 v18, v21;
	v15 =	vld [tilespmem:s4+$0x2620]  }
0x393: {  	v12 =	vadd.f32 v12, v8;
	v9 =	vadd.f32 v9, v13;
	v17 =	vld [tilespmem:s12+$0x2620]  }
0x394: {  	v14 =	vadd.f32 v14, v11;
	v18 =	vld [tilespmem:s14+$0x2620]  }
0x395: {  	v8 =	vshll.u32 v2, $0x10;
	v19 =	vadd.f32 v9, v12;
	(v2sf) =	vpush v10, $0x6  }
0x396: {  	v11 =	vshll.u32 v5, $0x10;
	v13 =	vshll.u32 v7, $0x10;
	v12 =	vshll.u32 v6, $0x10;
	[tilespmem:s30+$0x20] =	vst v14  }
0x397: {  	v9 =	vshll.u32 v3, $0x10;
	v10 =	vshll.u32 v4, $0x10;
	v14 =	vshll.u32 v20, $0x10;
	[tilespmem:s30+$0x30] =	vst v19  }
0x398: {  	v21 =	vshll.u32 v16, $0x10;
	v23 =	vshll.u32 v22, $0x10;
	v24 =	vshll.u32 v15, $0x10;
	v19 =	vld [tilespmem:s15+$0x2620]  }
0x399: {  	v20 =	vand.u32 $0xFFFF0000, v20;
	v25 =	vshll.u32 v17, $0x10;
	v26 =	vshll.u32 v18, $0x10;
	v27 =	vld [tilespmem:s23+$0x2620]  }
0x39a: {  	v16 =	vand.u32 $0xFFFF0000, v16;
	v22 =	vand.u32 $0xFFFF0000, v22;
	v15 =	vand.u32 $0xFFFF0000, v15;
	v28 =	vld [tilespmem:s24+$0x2620]  }
0x39b: {  	v14 =	vadd.f32 v21, v14;
	v17 =	vand.u32 $0xFFFF0000, v17;
	v21 =	vadd.f32 v24, v23;
	v23 =	vld [tilespmem:s25+$0x2620]  }
0x39c: {  	v16 =	vadd.f32 v16, v20;
	v18 =	vand.u32 $0xFFFF0000, v18;
	v24 =	vadd.f32 v26, v25;
	v20 =	vld [tilespmem:s26+$0x2620]  }
0x39d: {  	v15 =	vadd.f32 v15, v22;
	v17 =	vadd.f32 v18, v17;
	v25 =	vshll.u32 v19, $0x10;
	v18 =	vld [tilespmem:s28+$0x2620]  }
0x39e: {  	s0 =	sadd.s32 $0xE, s0;
	v14 =	vadd.f32 v21, v14;
	v19 =	vand.u32 $0xFFFF0000, v19;
	v21 =	vadd.f32 v25, v24;
	v22 =	vld [tilespmem:s29+$0x2620]  }
0x39f: {  	s16 =	sand.u32 $0x3FE, s0;
	v15 =	vadd.f32 v15, v16;
	v16 =	vadd.f32 v19, v17;
	v19 =	vshll.u32 v27, $0x10;
	v17 =	vld [tilespmem:s31+$0x2620]  }
0x3a0: {  	v24 =	vld [tilespmem:s16+$0x4A00];
	v14 =	vadd.f32 v21, v14;
	v21 =	vshll.u32 v28, $0x10;
	v25 =	vshll.u32 v23, $0x10  }
0x3a1: {  	v26 =	vand.u32 $0xFFFF0000, v27;
	v15 =	vadd.f32 v16, v15;
	v16 =	vshll.u32 v20, $0x10  }
0x3a2: {  	v27 =	vand.u32 $0xFFFF0000, v28;
	v23 =	vand.u32 $0xFFFF0000, v23;
	[tilespmem:s30+$0xFFFFFFC0] =	vst v14;
	v14 =	vshll.u32 v18, $0x10  }
0x3a3: {  	v20 =	vand.u32 $0xFFFF0000, v20;
	v18 =	vand.u32 $0xFFFF0000, v18;
	[tilespmem:s30+$0xFFFFFFD0] =	vst v15;
	v15 =	vshll.u32 v22, $0x10  }
0x3a4: {  	v19 =	vadd.f32 v21, v19;
	v16 =	vadd.f32 v16, v25;
	v22 =	vand.u32 $0xFFFF0000, v22;
	s16 =	spop (v2sf);
	v28 =	vld [tilespmem:s1+$0x2630]  }
0x3a5: {  	v14 =	vadd.f32 v15, v14;
	v15 =	vadd.f32 v27, v26;
	v21 =	vshll.u32 v24, $0x8;
	v24 =	vld [tilespmem:s2+$0x2630]  }
0x3a6: {  	v20 =	vadd.f32 v20, v23;
	v18 =	vadd.f32 v22, v18;
	v21 =	vshra.s32 v21, $0x2;
	v25 =	vld [tilespmem:s3+$0x2630]  }
0x3a7: {  	v23 =	vshll.u32 v17, $0x10;
	v17 =	vand.u32 $0xFFFF0000, v17;
	(v2sf) =	vpush v21, $0x0;
	v22 =	vld [tilespmem:s4+$0x2630]  }
0x3a8: {  	v26 =	vand.u32 $0xFFFF0000, v2;
	v16 =	vadd.f32 v16, v19;
	(v2sf) =	vpush v21, $0x1;
	v2 =	vld [tilespmem:s12+$0x2630]  }
0x3a9: {  	v14 =	vadd.f32 v23, v14;
	(v2sf) =	vpush v21, $0x2;
	v19 =	vld [tilespmem:s14+$0x2630];
	v27 =	vshll.u32 v28, $0x10  }
0x3aa: {  	v15 =	vadd.f32 v20, v15;
	(v2sf) =	vpush v21, $0x3;
	v23 =	vshll.u32 v24, $0x10  }
0x3ab: {  	v17 =	vadd.f32 v17, v18;
	(v2sf) =	vpush v21, $0x4;
	v20 =	vld [tilespmem:s15+$0x2630];
	v29 =	vshll.u32 v25, $0x10  }
0x3ac: {  	v14 =	vadd.f32 v14, v16;
	v18 =	vand.u32 $0xFFFF0000, v28;
	(v2sf) =	vpush v21, $0x5  }
0x3ad: {  	v16 =	vand.u32 $0xFFFF0000, v24;
	v24 =	vand.u32 $0xFFFF0000, v25;
	v25 =	vand.u32 $0xFFFF0000, v22  }
0x3ae: {  	v16 =	vadd.f32 v16, v18;
	v28 =	vand.u32 $0xFFFF0000, v2;
	v30 =	vand.u32 $0xFFFF0000, v19;
	[tilespmem:s30+$0x40] =	vst v14  }
0x3af: {  	v18 =	vadd.f32 v25, v24;
	v14 =	vshll.u32 v22, $0x10;
	v22 =	vadd.f32 v30, v28  }
0x3b0: {  	v15 =	vadd.f32 v17, v15;
	v24 =	vshll.u32 v2, $0x10;
	v2 =	vand.u32 $0xFFFF0000, v20  }
0x3b1: {  	v17 =	vshll.u32 v19, $0x10;
	v16 =	vadd.f32 v18, v16;
	v18 =	vadd.f32 v2, v22  }
0x3b2: {  	v14 =	vadd.f32 v14, v29;
	v19 =	vshll.u32 v20, $0x10;
	v20 =	vadd.f32 v23, v27;
	v2 =	vld [tilespmem:s16+$0x2600];
	[tilespmem:s30+$0x50] =	vst v15  }
0x3b3: {  	v5 =	vand.u32 $0xFFFF0000, v5;
	(v2sf) =	vpush v21, $0x6;
	v15 =	vadd.f32 v18, v16;
	v16 =	vld [tilespmem:s23+$0x2630];
	s23 =	smov.u32 s7  }
0x3b4: {  	v6 =	vand.u32 $0xFFFF0000, v6;
	v17 =	vadd.f32 v17, v24;
	v14 =	vadd.f32 v14, v20;
	v18 =	vld [tilespmem:s24+$0x2630];
	s24 =	smov.u32 s11  }
0x3b5: {  	v7 =	vand.u32 $0xFFFF0000, v7;
	v11 =	vadd.f32 v11, v8;
	v12 =	vadd.f32 v13, v12;
	[tilespmem:s30+$0xFFFFFFF0] =	vst v15;
	v8 =	vld [tilespmem:s25+$0x2630];
	s25 =	smov.u32 s10  }
0x3b6: {  	v13 =	vand.u32 $0xFFFF0000, v3;
	v9 =	vadd.f32 v10, v9;
	v10 =	vadd.f32 v19, v17;
	s1 =	spop (v2sf);
	v15 =	vld [tilespmem:s26+$0x2630];
	s26 =	smov.u32 s9  }
0x3b7: {  	v3 =	vadd.f32 v5, v26;
	v17 =	vand.u32 $0xFFFF0000, v4;
	v4 =	vadd.f32 v7, v6;
	s2 =	spop (v2sf);
	v6 =	vld [tilespmem:s28+$0x2630];
	s28 =	smov.u32 s8  }
0x3b8: {  	v7 =	vadd.f32 v10, v14;
	s3 =	spop (v2sf);
	v10 =	vld [tilespmem:s29+$0x2630];
	v14 =	vshll.u32 v16, $0x10;
	v16 =	vand.u32 $0xFFFF0000, v16;
	s29 =	smov.u32 s6  }
0x3b9: {  	v5 =	vadd.f32 v17, v13;
	s4 =	spop (v2sf);
	v13 =	vld [tilespmem:s31+$0x2630];
	v17 =	vshll.u32 v18, $0x10;
	v18 =	vand.u32 $0xFFFF0000, v18;
	s31 =	smov.u32 s16  }
0x3ba: {  	v19 =	vld [tilespmem:s1+$0x2600];
	s12 =	spop (v2sf);
	[tilespmem:s30+$0xFFFFFFE0] =	vst v7;
	v7 =	vshll.u32 v8, $0x10;
	v8 =	vand.u32 $0xFFFF0000, v8;
	v14 =	vadd.f32 v17, v14  }
0x3bb: {  	v16 =	vadd.f32 v18, v16;
	v17 =	vld [tilespmem:s2+$0x2600];
	s14 =	spop (v2sf);
	v20 =	vshll.u32 v15, $0x10;
	v15 =	vand.u32 $0xFFFF0000, v15  }
0x3bc: {  	v18 =	vld [tilespmem:s3+$0x2600];
	v21 =	vshll.u32 v6, $0x10;
	v6 =	vand.u32 $0xFFFF0000, v6;
	v7 =	vadd.f32 v20, v7  }
0x3bd: {  	v15 =	vadd.f32 v15, v8;
	v20 =	vld [tilespmem:s4+$0x2600];
	v22 =	vshll.u32 v10, $0x10;
	v10 =	vand.u32 $0xFFFF0000, v10  }
0x3be: {  	v23 =	vld [tilespmem:s12+$0x2600];
	v24 =	vshll.u32 v13, $0x10;
	v21 =	vadd.f32 v22, v21;
	v6 =	vadd.f32 v10, v6  }
0x3bf: {  	s18 =	sadd.s32 $0x2, s18;
	v10 =	vand.u32 $0xFFFF0000, v13;
	v13 =	vadd.f32 v7, v14;
	v14 =	vadd.f32 v15, v16;
	v8 =	vld [tilespmem:s14+$0x2600]  }
0x3c0: {  	p0 =	slt.u32 s18, $0x7E;
	v7 =	vshll.u32 v2, $0x10;
	v15 =	vadd.f32 v24, v21;
	v10 =	vadd.f32 v10, v6  }
0x3c1: {  	v7 =	vadd.f32 v7, v9;
	v6 =	vadd.f32 v12, v11  }
.Ltmp4:
0x3c2: {  	v16 =	vshll.u32 v19, $0x10;
	s15 =	spop (v2sf);
	v13 =	vadd.f32 v15, v13;
	v21 =	vadd.f32 v10, v14;
	(pc) =	sbr.rel @p0 .LBB2_10-.Ltmp4, $4  }
0x3c3: {  	v22 =	vshll.u32 v17, $0x10;
	v24 =	vshll.u32 v18, $0x10;
	v25 =	vshll.u32 v20, $0x10;
	v9 =	vld [tilespmem:s15+$0x2600]  }
0x3c4: {  	v12 =	vand.u32 $0xFFFF0000, v19;
	v10 =	vshll.u32 v23, $0x10;
	v11 =	vshll.u32 v8, $0x10;
	[tilespmem:s30+$0x60] =	vst v13  }
0x3c5: {  	v15 =	vand.u32 $0xFFFF0000, v17;
	v14 =	vand.u32 $0xFFFF0000, v20;
	v13 =	vand.u32 $0xFFFF0000, v18;
	[tilespmem:s30+$0x70] =	vst v21  }
0x3c6: {  	s19 =	sadd.s32 $0xE, s19;
	v16 =	vadd.f32 v22, v16;
	v17 =	vadd.f32 v25, v24;
	v18 =	vand.u32 $0xFFFF0000, v23  }
0x3c7: {  	v8 =	vand.u32 $0xFFFF0000, v8;
	v10 =	vadd.f32 v11, v10;
	v11 =	vadd.f32 v15, v12  }
0x3c8: {  	v13 =	vadd.f32 v14, v13;
	v12 =	vshll.u32 v9, $0x10;
	v8 =	vadd.f32 v8, v18  }
0x3c9: {  	v9 =	vand.u32 $0xFFFF0000, v9;
	v14 =	vadd.f32 v17, v16;
	v10 =	vadd.f32 v12, v10  }
0x3ca: {  	v11 =	vadd.f32 v13, v11;
	v8 =	vadd.f32 v9, v8  }
0x3cb: {  	v9 =	vadd.f32 v10, v14  }
0x3cc: {  	s0 =	sadd.s32 $0x100, s30;
	v8 =	vadd.f32 v8, v11  }
0x3cd: {  	[tilespmem:s0+$0xFFFFFF80] =	vst v9  }
0x3ce: {  	[tilespmem:s0+$0xFFFFFF90] =	vst v8  }
0x3cf: {  	v8 =	vld [tilespmem:s1+$0x2610]  }
0x3d0: {  	v9 =	vld [tilespmem:s2+$0x2610]  }
0x3d1: {  	v10 =	vld [tilespmem:s3+$0x2610]  }
0x3d2: {  	v11 =	vld [tilespmem:s4+$0x2610]  }
0x3d3: {  	v12 =	vld [tilespmem:s12+$0x2610]  }
0x3d4: {  	v2 =	vand.u32 $0xFFFF0000, v2;
	v13 =	vld [tilespmem:s14+$0x2610]  }
0x3d5: {  	v3 =	vadd.f32 v4, v3;
	v2 =	vadd.f32 v2, v5  }
0x3d6: {  	v4 =	vadd.f32 v7, v6  }
0x3d7: {  	v2 =	vadd.f32 v2, v3;
	v3 =	vshll.u32 v8, $0x10  }
0x3d8: {  	[tilespmem:s0+$0x0] =	vst v4;
	v4 =	vld [tilespmem:s15+$0x2610];
	v5 =	vshll.u32 v9, $0x10;
	v6 =	vshll.u32 v10, $0x10;
	v7 =	vshll.u32 v11, $0x10  }
0x3d9: {  	[tilespmem:s0+$0x10] =	vst v2;
	v2 =	vshll.u32 v12, $0x10;
	v14 =	vshll.u32 v13, $0x10;
	v8 =	vand.u32 $0xFFFF0000, v8  }
0x3da: {  	v15 =	vld [tilespmem:s23+$0x2610];
	v9 =	vand.u32 $0xFFFF0000, v9;
	v10 =	vand.u32 $0xFFFF0000, v10;
	v11 =	vand.u32 $0xFFFF0000, v11  }
0x3db: {  	v16 =	vld [tilespmem:s24+$0x2610];
	v12 =	vand.u32 $0xFFFF0000, v12;
	v3 =	vadd.f32 v5, v3;
	v5 =	vadd.f32 v7, v6  }
0x3dc: {  	v6 =	vld [tilespmem:s25+$0x2610];
	v7 =	vand.u32 $0xFFFF0000, v13;
	v2 =	vadd.f32 v14, v2;
	v8 =	vadd.f32 v9, v8  }
0x3dd: {  	v9 =	vld [tilespmem:s26+$0x2610];
	v13 =	vshll.u32 v4, $0x10;
	v10 =	vadd.f32 v11, v10;
	v7 =	vadd.f32 v7, v12  }
0x3de: {  	v4 =	vand.u32 $0xFFFF0000, v4;
	v3 =	vadd.f32 v5, v3;
	v2 =	vadd.f32 v13, v2  }
0x3df: {  	v11 =	vld [tilespmem:s28+$0x2610];
	v8 =	vadd.f32 v10, v8;
	v4 =	vadd.f32 v4, v7  }
0x3e0: {  	v5 =	vld [tilespmem:s29+$0x2610];
	v2 =	vadd.f32 v2, v3  }
0x3e1: {  	v13 =	vand.u32 $0xFFFF0000, v15;
	v7 =	vshll.u32 v16, $0x10;
	v3 =	vadd.f32 v4, v8  }
0x3e2: {  	v4 =	vshll.u32 v15, $0x10;
	v8 =	vshll.u32 v6, $0x10;
	v10 =	vshll.u32 v9, $0x10;
	[tilespmem:s0+$0xFFFFFFA0] =	vst v2;
	v2 =	vld [tilespmem:s31+$0x2610]  }
0x3e3: {  	v15 =	vand.u32 $0xFFFF0000, v16;
	v6 =	vand.u32 $0xFFFF0000, v6;
	v4 =	vadd.f32 v7, v4  }
0x3e4: {  	v9 =	vand.u32 $0xFFFF0000, v9;
	v7 =	vadd.f32 v10, v8;
	v10 =	vadd.f32 v15, v13;
	[tilespmem:s0+$0xFFFFFFB0] =	vst v3  }
0x3e5: {  	v6 =	vadd.f32 v9, v6;
	v3 =	vshll.u32 v11, $0x10;
	v12 =	vshll.u32 v5, $0x10;
	v8 =	vld [tilespmem:s3+$0x2620]  }
0x3e6: {  	v11 =	vand.u32 $0xFFFF0000, v11;
	v5 =	vand.u32 $0xFFFF0000, v5;
	v3 =	vadd.f32 v12, v3;
	v12 =	vld [tilespmem:s4+$0x2620]  }
0x3e7: {  	v5 =	vadd.f32 v5, v11;
	v4 =	vadd.f32 v7, v4;
	v7 =	vld [tilespmem:s14+$0x2620];
	v13 =	vshll.u32 v2, $0x10  }
0x3e8: {  	v14 =	vld [tilespmem:s1+$0x2620];
	v2 =	vand.u32 $0xFFFF0000, v2;
	v3 =	vadd.f32 v13, v3  }
0x3e9: {  	v16 =	vld [tilespmem:s2+$0x2620];
	v6 =	vadd.f32 v6, v10;
	v2 =	vadd.f32 v2, v5  }
0x3ea: {  	v9 =	vld [tilespmem:s12+$0x2620];
	v3 =	vadd.f32 v3, v4  }
0x3eb: {  	v10 =	vshll.u32 v8, $0x10;
	v2 =	vadd.f32 v2, v6  }
0x3ec: {  	v5 =	vld [tilespmem:s15+$0x2620];
	v11 =	vshll.u32 v12, $0x10;
	v13 =	vshll.u32 v7, $0x10;
	v8 =	vand.u32 $0xFFFF0000, v8;
	[tilespmem:s0+$0x20] =	vst v3  }
0x3ed: {  	v12 =	vand.u32 $0xFFFF0000, v12;
	v7 =	vand.u32 $0xFFFF0000, v7;
	v4 =	vshll.u32 v14, $0x10;
	[tilespmem:s0+$0x30] =	vst v2  }
0x3ee: {  	v6 =	vshll.u32 v16, $0x10;
	v14 =	vand.u32 $0xFFFF0000, v14;
	v8 =	vadd.f32 v12, v8;
	v15 =	vld [tilespmem:s23+$0x2620]  }
0x3ef: {  	v4 =	vadd.f32 v6, v4;
	v6 =	vadd.f32 v11, v10;
	v3 =	vshll.u32 v9, $0x10;
	v10 =	vld [tilespmem:s24+$0x2620]  }
0x3f0: {  	v2 =	vand.u32 $0xFFFF0000, v16;
	v9 =	vand.u32 $0xFFFF0000, v9;
	v3 =	vadd.f32 v13, v3;
	v11 =	vld [tilespmem:s25+$0x2620]  }
0x3f1: {  	v2 =	vadd.f32 v2, v14;
	v13 =	vshll.u32 v5, $0x10;
	v7 =	vadd.f32 v7, v9;
	v9 =	vld [tilespmem:s26+$0x2620]  }
0x3f2: {  	v5 =	vand.u32 $0xFFFF0000, v5;
	v4 =	vadd.f32 v6, v4;
	v6 =	vld [tilespmem:s28+$0x2620];
	v3 =	vadd.f32 v13, v3  }
0x3f3: {  	v2 =	vadd.f32 v8, v2;
	v5 =	vadd.f32 v5, v7  }
0x3f4: {  	v3 =	vadd.f32 v3, v4  }
0x3f5: {  	v7 =	vld [tilespmem:s29+$0x2620];
	v2 =	vadd.f32 v5, v2  }
0x3f6: {  	v4 =	vshll.u32 v15, $0x10;
	v5 =	vshll.u32 v10, $0x10;
	[tilespmem:s0+$0xFFFFFFC0] =	vst v3  }
0x3f7: {  	v8 =	vshll.u32 v11, $0x10;
	v12 =	vshll.u32 v9, $0x10;
	v13 =	vshll.u32 v6, $0x10;
	v3 =	vld [tilespmem:s31+$0x2620];
	[tilespmem:s0+$0xFFFFFFD0] =	vst v2  }
0x3f8: {  	v10 =	vand.u32 $0xFFFF0000, v10;
	v11 =	vand.u32 $0xFFFF0000, v11;
	v9 =	vand.u32 $0xFFFF0000, v9;
	v14 =	vld [tilespmem:s1+$0x2630]  }
0x3f9: {  	v6 =	vand.u32 $0xFFFF0000, v6;
	v2 =	vand.u32 $0xFFFF0000, v15;
	v4 =	vadd.f32 v5, v4;
	v16 =	vld [tilespmem:s2+$0x2630]  }
0x3fa: {  	v5 =	vadd.f32 v12, v8;
	v9 =	vadd.f32 v9, v11;
	v15 =	vshll.u32 v7, $0x10;
	v8 =	vld [tilespmem:s3+$0x2630]  }
0x3fb: {  	v7 =	vand.u32 $0xFFFF0000, v7;
	v2 =	vadd.f32 v10, v2;
	v10 =	vld [tilespmem:s4+$0x2630];
	v12 =	vadd.f32 v15, v13  }
0x3fc: {  	v6 =	vadd.f32 v7, v6;
	v4 =	vadd.f32 v5, v4;
	v5 =	vld [tilespmem:s14+$0x2630];
	v7 =	vshll.u32 v3, $0x10  }
0x3fd: {  	v3 =	vand.u32 $0xFFFF0000, v3;
	v7 =	vadd.f32 v7, v12  }
0x3fe: {  	v11 =	vld [tilespmem:s12+$0x2630];
	v2 =	vadd.f32 v9, v2;
	v3 =	vadd.f32 v3, v6;
	v6 =	vshll.u32 v14, $0x10  }
0x3ff: {  	v12 =	vshll.u32 v8, $0x10;
	v13 =	vand.u32 $0xFFFF0000, v14;
	v4 =	vadd.f32 v7, v4  }
0x400: {  	v8 =	vand.u32 $0xFFFF0000, v8;
	v14 =	vand.u32 $0xFFFF0000, v10;
	v2 =	vadd.f32 v3, v2  }
0x401: {  	v9 =	vshll.u32 v16, $0x10;
	v15 =	vand.u32 $0xFFFF0000, v5;
	v8 =	vadd.f32 v14, v8;
	v7 =	vld [tilespmem:s15+$0x2630];
	[tilespmem:s0+$0x40] =	vst v4  }
0x402: {  	v5 =	vshll.u32 v5, $0x10;
	v6 =	vadd.f32 v9, v6;
	v3 =	vand.u32 $0xFFFF0000, v16;
	[tilespmem:s0+$0x50] =	vst v2  }
0x403: {  	v3 =	vadd.f32 v3, v13;
	v4 =	vand.u32 $0xFFFF0000, v11;
	v2 =	vshll.u32 v10, $0x10;
	v10 =	vld [tilespmem:s23+$0x2630]  }
0x404: {  	v11 =	vshll.u32 v11, $0x10;
	v4 =	vadd.f32 v15, v4;
	v9 =	vld [tilespmem:s24+$0x2630];
	v2 =	vadd.f32 v2, v12  }
0x405: {  	v5 =	vadd.f32 v5, v11;
	v11 =	vld [tilespmem:s25+$0x2630];
	v3 =	vadd.f32 v8, v3  }
0x406: {  	v8 =	vld [tilespmem:s26+$0x2630];
	v13 =	vand.u32 $0xFFFF0000, v7;
	v7 =	vshll.u32 v7, $0x10;
	v2 =	vadd.f32 v2, v6  }
0x407: {  	v6 =	vld [tilespmem:s28+$0x2630];
	v4 =	vadd.f32 v13, v4;
	v5 =	vadd.f32 v7, v5  }
0x408: {  	v7 =	vld [tilespmem:s29+$0x2630]  }
0x409: {  	v3 =	vadd.f32 v4, v3;
	v2 =	vadd.f32 v5, v2;
	v4 =	vshll.u32 v10, $0x10  }
0x40a: {  	v5 =	vand.u32 $0xFFFF0000, v10;
	v10 =	vld [tilespmem:s31+$0x2630];
	v12 =	vshll.u32 v9, $0x10;
	v9 =	vand.u32 $0xFFFF0000, v9  }
0x40b: {  	v13 =	vshll.u32 v11, $0x10;
	v11 =	vand.u32 $0xFFFF0000, v11;
	v4 =	vadd.f32 v12, v4  }
0x40c: {  	v12 =	vshll.u32 v8, $0x10;
	v8 =	vand.u32 $0xFFFF0000, v8;
	v5 =	vadd.f32 v9, v5  }
0x40d: {  	v9 =	vshll.u32 v6, $0x10;
	v6 =	vand.u32 $0xFFFF0000, v6;
	v14 =	vshll.u32 v7, $0x10  }
0x40e: {  	v12 =	vadd.f32 v12, v13;
	v7 =	vand.u32 $0xFFFF0000, v7;
	v9 =	vadd.f32 v14, v9  }
0x40f: {  	v8 =	vadd.f32 v8, v11;
	v6 =	vadd.f32 v7, v6;
	v11 =	vshll.u32 v10, $0x10  }
0x410: {  	v4 =	vadd.f32 v12, v4;
	v7 =	vand.u32 $0xFFFF0000, v10;
	v9 =	vadd.f32 v11, v9  }
0x411: {  	v5 =	vadd.f32 v8, v5;
	v6 =	vadd.f32 v7, v6  }
0x412: {  	[tilespmem:s0+$0xFFFFFFF0] =	vst v3;
	v3 =	vadd.f32 v9, v4  }
0x413: {  	[tilespmem:s0+$0xFFFFFFE0] =	vst v2;
	v2 =	vadd.f32 v6, v5  }
0x414: {  	[tilespmem:s0+$0x60] =	vst v3  }
0x415: {  	[tilespmem:s0+$0x70] =	vst v2  }
0x416: {  	s24 =	simm.s32 $0x0;
	s26 =	simm.s32 $0x5180;
	s25 =	rddreg [dreg:$0x9]  }
0x417: {  	[hbm4b:s25+s24] =	stream.linear.scatter [tilespmem:s26], [sflag:$0x2], $0x4000, $0x38;
	[tilespmem:$0xD180] =	vst v63  }
0x418: {  	_ =	swait.ge [sflag:s21], $0x4000  }
0x419: {  	[sflag:s21] =	ssyncset.done $0x0  }
0x41a: {  	s3 =	simm.s32 $0x4D87;
	[sflag:s21] =	ssyncadd.s32 $0xFFFFC000  }
0x41b: {  	v2 =	vld [tilespmem:s3+$0x0];
	_ =	sdelay $0x4  }
0x41c: {  	v2 =	vshll.u32 v2, $0x8  }
0x41d: {  	v2 =	vshra.s32 v2, $0x2  }
0x41e: {  	(v2sf) =	vpush v2, $0x0  }
0x41f: {  	s0 =	sand.u32 $0x3FE, s24;
	(v2sf) =	vpush v2, $0x1  }
0x420: {  	v3 =	vld [tilespmem:s0+$0x4D80];
	_ =	sdelay $0x1  }
0x421: {  	(v2sf) =	vpush v2, $0x2  }
0x422: {  	(v2sf) =	vpush v2, $0x3  }
0x423: {  	(v2sf) =	vpush v2, $0x4  }
0x424: {  	v3 =	vshll.u32 v3, $0x8;
	(v2sf) =	vpush v2, $0x5  }
0x425: {  	(v2sf) =	vpush v2, $0x6;
	v2 =	vshra.s32 v3, $0x2  }
0x426: {  	(v2sf) =	vpush v2, $0x0  }
0x427: {  	(v2sf) =	vpush v2, $0x1  }
0x428: {  	(v2sf) =	vpush v2, $0x2  }
0x429: {  	(v2sf) =	vpush v2, $0x3  }
0x42a: {  	(v2sf) =	vpush v2, $0x4  }
0x42b: {  	(v2sf) =	vpush v2, $0x5  }
0x42c: {  	s4 =	spop (v2sf)  }
0x42d: {  	s12 =	spop (v2sf);
	(v2sf) =	vpush v2, $0x6;
	_ =	sdelay $0x2  }
0x42e: {  	s1 =	spop (v2sf)  }
0x42f: {  	s2 =	spop (v2sf)  }
0x430: {  	v2 =	vld [tilespmem:s4+$0x2600];
	s3 =	spop (v2sf)  }
0x431: {  	v3 =	vld [tilespmem:s12+$0x2600];
	s11 =	spop (v2sf)  }
0x432: {  	v4 =	vld [tilespmem:s1+$0x2600];
	s16 =	spop (v2sf)  }
0x433: {  	v5 =	vld [tilespmem:s2+$0x2600];
	s10 =	spop (v2sf)  }
0x434: {  	s8 =	spop (v2sf);
	v8 =	vld [tilespmem:s10+$0x2600]  }
0x435: {  	s31 =	spop (v2sf);
	v9 =	vld [tilespmem:s8+$0x2600]  }
0x436: {  	s19 =	spop (v2sf);
	v10 =	vld [tilespmem:s31+$0x2600]  }
0x437: {  	s6 =	spop (v2sf);
	v11 =	vld [tilespmem:s19+$0x2600]  }
0x438: {  	v12 =	vshll.u32 v2, $0x10;
	v2 =	vand.u32 $0xFFFF0000, v2;
	v14 =	vshll.u32 v3, $0x10;
	s18 =	spop (v2sf);
	v13 =	vld [tilespmem:s6+$0x2600]  }
0x439: {  	v3 =	vand.u32 $0xFFFF0000, v3;
	v15 =	vshll.u32 v4, $0x10;
	v16 =	vshll.u32 v5, $0x10;
	v17 =	vld [tilespmem:s18+$0x2600]  }
0x43a: {  	v12 =	vadd.f32 v14, v12;
	v14 =	vadd.f32 v16, v15;
	v15 =	vshll.u32 v8, $0x10;
	s9 =	spop (v2sf)  }
0x43b: {  	v8 =	vand.u32 $0xFFFF0000, v8;
	v20 =	vshll.u32 v9, $0x10;
	v9 =	vand.u32 $0xFFFF0000, v9;
	v16 =	vld [tilespmem:s9+$0x2600]  }
0x43c: {  	v21 =	vshll.u32 v10, $0x10;
	v10 =	vand.u32 $0xFFFF0000, v10;
	v15 =	vadd.f32 v20, v15  }
0x43d: {  	v8 =	vadd.f32 v9, v8;
	v22 =	vshll.u32 v11, $0x10;
	v11 =	vand.u32 $0xFFFF0000, v11  }
0x43e: {  	v23 =	vshll.u32 v13, $0x10;
	v13 =	vand.u32 $0xFFFF0000, v13;
	v24 =	vshll.u32 v17, $0x10  }
0x43f: {  	v6 =	vld [tilespmem:s3+$0x2600];
	v20 =	vadd.f32 v22, v21;
	v17 =	vand.u32 $0xFFFF0000, v17;
	v51 =	vadd.f32 v24, v23  }
0x440: {  	s26 =	simm.s32 $0x4D95;
	v7 =	vld [tilespmem:s11+$0x2600];
	v10 =	vadd.f32 v11, v10;
	v11 =	vadd.f32 v17, v13;
	v9 =	vshll.u32 v16, $0x10  }
0x441: {  	v50 =	vld [tilespmem:s26+$0x0];
	v15 =	vadd.f32 v20, v15;
	v16 =	vand.u32 $0xFFFF0000, v16;
	v9 =	vadd.f32 v9, v51  }
0x442: {  	v4 =	vand.u32 $0xFFFF0000, v4;
	v13 =	vld [tilespmem:s16+$0x2600];
	v8 =	vadd.f32 v10, v8;
	v10 =	vadd.f32 v16, v11  }
0x443: {  	v2 =	vadd.f32 v3, v2;
	v5 =	vand.u32 $0xFFFF0000, v5;
	v9 =	vadd.f32 v9, v15  }
0x444: {  	s30 =	simm.s32 $0x9200;
	v18 =	vshll.u32 v6, $0x10;
	v6 =	vand.u32 $0xFFFF0000, v6;
	v8 =	vadd.f32 v10, v8  }
0x445: {  	v4 =	vadd.f32 v5, v4;
	v19 =	vshll.u32 v7, $0x10;
	v7 =	vand.u32 $0xFFFF0000, v7;
	[tilespmem:s30+$0xFFFFFF80] =	vst v9  }
0x446: {  	v3 =	vshll.u32 v50, $0x8;
	v5 =	vadd.f32 v7, v6;
	v11 =	vadd.f32 v19, v18;
	[tilespmem:s30+$0xFFFFFF90] =	vst v8  }
0x447: {  	v6 =	vadd.f32 v14, v12;
	v10 =	vshra.s32 v3, $0x2;
	v3 =	vshll.u32 v13, $0x10;
	v7 =	vld [tilespmem:s10+$0x2610]  }
0x448: {  	v2 =	vadd.f32 v4, v2;
	v3 =	vadd.f32 v3, v11;
	v8 =	vand.u32 $0xFFFF0000, v13;
	v4 =	vld [tilespmem:s8+$0x2610]  }
0x449: {  	(v2sf) =	vpush v10, $0x0;
	v5 =	vadd.f32 v8, v5;
	v8 =	vld [tilespmem:s31+$0x2610]  }
0x44a: {  	(v2sf) =	vpush v10, $0x1;
	v3 =	vadd.f32 v3, v6;
	v6 =	vld [tilespmem:s19+$0x2610];
	_ =	sdelay $0x1  }
0x44b: {  	(v2sf) =	vpush v10, $0x2;
	v2 =	vadd.f32 v5, v2;
	v5 =	vld [tilespmem:s6+$0x2610]  }
0x44c: {  	(v2sf) =	vpush v10, $0x3;
	[tilespmem:s30+$0x0] =	vst v3;
	v3 =	vld [tilespmem:s18+$0x2610]  }
0x44d: {  	(v2sf) =	vpush v10, $0x4;
	v11 =	vshll.u32 v7, $0x10  }
0x44e: {  	v12 =	vld [tilespmem:s9+$0x2610];
	[tilespmem:s30+$0x10] =	vst v2;
	v13 =	vshll.u32 v4, $0x10;
	v14 =	vshll.u32 v8, $0x10;
	v15 =	vshll.u32 v6, $0x10  }
0x44f: {  	v2 =	vld [tilespmem:s4+$0x2610];
	v7 =	vand.u32 $0xFFFF0000, v7;
	v4 =	vand.u32 $0xFFFF0000, v4;
	v8 =	vand.u32 $0xFFFF0000, v8  }
0x450: {  	v9 =	vld [tilespmem:s12+$0x2610];
	v6 =	vand.u32 $0xFFFF0000, v6;
	v11 =	vadd.f32 v13, v11;
	v13 =	vadd.f32 v15, v14  }
0x451: {  	v16 =	vld [tilespmem:s1+$0x2610];
	v4 =	vadd.f32 v4, v7;
	v17 =	vshll.u32 v5, $0x10;
	v18 =	vshll.u32 v3, $0x10  }
0x452: {  	v19 =	vld [tilespmem:s2+$0x2610];
	v5 =	vand.u32 $0xFFFF0000, v5;
	v3 =	vand.u32 $0xFFFF0000, v3;
	v15 =	vadd.f32 v18, v17  }
0x453: {  	v20 =	vld [tilespmem:s3+$0x2610];
	v7 =	vshll.u32 v12, $0x10;
	v6 =	vadd.f32 v6, v8;
	v5 =	vadd.f32 v3, v5  }
0x454: {  	v14 =	vld [tilespmem:s11+$0x2610];
	v12 =	vand.u32 $0xFFFF0000, v12;
	v11 =	vadd.f32 v13, v11;
	v7 =	vadd.f32 v7, v15  }
0x455: {  	v6 =	vadd.f32 v6, v4;
	v12 =	vadd.f32 v12, v5  }
0x456: {  	(v2sf) =	vpush v10, $0x5;
	v7 =	vadd.f32 v7, v11  }
0x457: {  	v17 =	vld [tilespmem:s16+$0x2610];
	v13 =	vshll.u32 v2, $0x10;
	v15 =	vshll.u32 v16, $0x10;
	v12 =	vadd.f32 v12, v6;
	s23 =	spop (v2sf)  }
0x458: {  	v18 =	vshll.u32 v19, $0x10;
	v52 =	vshll.u32 v20, $0x10;
	v2 =	vand.u32 $0xFFFF0000, v2;
	v8 =	vld [tilespmem:s23+$0x2600];
	s24 =	spop (v2sf);
	[tilespmem:s30+$0xFFFFFFA0] =	vst v7  }
0x459: {  	v53 =	vshll.u32 v14, $0x10;
	v14 =	vand.u32 $0xFFFF0000, v14;
	v11 =	vshll.u32 v9, $0x10;
	[tilespmem:s30+$0xFFFFFFB0] =	vst v12;
	v3 =	vld [tilespmem:s24+$0x2600]  }
0x45a: {  	v12 =	vand.u32 $0xFFFF0000, v16;
	v16 =	vand.u32 $0xFFFF0000, v19;
	v19 =	vand.u32 $0xFFFF0000, v20;
	v20 =	vld [tilespmem:s10+$0x2620]  }
0x45b: {  	v9 =	vand.u32 $0xFFFF0000, v9;
	v11 =	vadd.f32 v11, v13;
	v13 =	vadd.f32 v18, v15;
	v15 =	vld [tilespmem:s8+$0x2620]  }
0x45c: {  	v18 =	vadd.f32 v53, v52;
	v2 =	vadd.f32 v9, v2;
	v9 =	vshll.u32 v17, $0x10;
	v54 =	vld [tilespmem:s31+$0x2620]  }
0x45d: {  	v12 =	vadd.f32 v16, v12;
	v14 =	vadd.f32 v14, v19;
	v16 =	vand.u32 $0xFFFF0000, v17;
	v17 =	vld [tilespmem:s19+$0x2620]  }
0x45e: {  	v11 =	vadd.f32 v13, v11;
	v9 =	vadd.f32 v9, v18;
	v13 =	vld [tilespmem:s6+$0x2620]  }
0x45f: {  	v2 =	vadd.f32 v12, v2;
	v12 =	vadd.f32 v16, v14  }
0x460: {  	(v2sf) =	vpush v10, $0x6;
	v9 =	vadd.f32 v9, v11  }
0x461: {  	s25 =	spop (v2sf);
	v11 =	vshll.u32 v8, $0x10;
	v2 =	vadd.f32 v12, v2;
	v8 =	vand.u32 $0xFFFF0000, v8  }
0x462: {  	v4 =	vld [tilespmem:s25+$0x2600];
	v10 =	vshll.u32 v3, $0x10;
	v19 =	vshll.u32 v20, $0x10;
	v55 =	vshll.u32 v15, $0x10  }
0x463: {  	s26 =	spop (v2sf);
	v14 =	vld [tilespmem:s18+$0x2620];
	v56 =	vshll.u32 v54, $0x10;
	v57 =	vshll.u32 v17, $0x10;
	v25 =	vshll.u32 v13, $0x10  }
0x464: {  	v5 =	vld [tilespmem:s26+$0x2600];
	[tilespmem:s30+$0x20] =	vst v9;
	v20 =	vand.u32 $0xFFFF0000, v20;
	v15 =	vand.u32 $0xFFFF0000, v15;
	v21 =	vand.u32 $0xFFFF0000, v54  }
0x465: {  	v17 =	vand.u32 $0xFFFF0000, v17;
	v13 =	vand.u32 $0xFFFF0000, v13;
	[tilespmem:s30+$0x30] =	vst v2;
	v2 =	vld [tilespmem:s9+$0x2620];
	v19 =	vadd.f32 v55, v19  }
0x466: {  	v3 =	vand.u32 $0xFFFF0000, v3;
	v58 =	vadd.f32 v57, v56;
	v15 =	vadd.f32 v15, v20;
	v27 =	vld [tilespmem:s4+$0x2620]  }
0x467: {  	v12 =	vshll.u32 v4, $0x10;
	v17 =	vadd.f32 v17, v21;
	v10 =	vadd.f32 v10, v11;
	v28 =	vld [tilespmem:s12+$0x2620]  }
0x468: {  	s0 =	simm.s32 $0xE;
	v3 =	vadd.f32 v3, v8;
	v26 =	vshll.u32 v14, $0x10;
	v59 =	vld [tilespmem:s1+$0x2620];
	v14 =	vand.u32 $0xFFFF0000, v14  }
0x469: {  	s7 =	sand.u32 $0x3FE, s0;
	v16 =	vshll.u32 v5, $0x10;
	v20 =	vld [tilespmem:s2+$0x2620];
	v60 =	vadd.f32 v26, v25;
	v13 =	vadd.f32 v14, v13  }
0x46a: {  	v19 =	vadd.f32 v58, v19;
	v15 =	vadd.f32 v17, v15;
	v17 =	vld [tilespmem:s7+$0x4D80];
	v61 =	vshll.u32 v2, $0x10  }
0x46b: {  	v11 =	vadd.f32 v16, v12;
	v2 =	vand.u32 $0xFFFF0000, v2;
	v62 =	vadd.f32 v61, v60  }
0x46c: {  	v63 =	vld [tilespmem:s11+$0x2620];
	v2 =	vadd.f32 v2, v13;
	v13 =	vshll.u32 v27, $0x10;
	v32 =	vshll.u32 v28, $0x10  }
0x46d: {  	v14 =	vld [tilespmem:s3+$0x2620];
	v33 =	vshll.u32 v59, $0x10;
	v34 =	vand.u32 $0xFFFF0000, v27;
	v36 =	vand.u32 $0xFFFF0000, v28  }
0x46e: {  	v23 =	vand.u32 $0xFFFF0000, v59;
	v13 =	vadd.f32 v32, v13;
	v19 =	vadd.f32 v62, v19  }
0x46f: {  	v17 =	vshll.u32 v17, $0x8;
	v2 =	vadd.f32 v2, v15;
	v15 =	vshll.u32 v20, $0x10  }
0x470: {  	s28 =	spop (v2sf);
	v35 =	vld [tilespmem:s16+$0x2620];
	v20 =	vand.u32 $0xFFFF0000, v20;
	v17 =	vshra.s32 v17, $0x2;
	v15 =	vadd.f32 v15, v33;
	[tilespmem:s30+$0xFFFFFFC0] =	vst v19  }
0x471: {  	v6 =	vld [tilespmem:s28+$0x2600];
	v22 =	vand.u32 $0xFFFF0000, v63;
	v20 =	vadd.f32 v20, v23;
	(v2sf) =	vpush v17, $0x0;
	[tilespmem:s30+$0xFFFFFFD0] =	vst v2  }
0x472: {  	v19 =	vshll.u32 v14, $0x10;
	v2 =	vshll.u32 v63, $0x10;
	(v2sf) =	vpush v17, $0x1;
	v37 =	vld [tilespmem:s10+$0x2630]  }
0x473: {  	v14 =	vand.u32 $0xFFFF0000, v14;
	v38 =	vld [tilespmem:s8+$0x2630];
	v2 =	vadd.f32 v2, v19;
	v19 =	vadd.f32 v36, v34  }
0x474: {  	v4 =	vand.u32 $0xFFFF0000, v4;
	v39 =	vld [tilespmem:s31+$0x2630];
	v14 =	vadd.f32 v22, v14;
	(v2sf) =	vpush v17, $0x2  }
0x475: {  	v41 =	vshll.u32 v35, $0x10;
	v40 =	vld [tilespmem:s19+$0x2630];
	v13 =	vadd.f32 v15, v13;
	(v2sf) =	vpush v17, $0x3  }
0x476: {  	v42 =	vand.u32 $0xFFFF0000, v35;
	v43 =	vld [tilespmem:s6+$0x2630];
	v2 =	vadd.f32 v41, v2;
	v19 =	vadd.f32 v20, v19  }
0x477: {  	v5 =	vand.u32 $0xFFFF0000, v5;
	v15 =	vld [tilespmem:s18+$0x2630];
	(v2sf) =	vpush v17, $0x4;
	v14 =	vadd.f32 v42, v14  }
0x478: {  	s29 =	spop (v2sf);
	v9 =	vshll.u32 v6, $0x10;
	(v2sf) =	vpush v17, $0x5;
	v2 =	vadd.f32 v2, v13  }
0x479: {  	s31 =	spop (v2sf);
	v14 =	vadd.f32 v14, v19;
	(v2sf) =	vpush v17, $0x6;
	v44 =	vshll.u32 v37, $0x10  }
0x47a: {  	v20 =	vld [tilespmem:s9+$0x2630];
	v45 =	vshll.u32 v38, $0x10;
	v29 =	vshll.u32 v39, $0x10;
	v46 =	vand.u32 $0xFFFF0000, v37  }
0x47b: {  	v13 =	vand.u32 $0xFFFF0000, v38;
	v47 =	vand.u32 $0xFFFF0000, v39;
	v48 =	vand.u32 $0xFFFF0000, v40  }
0x47c: {  	v49 =	vand.u32 $0xFFFF0000, v43;
	v30 =	vand.u32 $0xFFFF0000, v15;
	v22 =	vshll.u32 v40, $0x10;
	[tilespmem:s30+$0x40] =	vst v2  }
0x47d: {  	v7 =	vld [tilespmem:s29+$0x2600];
	v51 =	vshll.u32 v43, $0x10;
	v13 =	vadd.f32 v13, v46;
	v21 =	vadd.f32 v48, v47;
	[tilespmem:s30+$0x50] =	vst v14  }
0x47e: {  	v15 =	vshll.u32 v15, $0x10;
	v50 =	vadd.f32 v30, v49;
	v53 =	vadd.f32 v45, v44;
	v14 =	vld [tilespmem:s4+$0x2630]  }
0x47f: {  	v22 =	vadd.f32 v22, v29;
	v15 =	vadd.f32 v15, v51;
	v52 =	vand.u32 $0xFFFF0000, v20;
	v12 =	vld [tilespmem:s1+$0x2630]  }
0x480: {  	v20 =	vshll.u32 v20, $0x10;
	v16 =	vld [tilespmem:s2+$0x2630];
	v13 =	vadd.f32 v21, v13;
	v19 =	vadd.f32 v52, v50  }
0x481: {  	v6 =	vand.u32 $0xFFFF0000, v6;
	v8 =	vld [tilespmem:s3+$0x2630];
	v17 =	vadd.f32 v22, v53;
	v15 =	vadd.f32 v20, v15  }
0x482: {  	v4 =	vadd.f32 v5, v4;
	v18 =	vshll.u32 v7, $0x10;
	v13 =	vadd.f32 v19, v13;
	v19 =	vld [tilespmem:s12+$0x2630]  }
0x483: {  	v7 =	vand.u32 $0xFFFF0000, v7;
	v9 =	vadd.f32 v18, v9;
	v15 =	vadd.f32 v15, v17;
	v17 =	vld [tilespmem:s11+$0x2630]  }
0x484: {  	v5 =	vadd.f32 v7, v6;
	v18 =	vshll.u32 v14, $0x10;
	v14 =	vand.u32 $0xFFFF0000, v14  }
0x485: {  	v6 =	vld [tilespmem:s16+$0x2630];
	v54 =	vshll.u32 v12, $0x10;
	v12 =	vand.u32 $0xFFFF0000, v12;
	v55 =	vshll.u32 v16, $0x10  }
0x486: {  	v16 =	vand.u32 $0xFFFF0000, v16;
	v56 =	vshll.u32 v8, $0x10;
	v8 =	vand.u32 $0xFFFF0000, v8  }
0x487: {  	v2 =	vld [tilespmem:s31+$0x2600];
	s1 =	spop (v2sf);
	v21 =	vadd.f32 v55, v54;
	v12 =	vadd.f32 v16, v12;
	v7 =	vshll.u32 v19, $0x10  }
0x488: {  	s2 =	spop (v2sf);
	v20 =	vld [tilespmem:s1+$0x2600];
	v19 =	vand.u32 $0xFFFF0000, v19;
	v58 =	vshll.u32 v17, $0x10;
	v7 =	vadd.f32 v7, v18  }
0x489: {  	s3 =	spop (v2sf);
	v17 =	vand.u32 $0xFFFF0000, v17;
	v18 =	vld [tilespmem:s2+$0x2600];
	v14 =	vadd.f32 v19, v14;
	v23 =	vadd.f32 v58, v56  }
0x48a: {  	v59 =	vshll.u32 v6, $0x10;
	s4 =	spop (v2sf);
	v19 =	vld [tilespmem:s3+$0x2600];
	v17 =	vadd.f32 v17, v8;
	v21 =	vadd.f32 v21, v7  }
0x48b: {  	v6 =	vand.u32 $0xFFFF0000, v6;
	s12 =	spop (v2sf);
	v57 =	vld [tilespmem:s4+$0x2600];
	v12 =	vadd.f32 v12, v14;
	v14 =	vadd.f32 v59, v23  }
0x48c: {  	s14 =	spop (v2sf);
	v16 =	vld [tilespmem:s12+$0x2600];
	v7 =	vshll.u32 v2, $0x10;
	v17 =	vadd.f32 v6, v17  }
0x48d: {  	v8 =	vld [tilespmem:s14+$0x2600];
	v7 =	vadd.f32 v7, v9;
	v9 =	vadd.f32 v14, v21  }
0x48e: {  	[tilespmem:s30+$0xFFFFFFF0] =	vst v13;
	v6 =	vadd.f32 v11, v10;
	v60 =	vshll.u32 v20, $0x10;
	s15 =	spop (v2sf);
	v17 =	vadd.f32 v17, v12  }
0x48f: {  	v12 =	vand.u32 $0xFFFF0000, v20;
	v61 =	vshll.u32 v18, $0x10;
	v62 =	vshll.u32 v19, $0x10;
	[tilespmem:s30+$0x60] =	vst v9;
	v9 =	vld [tilespmem:s15+$0x2600]  }
0x490: {  	[tilespmem:s30+$0xFFFFFFE0] =	vst v15;
	v15 =	vand.u32 $0xFFFF0000, v18;
	v13 =	vand.u32 $0xFFFF0000, v19;
	v63 =	vshll.u32 v57, $0x10  }
0x491: {  	v14 =	vand.u32 $0xFFFF0000, v57;
	v10 =	vshll.u32 v16, $0x10;
	v18 =	vand.u32 $0xFFFF0000, v16  }
0x492: {  	s18 =	simm.s32 $0x2;
	s19 =	simm.s32 $0x4DA3;
	[tilespmem:s30+$0x70] =	vst v17;
	v16 =	vadd.f32 v61, v60;
	v17 =	vadd.f32 v63, v62;
	v11 =	vshll.u32 v8, $0x10  }
.LBB2_12:
0x493: {  	v19 =	vld [tilespmem:s19+$0x0];
	v8 =	vand.u32 $0xFFFF0000, v8;
	v10 =	vadd.f32 v11, v10;
	v11 =	vadd.f32 v15, v12  }
0x494: {  	v13 =	vadd.f32 v14, v13;
	v12 =	vshll.u32 v9, $0x10;
	v8 =	vadd.f32 v8, v18  }
0x495: {  	v9 =	vand.u32 $0xFFFF0000, v9;
	v14 =	vadd.f32 v17, v16;
	v10 =	vadd.f32 v12, v10  }
0x496: {  	v11 =	vadd.f32 v13, v11;
	v8 =	vadd.f32 v9, v8  }
0x497: {  	v2 =	vand.u32 $0xFFFF0000, v2;
	v3 =	vadd.f32 v4, v3;
	v9 =	vadd.f32 v10, v14  }
0x498: {  	s30 =	sadd.s32 $0x100, s30;
	v2 =	vadd.f32 v2, v5;
	v4 =	vshll.u32 v19, $0x8;
	v8 =	vadd.f32 v8, v11  }
0x499: {  	v10 =	vshra.s32 v4, $0x2;
	[tilespmem:s30+$0xFFFFFF80] =	vst v9;
	v4 =	vadd.f32 v7, v6  }
0x49a: {  	v2 =	vadd.f32 v2, v3;
	(v2sf) =	vpush v10, $0x0;
	[tilespmem:s30+$0xFFFFFF90] =	vst v8  }
0x49b: {  	(v2sf) =	vpush v10, $0x1;
	v3 =	vld [tilespmem:s1+$0x2610];
	[tilespmem:s30+$0x0] =	vst v4  }
0x49c: {  	(v2sf) =	vpush v10, $0x2;
	v4 =	vld [tilespmem:s2+$0x2610];
	[tilespmem:s30+$0x10] =	vst v2  }
0x49d: {  	(v2sf) =	vpush v10, $0x3;
	v2 =	vld [tilespmem:s3+$0x2610]  }
0x49e: {  	(v2sf) =	vpush v10, $0x4;
	v5 =	vld [tilespmem:s4+$0x2610]  }
0x49f: {  	(v2sf) =	vpush v10, $0x5;
	v6 =	vld [tilespmem:s12+$0x2610]  }
0x4a0: {  	v7 =	vld [tilespmem:s14+$0x2610]  }
0x4a1: {  	v8 =	vld [tilespmem:s23+$0x2610]  }
0x4a2: {  	v9 =	vld [tilespmem:s24+$0x2610]  }
0x4a3: {  	v11 =	vshll.u32 v3, $0x10;
	v12 =	vld [tilespmem:s25+$0x2610]  }
0x4a4: {  	v14 =	vshll.u32 v4, $0x10;
	v15 =	vshll.u32 v2, $0x10;
	v16 =	vshll.u32 v5, $0x10;
	v13 =	vld [tilespmem:s15+$0x2610]  }
0x4a5: {  	v3 =	vand.u32 $0xFFFF0000, v3;
	v17 =	vshll.u32 v6, $0x10;
	v18 =	vshll.u32 v7, $0x10;
	v19 =	vld [tilespmem:s26+$0x2610]  }
0x4a6: {  	v4 =	vand.u32 $0xFFFF0000, v4;
	v2 =	vand.u32 $0xFFFF0000, v2;
	v5 =	vand.u32 $0xFFFF0000, v5;
	v20 =	vld [tilespmem:s28+$0x2610]  }
0x4a7: {  	v11 =	vadd.f32 v14, v11;
	v6 =	vand.u32 $0xFFFF0000, v6;
	v14 =	vadd.f32 v16, v15;
	v15 =	vld [tilespmem:s29+$0x2610]  }
0x4a8: {  	v3 =	vadd.f32 v4, v3;
	v7 =	vand.u32 $0xFFFF0000, v7;
	v16 =	vadd.f32 v18, v17;
	v17 =	vld [tilespmem:s31+$0x2610]  }
0x4a9: {  	v18 =	vadd.f32 v5, v2;
	v6 =	vadd.f32 v7, v6;
	s7 =	spop (v2sf);
	v4 =	vshll.u32 v13, $0x10  }
0x4aa: {  	v11 =	vadd.f32 v14, v11;
	v7 =	vand.u32 $0xFFFF0000, v13;
	v2 =	vld [tilespmem:s7+$0x2600];
	s11 =	spop (v2sf);
	v4 =	vadd.f32 v4, v16  }
0x4ab: {  	v14 =	vshll.u32 v8, $0x10;
	v3 =	vadd.f32 v18, v3;
	v13 =	vadd.f32 v7, v6;
	v5 =	vld [tilespmem:s11+$0x2600];
	s10 =	spop (v2sf)  }
0x4ac: {  	v16 =	vshll.u32 v12, $0x10;
	v6 =	vld [tilespmem:s10+$0x2600];
	s9 =	spop (v2sf);
	v4 =	vadd.f32 v4, v11;
	v11 =	vshll.u32 v9, $0x10  }
0x4ad: {  	v18 =	vshll.u32 v19, $0x10;
	v21 =	vshll.u32 v20, $0x10;
	v13 =	vadd.f32 v13, v3;
	v7 =	vld [tilespmem:s9+$0x2600];
	s8 =	spop (v2sf)  }
0x4ae: {  	v8 =	vand.u32 $0xFFFF0000, v8;
	v22 =	vshll.u32 v15, $0x10;
	v9 =	vand.u32 $0xFFFF0000, v9;
	v3 =	vld [tilespmem:s8+$0x2600];
	s6 =	spop (v2sf);
	[tilespmem:s30+$0xFFFFFFA0] =	vst v4  }
0x4af: {  	v12 =	vand.u32 $0xFFFF0000, v12;
	v4 =	vld [tilespmem:s6+$0x2600];
	[tilespmem:s30+$0xFFFFFFB0] =	vst v13;
	v13 =	vand.u32 $0xFFFF0000, v19;
	v19 =	vand.u32 $0xFFFF0000, v20  }
0x4b0: {  	v15 =	vand.u32 $0xFFFF0000, v15;
	v11 =	vadd.f32 v11, v14;
	v14 =	vadd.f32 v18, v16;
	v20 =	vld [tilespmem:s1+$0x2620]  }
0x4b1: {  	v18 =	vshll.u32 v17, $0x10;
	v21 =	vadd.f32 v22, v21;
	v8 =	vadd.f32 v9, v8;
	v16 =	vld [tilespmem:s2+$0x2620]  }
0x4b2: {  	v9 =	vand.u32 $0xFFFF0000, v17;
	v12 =	vadd.f32 v13, v12;
	v13 =	vadd.f32 v15, v19;
	v22 =	vld [tilespmem:s3+$0x2620]  }
0x4b3: {  	v11 =	vadd.f32 v14, v11;
	v14 =	vadd.f32 v18, v21;
	v15 =	vld [tilespmem:s4+$0x2620]  }
0x4b4: {  	v12 =	vadd.f32 v12, v8;
	v9 =	vadd.f32 v9, v13;
	v17 =	vld [tilespmem:s12+$0x2620]  }
0x4b5: {  	v14 =	vadd.f32 v14, v11;
	v18 =	vld [tilespmem:s14+$0x2620]  }
0x4b6: {  	v8 =	vshll.u32 v2, $0x10;
	v19 =	vadd.f32 v9, v12;
	(v2sf) =	vpush v10, $0x6  }
0x4b7: {  	v11 =	vshll.u32 v5, $0x10;
	v13 =	vshll.u32 v7, $0x10;
	v12 =	vshll.u32 v6, $0x10;
	[tilespmem:s30+$0x20] =	vst v14  }
0x4b8: {  	v9 =	vshll.u32 v3, $0x10;
	v10 =	vshll.u32 v4, $0x10;
	v14 =	vshll.u32 v20, $0x10;
	[tilespmem:s30+$0x30] =	vst v19  }
0x4b9: {  	v21 =	vshll.u32 v16, $0x10;
	v23 =	vshll.u32 v22, $0x10;
	v24 =	vshll.u32 v15, $0x10;
	v19 =	vld [tilespmem:s15+$0x2620]  }
0x4ba: {  	v20 =	vand.u32 $0xFFFF0000, v20;
	v25 =	vshll.u32 v17, $0x10;
	v26 =	vshll.u32 v18, $0x10;
	v27 =	vld [tilespmem:s23+$0x2620]  }
0x4bb: {  	v16 =	vand.u32 $0xFFFF0000, v16;
	v22 =	vand.u32 $0xFFFF0000, v22;
	v15 =	vand.u32 $0xFFFF0000, v15;
	v28 =	vld [tilespmem:s24+$0x2620]  }
0x4bc: {  	v14 =	vadd.f32 v21, v14;
	v17 =	vand.u32 $0xFFFF0000, v17;
	v21 =	vadd.f32 v24, v23;
	v23 =	vld [tilespmem:s25+$0x2620]  }
0x4bd: {  	v16 =	vadd.f32 v16, v20;
	v18 =	vand.u32 $0xFFFF0000, v18;
	v24 =	vadd.f32 v26, v25;
	v20 =	vld [tilespmem:s26+$0x2620]  }
0x4be: {  	v15 =	vadd.f32 v15, v22;
	v17 =	vadd.f32 v18, v17;
	v25 =	vshll.u32 v19, $0x10;
	v18 =	vld [tilespmem:s28+$0x2620]  }
0x4bf: {  	s0 =	sadd.s32 $0xE, s0;
	v14 =	vadd.f32 v21, v14;
	v19 =	vand.u32 $0xFFFF0000, v19;
	v21 =	vadd.f32 v25, v24;
	v22 =	vld [tilespmem:s29+$0x2620]  }
0x4c0: {  	s16 =	sand.u32 $0x3FE, s0;
	v15 =	vadd.f32 v15, v16;
	v16 =	vadd.f32 v19, v17;
	v19 =	vshll.u32 v27, $0x10;
	v17 =	vld [tilespmem:s31+$0x2620]  }
0x4c1: {  	v24 =	vld [tilespmem:s16+$0x4D80];
	v14 =	vadd.f32 v21, v14;
	v21 =	vshll.u32 v28, $0x10;
	v25 =	vshll.u32 v23, $0x10  }
0x4c2: {  	v26 =	vand.u32 $0xFFFF0000, v27;
	v15 =	vadd.f32 v16, v15;
	v16 =	vshll.u32 v20, $0x10  }
0x4c3: {  	v27 =	vand.u32 $0xFFFF0000, v28;
	v23 =	vand.u32 $0xFFFF0000, v23;
	[tilespmem:s30+$0xFFFFFFC0] =	vst v14;
	v14 =	vshll.u32 v18, $0x10  }
0x4c4: {  	v20 =	vand.u32 $0xFFFF0000, v20;
	v18 =	vand.u32 $0xFFFF0000, v18;
	[tilespmem:s30+$0xFFFFFFD0] =	vst v15;
	v15 =	vshll.u32 v22, $0x10  }
0x4c5: {  	v19 =	vadd.f32 v21, v19;
	v16 =	vadd.f32 v16, v25;
	v22 =	vand.u32 $0xFFFF0000, v22;
	s16 =	spop (v2sf);
	v28 =	vld [tilespmem:s1+$0x2630]  }
0x4c6: {  	v14 =	vadd.f32 v15, v14;
	v15 =	vadd.f32 v27, v26;
	v21 =	vshll.u32 v24, $0x8;
	v24 =	vld [tilespmem:s2+$0x2630]  }
0x4c7: {  	v20 =	vadd.f32 v20, v23;
	v18 =	vadd.f32 v22, v18;
	v21 =	vshra.s32 v21, $0x2;
	v25 =	vld [tilespmem:s3+$0x2630]  }
0x4c8: {  	v23 =	vshll.u32 v17, $0x10;
	v17 =	vand.u32 $0xFFFF0000, v17;
	(v2sf) =	vpush v21, $0x0;
	v22 =	vld [tilespmem:s4+$0x2630]  }
0x4c9: {  	v26 =	vand.u32 $0xFFFF0000, v2;
	v16 =	vadd.f32 v16, v19;
	(v2sf) =	vpush v21, $0x1;
	v2 =	vld [tilespmem:s12+$0x2630]  }
0x4ca: {  	v14 =	vadd.f32 v23, v14;
	(v2sf) =	vpush v21, $0x2;
	v19 =	vld [tilespmem:s14+$0x2630];
	v27 =	vshll.u32 v28, $0x10  }
0x4cb: {  	v15 =	vadd.f32 v20, v15;
	(v2sf) =	vpush v21, $0x3;
	v23 =	vshll.u32 v24, $0x10  }
0x4cc: {  	v17 =	vadd.f32 v17, v18;
	(v2sf) =	vpush v21, $0x4;
	v20 =	vld [tilespmem:s15+$0x2630];
	v29 =	vshll.u32 v25, $0x10  }
0x4cd: {  	v14 =	vadd.f32 v14, v16;
	v18 =	vand.u32 $0xFFFF0000, v28;
	(v2sf) =	vpush v21, $0x5  }
0x4ce: {  	v16 =	vand.u32 $0xFFFF0000, v24;
	v24 =	vand.u32 $0xFFFF0000, v25;
	v25 =	vand.u32 $0xFFFF0000, v22  }
0x4cf: {  	v16 =	vadd.f32 v16, v18;
	v28 =	vand.u32 $0xFFFF0000, v2;
	v30 =	vand.u32 $0xFFFF0000, v19;
	[tilespmem:s30+$0x40] =	vst v14  }
0x4d0: {  	v18 =	vadd.f32 v25, v24;
	v14 =	vshll.u32 v22, $0x10;
	v22 =	vadd.f32 v30, v28  }
0x4d1: {  	v15 =	vadd.f32 v17, v15;
	v24 =	vshll.u32 v2, $0x10;
	v2 =	vand.u32 $0xFFFF0000, v20  }
0x4d2: {  	v17 =	vshll.u32 v19, $0x10;
	v16 =	vadd.f32 v18, v16;
	v18 =	vadd.f32 v2, v22  }
0x4d3: {  	v14 =	vadd.f32 v14, v29;
	v19 =	vshll.u32 v20, $0x10;
	v20 =	vadd.f32 v23, v27;
	v2 =	vld [tilespmem:s16+$0x2600];
	[tilespmem:s30+$0x50] =	vst v15  }
0x4d4: {  	v5 =	vand.u32 $0xFFFF0000, v5;
	(v2sf) =	vpush v21, $0x6;
	v15 =	vadd.f32 v18, v16;
	v16 =	vld [tilespmem:s23+$0x2630];
	s23 =	smov.u32 s7  }
0x4d5: {  	v6 =	vand.u32 $0xFFFF0000, v6;
	v17 =	vadd.f32 v17, v24;
	v14 =	vadd.f32 v14, v20;
	v18 =	vld [tilespmem:s24+$0x2630];
	s24 =	smov.u32 s11  }
0x4d6: {  	v7 =	vand.u32 $0xFFFF0000, v7;
	v11 =	vadd.f32 v11, v8;
	v12 =	vadd.f32 v13, v12;
	[tilespmem:s30+$0xFFFFFFF0] =	vst v15;
	v8 =	vld [tilespmem:s25+$0x2630];
	s25 =	smov.u32 s10  }
0x4d7: {  	v13 =	vand.u32 $0xFFFF0000, v3;
	v9 =	vadd.f32 v10, v9;
	v10 =	vadd.f32 v19, v17;
	s1 =	spop (v2sf);
	v15 =	vld [tilespmem:s26+$0x2630];
	s26 =	smov.u32 s9  }
0x4d8: {  	v3 =	vadd.f32 v5, v26;
	v17 =	vand.u32 $0xFFFF0000, v4;
	v4 =	vadd.f32 v7, v6;
	s2 =	spop (v2sf);
	v6 =	vld [tilespmem:s28+$0x2630];
	s28 =	smov.u32 s8  }
0x4d9: {  	v7 =	vadd.f32 v10, v14;
	s3 =	spop (v2sf);
	v10 =	vld [tilespmem:s29+$0x2630];
	v14 =	vshll.u32 v16, $0x10;
	v16 =	vand.u32 $0xFFFF0000, v16;
	s29 =	smov.u32 s6  }
0x4da: {  	v5 =	vadd.f32 v17, v13;
	s4 =	spop (v2sf);
	v13 =	vld [tilespmem:s31+$0x2630];
	v17 =	vshll.u32 v18, $0x10;
	v18 =	vand.u32 $0xFFFF0000, v18;
	s31 =	smov.u32 s16  }
0x4db: {  	v19 =	vld [tilespmem:s1+$0x2600];
	s12 =	spop (v2sf);
	[tilespmem:s30+$0xFFFFFFE0] =	vst v7;
	v7 =	vshll.u32 v8, $0x10;
	v8 =	vand.u32 $0xFFFF0000, v8;
	v14 =	vadd.f32 v17, v14  }
0x4dc: {  	v16 =	vadd.f32 v18, v16;
	v17 =	vld [tilespmem:s2+$0x2600];
	s14 =	spop (v2sf);
	v20 =	vshll.u32 v15, $0x10;
	v15 =	vand.u32 $0xFFFF0000, v15  }
0x4dd: {  	v18 =	vld [tilespmem:s3+$0x2600];
	v21 =	vshll.u32 v6, $0x10;
	v6 =	vand.u32 $0xFFFF0000, v6;
	v7 =	vadd.f32 v20, v7  }
0x4de: {  	v15 =	vadd.f32 v15, v8;
	v20 =	vld [tilespmem:s4+$0x2600];
	v22 =	vshll.u32 v10, $0x10;
	v10 =	vand.u32 $0xFFFF0000, v10  }
0x4df: {  	v23 =	vld [tilespmem:s12+$0x2600];
	v24 =	vshll.u32 v13, $0x10;
	v21 =	vadd.f32 v22, v21;
	v6 =	vadd.f32 v10, v6  }
0x4e0: {  	s18 =	sadd.s32 $0x2, s18;
	v10 =	vand.u32 $0xFFFF0000, v13;
	v13 =	vadd.f32 v7, v14;
	v14 =	vadd.f32 v15, v16;
	v8 =	vld [tilespmem:s14+$0x2600]  }
0x4e1: {  	p0 =	slt.u32 s18, $0x7E;
	v7 =	vshll.u32 v2, $0x10;
	v15 =	vadd.f32 v24, v21;
	v10 =	vadd.f32 v10, v6  }
0x4e2: {  	v7 =	vadd.f32 v7, v9;
	v6 =	vadd.f32 v12, v11  }
.Ltmp5:
0x4e3: {  	v16 =	vshll.u32 v19, $0x10;
	s15 =	spop (v2sf);
	v13 =	vadd.f32 v15, v13;
	v21 =	vadd.f32 v10, v14;
	(pc) =	sbr.rel @p0 .LBB2_12-.Ltmp5, $4  }
0x4e4: {  	v22 =	vshll.u32 v17, $0x10;
	v24 =	vshll.u32 v18, $0x10;
	v25 =	vshll.u32 v20, $0x10;
	v9 =	vld [tilespmem:s15+$0x2600]  }
0x4e5: {  	v12 =	vand.u32 $0xFFFF0000, v19;
	v10 =	vshll.u32 v23, $0x10;
	v11 =	vshll.u32 v8, $0x10;
	[tilespmem:s30+$0x60] =	vst v13  }
0x4e6: {  	v15 =	vand.u32 $0xFFFF0000, v17;
	v14 =	vand.u32 $0xFFFF0000, v20;
	v13 =	vand.u32 $0xFFFF0000, v18;
	[tilespmem:s30+$0x70] =	vst v21  }
0x4e7: {  	s19 =	sadd.s32 $0xE, s19;
	v16 =	vadd.f32 v22, v16;
	v17 =	vadd.f32 v25, v24;
	v18 =	vand.u32 $0xFFFF0000, v23  }
0x4e8: {  	v8 =	vand.u32 $0xFFFF0000, v8;
	v10 =	vadd.f32 v11, v10;
	v62 =	vadd.f32 v15, v12  }
0x4e9: {  	v13 =	vadd.f32 v14, v13;
	v63 =	vshll.u32 v9, $0x10;
	v8 =	vadd.f32 v8, v18  }
0x4ea: {  	v19 =	vand.u32 $0xFFFF0000, v9;
	v20 =	vadd.f32 v17, v16;
	v10 =	vadd.f32 v63, v10  }
0x4eb: {  	v11 =	vadd.f32 v13, v62;
	v8 =	vadd.f32 v19, v8  }
0x4ec: {  	v21 =	vadd.f32 v10, v20  }
0x4ed: {  	s0 =	sadd.s32 $0x100, s30;
	v8 =	vadd.f32 v8, v11  }
0x4ee: {  	[tilespmem:s0+$0xFFFFFF80] =	vst v21  }
0x4ef: {  	[tilespmem:s0+$0xFFFFFF90] =	vst v8  }
0x4f0: {  	v8 =	vld [tilespmem:s1+$0x2610]  }
0x4f1: {  	v9 =	vld [tilespmem:s2+$0x2610]  }
0x4f2: {  	v22 =	vld [tilespmem:s3+$0x2610]  }
0x4f3: {  	v23 =	vld [tilespmem:s4+$0x2610]  }
0x4f4: {  	v24 =	vld [tilespmem:s12+$0x2610]  }
0x4f5: {  	v2 =	vand.u32 $0xFFFF0000, v2;
	v25 =	vld [tilespmem:s14+$0x2610]  }
0x4f6: {  	v3 =	vadd.f32 v4, v3;
	v2 =	vadd.f32 v2, v5;
	_ =	sdelay $0x1  }
0x4f7: {  	v26 =	vadd.f32 v7, v6;
	v2 =	vadd.f32 v2, v3;
	v3 =	vshll.u32 v8, $0x10  }
0x4f8: {  	v27 =	vld [tilespmem:s15+$0x2610];
	v28 =	vshll.u32 v9, $0x10;
	v29 =	vshll.u32 v22, $0x10;
	v30 =	vshll.u32 v23, $0x10  }
0x4f9: {  	[tilespmem:s0+$0x10] =	vst v2;
	v2 =	vshll.u32 v24, $0x10;
	v31 =	vshll.u32 v25, $0x10;
	v8 =	vand.u32 $0xFFFF0000, v8  }
0x4fa: {  	[tilespmem:s0+$0x0] =	vst v26;
	v9 =	vand.u32 $0xFFFF0000, v9;
	v10 =	vand.u32 $0xFFFF0000, v22;
	v11 =	vand.u32 $0xFFFF0000, v23  }
0x4fb: {  	v32 =	vld [tilespmem:s23+$0x2610];
	v12 =	vand.u32 $0xFFFF0000, v24;
	v3 =	vadd.f32 v28, v3;
	v34 =	vadd.f32 v30, v29  }
0x4fc: {  	v33 =	vld [tilespmem:s24+$0x2610];
	v36 =	vand.u32 $0xFFFF0000, v25;
	v2 =	vadd.f32 v31, v2;
	v8 =	vadd.f32 v9, v8  }
0x4fd: {  	v35 =	vld [tilespmem:s25+$0x2610];
	v38 =	vshll.u32 v27, $0x10;
	v10 =	vadd.f32 v11, v10;
	v7 =	vadd.f32 v36, v12  }
0x4fe: {  	v37 =	vld [tilespmem:s26+$0x2610];
	v4 =	vand.u32 $0xFFFF0000, v27;
	v3 =	vadd.f32 v34, v3;
	v2 =	vadd.f32 v38, v2  }
0x4ff: {  	v40 =	vld [tilespmem:s29+$0x2610];
	v8 =	vadd.f32 v10, v8;
	v4 =	vadd.f32 v4, v7  }
0x500: {  	v2 =	vadd.f32 v2, v3  }
0x501: {  	v39 =	vld [tilespmem:s28+$0x2610];
	v3 =	vadd.f32 v4, v8  }
0x502: {  	v41 =	vshll.u32 v32, $0x10;
	[tilespmem:s0+$0xFFFFFFA0] =	vst v2  }
0x503: {  	v42 =	vshll.u32 v33, $0x10;
	v43 =	vshll.u32 v35, $0x10;
	v44 =	vshll.u32 v37, $0x10;
	v2 =	vld [tilespmem:s31+$0x2610];
	[tilespmem:s0+$0xFFFFFFB0] =	vst v3  }
0x504: {  	v45 =	vshll.u32 v40, $0x10;
	v46 =	vand.u32 $0xFFFF0000, v32;
	v48 =	vand.u32 $0xFFFF0000, v33;
	v47 =	vld [tilespmem:s1+$0x2620]  }
0x505: {  	v6 =	vand.u32 $0xFFFF0000, v35;
	v5 =	vand.u32 $0xFFFF0000, v40;
	v50 =	vadd.f32 v44, v43;
	v49 =	vld [tilespmem:s2+$0x2620]  }
0x506: {  	v52 =	vadd.f32 v48, v46;
	v9 =	vand.u32 $0xFFFF0000, v37;
	v3 =	vshll.u32 v39, $0x10;
	v51 =	vld [tilespmem:s3+$0x2620]  }
0x507: {  	v11 =	vand.u32 $0xFFFF0000, v39;
	v4 =	vadd.f32 v42, v41;
	v3 =	vadd.f32 v45, v3;
	v53 =	vld [tilespmem:s4+$0x2620]  }
0x508: {  	v6 =	vadd.f32 v9, v6;
	v5 =	vadd.f32 v5, v11;
	v56 =	vld [tilespmem:s14+$0x2620];
	v54 =	vshll.u32 v2, $0x10  }
0x509: {  	v4 =	vadd.f32 v50, v4;
	v55 =	vld [tilespmem:s12+$0x2620];
	v2 =	vand.u32 $0xFFFF0000, v2;
	v3 =	vadd.f32 v54, v3  }
0x50a: {  	v6 =	vadd.f32 v6, v52;
	v2 =	vadd.f32 v2, v5  }
0x50b: {  	v57 =	vshll.u32 v47, $0x10;
	v59 =	vshll.u32 v49, $0x10;
	v3 =	vadd.f32 v3, v4  }
0x50c: {  	v58 =	vld [tilespmem:s15+$0x2620];
	v60 =	vshll.u32 v51, $0x10;
	v61 =	vshll.u32 v53, $0x10;
	v2 =	vadd.f32 v2, v6  }
0x50d: {  	v62 =	vshll.u32 v56, $0x10;
	v14 =	vand.u32 $0xFFFF0000, v47;
	v8 =	vand.u32 $0xFFFF0000, v51;
	[tilespmem:s0+$0x20] =	vst v3  }
0x50e: {  	v12 =	vand.u32 $0xFFFF0000, v53;
	v9 =	vand.u32 $0xFFFF0000, v55;
	v7 =	vand.u32 $0xFFFF0000, v56;
	[tilespmem:s0+$0x30] =	vst v2  }
0x50f: {  	v17 =	vadd.f32 v61, v60;
	v8 =	vadd.f32 v12, v8;
	v3 =	vshll.u32 v55, $0x10;
	v63 =	vld [tilespmem:s23+$0x2620]  }
0x510: {  	v4 =	vadd.f32 v59, v57;
	v2 =	vand.u32 $0xFFFF0000, v49;
	v18 =	vld [tilespmem:s24+$0x2620];
	v3 =	vadd.f32 v62, v3  }
0x511: {  	v20 =	vshll.u32 v58, $0x10;
	v7 =	vadd.f32 v7, v9;
	v2 =	vadd.f32 v2, v14;
	v19 =	vld [tilespmem:s25+$0x2620]  }
0x512: {  	v5 =	vand.u32 $0xFFFF0000, v58;
	v4 =	vadd.f32 v17, v4;
	v21 =	vld [tilespmem:s26+$0x2620];
	v3 =	vadd.f32 v20, v3  }
0x513: {  	v5 =	vadd.f32 v5, v7;
	v22 =	vld [tilespmem:s28+$0x2620];
	v2 =	vadd.f32 v8, v2  }
0x514: {  	v23 =	vld [tilespmem:s29+$0x2620];
	v3 =	vadd.f32 v3, v4  }
0x515: {  	v2 =	vadd.f32 v5, v2  }
0x516: {  	v24 =	vshll.u32 v63, $0x10;
	[tilespmem:s0+$0xFFFFFFC0] =	vst v3  }
0x517: {  	v25 =	vshll.u32 v18, $0x10;
	v26 =	vshll.u32 v19, $0x10;
	v27 =	vshll.u32 v21, $0x10;
	v3 =	vld [tilespmem:s31+$0x2620];
	[tilespmem:s0+$0xFFFFFFD0] =	vst v2  }
0x518: {  	v28 =	vshll.u32 v22, $0x10;
	v10 =	vand.u32 $0xFFFF0000, v18;
	v11 =	vand.u32 $0xFFFF0000, v19;
	v29 =	vld [tilespmem:s1+$0x2630]  }
0x519: {  	v30 =	vshll.u32 v23, $0x10;
	v9 =	vand.u32 $0xFFFF0000, v21;
	v6 =	vand.u32 $0xFFFF0000, v22;
	v31 =	vld [tilespmem:s2+$0x2630]  }
0x51a: {  	v7 =	vand.u32 $0xFFFF0000, v23;
	v4 =	vadd.f32 v25, v24;
	v32 =	vadd.f32 v27, v26;
	v33 =	vld [tilespmem:s3+$0x2630]  }
0x51b: {  	v2 =	vand.u32 $0xFFFF0000, v63;
	v34 =	vadd.f32 v30, v28;
	v9 =	vadd.f32 v9, v11;
	v35 =	vld [tilespmem:s4+$0x2630]  }
0x51c: {  	v6 =	vadd.f32 v7, v6;
	v2 =	vadd.f32 v10, v2;
	v37 =	vld [tilespmem:s12+$0x2630];
	v36 =	vshll.u32 v3, $0x10  }
0x51d: {  	v38 =	vld [tilespmem:s14+$0x2630];
	v4 =	vadd.f32 v32, v4;
	v3 =	vand.u32 $0xFFFF0000, v3;
	v7 =	vadd.f32 v36, v34  }
0x51e: {  	v2 =	vadd.f32 v9, v2;
	v3 =	vadd.f32 v3, v6  }
0x51f: {  	v39 =	vshll.u32 v29, $0x10;
	v40 =	vshll.u32 v31, $0x10;
	v4 =	vadd.f32 v7, v4  }
0x520: {  	v41 =	vld [tilespmem:s15+$0x2630];
	v42 =	vshll.u32 v33, $0x10;
	v43 =	vand.u32 $0xFFFF0000, v29;
	v2 =	vadd.f32 v3, v2  }
0x521: {  	v8 =	vand.u32 $0xFFFF0000, v33;
	v44 =	vand.u32 $0xFFFF0000, v35;
	v45 =	vand.u32 $0xFFFF0000, v37;
	[tilespmem:s0+$0x40] =	vst v4  }
0x522: {  	v46 =	vand.u32 $0xFFFF0000, v38;
	v11 =	vshll.u32 v37, $0x10;
	v5 =	vshll.u32 v38, $0x10;
	[tilespmem:s0+$0x50] =	vst v2  }
0x523: {  	v8 =	vadd.f32 v44, v8;
	v6 =	vadd.f32 v40, v39;
	v3 =	vand.u32 $0xFFFF0000, v31;
	v47 =	vld [tilespmem:s23+$0x2630]  }
0x524: {  	v5 =	vadd.f32 v5, v11;
	v3 =	vadd.f32 v3, v43;
	v2 =	vshll.u32 v35, $0x10;
	v48 =	vld [tilespmem:s24+$0x2630]  }
0x525: {  	v7 =	vshll.u32 v41, $0x10;
	v4 =	vadd.f32 v46, v45;
	v2 =	vadd.f32 v2, v42;
	v50 =	vld [tilespmem:s25+$0x2630]  }
0x526: {  	v49 =	vand.u32 $0xFFFF0000, v41;
	v5 =	vadd.f32 v7, v5;
	v3 =	vadd.f32 v8, v3;
	v51 =	vld [tilespmem:s26+$0x2630]  }
0x527: {  	v52 =	vld [tilespmem:s28+$0x2630];
	v4 =	vadd.f32 v49, v4;
	v2 =	vadd.f32 v2, v6  }
0x528: {  	v53 =	vld [tilespmem:s29+$0x2630]  }
0x529: {  	v3 =	vadd.f32 v4, v3;
	v2 =	vadd.f32 v5, v2;
	v54 =	vshll.u32 v47, $0x10  }
0x52a: {  	v56 =	vld [tilespmem:s31+$0x2630];
	v55 =	vand.u32 $0xFFFF0000, v47;
	v57 =	vshll.u32 v48, $0x10;
	v9 =	vand.u32 $0xFFFF0000, v48  }
0x52b: {  	v58 =	vshll.u32 v50, $0x10;
	v11 =	vand.u32 $0xFFFF0000, v50;
	v59 =	vshll.u32 v51, $0x10  }
0x52c: {  	v8 =	vand.u32 $0xFFFF0000, v51;
	v60 =	vshll.u32 v52, $0x10;
	v6 =	vand.u32 $0xFFFF0000, v52  }
0x52d: {  	v61 =	vshll.u32 v53, $0x10;
	v4 =	vadd.f32 v57, v54;
	v5 =	vadd.f32 v9, v55  }
0x52e: {  	v7 =	vand.u32 $0xFFFF0000, v53;
	v12 =	vadd.f32 v59, v58;
	v9 =	vadd.f32 v61, v60  }
0x52f: {  	v62 =	vshll.u32 v56, $0x10;
	v8 =	vadd.f32 v8, v11;
	v6 =	vadd.f32 v7, v6  }
0x530: {  	v63 =	vand.u32 $0xFFFF0000, v56;
	v4 =	vadd.f32 v12, v4;
	v9 =	vadd.f32 v62, v9  }
0x531: {  	v5 =	vadd.f32 v8, v5;
	v6 =	vadd.f32 v63, v6  }
0x532: {  	[tilespmem:s0+$0xFFFFFFF0] =	vst v3;
	v3 =	vadd.f32 v9, v4  }
0x533: {  	[tilespmem:s0+$0xFFFFFFE0] =	vst v2;
	v2 =	vadd.f32 v6, v5  }
0x534: {  	[tilespmem:s0+$0x60] =	vst v3  }
0x535: {  	[tilespmem:s0+$0x70] =	vst v2  }
0x536: {  	s30 =	simm.s32 $0x9180;
	s0 =	rddreg [dreg:$0xa]  }
0x537: {  	[hbm4b:s0+s5] =	stream.linear.scatter [tilespmem:s30], [sflag:$0x3], $0x4000, $0x38;
	[tilespmem:$0xD180] =	vst v63  }
0x538: {  	_ =	swait.ge [sflag:s20], $0x4000  }
0x539: {  	[sflag:s20] =	ssyncset.done $0x0  }
0x53a: {  	[sflag:s20] =	ssyncadd.s32 $0xFFFFC000  }
0x53b: {  	_ =	swait.ge [sflag:s21], $0x4000  }
0x53c: {  	s22 =	sadd.s32 $0x1, s22;
	s31 =	rddreg [dreg:$0xb]  }
0x53d: {  	p0 =	sne.s32 s22, s31  }
.Ltmp6:
0x53e: {  	_ = 	snop;
	(pc) =	sbr.rel @p0 .LBB2_1-.Ltmp6, $3  }
0x53f: {  	_ =	sdelay $0x1  }
0x540: {  	[sflag:s21] =	ssyncset.done $0x0  }
0x541: {  	[sflag:s21] =	ssyncadd.s32 $0xFFFFC000  }
0x542: {  	_ =	sfence.sel $0x180000  }
0x543: {  	[bflag:$0x0] =	sbarrier.arrive $0xFFFF  }
0x544: {  	_ =	strace $0x90000047  }
0x545: {  	s0 =	stileid.u32;
	[bflag:$0x2] =	sbarrier.arrive $0xFFFF  }
0x546: {  	p0 =	sne.s32 s0, $0x0;
	s0 =	rddreg [dreg:$0x5]  }
0x547: {  	s0 =	sadd.s32 @!p0 $0x100000, s0  }
0x548: {  	[sflag:s0] =	ssyncadd.tile.s32 @!p0 $0x1;
	_ =	shalt  }
.Lfunc_end2:
_tile_overlayer_lowered:
.L_overlay_start_2:
0x549: {  	(tag) =	ssettag $0x2  }
0x54a: {  	s0 =	rddreg [dreg:$0x0];
	s2 =	stileid.u32  }
0x54b: {  	s1 =	rddreg [dreg:$0x1];
	p0 =	sne.s32 s2, $0x0  }
0x54c: {  	s3 =	rddreg [dreg:$0x2];
	[bflag:$0x3] =	sbarrier.arrive $0xFFFF;
	s2 =	simm.s32 @!p0 $0x1C04  }
0x54d: {  	[timem:s3], [sflag:s2] =	dma.local @!p0 [hbm:s0], s1  }
0x54e: {  	s0 =	simm.s32 @!p0 $0x4  }
0x54f: {  	_ =	swait.ge @!p0 [sflag:s0], s1  }
0x550: {  	s1 =	ssub.s32 @!p0 $0x0, s1;
	[sflag:s0] =	ssyncset.done @!p0 $0x0  }
0x551: {  	[sflag:s0] =	ssyncadd.s32 @!p0 s1  }
0x552: {  	[bflag:$0x3] =	sbarrier.arrive $0xFFFF  }
0x553: {  	_ =	shalt  }

</sc_bundles>
